<compile_context>
chip_gen: v7x
topology: tpu7x:2x2x1
jax: 0.10.2.dev20260603
libtpu: 0.0.44.dev20260713+nightly
codegen_flags: <defaults>
</compile_context>

<pallas_src>
import functools

import jax
import jax.numpy as jnp
from jax import lax
from jax.experimental import pallas as pl
from jax.experimental.pallas import tpu as pltpu
from jax.experimental.pallas import tpu_sc as plsc

N_TOK = 8192
K_CB = 8192
D = 256
BN = 4096
BK = 2048
KT = K_CB // BK
NT = N_TOK // BN
BIG = 2 ** 30
CH = 8
NCH = BK // CH

NC = 2
NS = 16
NW = NC * NS
BPW = N_TOK // NW
CNT_W = 16


def _argmin_kernel(z_ref, cb_ref, zsqh_ref, esqh_ref, idx_ref,
                   minv_ref, mini_ref, zt_ref):
    ki = pl.program_id(1)

    @pl.when(ki == 0)
    def _():
        zt_ref[...] = z_ref[...].T

    zt = zt_ref[...]
    cb = cb_ref[...]
    dot = lax.dot_general(cb.astype(jnp.bfloat16), zt.astype(jnp.bfloat16),
                          (((1,), (0,)), ((), ())),
                          preferred_element_type=jnp.float32)
    zsqh = jnp.broadcast_to(zsqh_ref[...], (CH, BN))
    acc_v = jnp.full((CH, BN), jnp.inf, jnp.float32)
    acc_c = jnp.zeros((CH, BN), jnp.int32)
    for i in range(NCH):
        d = dot[CH * i:CH * i + CH, :]
        s = zsqh + esqh_ref[pl.ds(CH * i, CH), :]
        dist = s - d
        upd = dist < acc_v
        acc_v = jnp.where(upd, dist, acc_v)
        acc_c = jnp.where(upd, i, acc_c)
    tile_min = jnp.min(acc_v, axis=0, keepdims=True)
    rows = (acc_c * CH + lax.broadcasted_iota(jnp.int32, (CH, BN), 0)
            + ki * BK)
    cand = jnp.where(acc_v == tile_min, rows, BIG)
    tile_arg = jnp.min(cand, axis=0, keepdims=True)

    @pl.when(ki == 0)
    def _():
        minv_ref[...] = tile_min.astype(jnp.bfloat16)
        mini_ref[...] = tile_arg

    @pl.when(ki > 0)
    def _():
        acc = minv_ref[...].astype(jnp.float32)
        better = tile_min < acc
        minv_ref[...] = jnp.where(better, tile_min,
                                  acc).astype(jnp.bfloat16)
        mini_ref[...] = jnp.where(better, tile_arg, mini_ref[...])

    @pl.when(ki == KT - 1)
    def _():
        idx_ref[...] = mini_ref[...]


_argmin_call = pl.pallas_call(
    _argmin_kernel,
    grid=(NT, KT),
    in_specs=[
        pl.BlockSpec((BN, D), lambda ni, ki: (ni, 0)),
        pl.BlockSpec((BK, D), lambda ni, ki: (ki, 0)),
        pl.BlockSpec((1, BN), lambda ni, ki: (0, ni)),
        pl.BlockSpec((BK, 1), lambda ni, ki: (ki, 0)),
    ],
    out_specs=pl.BlockSpec((1, BN), lambda ni, ki: (0, ni)),
    out_shape=jax.ShapeDtypeStruct((1, N_TOK), jnp.int32),
    scratch_shapes=[
        pltpu.VMEM((1, BN), jnp.bfloat16),
        pltpu.VMEM((1, BN), jnp.int32),
        pltpu.VMEM((D, BN), jnp.float32),
    ],
)


def _sc_gather_kernel(cb_hbm, idx_hbm, zq_hbm, idx_v, rows_v, sem):
    wid = lax.axis_index("s") * NC + lax.axis_index("c")
    base = wid * BPW
    pltpu.sync_copy(idx_hbm.at[pl.ds(base, BPW)], idx_v)
    pltpu.async_copy(cb_hbm.at[idx_v], rows_v, sem).wait()
    pltpu.sync_copy(rows_v, zq_hbm.at[pl.ds(base, BPW)])


@functools.lru_cache(maxsize=1)
def _sc_gather_call():
    return pl.kernel(
        _sc_gather_kernel,
        mesh=plsc.VectorSubcoreMesh(core_axis_name="c", subcore_axis_name="s"),
        out_type=jax.ShapeDtypeStruct((N_TOK, D), jnp.float32),
        scratch_types=[
            pltpu.VMEM((BPW,), jnp.int32),
            pltpu.VMEM((BPW, D), jnp.float32),
            pltpu.SemaphoreType.DMA,
        ],
    )


def _epilogue_kernel(z_ref, zq_ref, idx_ref, zqst_ref, loss_ref, perp_ref,
                     acc_ref):
    i = pl.program_id(0)
    z = z_ref[...]
    zq = zq_ref[...]
    zqst_ref[...] = z + (zq - z)
    d = z - zq
    part = jnp.sum(d * d, axis=(0, 1), keepdims=True)

    @pl.when(i == 0)
    def _():
        acc_ref[...] = part

    @pl.when(i > 0)
    def _():
        acc_ref[...] = acc_ref[...] + part

    @pl.when(i == NT - 1)
    def _():
        m = acc_ref[...] * jnp.float32(1.0 / (N_TOK * D))
        loss_ref[...] = m + 0.25 * m
        idx = idx_ref[...]
        hi_bins = lax.broadcasted_iota(jnp.int32, (64, 1), 0)
        lo_bins = lax.broadcasted_iota(jnp.int32, (128, 1), 0)
        oh_hi = jnp.where(lax.shift_right_logical(idx, 7) == hi_bins,
                          1.0, 0.0).astype(jnp.bfloat16)
        oh_lo = jnp.where((idx & 127) == lo_bins,
                          1.0, 0.0).astype(jnp.bfloat16)
        counts = lax.dot_general(oh_hi, oh_lo, (((1,), (1,)), ((), ())),
                                 preferred_element_type=jnp.float32)
        p = counts * jnp.float32(1.0 / N_TOK)
        plogp = p * jnp.log(p + 1e-12)
        perp_ref[...] = jnp.exp(-jnp.sum(plogp, axis=(0, 1), keepdims=True))


_epilogue_call = pl.pallas_call(
    _epilogue_kernel,
    grid=(NT,),
    in_specs=[
        pl.BlockSpec((BN, D), lambda i: (i, 0)),
        pl.BlockSpec((BN, D), lambda i: (i, 0)),
        pl.BlockSpec((1, N_TOK), lambda i: (0, 0)),
    ],
    out_specs=[
        pl.BlockSpec((BN, D), lambda i: (i, 0)),
        pl.BlockSpec((1, 1), lambda i: (0, 0)),
        pl.BlockSpec((1, 1), lambda i: (0, 0)),
    ],
    out_shape=[
        jax.ShapeDtypeStruct((N_TOK, D), jnp.float32),
        jax.ShapeDtypeStruct((1, 1), jnp.float32),
        jax.ShapeDtypeStruct((1, 1), jnp.float32),
    ],
    scratch_shapes=[pltpu.VMEM((1, 1), jnp.float32)],
)


def kernel(z_e, codebook):
    z2d = z_e.reshape(N_TOK, D)
    z_sqh = (jnp.sum(z2d ** 2, axis=1) * 0.5).reshape(1, N_TOK)
    e_sqh = (jnp.sum(codebook ** 2, axis=1) * 0.5).reshape(K_CB, 1)
    idx_row = _argmin_call(z2d, codebook, z_sqh, e_sqh)
    idx_flat = idx_row.reshape(N_TOK)
    zq2d = _sc_gather_call()(codebook, idx_flat)
    zqst2d, loss, perp = _epilogue_call(z2d, zq2d, idx_row)
    return (zqst2d.reshape(z_e.shape),
            idx_flat.reshape(z_e.shape[:-1]),
            loss.reshape(()),
            perp.reshape(()))

# --- scband reference (transcript-rebuilt; emitter-appended) ---
"""Pipeline reference for scband-vector-quantizer-st-14912126451769 (READ-ONLY COPY).

The authoritative reference and input builder live on the scoring server;
editing this copy changes nothing except your own understanding.
"""

import jax, jax.numpy as jnp
import numpy as np

CODEBOOK_SIZE = 8192
EMB_DIM = 256
BETA = 0.25


def setup_inputs(seed: int = 0) -> dict:
    key = jax.random.key(seed)
    k1, k2 = jax.random.split(key)
    z_e = jax.random.normal(k1, (8, 1024, 256), dtype=jnp.float32)
    codebook = jax.random.normal(k2, (CODEBOOK_SIZE, EMB_DIM), dtype=jnp.float32) * 0.05
    return {"z_e": z_e, "codebook": codebook}


def reference(z_e, codebook):
    z = z_e.reshape(-1, EMB_DIM)
    z_sq = jnp.sum(z ** 2, axis=1, keepdims=True)
    e_sq = jnp.sum(codebook ** 2, axis=1)
    distances = z_sq + e_sq[None, :] - 2.0 * (z @ codebook.T)
    indices = jnp.argmin(distances, axis=1)
    z_q = jnp.take(codebook, indices, axis=0).reshape(z_e.shape)
    commitment = jnp.mean((jax.lax.stop_gradient(z_e) - z_q) ** 2)
    codebook_loss = jnp.mean((z_e - jax.lax.stop_gradient(z_q)) ** 2)
    z_q_st = z_e + jax.lax.stop_gradient(z_q - z_e)
    loss_vq = codebook_loss + BETA * commitment
    counts = jnp.bincount(indices, length=CODEBOOK_SIZE)
    avg_probs = counts.astype(jnp.float32) / indices.shape[0]
    perplexity = jnp.exp(-jnp.sum(avg_probs * jnp.log(avg_probs + 1e-12)))
    return (z_q_st, indices.reshape(z_e.shape[:-1]), loss_vq, perplexity)

if __name__ == "__main__":
    import jax
    _d = setup_inputs()
    print(jax.jit(kernel)(*tuple(_d.values())))

</pallas_src>

<mosaic_0001>
#map = affine_map<(d0, d1) -> (0, 0)>
#map1 = affine_map<(d0, d1) -> (0)>
module attributes {stable_mosaic.version = 14 : i64} {
  func.func @_sc_gather_kernel(%arg0: i32, %arg1: i32, %arg2: memref<8192x256xf32, #tpu.memory_space<hbm>>, %arg3: memref<8192xi32, #tpu.memory_space<hbm>>, %arg4: memref<8192x256xf32, #tpu.memory_space<hbm>>, %arg5: memref<256xi32, #tpu.memory_space<vmem>>, %arg6: memref<256x256xf32, #tpu.memory_space<vmem>>, %arg7: memref<!tpu.dma_semaphore, #tpu.memory_space<semaphore_mem>>) attributes {dimension_semantics = [#tpu.dimension_semantics<core_parallel>, #tpu.dimension_semantics<subcore_parallel>], iteration_bounds = array<i64: 2, 16>, scalar_prefetch = 0 : i64, scratch_operands = 3 : i64, tpu.core_type = #tpu.core_type<sc_vector_subcore>, window_params = [{transform_indices = #map}, {transform_indices = #map1}, {transform_indices = #map}]} {
    %mul3A = arith.constant 2 : i32
    %mul3A_0 = arith.muli %arg1, %mul3A : i32
    %add3A = arith.addi %mul3A_0, %arg0 : i32
    %mul3A_1 = arith.constant 256 : i32
    %mul3A_2 = arith.muli %add3A, %mul3A_1 : i32
    "tpu.region"() ({
      %run_scoped3A = tpu.sem_alloc : memref<!tpu.dma_semaphore, #tpu.memory_space<semaphore_mem>>
      %dma_start3A_7 = tpu.memref_slice %arg3[%mul3A_2] : memref<8192xi32, #tpu.memory_space<hbm>> -> memref<256xi32, #tpu.memory_space<hbm>>
      %dma_start3A_8 = tpu.memref_slice %arg3[%mul3A_2] : memref<8192xi32, #tpu.memory_space<hbm>> -> memref<256xi32, #tpu.memory_space<hbm>>
      tpu.enqueue_dma source(%dma_start3A_8 : memref<256xi32, #tpu.memory_space<hbm>>) target(%arg5 : memref<256xi32, #tpu.memory_space<vmem>>) target_semaphore(%run_scoped3A : memref<!tpu.dma_semaphore, #tpu.memory_space<semaphore_mem>>)
      %dma_wait3A_9 = tpu.memref_slice %arg3[%mul3A_2] : memref<8192xi32, #tpu.memory_space<hbm>> -> memref<256xi32, #tpu.memory_space<hbm>>
      %dma_wait3A_10 = tpu.memref_slice %arg3[%mul3A_2] : memref<8192xi32, #tpu.memory_space<hbm>> -> memref<256xi32, #tpu.memory_space<hbm>>
      tpu.wait_dma2 semaphore(%run_scoped3A : memref<!tpu.dma_semaphore, #tpu.memory_space<semaphore_mem>>) src(%dma_wait3A_10 : memref<256xi32, #tpu.memory_space<hbm>>) dst(%arg5 : memref<256xi32, #tpu.memory_space<vmem>>)
      tpu.yield
    }) : () -> ()
    %dma_start3A = arith.constant 0 : i32
    %dma_start3A_3 = arith.constant 0 : i32
    %dma_start3A_4 = tpu.memref_slice %arg2[%dma_start3A, %dma_start3A_3] : memref<8192x256xf32, #tpu.memory_space<hbm>> -> memref<8192x256xf32, #tpu.memory_space<hbm>>
    tpu.enqueue_indirect_dma source(%dma_start3A_4 : memref<8192x256xf32, #tpu.memory_space<hbm>>) target(%arg6 : memref<256x256xf32, #tpu.memory_space<vmem>>) offsets(%arg5 : memref<256xi32, #tpu.memory_space<vmem>>) semaphore(%arg7 : memref<!tpu.dma_semaphore, #tpu.memory_space<semaphore_mem>>)
    %dma_wait3A = arith.constant 0 : i32
    %dma_wait3A_5 = arith.constant 0 : i32
    %dma_wait3A_6 = tpu.memref_slice %arg2[%dma_wait3A, %dma_wait3A_5] : memref<8192x256xf32, #tpu.memory_space<hbm>> -> memref<8192x256xf32, #tpu.memory_space<hbm>>
    tpu.wait_indirect_dma semaphore(%arg7 : memref<!tpu.dma_semaphore, #tpu.memory_space<semaphore_mem>>) src(%dma_wait3A_6 : memref<8192x256xf32, #tpu.memory_space<hbm>>) dst(%arg6 : memref<256x256xf32, #tpu.memory_space<vmem>>)
    "tpu.region"() ({
      %run_scoped3A = tpu.sem_alloc : memref<!tpu.dma_semaphore, #tpu.memory_space<semaphore_mem>>
      %dma_start3A_7 = arith.constant 0 : i32
      %dma_start3A_8 = tpu.memref_slice %arg4[%mul3A_2, %dma_start3A_7] : memref<8192x256xf32, #tpu.memory_space<hbm>> -> memref<256x256xf32, #tpu.memory_space<hbm>>
      %dma_start3A_9 = arith.constant 0 : i32
      %dma_start3A_10 = tpu.memref_slice %arg4[%mul3A_2, %dma_start3A_9] : memref<8192x256xf32, #tpu.memory_space<hbm>> -> memref<256x256xf32, #tpu.memory_space<hbm>>
      tpu.enqueue_dma source(%arg6 : memref<256x256xf32, #tpu.memory_space<vmem>>) target(%dma_start3A_10 : memref<256x256xf32, #tpu.memory_space<hbm>>) target_semaphore(%run_scoped3A : memref<!tpu.dma_semaphore, #tpu.memory_space<semaphore_mem>>)
      %dma_wait3A_11 = arith.constant 0 : i32
      %dma_wait3A_12 = tpu.memref_slice %arg4[%mul3A_2, %dma_wait3A_11] : memref<8192x256xf32, #tpu.memory_space<hbm>> -> memref<256x256xf32, #tpu.memory_space<hbm>>
      %dma_wait3A_13 = arith.constant 0 : i32
      %dma_wait3A_14 = tpu.memref_slice %arg4[%mul3A_2, %dma_wait3A_13] : memref<8192x256xf32, #tpu.memory_space<hbm>> -> memref<256x256xf32, #tpu.memory_space<hbm>>
      tpu.wait_dma2 semaphore(%run_scoped3A : memref<!tpu.dma_semaphore, #tpu.memory_space<semaphore_mem>>) src(%arg6 : memref<256x256xf32, #tpu.memory_space<vmem>>) dst(%dma_wait3A_14 : memref<256x256xf32, #tpu.memory_space<hbm>>)
      tpu.yield
    }) : () -> ()
    return
  }
}

module attributes {stable_mosaic.version = 14 : i64} {
  func.func @_argmin_kernel(%arg0: i32, %arg1: i32, %arg2: memref<4096x256xf32, #tpu.memory_space<vmem>>, %arg3: memref<2048x256xf32, #tpu.memory_space<vmem>>, %arg4: memref<1x4096xf32, #tpu.memory_space<vmem>>, %arg5: memref<2048x1xf32, #tpu.memory_space<vmem>>, %arg6: memref<1x4096xi32, #tpu.memory_space<vmem>>, %arg7: memref<1x4096xbf16, #tpu.memory_space<vmem>>, %arg8: memref<1x4096xi32, #tpu.memory_space<vmem>>, %arg9: memref<256x4096xf32, #tpu.memory_space<vmem>>) attributes {dimension_semantics = [#tpu.dimension_semantics<arbitrary>, #tpu.dimension_semantics<arbitrary>], iteration_bounds = array<i64: 2, 4>, scalar_prefetch = 0 : i64, scratch_operands = 3 : i64, tpu.core_type = #tpu.core_type<tc>, window_params = [{transform_indices = @transform_0, window_bounds = array<i64: 4096, 256>}, {transform_indices = @transform_1, window_bounds = array<i64: 2048, 256>}, {transform_indices = @transform_2, window_bounds = array<i64: 1, 4096>}, {transform_indices = @transform_3, window_bounds = array<i64: 2048, 1>}, {transform_indices = @transform_4, window_bounds = array<i64: 1, 4096>}]} {
    %eq3A = arith.constant 0 : i32
    %eq3A_0 = arith.cmpi eq, %arg1, %eq3A : i32
    %convert_element_type3A = arith.extui %eq3A_0 : i1 to i32
    %cond3A = arith.constant 0 : i32
    %cond3A_1 = arith.cmpi ne, %convert_element_type3A, %cond3A : i32
    scf.if %cond3A_1 {
      %get3A_3115 = arith.constant 0 : index
      %get3A_3116 = arith.constant 0 : index
      %get3A_3117 = vector.load %arg2[%get3A_3115, %get3A_3116] : memref<4096x256xf32, #tpu.memory_space<vmem>>, vector<4096x256xf32>
      %transpose3A = tpu.transpose %get3A_3117, [1, 0] : vector<4096x256xf32> -> vector<256x4096xf32>
      %swap3A = arith.constant 0 : index
      %swap3A_3118 = arith.constant 0 : index
      %swap3A_3119 = vector.load %arg9[%swap3A, %swap3A_3118] : memref<256x4096xf32, #tpu.memory_space<vmem>>, vector<256x4096xf32>
      tpu.vector_store %arg9[%swap3A, %swap3A_3118], %transpose3A {strides = array<i32>} : memref<256x4096xf32, #tpu.memory_space<vmem>>, vector<256x4096xf32>,
    } else {
    }
    %get3A = arith.constant 0 : index
    %get3A_2 = arith.constant 0 : index
    %get3A_3 = vector.load %arg9[%get3A, %get3A_2] : memref<256x4096xf32, #tpu.memory_space<vmem>>, vector<256x4096xf32>
    %get3A_4 = arith.constant 0 : index
    %get3A_5 = arith.constant 0 : index
    %get3A_6 = vector.load %arg3[%get3A_4, %get3A_5] : memref<2048x256xf32, #tpu.memory_space<vmem>>, vector<2048x256xf32>
    %convert_element_type3A_7 = arith.truncf %get3A_6 : vector<2048x256xf32> to vector<2048x256xbf16>
    %convert_element_type3A_8 = arith.truncf %get3A_3 : vector<256x4096xf32> to vector<256x4096xbf16>
    %dot_general3A = arith.constant dense<0.000000e+00> : vector<2048x4096xf32>
    %dot_general3A_9 = tpu.matmul %convert_element_type3A_7, %convert_element_type3A_8, %dot_general3A {dimension_numbers = #tpu.dot_dimension_numbers<[1], [0], [0], [1], [0, 0, 1, 1], [], []>, transpose_lhs_hint = false} : vector<2048x256xbf16>, vector<256x4096xbf16>, vector<2048x4096xf32> -> vector<2048x4096xf32>
    %get3A_10 = arith.constant 0 : index
    %get3A_11 = arith.constant 0 : index
    %get3A_12 = vector.load %arg4[%get3A_10, %get3A_11] : memref<1x4096xf32, #tpu.memory_space<vmem>>, vector<1x4096xf32>
    %broadcast_in_dim3A = vector.shape_cast %get3A_12 : vector<1x4096xf32> to vector<1x4096xf32>
    %broadcast_in_dim3A_13 = vector.broadcast %broadcast_in_dim3A : vector<1x4096xf32> to vector<8x4096xf32>
    %broadcast_in_dim3A_14 = arith.constant 0x7F800000 : f32
    %broadcast_in_dim3A_15 = vector.broadcast %broadcast_in_dim3A_14 : f32 to vector<8x4096xf32>
    %broadcast_in_dim3A_16 = arith.constant 0 : i32
    %broadcast_in_dim3A_17 = vector.broadcast %broadcast_in_dim3A_16 : i32 to vector<8x4096xi32>
    %slice3A = vector.extract_strided_slice %dot_general3A_9 {offsets = [0, 0], sizes = [8, 4096], strides = [1, 1]} : vector<2048x4096xf32> to vector<8x4096xf32>
    %get3A_18 = arith.constant 0 : index
    %get3A_19 = arith.constant 0 : index
    %get3A_20 = vector.load %arg5[%get3A_18, %get3A_19] : memref<2048x1xf32, #tpu.memory_space<vmem>>, vector<8x1xf32>
    %add3A = vector.broadcast %get3A_20 : vector<8x1xf32> to vector<8x4096xf32>
    %add3A_21 = arith.addf %broadcast_in_dim3A_13, %add3A : vector<8x4096xf32>
    %sub3A = arith.subf %add3A_21, %slice3A : vector<8x4096xf32>
    %lt3A = arith.cmpf olt, %sub3A, %broadcast_in_dim3A_15 : vector<8x4096xf32>
    %select_n3A = arith.select %lt3A, %sub3A, %broadcast_in_dim3A_15 : vector<8x4096xi1>, vector<8x4096xf32>
    %jit3A = arith.constant 0 : i32
    %broadcast_in_dim3A_22 = vector.broadcast %jit3A : i32 to vector<8x4096xi32>
    %select_n3A_23 = arith.select %lt3A, %broadcast_in_dim3A_22, %broadcast_in_dim3A_17 : vector<8x4096xi1>, vector<8x4096xi32>
    %slice3A_24 = vector.extract_strided_slice %dot_general3A_9 {offsets = [8, 0], sizes = [8, 4096], strides = [1, 1]} : vector<2048x4096xf32> to vector<8x4096xf32>
    %get3A_25 = arith.constant 8 : index
    %get3A_26 = arith.constant 0 : index
    %get3A_27 = vector.load %arg5[%get3A_25, %get3A_26] : memref<2048x1xf32, #tpu.memory_space<vmem>>, vector<8x1xf32>
    %add3A_28 = vector.broadcast %get3A_27 : vector<8x1xf32> to vector<8x4096xf32>
    %add3A_29 = arith.addf %broadcast_in_dim3A_13, %add3A_28 : vector<8x4096xf32>
    %sub3A_30 = arith.subf %add3A_29, %slice3A_24 : vector<8x4096xf32>
    %lt3A_31 = arith.cmpf olt, %sub3A_30, %select_n3A : vector<8x4096xf32>
    %select_n3A_32 = arith.select %lt3A_31, %sub3A_30, %select_n3A : vector<8x4096xi1>, vector<8x4096xf32>
    %jit3A_33 = arith.constant 1 : i32
    %broadcast_in_dim3A_34 = vector.broadcast %jit3A_33 : i32 to vector<8x4096xi32>
    %select_n3A_35 = arith.select %lt3A_31, %broadcast_in_dim3A_34, %select_n3A_23 : vector<8x4096xi1>, vector<8x4096xi32>
    %slice3A_36 = vector.extract_strided_slice %dot_general3A_9 {offsets = [16, 0], sizes = [8, 4096], strides = [1, 1]} : vector<2048x4096xf32> to vector<8x4096xf32>
    %get3A_37 = arith.constant 16 : index
    %get3A_38 = arith.constant 0 : index
    %get3A_39 = vector.load %arg5[%get3A_37, %get3A_38] : memref<2048x1xf32, #tpu.memory_space<vmem>>, vector<8x1xf32>
    %add3A_40 = vector.broadcast %get3A_39 : vector<8x1xf32> to vector<8x4096xf32>
    %add3A_41 = arith.addf %broadcast_in_dim3A_13, %add3A_40 : vector<8x4096xf32>
    %sub3A_42 = arith.subf %add3A_41, %slice3A_36 : vector<8x4096xf32>
    %lt3A_43 = arith.cmpf olt, %sub3A_42, %select_n3A_32 : vector<8x4096xf32>
    %select_n3A_44 = arith.select %lt3A_43, %sub3A_42, %select_n3A_32 : vector<8x4096xi1>, vector<8x4096xf32>
    %jit3A_45 = arith.constant 2 : i32
    %broadcast_in_dim3A_46 = vector.broadcast %jit3A_45 : i32 to vector<8x4096xi32>
    %select_n3A_47 = arith.select %lt3A_43, %broadcast_in_dim3A_46, %select_n3A_35 : vector<8x4096xi1>, vector<8x4096xi32>
    %slice3A_48 = vector.extract_strided_slice %dot_general3A_9 {offsets = [24, 0], sizes = [8, 4096], strides = [1, 1]} : vector<2048x4096xf32> to vector<8x4096xf32>
    %get3A_49 = arith.constant 24 : index
    %get3A_50 = arith.constant 0 : index
    %get3A_51 = vector.load %arg5[%get3A_49, %get3A_50] : memref<2048x1xf32, #tpu.memory_space<vmem>>, vector<8x1xf32>
    %add3A_52 = vector.broadcast %get3A_51 : vector<8x1xf32> to vector<8x4096xf32>
    %add3A_53 = arith.addf %broadcast_in_dim3A_13, %add3A_52 : vector<8x4096xf32>
    %sub3A_54 = arith.subf %add3A_53, %slice3A_48 : vector<8x4096xf32>
    %lt3A_55 = arith.cmpf olt, %sub3A_54, %select_n3A_44 : vector<8x4096xf32>
    %select_n3A_56 = arith.select %lt3A_55, %sub3A_54, %select_n3A_44 : vector<8x4096xi1>, vector<8x4096xf32>
    %jit3A_57 = arith.constant 3 : i32
    %broadcast_in_dim3A_58 = vector.broadcast %jit3A_57 : i32 to vector<8x4096xi32>
    %select_n3A_59 = arith.select %lt3A_55, %broadcast_in_dim3A_58, %select_n3A_47 : vector<8x4096xi1>, vector<8x4096xi32>
    %slice3A_60 = vector.extract_strided_slice %dot_general3A_9 {offsets = [32, 0], sizes = [8, 4096], strides = [1, 1]} : vector<2048x4096xf32> to vector<8x4096xf32>
    %get3A_61 = arith.constant 32 : index
    %get3A_62 = arith.constant 0 : index
    %get3A_63 = vector.load %arg5[%get3A_61, %get3A_62] : memref<2048x1xf32, #tpu.memory_space<vmem>>, vector<8x1xf32>
    %add3A_64 = vector.broadcast %get3A_63 : vector<8x1xf32> to vector<8x4096xf32>
    %add3A_65 = arith.addf %broadcast_in_dim3A_13, %add3A_64 : vector<8x4096xf32>
    %sub3A_66 = arith.subf %add3A_65, %slice3A_60 : vector<8x4096xf32>
    %lt3A_67 = arith.cmpf olt, %sub3A_66, %select_n3A_56 : vector<8x4096xf32>
    %select_n3A_68 = arith.select %lt3A_67, %sub3A_66, %select_n3A_56 : vector<8x4096xi1>, vector<8x4096xf32>
    %jit3A_69 = arith.constant 4 : i32
    %broadcast_in_dim3A_70 = vector.broadcast %jit3A_69 : i32 to vector<8x4096xi32>
    %select_n3A_71 = arith.select %lt3A_67, %broadcast_in_dim3A_70, %select_n3A_59 : vector<8x4096xi1>, vector<8x4096xi32>
    %slice3A_72 = vector.extract_strided_slice %dot_general3A_9 {offsets = [40, 0], sizes = [8, 4096], strides = [1, 1]} : vector<2048x4096xf32> to vector<8x4096xf32>
    %get3A_73 = arith.constant 40 : index
    %get3A_74 = arith.constant 0 : index
    %get3A_75 = vector.load %arg5[%get3A_73, %get3A_74] : memref<2048x1xf32, #tpu.memory_space<vmem>>, vector<8x1xf32>
    %add3A_76 = vector.broadcast %get3A_75 : vector<8x1xf32> to vector<8x4096xf32>
    %add3A_77 = arith.addf %broadcast_in_dim3A_13, %add3A_76 : vector<8x4096xf32>
    %sub3A_78 = arith.subf %add3A_77, %slice3A_72 : vector<8x4096xf32>
    %lt3A_79 = arith.cmpf olt, %sub3A_78, %select_n3A_68 : vector<8x4096xf32>
    %select_n3A_80 = arith.select %lt3A_79, %sub3A_78, %select_n3A_68 : vector<8x4096xi1>, vector<8x4096xf32>
    %jit3A_81 = arith.constant 5 : i32
    %broadcast_in_dim3A_82 = vector.broadcast %jit3A_81 : i32 to vector<8x4096xi32>
    %select_n3A_83 = arith.select %lt3A_79, %broadcast_in_dim3A_82, %select_n3A_71 : vector<8x4096xi1>, vector<8x4096xi32>
    %slice3A_84 = vector.extract_strided_slice %dot_general3A_9 {offsets = [48, 0], sizes = [8, 4096], strides = [1, 1]} : vector<2048x4096xf32> to vector<8x4096xf32>
    %get3A_85 = arith.constant 48 : index
    %get3A_86 = arith.constant 0 : index
    %get3A_87 = vector.load %arg5[%get3A_85, %get3A_86] : memref<2048x1xf32, #tpu.memory_space<vmem>>, vector<8x1xf32>
    %add3A_88 = vector.broadcast %get3A_87 : vector<8x1xf32> to vector<8x4096xf32>
    %add3A_89 = arith.addf %broadcast_in_dim3A_13, %add3A_88 : vector<8x4096xf32>
    %sub3A_90 = arith.subf %add3A_89, %slice3A_84 : vector<8x4096xf32>
    %lt3A_91 = arith.cmpf olt, %sub3A_90, %select_n3A_80 : vector<8x4096xf32>
    %select_n3A_92 = arith.select %lt3A_91, %sub3A_90, %select_n3A_80 : vector<8x4096xi1>, vector<8x4096xf32>
    %jit3A_93 = arith.constant 6 : i32
    %broadcast_in_dim3A_94 = vector.broadcast %jit3A_93 : i32 to vector<8x4096xi32>
    %select_n3A_95 = arith.select %lt3A_91, %broadcast_in_dim3A_94, %select_n3A_83 : vector<8x4096xi1>, vector<8x4096xi32>
    %slice3A_96 = vector.extract_strided_slice %dot_general3A_9 {offsets = [56, 0], sizes = [8, 4096], strides = [1, 1]} : vector<2048x4096xf32> to vector<8x4096xf32>
    %get3A_97 = arith.constant 56 : index
    %get3A_98 = arith.constant 0 : index
    %get3A_99 = vector.load %arg5[%get3A_97, %get3A_98] : memref<2048x1xf32, #tpu.memory_space<vmem>>, vector<8x1xf32>
    %add3A_100 = vector.broadcast %get3A_99 : vector<8x1xf32> to vector<8x4096xf32>
    %add3A_101 = arith.addf %broadcast_in_dim3A_13, %add3A_100 : vector<8x4096xf32>
    %sub3A_102 = arith.subf %add3A_101, %slice3A_96 : vector<8x4096xf32>
    %lt3A_103 = arith.cmpf olt, %sub3A_102, %select_n3A_92 : vector<8x4096xf32>
    %select_n3A_104 = arith.select %lt3A_103, %sub3A_102, %select_n3A_92 : vector<8x4096xi1>, vector<8x4096xf32>
    %jit3A_105 = arith.constant 7 : i32
    %broadcast_in_dim3A_106 = vector.broadcast %jit3A_105 : i32 to vector<8x4096xi32>
    %select_n3A_107 = arith.select %lt3A_103, %broadcast_in_dim3A_106, %select_n3A_95 : vector<8x4096xi1>, vector<8x4096xi32>
    %slice3A_108 = vector.extract_strided_slice %dot_general3A_9 {offsets = [64, 0], sizes = [8, 4096], strides = [1, 1]} : vector<2048x4096xf32> to vector<8x4096xf32>
    %get3A_109 = arith.constant 64 : index
    %get3A_110 = arith.constant 0 : index
    %get3A_111 = vector.load %arg5[%get3A_109, %get3A_110] : memref<2048x1xf32, #tpu.memory_space<vmem>>, vector<8x1xf32>
    %add3A_112 = vector.broadcast %get3A_111 : vector<8x1xf32> to vector<8x4096xf32>
    %add3A_113 = arith.addf %broadcast_in_dim3A_13, %add3A_112 : vector<8x4096xf32>
    %sub3A_114 = arith.subf %add3A_113, %slice3A_108 : vector<8x4096xf32>
    %lt3A_115 = arith.cmpf olt, %sub3A_114, %select_n3A_104 : vector<8x4096xf32>
    %select_n3A_116 = arith.select %lt3A_115, %sub3A_114, %select_n3A_104 : vector<8x4096xi1>, vector<8x4096xf32>
    %jit3A_117 = arith.constant 8 : i32
    %broadcast_in_dim3A_118 = vector.broadcast %jit3A_117 : i32 to vector<8x4096xi32>
    %select_n3A_119 = arith.select %lt3A_115, %broadcast_in_dim3A_118, %select_n3A_107 : vector<8x4096xi1>, vector<8x4096xi32>
    %slice3A_120 = vector.extract_strided_slice %dot_general3A_9 {offsets = [72, 0], sizes = [8, 4096], strides = [1, 1]} : vector<2048x4096xf32> to vector<8x4096xf32>
    %get3A_121 = arith.constant 72 : index
    %get3A_122 = arith.constant 0 : index
    %get3A_123 = vector.load %arg5[%get3A_121, %get3A_122] : memref<2048x1xf32, #tpu.memory_space<vmem>>, vector<8x1xf32>
    %add3A_124 = vector.broadcast %get3A_123 : vector<8x1xf32> to vector<8x4096xf32>
    %add3A_125 = arith.addf %broadcast_in_dim3A_13, %add3A_124 : vector<8x4096xf32>
    %sub3A_126 = arith.subf %add3A_125, %slice3A_120 : vector<8x4096xf32>
    %lt3A_127 = arith.cmpf olt, %sub3A_126, %select_n3A_116 : vector<8x4096xf32>
    %select_n3A_128 = arith.select %lt3A_127, %sub3A_126, %select_n3A_116 : vector<8x4096xi1>, vector<8x4096xf32>
    %jit3A_129 = arith.constant 9 : i32
    %broadcast_in_dim3A_130 = vector.broadcast %jit3A_129 : i32 to vector<8x4096xi32>
    %select_n3A_131 = arith.select %lt3A_127, %broadcast_in_dim3A_130, %select_n3A_119 : vector<8x4096xi1>, vector<8x4096xi32>
    %slice3A_132 = vector.extract_strided_slice %dot_general3A_9 {offsets = [80, 0], sizes = [8, 4096], strides = [1, 1]} : vector<2048x4096xf32> to vector<8x4096xf32>
    %get3A_133 = arith.constant 80 : index
    %get3A_134 = arith.constant 0 : index
    %get3A_135 = vector.load %arg5[%get3A_133, %get3A_134] : memref<2048x1xf32, #tpu.memory_space<vmem>>, vector<8x1xf32>
    %add3A_136 = vector.broadcast %get3A_135 : vector<8x1xf32> to vector<8x4096xf32>
    %add3A_137 = arith.addf %broadcast_in_dim3A_13, %add3A_136 : vector<8x4096xf32>
    %sub3A_138 = arith.subf %add3A_137, %slice3A_132 : vector<8x4096xf32>
    %lt3A_139 = arith.cmpf olt, %sub3A_138, %select_n3A_128 : vector<8x4096xf32>
    %select_n3A_140 = arith.select %lt3A_139, %sub3A_138, %select_n3A_128 : vector<8x4096xi1>, vector<8x4096xf32>
    %jit3A_141 = arith.constant 10 : i32
    %broadcast_in_dim3A_142 = vector.broadcast %jit3A_141 : i32 to vector<8x4096xi32>
    %select_n3A_143 = arith.select %lt3A_139, %broadcast_in_dim3A_142, %select_n3A_131 : vector<8x4096xi1>, vector<8x4096xi32>
    %slice3A_144 = vector.extract_strided_slice %dot_general3A_9 {offsets = [88, 0], sizes = [8, 4096], strides = [1, 1]} : vector<2048x4096xf32> to vector<8x4096xf32>
    %get3A_145 = arith.constant 88 : index
    %get3A_146 = arith.constant 0 : index
    %get3A_147 = vector.load %arg5[%get3A_145, %get3A_146] : memref<2048x1xf32, #tpu.memory_space<vmem>>, vector<8x1xf32>
    %add3A_148 = vector.broadcast %get3A_147 : vector<8x1xf32> to vector<8x4096xf32>
    %add3A_149 = arith.addf %broadcast_in_dim3A_13, %add3A_148 : vector<8x4096xf32>
    %sub3A_150 = arith.subf %add3A_149, %slice3A_144 : vector<8x4096xf32>
    %lt3A_151 = arith.cmpf olt, %sub3A_150, %select_n3A_140 : vector<8x4096xf32>
    %select_n3A_152 = arith.select %lt3A_151, %sub3A_150, %select_n3A_140 : vector<8x4096xi1>, vector<8x4096xf32>
    %jit3A_153 = arith.constant 11 : i32
    %broadcast_in_dim3A_154 = vector.broadcast %jit3A_153 : i32 to vector<8x4096xi32>
    %select_n3A_155 = arith.select %lt3A_151, %broadcast_in_dim3A_154, %select_n3A_143 : vector<8x4096xi1>, vector<8x4096xi32>
    %slice3A_156 = vector.extract_strided_slice %dot_general3A_9 {offsets = [96, 0], sizes = [8, 4096], strides = [1, 1]} : vector<2048x4096xf32> to vector<8x4096xf32>
    %get3A_157 = arith.constant 96 : index
    %get3A_158 = arith.constant 0 : index
    %get3A_159 = vector.load %arg5[%get3A_157, %get3A_158] : memref<2048x1xf32, #tpu.memory_space<vmem>>, vector<8x1xf32>
    %add3A_160 = vector.broadcast %get3A_159 : vector<8x1xf32> to vector<8x4096xf32>
    %add3A_161 = arith.addf %broadcast_in_dim3A_13, %add3A_160 : vector<8x4096xf32>
    %sub3A_162 = arith.subf %add3A_161, %slice3A_156 : vector<8x4096xf32>
    %lt3A_163 = arith.cmpf olt, %sub3A_162, %select_n3A_152 : vector<8x4096xf32>
    %select_n3A_164 = arith.select %lt3A_163, %sub3A_162, %select_n3A_152 : vector<8x4096xi1>, vector<8x4096xf32>
    %jit3A_165 = arith.constant 12 : i32
    %broadcast_in_dim3A_166 = vector.broadcast %jit3A_165 : i32 to vector<8x4096xi32>
    %select_n3A_167 = arith.select %lt3A_163, %broadcast_in_dim3A_166, %select_n3A_155 : vector<8x4096xi1>, vector<8x4096xi32>
    %slice3A_168 = vector.extract_strided_slice %dot_general3A_9 {offsets = [104, 0], sizes = [8, 4096], strides = [1, 1]} : vector<2048x4096xf32> to vector<8x4096xf32>
    %get3A_169 = arith.constant 104 : index
    %get3A_170 = arith.constant 0 : index
    %get3A_171 = vector.load %arg5[%get3A_169, %get3A_170] : memref<2048x1xf32, #tpu.memory_space<vmem>>, vector<8x1xf32>
    %add3A_172 = vector.broadcast %get3A_171 : vector<8x1xf32> to vector<8x4096xf32>
    %add3A_173 = arith.addf %broadcast_in_dim3A_13, %add3A_172 : vector<8x4096xf32>
    %sub3A_174 = arith.subf %add3A_173, %slice3A_168 : vector<8x4096xf32>
    %lt3A_175 = arith.cmpf olt, %sub3A_174, %select_n3A_164 : vector<8x4096xf32>
    %select_n3A_176 = arith.select %lt3A_175, %sub3A_174, %select_n3A_164 : vector<8x4096xi1>, vector<8x4096xf32>
    %jit3A_177 = arith.constant 13 : i32
    %broadcast_in_dim3A_178 = vector.broadcast %jit3A_177 : i32 to vector<8x4096xi32>
    %select_n3A_179 = arith.select %lt3A_175, %broadcast_in_dim3A_178, %select_n3A_167 : vector<8x4096xi1>, vector<8x4096xi32>
    %slice3A_180 = vector.extract_strided_slice %dot_general3A_9 {offsets = [112, 0], sizes = [8, 4096], strides = [1, 1]} : vector<2048x4096xf32> to vector<8x4096xf32>
    %get3A_181 = arith.constant 112 : index
    %get3A_182 = arith.constant 0 : index
    %get3A_183 = vector.load %arg5[%get3A_181, %get3A_182] : memref<2048x1xf32, #tpu.memory_space<vmem>>, vector<8x1xf32>
    %add3A_184 = vector.broadcast %get3A_183 : vector<8x1xf32> to vector<8x4096xf32>
    %add3A_185 = arith.addf %broadcast_in_dim3A_13, %add3A_184 : vector<8x4096xf32>
    %sub3A_186 = arith.subf %add3A_185, %slice3A_180 : vector<8x4096xf32>
    %lt3A_187 = arith.cmpf olt, %sub3A_186, %select_n3A_176 : vector<8x4096xf32>
    %select_n3A_188 = arith.select %lt3A_187, %sub3A_186, %select_n3A_176 : vector<8x4096xi1>, vector<8x4096xf32>
    %jit3A_189 = arith.constant 14 : i32
    %broadcast_in_dim3A_190 = vector.broadcast %jit3A_189 : i32 to vector<8x4096xi32>
    %select_n3A_191 = arith.select %lt3A_187, %broadcast_in_dim3A_190, %select_n3A_179 : vector<8x4096xi1>, vector<8x4096xi32>
    %slice3A_192 = vector.extract_strided_slice %dot_general3A_9 {offsets = [120, 0], sizes = [8, 4096], strides = [1, 1]} : vector<2048x4096xf32> to vector<8x4096xf32>
    %get3A_193 = arith.constant 120 : index
    %get3A_194 = arith.constant 0 : index
    %get3A_195 = vector.load %arg5[%get3A_193, %get3A_194] : memref<2048x1xf32, #tpu.memory_space<vmem>>, vector<8x1xf32>
    %add3A_196 = vector.broadcast %get3A_195 : vector<8x1xf32> to vector<8x4096xf32>
    %add3A_197 = arith.addf %broadcast_in_dim3A_13, %add3A_196 : vector<8x4096xf32>
    %sub3A_198 = arith.subf %add3A_197, %slice3A_192 : vector<8x4096xf32>
    %lt3A_199 = arith.cmpf olt, %sub3A_198, %select_n3A_188 : vector<8x4096xf32>
    %select_n3A_200 = arith.select %lt3A_199, %sub3A_198, %select_n3A_188 : vector<8x4096xi1>, vector<8x4096xf32>
    %jit3A_201 = arith.constant 15 : i32
    %broadcast_in_dim3A_202 = vector.broadcast %jit3A_201 : i32 to vector<8x4096xi32>
    %select_n3A_203 = arith.select %lt3A_199, %broadcast_in_dim3A_202, %select_n3A_191 : vector<8x4096xi1>, vector<8x4096xi32>
    %slice3A_204 = vector.extract_strided_slice %dot_general3A_9 {offsets = [128, 0], sizes = [8, 4096], strides = [1, 1]} : vector<2048x4096xf32> to vector<8x4096xf32>
    %get3A_205 = arith.constant 128 : index
    %get3A_206 = arith.constant 0 : index
    %get3A_207 = vector.load %arg5[%get3A_205, %get3A_206] : memref<2048x1xf32, #tpu.memory_space<vmem>>, vector<8x1xf32>
    %add3A_208 = vector.broadcast %get3A_207 : vector<8x1xf32> to vector<8x4096xf32>
    %add3A_209 = arith.addf %broadcast_in_dim3A_13, %add3A_208 : vector<8x4096xf32>
    %sub3A_210 = arith.subf %add3A_209, %slice3A_204 : vector<8x4096xf32>
    %lt3A_211 = arith.cmpf olt, %sub3A_210, %select_n3A_200 : vector<8x4096xf32>
    %select_n3A_212 = arith.select %lt3A_211, %sub3A_210, %select_n3A_200 : vector<8x4096xi1>, vector<8x4096xf32>
    %jit3A_213 = arith.constant 16 : i32
    %broadcast_in_dim3A_214 = vector.broadcast %jit3A_213 : i32 to vector<8x4096xi32>
    %select_n3A_215 = arith.select %lt3A_211, %broadcast_in_dim3A_214, %select_n3A_203 : vector<8x4096xi1>, vector<8x4096xi32>
    %slice3A_216 = vector.extract_strided_slice %dot_general3A_9 {offsets = [136, 0], sizes = [8, 4096], strides = [1, 1]} : vector<2048x4096xf32> to vector<8x4096xf32>
    %get3A_217 = arith.constant 136 : index
    %get3A_218 = arith.constant 0 : index
    %get3A_219 = vector.load %arg5[%get3A_217, %get3A_218] : memref<2048x1xf32, #tpu.memory_space<vmem>>, vector<8x1xf32>
    %add3A_220 = vector.broadcast %get3A_219 : vector<8x1xf32> to vector<8x4096xf32>
    %add3A_221 = arith.addf %broadcast_in_dim3A_13, %add3A_220 : vector<8x4096xf32>
    %sub3A_222 = arith.subf %add3A_221, %slice3A_216 : vector<8x4096xf32>
    %lt3A_223 = arith.cmpf olt, %sub3A_222, %select_n3A_212 : vector<8x4096xf32>
    %select_n3A_224 = arith.select %lt3A_223, %sub3A_222, %select_n3A_212 : vector<8x4096xi1>, vector<8x4096xf32>
    %jit3A_225 = arith.constant 17 : i32
    %broadcast_in_dim3A_226 = vector.broadcast %jit3A_225 : i32 to vector<8x4096xi32>
    %select_n3A_227 = arith.select %lt3A_223, %broadcast_in_dim3A_226, %select_n3A_215 : vector<8x4096xi1>, vector<8x4096xi32>
    %slice3A_228 = vector.extract_strided_slice %dot_general3A_9 {offsets = [144, 0], sizes = [8, 4096], strides = [1, 1]} : vector<2048x4096xf32> to vector<8x4096xf32>
    %get3A_229 = arith.constant 144 : index
    %get3A_230 = arith.constant 0 : index
    %get3A_231 = vector.load %arg5[%get3A_229, %get3A_230] : memref<2048x1xf32, #tpu.memory_space<vmem>>, vector<8x1xf32>
    %add3A_232 = vector.broadcast %get3A_231 : vector<8x1xf32> to vector<8x4096xf32>
    %add3A_233 = arith.addf %broadcast_in_dim3A_13, %add3A_232 : vector<8x4096xf32>
    %sub3A_234 = arith.subf %add3A_233, %slice3A_228 : vector<8x4096xf32>
    %lt3A_235 = arith.cmpf olt, %sub3A_234, %select_n3A_224 : vector<8x4096xf32>
    %select_n3A_236 = arith.select %lt3A_235, %sub3A_234, %select_n3A_224 : vector<8x4096xi1>, vector<8x4096xf32>
    %jit3A_237 = arith.constant 18 : i32
    %broadcast_in_dim3A_238 = vector.broadcast %jit3A_237 : i32 to vector<8x4096xi32>
    %select_n3A_239 = arith.select %lt3A_235, %broadcast_in_dim3A_238, %select_n3A_227 : vector<8x4096xi1>, vector<8x4096xi32>
    %slice3A_240 = vector.extract_strided_slice %dot_general3A_9 {offsets = [152, 0], sizes = [8, 4096], strides = [1, 1]} : vector<2048x4096xf32> to vector<8x4096xf32>
    %get3A_241 = arith.constant 152 : index
    %get3A_242 = arith.constant 0 : index
    %get3A_243 = vector.load %arg5[%get3A_241, %get3A_242] : memref<2048x1xf32, #tpu.memory_space<vmem>>, vector<8x1xf32>
    %add3A_244 = vector.broadcast %get3A_243 : vector<8x1xf32> to vector<8x4096xf32>
    %add3A_245 = arith.addf %broadcast_in_dim3A_13, %add3A_244 : vector<8x4096xf32>
    %sub3A_246 = arith.subf %add3A_245, %slice3A_240 : vector<8x4096xf32>
    %lt3A_247 = arith.cmpf olt, %sub3A_246, %select_n3A_236 : vector<8x4096xf32>
    %select_n3A_248 = arith.select %lt3A_247, %sub3A_246, %select_n3A_236 : vector<8x4096xi1>, vector<8x4096xf32>
    %jit3A_249 = arith.constant 19 : i32
    %broadcast_in_dim3A_250 = vector.broadcast %jit3A_249 : i32 to vector<8x4096xi32>
    %select_n3A_251 = arith.select %lt3A_247, %broadcast_in_dim3A_250, %select_n3A_239 : vector<8x4096xi1>, vector<8x4096xi32>
    %slice3A_252 = vector.extract_strided_slice %dot_general3A_9 {offsets = [160, 0], sizes = [8, 4096], strides = [1, 1]} : vector<2048x4096xf32> to vector<8x4096xf32>
    %get3A_253 = arith.constant 160 : index
    %get3A_254 = arith.constant 0 : index
    %get3A_255 = vector.load %arg5[%get3A_253, %get3A_254] : memref<2048x1xf32, #tpu.memory_space<vmem>>, vector<8x1xf32>
    %add3A_256 = vector.broadcast %get3A_255 : vector<8x1xf32> to vector<8x4096xf32>
    %add3A_257 = arith.addf %broadcast_in_dim3A_13, %add3A_256 : vector<8x4096xf32>
    %sub3A_258 = arith.subf %add3A_257, %slice3A_252 : vector<8x4096xf32>
    %lt3A_259 = arith.cmpf olt, %sub3A_258, %select_n3A_248 : vector<8x4096xf32>
    %select_n3A_260 = arith.select %lt3A_259, %sub3A_258, %select_n3A_248 : vector<8x4096xi1>, vector<8x4096xf32>
    %jit3A_261 = arith.constant 20 : i32
    %broadcast_in_dim3A_262 = vector.broadcast %jit3A_261 : i32 to vector<8x4096xi32>
    %select_n3A_263 = arith.select %lt3A_259, %broadcast_in_dim3A_262, %select_n3A_251 : vector<8x4096xi1>, vector<8x4096xi32>
    %slice3A_264 = vector.extract_strided_slice %dot_general3A_9 {offsets = [168, 0], sizes = [8, 4096], strides = [1, 1]} : vector<2048x4096xf32> to vector<8x4096xf32>
    %get3A_265 = arith.constant 168 : index
    %get3A_266 = arith.constant 0 : index
    %get3A_267 = vector.load %arg5[%get3A_265, %get3A_266] : memref<2048x1xf32, #tpu.memory_space<vmem>>, vector<8x1xf32>
    %add3A_268 = vector.broadcast %get3A_267 : vector<8x1xf32> to vector<8x4096xf32>
    %add3A_269 = arith.addf %broadcast_in_dim3A_13, %add3A_268 : vector<8x4096xf32>
    %sub3A_270 = arith.subf %add3A_269, %slice3A_264 : vector<8x4096xf32>
    %lt3A_271 = arith.cmpf olt, %sub3A_270, %select_n3A_260 : vector<8x4096xf32>
    %select_n3A_272 = arith.select %lt3A_271, %sub3A_270, %select_n3A_260 : vector<8x4096xi1>, vector<8x4096xf32>
    %jit3A_273 = arith.constant 21 : i32
    %broadcast_in_dim3A_274 = vector.broadcast %jit3A_273 : i32 to vector<8x4096xi32>
    %select_n3A_275 = arith.select %lt3A_271, %broadcast_in_dim3A_274, %select_n3A_263 : vector<8x4096xi1>, vector<8x4096xi32>
    %slice3A_276 = vector.extract_strided_slice %dot_general3A_9 {offsets = [176, 0], sizes = [8, 4096], strides = [1, 1]} : vector<2048x4096xf32> to vector<8x4096xf32>
    %get3A_277 = arith.constant 176 : index
    %get3A_278 = arith.constant 0 : index
    %get3A_279 = vector.load %arg5[%get3A_277, %get3A_278] : memref<2048x1xf32, #tpu.memory_space<vmem>>, vector<8x1xf32>
    %add3A_280 = vector.broadcast %get3A_279 : vector<8x1xf32> to vector<8x4096xf32>
    %add3A_281 = arith.addf %broadcast_in_dim3A_13, %add3A_280 : vector<8x4096xf32>
    %sub3A_282 = arith.subf %add3A_281, %slice3A_276 : vector<8x4096xf32>
    %lt3A_283 = arith.cmpf olt, %sub3A_282, %select_n3A_272 : vector<8x4096xf32>
    %select_n3A_284 = arith.select %lt3A_283, %sub3A_282, %select_n3A_272 : vector<8x4096xi1>, vector<8x4096xf32>
    %jit3A_285 = arith.constant 22 : i32
    %broadcast_in_dim3A_286 = vector.broadcast %jit3A_285 : i32 to vector<8x4096xi32>
    %select_n3A_287 = arith.select %lt3A_283, %broadcast_in_dim3A_286, %select_n3A_275 : vector<8x4096xi1>, vector<8x4096xi32>
    %slice3A_288 = vector.extract_strided_slice %dot_general3A_9 {offsets = [184, 0], sizes = [8, 4096], strides = [1, 1]} : vector<2048x4096xf32> to vector<8x4096xf32>
    %get3A_289 = arith.constant 184 : index
    %get3A_290 = arith.constant 0 : index
    %get3A_291 = vector.load %arg5[%get3A_289, %get3A_290] : memref<2048x1xf32, #tpu.memory_space<vmem>>, vector<8x1xf32>
    %add3A_292 = vector.broadcast %get3A_291 : vector<8x1xf32> to vector<8x4096xf32>
    %add3A_293 = arith.addf %broadcast_in_dim3A_13, %add3A_292 : vector<8x4096xf32>
    %sub3A_294 = arith.subf %add3A_293, %slice3A_288 : vector<8x4096xf32>
    %lt3A_295 = arith.cmpf olt, %sub3A_294, %select_n3A_284 : vector<8x4096xf32>
    %select_n3A_296 = arith.select %lt3A_295, %sub3A_294, %select_n3A_284 : vector<8x4096xi1>, vector<8x4096xf32>
    %jit3A_297 = arith.constant 23 : i32
    %broadcast_in_dim3A_298 = vector.broadcast %jit3A_297 : i32 to vector<8x4096xi32>
    %select_n3A_299 = arith.select %lt3A_295, %broadcast_in_dim3A_298, %select_n3A_287 : vector<8x4096xi1>, vector<8x4096xi32>
    %slice3A_300 = vector.extract_strided_slice %dot_general3A_9 {offsets = [192, 0], sizes = [8, 4096], strides = [1, 1]} : vector<2048x4096xf32> to vector<8x4096xf32>
    %get3A_301 = arith.constant 192 : index
    %get3A_302 = arith.constant 0 : index
    %get3A_303 = vector.load %arg5[%get3A_301, %get3A_302] : memref<2048x1xf32, #tpu.memory_space<vmem>>, vector<8x1xf32>
    %add3A_304 = vector.broadcast %get3A_303 : vector<8x1xf32> to vector<8x4096xf32>
    %add3A_305 = arith.addf %broadcast_in_dim3A_13, %add3A_304 : vector<8x4096xf32>
    %sub3A_306 = arith.subf %add3A_305, %slice3A_300 : vector<8x4096xf32>
    %lt3A_307 = arith.cmpf olt, %sub3A_306, %select_n3A_296 : vector<8x4096xf32>
    %select_n3A_308 = arith.select %lt3A_307, %sub3A_306, %select_n3A_296 : vector<8x4096xi1>, vector<8x4096xf32>
    %jit3A_309 = arith.constant 24 : i32
    %broadcast_in_dim3A_310 = vector.broadcast %jit3A_309 : i32 to vector<8x4096xi32>
    %select_n3A_311 = arith.select %lt3A_307, %broadcast_in_dim3A_310, %select_n3A_299 : vector<8x4096xi1>, vector<8x4096xi32>
    %slice3A_312 = vector.extract_strided_slice %dot_general3A_9 {offsets = [200, 0], sizes = [8, 4096], strides = [1, 1]} : vector<2048x4096xf32> to vector<8x4096xf32>
    %get3A_313 = arith.constant 200 : index
    %get3A_314 = arith.constant 0 : index
    %get3A_315 = vector.load %arg5[%get3A_313, %get3A_314] : memref<2048x1xf32, #tpu.memory_space<vmem>>, vector<8x1xf32>
    %add3A_316 = vector.broadcast %get3A_315 : vector<8x1xf32> to vector<8x4096xf32>
    %add3A_317 = arith.addf %broadcast_in_dim3A_13, %add3A_316 : vector<8x4096xf32>
    %sub3A_318 = arith.subf %add3A_317, %slice3A_312 : vector<8x4096xf32>
    %lt3A_319 = arith.cmpf olt, %sub3A_318, %select_n3A_308 : vector<8x4096xf32>
    %select_n3A_320 = arith.select %lt3A_319, %sub3A_318, %select_n3A_308 : vector<8x4096xi1>, vector<8x4096xf32>
    %jit3A_321 = arith.constant 25 : i32
    %broadcast_in_dim3A_322 = vector.broadcast %jit3A_321 : i32 to vector<8x4096xi32>
    %select_n3A_323 = arith.select %lt3A_319, %broadcast_in_dim3A_322, %select_n3A_311 : vector<8x4096xi1>, vector<8x4096xi32>
    %slice3A_324 = vector.extract_strided_slice %dot_general3A_9 {offsets = [208, 0], sizes = [8, 4096], strides = [1, 1]} : vector<2048x4096xf32> to vector<8x4096xf32>
    %get3A_325 = arith.constant 208 : index
    %get3A_326 = arith.constant 0 : index
    %get3A_327 = vector.load %arg5[%get3A_325, %get3A_326] : memref<2048x1xf32, #tpu.memory_space<vmem>>, vector<8x1xf32>
    %add3A_328 = vector.broadcast %get3A_327 : vector<8x1xf32> to vector<8x4096xf32>
    %add3A_329 = arith.addf %broadcast_in_dim3A_13, %add3A_328 : vector<8x4096xf32>
    %sub3A_330 = arith.subf %add3A_329, %slice3A_324 : vector<8x4096xf32>
    %lt3A_331 = arith.cmpf olt, %sub3A_330, %select_n3A_320 : vector<8x4096xf32>
    %select_n3A_332 = arith.select %lt3A_331, %sub3A_330, %select_n3A_320 : vector<8x4096xi1>, vector<8x4096xf32>
    %jit3A_333 = arith.constant 26 : i32
    %broadcast_in_dim3A_334 = vector.broadcast %jit3A_333 : i32 to vector<8x4096xi32>
    %select_n3A_335 = arith.select %lt3A_331, %broadcast_in_dim3A_334, %select_n3A_323 : vector<8x4096xi1>, vector<8x4096xi32>
    %slice3A_336 = vector.extract_strided_slice %dot_general3A_9 {offsets = [216, 0], sizes = [8, 4096], strides = [1, 1]} : vector<2048x4096xf32> to vector<8x4096xf32>
    %get3A_337 = arith.constant 216 : index
    %get3A_338 = arith.constant 0 : index
    %get3A_339 = vector.load %arg5[%get3A_337, %get3A_338] : memref<2048x1xf32, #tpu.memory_space<vmem>>, vector<8x1xf32>
    %add3A_340 = vector.broadcast %get3A_339 : vector<8x1xf32> to vector<8x4096xf32>
    %add3A_341 = arith.addf %broadcast_in_dim3A_13, %add3A_340 : vector<8x4096xf32>
    %sub3A_342 = arith.subf %add3A_341, %slice3A_336 : vector<8x4096xf32>
    %lt3A_343 = arith.cmpf olt, %sub3A_342, %select_n3A_332 : vector<8x4096xf32>
    %select_n3A_344 = arith.select %lt3A_343, %sub3A_342, %select_n3A_332 : vector<8x4096xi1>, vector<8x4096xf32>
    %jit3A_345 = arith.constant 27 : i32
    %broadcast_in_dim3A_346 = vector.broadcast %jit3A_345 : i32 to vector<8x4096xi32>
    %select_n3A_347 = arith.select %lt3A_343, %broadcast_in_dim3A_346, %select_n3A_335 : vector<8x4096xi1>, vector<8x4096xi32>
    %slice3A_348 = vector.extract_strided_slice %dot_general3A_9 {offsets = [224, 0], sizes = [8, 4096], strides = [1, 1]} : vector<2048x4096xf32> to vector<8x4096xf32>
    %get3A_349 = arith.constant 224 : index
    %get3A_350 = arith.constant 0 : index
    %get3A_351 = vector.load %arg5[%get3A_349, %get3A_350] : memref<2048x1xf32, #tpu.memory_space<vmem>>, vector<8x1xf32>
    %add3A_352 = vector.broadcast %get3A_351 : vector<8x1xf32> to vector<8x4096xf32>
    %add3A_353 = arith.addf %broadcast_in_dim3A_13, %add3A_352 : vector<8x4096xf32>
    %sub3A_354 = arith.subf %add3A_353, %slice3A_348 : vector<8x4096xf32>
    %lt3A_355 = arith.cmpf olt, %sub3A_354, %select_n3A_344 : vector<8x4096xf32>
    %select_n3A_356 = arith.select %lt3A_355, %sub3A_354, %select_n3A_344 : vector<8x4096xi1>, vector<8x4096xf32>
    %jit3A_357 = arith.constant 28 : i32
    %broadcast_in_dim3A_358 = vector.broadcast %jit3A_357 : i32 to vector<8x4096xi32>
    %select_n3A_359 = arith.select %lt3A_355, %broadcast_in_dim3A_358, %select_n3A_347 : vector<8x4096xi1>, vector<8x4096xi32>
    %slice3A_360 = vector.extract_strided_slice %dot_general3A_9 {offsets = [232, 0], sizes = [8, 4096], strides = [1, 1]} : vector<2048x4096xf32> to vector<8x4096xf32>
    %get3A_361 = arith.constant 232 : index
    %get3A_362 = arith.constant 0 : index
    %get3A_363 = vector.load %arg5[%get3A_361, %get3A_362] : memref<2048x1xf32, #tpu.memory_space<vmem>>, vector<8x1xf32>
    %add3A_364 = vector.broadcast %get3A_363 : vector<8x1xf32> to vector<8x4096xf32>
    %add3A_365 = arith.addf %broadcast_in_dim3A_13, %add3A_364 : vector<8x4096xf32>
    %sub3A_366 = arith.subf %add3A_365, %slice3A_360 : vector<8x4096xf32>
    %lt3A_367 = arith.cmpf olt, %sub3A_366, %select_n3A_356 : vector<8x4096xf32>
    %select_n3A_368 = arith.select %lt3A_367, %sub3A_366, %select_n3A_356 : vector<8x4096xi1>, vector<8x4096xf32>
    %jit3A_369 = arith.constant 29 : i32
    %broadcast_in_dim3A_370 = vector.broadcast %jit3A_369 : i32 to vector<8x4096xi32>
    %select_n3A_371 = arith.select %lt3A_367, %broadcast_in_dim3A_370, %select_n3A_359 : vector<8x4096xi1>, vector<8x4096xi32>
    %slice3A_372 = vector.extract_strided_slice %dot_general3A_9 {offsets = [240, 0], sizes = [8, 4096], strides = [1, 1]} : vector<2048x4096xf32> to vector<8x4096xf32>
    %get3A_373 = arith.constant 240 : index
    %get3A_374 = arith.constant 0 : index
    %get3A_375 = vector.load %arg5[%get3A_373, %get3A_374] : memref<2048x1xf32, #tpu.memory_space<vmem>>, vector<8x1xf32>
    %add3A_376 = vector.broadcast %get3A_375 : vector<8x1xf32> to vector<8x4096xf32>
    %add3A_377 = arith.addf %broadcast_in_dim3A_13, %add3A_376 : vector<8x4096xf32>
    %sub3A_378 = arith.subf %add3A_377, %slice3A_372 : vector<8x4096xf32>
    %lt3A_379 = arith.cmpf olt, %sub3A_378, %select_n3A_368 : vector<8x4096xf32>
    %select_n3A_380 = arith.select %lt3A_379, %sub3A_378, %select_n3A_368 : vector<8x4096xi1>, vector<8x4096xf32>
    %jit3A_381 = arith.constant 30 : i32
    %broadcast_in_dim3A_382 = vector.broadcast %jit3A_381 : i32 to vector<8x4096xi32>
    %select_n3A_383 = arith.select %lt3A_379, %broadcast_in_dim3A_382, %select_n3A_371 : vector<8x4096xi1>, vector<8x4096xi32>
    %slice3A_384 = vector.extract_strided_slice %dot_general3A_9 {offsets = [248, 0], sizes = [8, 4096], strides = [1, 1]} : vector<2048x4096xf32> to vector<8x4096xf32>
    %get3A_385 = arith.constant 248 : index
    %get3A_386 = arith.constant 0 : index
    %get3A_387 = vector.load %arg5[%get3A_385, %get3A_386] : memref<2048x1xf32, #tpu.memory_space<vmem>>, vector<8x1xf32>
    %add3A_388 = vector.broadcast %get3A_387 : vector<8x1xf32> to vector<8x4096xf32>
    %add3A_389 = arith.addf %broadcast_in_dim3A_13, %add3A_388 : vector<8x4096xf32>
    %sub3A_390 = arith.subf %add3A_389, %slice3A_384 : vector<8x4096xf32>
    %lt3A_391 = arith.cmpf olt, %sub3A_390, %select_n3A_380 : vector<8x4096xf32>
    %select_n3A_392 = arith.select %lt3A_391, %sub3A_390, %select_n3A_380 : vector<8x4096xi1>, vector<8x4096xf32>
    %jit3A_393 = arith.constant 31 : i32
    %broadcast_in_dim3A_394 = vector.broadcast %jit3A_393 : i32 to vector<8x4096xi32>
    %select_n3A_395 = arith.select %lt3A_391, %broadcast_in_dim3A_394, %select_n3A_383 : vector<8x4096xi1>, vector<8x4096xi32>
    %slice3A_396 = vector.extract_strided_slice %dot_general3A_9 {offsets = [256, 0], sizes = [8, 4096], strides = [1, 1]} : vector<2048x4096xf32> to vector<8x4096xf32>
    %get3A_397 = arith.constant 256 : index
    %get3A_398 = arith.constant 0 : index
    %get3A_399 = vector.load %arg5[%get3A_397, %get3A_398] : memref<2048x1xf32, #tpu.memory_space<vmem>>, vector<8x1xf32>
    %add3A_400 = vector.broadcast %get3A_399 : vector<8x1xf32> to vector<8x4096xf32>
    %add3A_401 = arith.addf %broadcast_in_dim3A_13, %add3A_400 : vector<8x4096xf32>
    %sub3A_402 = arith.subf %add3A_401, %slice3A_396 : vector<8x4096xf32>
    %lt3A_403 = arith.cmpf olt, %sub3A_402, %select_n3A_392 : vector<8x4096xf32>
    %select_n3A_404 = arith.select %lt3A_403, %sub3A_402, %select_n3A_392 : vector<8x4096xi1>, vector<8x4096xf32>
    %jit3A_405 = arith.constant 32 : i32
    %broadcast_in_dim3A_406 = vector.broadcast %jit3A_405 : i32 to vector<8x4096xi32>
    %select_n3A_407 = arith.select %lt3A_403, %broadcast_in_dim3A_406, %select_n3A_395 : vector<8x4096xi1>, vector<8x4096xi32>
    %slice3A_408 = vector.extract_strided_slice %dot_general3A_9 {offsets = [264, 0], sizes = [8, 4096], strides = [1, 1]} : vector<2048x4096xf32> to vector<8x4096xf32>
    %get3A_409 = arith.constant 264 : index
    %get3A_410 = arith.constant 0 : index
    %get3A_411 = vector.load %arg5[%get3A_409, %get3A_410] : memref<2048x1xf32, #tpu.memory_space<vmem>>, vector<8x1xf32>
    %add3A_412 = vector.broadcast %get3A_411 : vector<8x1xf32> to vector<8x4096xf32>
    %add3A_413 = arith.addf %broadcast_in_dim3A_13, %add3A_412 : vector<8x4096xf32>
    %sub3A_414 = arith.subf %add3A_413, %slice3A_408 : vector<8x4096xf32>
    %lt3A_415 = arith.cmpf olt, %sub3A_414, %select_n3A_404 : vector<8x4096xf32>
    %select_n3A_416 = arith.select %lt3A_415, %sub3A_414, %select_n3A_404 : vector<8x4096xi1>, vector<8x4096xf32>
    %jit3A_417 = arith.constant 33 : i32
    %broadcast_in_dim3A_418 = vector.broadcast %jit3A_417 : i32 to vector<8x4096xi32>
    %select_n3A_419 = arith.select %lt3A_415, %broadcast_in_dim3A_418, %select_n3A_407 : vector<8x4096xi1>, vector<8x4096xi32>
    %slice3A_420 = vector.extract_strided_slice %dot_general3A_9 {offsets = [272, 0], sizes = [8, 4096], strides = [1, 1]} : vector<2048x4096xf32> to vector<8x4096xf32>
    %get3A_421 = arith.constant 272 : index
    %get3A_422 = arith.constant 0 : index
    %get3A_423 = vector.load %arg5[%get3A_421, %get3A_422] : memref<2048x1xf32, #tpu.memory_space<vmem>>, vector<8x1xf32>
    %add3A_424 = vector.broadcast %get3A_423 : vector<8x1xf32> to vector<8x4096xf32>
    %add3A_425 = arith.addf %broadcast_in_dim3A_13, %add3A_424 : vector<8x4096xf32>
    %sub3A_426 = arith.subf %add3A_425, %slice3A_420 : vector<8x4096xf32>
    %lt3A_427 = arith.cmpf olt, %sub3A_426, %select_n3A_416 : vector<8x4096xf32>
    %select_n3A_428 = arith.select %lt3A_427, %sub3A_426, %select_n3A_416 : vector<8x4096xi1>, vector<8x4096xf32>
    %jit3A_429 = arith.constant 34 : i32
    %broadcast_in_dim3A_430 = vector.broadcast %jit3A_429 : i32 to vector<8x4096xi32>
    %select_n3A_431 = arith.select %lt3A_427, %broadcast_in_dim3A_430, %select_n3A_419 : vector<8x4096xi1>, vector<8x4096xi32>
    %slice3A_432 = vector.extract_strided_slice %dot_general3A_9 {offsets = [280, 0], sizes = [8, 4096], strides = [1, 1]} : vector<2048x4096xf32> to vector<8x4096xf32>
    %get3A_433 = arith.constant 280 : index
    %get3A_434 = arith.constant 0 : index
    %get3A_435 = vector.load %arg5[%get3A_433, %get3A_434] : memref<2048x1xf32, #tpu.memory_space<vmem>>, vector<8x1xf32>
    %add3A_436 = vector.broadcast %get3A_435 : vector<8x1xf32> to vector<8x4096xf32>
    %add3A_437 = arith.addf %broadcast_in_dim3A_13, %add3A_436 : vector<8x4096xf32>
    %sub3A_438 = arith.subf %add3A_437, %slice3A_432 : vector<8x4096xf32>
    %lt3A_439 = arith.cmpf olt, %sub3A_438, %select_n3A_428 : vector<8x4096xf32>
    %select_n3A_440 = arith.select %lt3A_439, %sub3A_438, %select_n3A_428 : vector<8x4096xi1>, vector<8x4096xf32>
    %jit3A_441 = arith.constant 35 : i32
    %broadcast_in_dim3A_442 = vector.broadcast %jit3A_441 : i32 to vector<8x4096xi32>
    %select_n3A_443 = arith.select %lt3A_439, %broadcast_in_dim3A_442, %select_n3A_431 : vector<8x4096xi1>, vector<8x4096xi32>
    %slice3A_444 = vector.extract_strided_slice %dot_general3A_9 {offsets = [288, 0], sizes = [8, 4096], strides = [1, 1]} : vector<2048x4096xf32> to vector<8x4096xf32>
    %get3A_445 = arith.constant 288 : index
    %get3A_446 = arith.constant 0 : index
    %get3A_447 = vector.load %arg5[%get3A_445, %get3A_446] : memref<2048x1xf32, #tpu.memory_space<vmem>>, vector<8x1xf32>
    %add3A_448 = vector.broadcast %get3A_447 : vector<8x1xf32> to vector<8x4096xf32>
    %add3A_449 = arith.addf %broadcast_in_dim3A_13, %add3A_448 : vector<8x4096xf32>
    %sub3A_450 = arith.subf %add3A_449, %slice3A_444 : vector<8x4096xf32>
    %lt3A_451 = arith.cmpf olt, %sub3A_450, %select_n3A_440 : vector<8x4096xf32>
    %select_n3A_452 = arith.select %lt3A_451, %sub3A_450, %select_n3A_440 : vector<8x4096xi1>, vector<8x4096xf32>
    %jit3A_453 = arith.constant 36 : i32
    %broadcast_in_dim3A_454 = vector.broadcast %jit3A_453 : i32 to vector<8x4096xi32>
    %select_n3A_455 = arith.select %lt3A_451, %broadcast_in_dim3A_454, %select_n3A_443 : vector<8x4096xi1>, vector<8x4096xi32>
    %slice3A_456 = vector.extract_strided_slice %dot_general3A_9 {offsets = [296, 0], sizes = [8, 4096], strides = [1, 1]} : vector<2048x4096xf32> to vector<8x4096xf32>
    %get3A_457 = arith.constant 296 : index
    %get3A_458 = arith.constant 0 : index
    %get3A_459 = vector.load %arg5[%get3A_457, %get3A_458] : memref<2048x1xf32, #tpu.memory_space<vmem>>, vector<8x1xf32>
    %add3A_460 = vector.broadcast %get3A_459 : vector<8x1xf32> to vector<8x4096xf32>
    %add3A_461 = arith.addf %broadcast_in_dim3A_13, %add3A_460 : vector<8x4096xf32>
    %sub3A_462 = arith.subf %add3A_461, %slice3A_456 : vector<8x4096xf32>
    %lt3A_463 = arith.cmpf olt, %sub3A_462, %select_n3A_452 : vector<8x4096xf32>
    %select_n3A_464 = arith.select %lt3A_463, %sub3A_462, %select_n3A_452 : vector<8x4096xi1>, vector<8x4096xf32>
    %jit3A_465 = arith.constant 37 : i32
    %broadcast_in_dim3A_466 = vector.broadcast %jit3A_465 : i32 to vector<8x4096xi32>
    %select_n3A_467 = arith.select %lt3A_463, %broadcast_in_dim3A_466, %select_n3A_455 : vector<8x4096xi1>, vector<8x4096xi32>
    %slice3A_468 = vector.extract_strided_slice %dot_general3A_9 {offsets = [304, 0], sizes = [8, 4096], strides = [1, 1]} : vector<2048x4096xf32> to vector<8x4096xf32>
    %get3A_469 = arith.constant 304 : index
    %get3A_470 = arith.constant 0 : index
    %get3A_471 = vector.load %arg5[%get3A_469, %get3A_470] : memref<2048x1xf32, #tpu.memory_space<vmem>>, vector<8x1xf32>
    %add3A_472 = vector.broadcast %get3A_471 : vector<8x1xf32> to vector<8x4096xf32>
    %add3A_473 = arith.addf %broadcast_in_dim3A_13, %add3A_472 : vector<8x4096xf32>
    %sub3A_474 = arith.subf %add3A_473, %slice3A_468 : vector<8x4096xf32>
    %lt3A_475 = arith.cmpf olt, %sub3A_474, %select_n3A_464 : vector<8x4096xf32>
    %select_n3A_476 = arith.select %lt3A_475, %sub3A_474, %select_n3A_464 : vector<8x4096xi1>, vector<8x4096xf32>
    %jit3A_477 = arith.constant 38 : i32
    %broadcast_in_dim3A_478 = vector.broadcast %jit3A_477 : i32 to vector<8x4096xi32>
    %select_n3A_479 = arith.select %lt3A_475, %broadcast_in_dim3A_478, %select_n3A_467 : vector<8x4096xi1>, vector<8x4096xi32>
    %slice3A_480 = vector.extract_strided_slice %dot_general3A_9 {offsets = [312, 0], sizes = [8, 4096], strides = [1, 1]} : vector<2048x4096xf32> to vector<8x4096xf32>
    %get3A_481 = arith.constant 312 : index
    %get3A_482 = arith.constant 0 : index
    %get3A_483 = vector.load %arg5[%get3A_481, %get3A_482] : memref<2048x1xf32, #tpu.memory_space<vmem>>, vector<8x1xf32>
    %add3A_484 = vector.broadcast %get3A_483 : vector<8x1xf32> to vector<8x4096xf32>
    %add3A_485 = arith.addf %broadcast_in_dim3A_13, %add3A_484 : vector<8x4096xf32>
    %sub3A_486 = arith.subf %add3A_485, %slice3A_480 : vector<8x4096xf32>
    %lt3A_487 = arith.cmpf olt, %sub3A_486, %select_n3A_476 : vector<8x4096xf32>
    %select_n3A_488 = arith.select %lt3A_487, %sub3A_486, %select_n3A_476 : vector<8x4096xi1>, vector<8x4096xf32>
    %jit3A_489 = arith.constant 39 : i32
    %broadcast_in_dim3A_490 = vector.broadcast %jit3A_489 : i32 to vector<8x4096xi32>
    %select_n3A_491 = arith.select %lt3A_487, %broadcast_in_dim3A_490, %select_n3A_479 : vector<8x4096xi1>, vector<8x4096xi32>
    %slice3A_492 = vector.extract_strided_slice %dot_general3A_9 {offsets = [320, 0], sizes = [8, 4096], strides = [1, 1]} : vector<2048x4096xf32> to vector<8x4096xf32>
    %get3A_493 = arith.constant 320 : index
    %get3A_494 = arith.constant 0 : index
    %get3A_495 = vector.load %arg5[%get3A_493, %get3A_494] : memref<2048x1xf32, #tpu.memory_space<vmem>>, vector<8x1xf32>
    %add3A_496 = vector.broadcast %get3A_495 : vector<8x1xf32> to vector<8x4096xf32>
    %add3A_497 = arith.addf %broadcast_in_dim3A_13, %add3A_496 : vector<8x4096xf32>
    %sub3A_498 = arith.subf %add3A_497, %slice3A_492 : vector<8x4096xf32>
    %lt3A_499 = arith.cmpf olt, %sub3A_498, %select_n3A_488 : vector<8x4096xf32>
    %select_n3A_500 = arith.select %lt3A_499, %sub3A_498, %select_n3A_488 : vector<8x4096xi1>, vector<8x4096xf32>
    %jit3A_501 = arith.constant 40 : i32
    %broadcast_in_dim3A_502 = vector.broadcast %jit3A_501 : i32 to vector<8x4096xi32>
    %select_n3A_503 = arith.select %lt3A_499, %broadcast_in_dim3A_502, %select_n3A_491 : vector<8x4096xi1>, vector<8x4096xi32>
    %slice3A_504 = vector.extract_strided_slice %dot_general3A_9 {offsets = [328, 0], sizes = [8, 4096], strides = [1, 1]} : vector<2048x4096xf32> to vector<8x4096xf32>
    %get3A_505 = arith.constant 328 : index
    %get3A_506 = arith.constant 0 : index
    %get3A_507 = vector.load %arg5[%get3A_505, %get3A_506] : memref<2048x1xf32, #tpu.memory_space<vmem>>, vector<8x1xf32>
    %add3A_508 = vector.broadcast %get3A_507 : vector<8x1xf32> to vector<8x4096xf32>
    %add3A_509 = arith.addf %broadcast_in_dim3A_13, %add3A_508 : vector<8x4096xf32>
    %sub3A_510 = arith.subf %add3A_509, %slice3A_504 : vector<8x4096xf32>
    %lt3A_511 = arith.cmpf olt, %sub3A_510, %select_n3A_500 : vector<8x4096xf32>
    %select_n3A_512 = arith.select %lt3A_511, %sub3A_510, %select_n3A_500 : vector<8x4096xi1>, vector<8x4096xf32>
    %jit3A_513 = arith.constant 41 : i32
    %broadcast_in_dim3A_514 = vector.broadcast %jit3A_513 : i32 to vector<8x4096xi32>
    %select_n3A_515 = arith.select %lt3A_511, %broadcast_in_dim3A_514, %select_n3A_503 : vector<8x4096xi1>, vector<8x4096xi32>
    %slice3A_516 = vector.extract_strided_slice %dot_general3A_9 {offsets = [336, 0], sizes = [8, 4096], strides = [1, 1]} : vector<2048x4096xf32> to vector<8x4096xf32>
    %get3A_517 = arith.constant 336 : index
    %get3A_518 = arith.constant 0 : index
    %get3A_519 = vector.load %arg5[%get3A_517, %get3A_518] : memref<2048x1xf32, #tpu.memory_space<vmem>>, vector<8x1xf32>
    %add3A_520 = vector.broadcast %get3A_519 : vector<8x1xf32> to vector<8x4096xf32>
    %add3A_521 = arith.addf %broadcast_in_dim3A_13, %add3A_520 : vector<8x4096xf32>
    %sub3A_522 = arith.subf %add3A_521, %slice3A_516 : vector<8x4096xf32>
    %lt3A_523 = arith.cmpf olt, %sub3A_522, %select_n3A_512 : vector<8x4096xf32>
    %select_n3A_524 = arith.select %lt3A_523, %sub3A_522, %select_n3A_512 : vector<8x4096xi1>, vector<8x4096xf32>
    %jit3A_525 = arith.constant 42 : i32
    %broadcast_in_dim3A_526 = vector.broadcast %jit3A_525 : i32 to vector<8x4096xi32>
    %select_n3A_527 = arith.select %lt3A_523, %broadcast_in_dim3A_526, %select_n3A_515 : vector<8x4096xi1>, vector<8x4096xi32>
    %slice3A_528 = vector.extract_strided_slice %dot_general3A_9 {offsets = [344, 0], sizes = [8, 4096], strides = [1, 1]} : vector<2048x4096xf32> to vector<8x4096xf32>
    %get3A_529 = arith.constant 344 : index
    %get3A_530 = arith.constant 0 : index
    %get3A_531 = vector.load %arg5[%get3A_529, %get3A_530] : memref<2048x1xf32, #tpu.memory_space<vmem>>, vector<8x1xf32>
    %add3A_532 = vector.broadcast %get3A_531 : vector<8x1xf32> to vector<8x4096xf32>
    %add3A_533 = arith.addf %broadcast_in_dim3A_13, %add3A_532 : vector<8x4096xf32>
    %sub3A_534 = arith.subf %add3A_533, %slice3A_528 : vector<8x4096xf32>
    %lt3A_535 = arith.cmpf olt, %sub3A_534, %select_n3A_524 : vector<8x4096xf32>
    %select_n3A_536 = arith.select %lt3A_535, %sub3A_534, %select_n3A_524 : vector<8x4096xi1>, vector<8x4096xf32>
    %jit3A_537 = arith.constant 43 : i32
    %broadcast_in_dim3A_538 = vector.broadcast %jit3A_537 : i32 to vector<8x4096xi32>
    %select_n3A_539 = arith.select %lt3A_535, %broadcast_in_dim3A_538, %select_n3A_527 : vector<8x4096xi1>, vector<8x4096xi32>
    %slice3A_540 = vector.extract_strided_slice %dot_general3A_9 {offsets = [352, 0], sizes = [8, 4096], strides = [1, 1]} : vector<2048x4096xf32> to vector<8x4096xf32>
    %get3A_541 = arith.constant 352 : index
    %get3A_542 = arith.constant 0 : index
    %get3A_543 = vector.load %arg5[%get3A_541, %get3A_542] : memref<2048x1xf32, #tpu.memory_space<vmem>>, vector<8x1xf32>
    %add3A_544 = vector.broadcast %get3A_543 : vector<8x1xf32> to vector<8x4096xf32>
    %add3A_545 = arith.addf %broadcast_in_dim3A_13, %add3A_544 : vector<8x4096xf32>
    %sub3A_546 = arith.subf %add3A_545, %slice3A_540 : vector<8x4096xf32>
    %lt3A_547 = arith.cmpf olt, %sub3A_546, %select_n3A_536 : vector<8x4096xf32>
    %select_n3A_548 = arith.select %lt3A_547, %sub3A_546, %select_n3A_536 : vector<8x4096xi1>, vector<8x4096xf32>
    %jit3A_549 = arith.constant 44 : i32
    %broadcast_in_dim3A_550 = vector.broadcast %jit3A_549 : i32 to vector<8x4096xi32>
    %select_n3A_551 = arith.select %lt3A_547, %broadcast_in_dim3A_550, %select_n3A_539 : vector<8x4096xi1>, vector<8x4096xi32>
    %slice3A_552 = vector.extract_strided_slice %dot_general3A_9 {offsets = [360, 0], sizes = [8, 4096], strides = [1, 1]} : vector<2048x4096xf32> to vector<8x4096xf32>
    %get3A_553 = arith.constant 360 : index
    %get3A_554 = arith.constant 0 : index
    %get3A_555 = vector.load %arg5[%get3A_553, %get3A_554] : memref<2048x1xf32, #tpu.memory_space<vmem>>, vector<8x1xf32>
    %add3A_556 = vector.broadcast %get3A_555 : vector<8x1xf32> to vector<8x4096xf32>
    %add3A_557 = arith.addf %broadcast_in_dim3A_13, %add3A_556 : vector<8x4096xf32>
    %sub3A_558 = arith.subf %add3A_557, %slice3A_552 : vector<8x4096xf32>
    %lt3A_559 = arith.cmpf olt, %sub3A_558, %select_n3A_548 : vector<8x4096xf32>
    %select_n3A_560 = arith.select %lt3A_559, %sub3A_558, %select_n3A_548 : vector<8x4096xi1>, vector<8x4096xf32>
    %jit3A_561 = arith.constant 45 : i32
    %broadcast_in_dim3A_562 = vector.broadcast %jit3A_561 : i32 to vector<8x4096xi32>
    %select_n3A_563 = arith.select %lt3A_559, %broadcast_in_dim3A_562, %select_n3A_551 : vector<8x4096xi1>, vector<8x4096xi32>
    %slice3A_564 = vector.extract_strided_slice %dot_general3A_9 {offsets = [368, 0], sizes = [8, 4096], strides = [1, 1]} : vector<2048x4096xf32> to vector<8x4096xf32>
    %get3A_565 = arith.constant 368 : index
    %get3A_566 = arith.constant 0 : index
    %get3A_567 = vector.load %arg5[%get3A_565, %get3A_566] : memref<2048x1xf32, #tpu.memory_space<vmem>>, vector<8x1xf32>
    %add3A_568 = vector.broadcast %get3A_567 : vector<8x1xf32> to vector<8x4096xf32>
    %add3A_569 = arith.addf %broadcast_in_dim3A_13, %add3A_568 : vector<8x4096xf32>
    %sub3A_570 = arith.subf %add3A_569, %slice3A_564 : vector<8x4096xf32>
    %lt3A_571 = arith.cmpf olt, %sub3A_570, %select_n3A_560 : vector<8x4096xf32>
    %select_n3A_572 = arith.select %lt3A_571, %sub3A_570, %select_n3A_560 : vector<8x4096xi1>, vector<8x4096xf32>
    %jit3A_573 = arith.constant 46 : i32
    %broadcast_in_dim3A_574 = vector.broadcast %jit3A_573 : i32 to vector<8x4096xi32>
    %select_n3A_575 = arith.select %lt3A_571, %broadcast_in_dim3A_574, %select_n3A_563 : vector<8x4096xi1>, vector<8x4096xi32>
    %slice3A_576 = vector.extract_strided_slice %dot_general3A_9 {offsets = [376, 0], sizes = [8, 4096], strides = [1, 1]} : vector<2048x4096xf32> to vector<8x4096xf32>
    %get3A_577 = arith.constant 376 : index
    %get3A_578 = arith.constant 0 : index
    %get3A_579 = vector.load %arg5[%get3A_577, %get3A_578] : memref<2048x1xf32, #tpu.memory_space<vmem>>, vector<8x1xf32>
    %add3A_580 = vector.broadcast %get3A_579 : vector<8x1xf32> to vector<8x4096xf32>
    %add3A_581 = arith.addf %broadcast_in_dim3A_13, %add3A_580 : vector<8x4096xf32>
    %sub3A_582 = arith.subf %add3A_581, %slice3A_576 : vector<8x4096xf32>
    %lt3A_583 = arith.cmpf olt, %sub3A_582, %select_n3A_572 : vector<8x4096xf32>
    %select_n3A_584 = arith.select %lt3A_583, %sub3A_582, %select_n3A_572 : vector<8x4096xi1>, vector<8x4096xf32>
    %jit3A_585 = arith.constant 47 : i32
    %broadcast_in_dim3A_586 = vector.broadcast %jit3A_585 : i32 to vector<8x4096xi32>
    %select_n3A_587 = arith.select %lt3A_583, %broadcast_in_dim3A_586, %select_n3A_575 : vector<8x4096xi1>, vector<8x4096xi32>
    %slice3A_588 = vector.extract_strided_slice %dot_general3A_9 {offsets = [384, 0], sizes = [8, 4096], strides = [1, 1]} : vector<2048x4096xf32> to vector<8x4096xf32>
    %get3A_589 = arith.constant 384 : index
    %get3A_590 = arith.constant 0 : index
    %get3A_591 = vector.load %arg5[%get3A_589, %get3A_590] : memref<2048x1xf32, #tpu.memory_space<vmem>>, vector<8x1xf32>
    %add3A_592 = vector.broadcast %get3A_591 : vector<8x1xf32> to vector<8x4096xf32>
    %add3A_593 = arith.addf %broadcast_in_dim3A_13, %add3A_592 : vector<8x4096xf32>
    %sub3A_594 = arith.subf %add3A_593, %slice3A_588 : vector<8x4096xf32>
    %lt3A_595 = arith.cmpf olt, %sub3A_594, %select_n3A_584 : vector<8x4096xf32>
    %select_n3A_596 = arith.select %lt3A_595, %sub3A_594, %select_n3A_584 : vector<8x4096xi1>, vector<8x4096xf32>
    %jit3A_597 = arith.constant 48 : i32
    %broadcast_in_dim3A_598 = vector.broadcast %jit3A_597 : i32 to vector<8x4096xi32>
    %select_n3A_599 = arith.select %lt3A_595, %broadcast_in_dim3A_598, %select_n3A_587 : vector<8x4096xi1>, vector<8x4096xi32>
    %slice3A_600 = vector.extract_strided_slice %dot_general3A_9 {offsets = [392, 0], sizes = [8, 4096], strides = [1, 1]} : vector<2048x4096xf32> to vector<8x4096xf32>
    %get3A_601 = arith.constant 392 : index
    %get3A_602 = arith.constant 0 : index
    %get3A_603 = vector.load %arg5[%get3A_601, %get3A_602] : memref<2048x1xf32, #tpu.memory_space<vmem>>, vector<8x1xf32>
    %add3A_604 = vector.broadcast %get3A_603 : vector<8x1xf32> to vector<8x4096xf32>
    %add3A_605 = arith.addf %broadcast_in_dim3A_13, %add3A_604 : vector<8x4096xf32>
    %sub3A_606 = arith.subf %add3A_605, %slice3A_600 : vector<8x4096xf32>
    %lt3A_607 = arith.cmpf olt, %sub3A_606, %select_n3A_596 : vector<8x4096xf32>
    %select_n3A_608 = arith.select %lt3A_607, %sub3A_606, %select_n3A_596 : vector<8x4096xi1>, vector<8x4096xf32>
    %jit3A_609 = arith.constant 49 : i32
    %broadcast_in_dim3A_610 = vector.broadcast %jit3A_609 : i32 to vector<8x4096xi32>
    %select_n3A_611 = arith.select %lt3A_607, %broadcast_in_dim3A_610, %select_n3A_599 : vector<8x4096xi1>, vector<8x4096xi32>
    %slice3A_612 = vector.extract_strided_slice %dot_general3A_9 {offsets = [400, 0], sizes = [8, 4096], strides = [1, 1]} : vector<2048x4096xf32> to vector<8x4096xf32>
    %get3A_613 = arith.constant 400 : index
    %get3A_614 = arith.constant 0 : index
    %get3A_615 = vector.load %arg5[%get3A_613, %get3A_614] : memref<2048x1xf32, #tpu.memory_space<vmem>>, vector<8x1xf32>
    %add3A_616 = vector.broadcast %get3A_615 : vector<8x1xf32> to vector<8x4096xf32>
    %add3A_617 = arith.addf %broadcast_in_dim3A_13, %add3A_616 : vector<8x4096xf32>
    %sub3A_618 = arith.subf %add3A_617, %slice3A_612 : vector<8x4096xf32>
    %lt3A_619 = arith.cmpf olt, %sub3A_618, %select_n3A_608 : vector<8x4096xf32>
    %select_n3A_620 = arith.select %lt3A_619, %sub3A_618, %select_n3A_608 : vector<8x4096xi1>, vector<8x4096xf32>
    %jit3A_621 = arith.constant 50 : i32
    %broadcast_in_dim3A_622 = vector.broadcast %jit3A_621 : i32 to vector<8x4096xi32>
    %select_n3A_623 = arith.select %lt3A_619, %broadcast_in_dim3A_622, %select_n3A_611 : vector<8x4096xi1>, vector<8x4096xi32>
    %slice3A_624 = vector.extract_strided_slice %dot_general3A_9 {offsets = [408, 0], sizes = [8, 4096], strides = [1, 1]} : vector<2048x4096xf32> to vector<8x4096xf32>
    %get3A_625 = arith.constant 408 : index
    %get3A_626 = arith.constant 0 : index
    %get3A_627 = vector.load %arg5[%get3A_625, %get3A_626] : memref<2048x1xf32, #tpu.memory_space<vmem>>, vector<8x1xf32>
    %add3A_628 = vector.broadcast %get3A_627 : vector<8x1xf32> to vector<8x4096xf32>
    %add3A_629 = arith.addf %broadcast_in_dim3A_13, %add3A_628 : vector<8x4096xf32>
    %sub3A_630 = arith.subf %add3A_629, %slice3A_624 : vector<8x4096xf32>
    %lt3A_631 = arith.cmpf olt, %sub3A_630, %select_n3A_620 : vector<8x4096xf32>
    %select_n3A_632 = arith.select %lt3A_631, %sub3A_630, %select_n3A_620 : vector<8x4096xi1>, vector<8x4096xf32>
    %jit3A_633 = arith.constant 51 : i32
    %broadcast_in_dim3A_634 = vector.broadcast %jit3A_633 : i32 to vector<8x4096xi32>
    %select_n3A_635 = arith.select %lt3A_631, %broadcast_in_dim3A_634, %select_n3A_623 : vector<8x4096xi1>, vector<8x4096xi32>
    %slice3A_636 = vector.extract_strided_slice %dot_general3A_9 {offsets = [416, 0], sizes = [8, 4096], strides = [1, 1]} : vector<2048x4096xf32> to vector<8x4096xf32>
    %get3A_637 = arith.constant 416 : index
    %get3A_638 = arith.constant 0 : index
    %get3A_639 = vector.load %arg5[%get3A_637, %get3A_638] : memref<2048x1xf32, #tpu.memory_space<vmem>>, vector<8x1xf32>
    %add3A_640 = vector.broadcast %get3A_639 : vector<8x1xf32> to vector<8x4096xf32>
    %add3A_641 = arith.addf %broadcast_in_dim3A_13, %add3A_640 : vector<8x4096xf32>
    %sub3A_642 = arith.subf %add3A_641, %slice3A_636 : vector<8x4096xf32>
    %lt3A_643 = arith.cmpf olt, %sub3A_642, %select_n3A_632 : vector<8x4096xf32>
    %select_n3A_644 = arith.select %lt3A_643, %sub3A_642, %select_n3A_632 : vector<8x4096xi1>, vector<8x4096xf32>
    %jit3A_645 = arith.constant 52 : i32
    %broadcast_in_dim3A_646 = vector.broadcast %jit3A_645 : i32 to vector<8x4096xi32>
    %select_n3A_647 = arith.select %lt3A_643, %broadcast_in_dim3A_646, %select_n3A_635 : vector<8x4096xi1>, vector<8x4096xi32>
    %slice3A_648 = vector.extract_strided_slice %dot_general3A_9 {offsets = [424, 0], sizes = [8, 4096], strides = [1, 1]} : vector<2048x4096xf32> to vector<8x4096xf32>
    %get3A_649 = arith.constant 424 : index
    %get3A_650 = arith.constant 0 : index
    %get3A_651 = vector.load %arg5[%get3A_649, %get3A_650] : memref<2048x1xf32, #tpu.memory_space<vmem>>, vector<8x1xf32>
    %add3A_652 = vector.broadcast %get3A_651 : vector<8x1xf32> to vector<8x4096xf32>
    %add3A_653 = arith.addf %broadcast_in_dim3A_13, %add3A_652 : vector<8x4096xf32>
    %sub3A_654 = arith.subf %add3A_653, %slice3A_648 : vector<8x4096xf32>
    %lt3A_655 = arith.cmpf olt, %sub3A_654, %select_n3A_644 : vector<8x4096xf32>
    %select_n3A_656 = arith.select %lt3A_655, %sub3A_654, %select_n3A_644 : vector<8x4096xi1>, vector<8x4096xf32>
    %jit3A_657 = arith.constant 53 : i32
    %broadcast_in_dim3A_658 = vector.broadcast %jit3A_657 : i32 to vector<8x4096xi32>
    %select_n3A_659 = arith.select %lt3A_655, %broadcast_in_dim3A_658, %select_n3A_647 : vector<8x4096xi1>, vector<8x4096xi32>
    %slice3A_660 = vector.extract_strided_slice %dot_general3A_9 {offsets = [432, 0], sizes = [8, 4096], strides = [1, 1]} : vector<2048x4096xf32> to vector<8x4096xf32>
    %get3A_661 = arith.constant 432 : index
    %get3A_662 = arith.constant 0 : index
    %get3A_663 = vector.load %arg5[%get3A_661, %get3A_662] : memref<2048x1xf32, #tpu.memory_space<vmem>>, vector<8x1xf32>
    %add3A_664 = vector.broadcast %get3A_663 : vector<8x1xf32> to vector<8x4096xf32>
    %add3A_665 = arith.addf %broadcast_in_dim3A_13, %add3A_664 : vector<8x4096xf32>
    %sub3A_666 = arith.subf %add3A_665, %slice3A_660 : vector<8x4096xf32>
    %lt3A_667 = arith.cmpf olt, %sub3A_666, %select_n3A_656 : vector<8x4096xf32>
    %select_n3A_668 = arith.select %lt3A_667, %sub3A_666, %select_n3A_656 : vector<8x4096xi1>, vector<8x4096xf32>
    %jit3A_669 = arith.constant 54 : i32
    %broadcast_in_dim3A_670 = vector.broadcast %jit3A_669 : i32 to vector<8x4096xi32>
    %select_n3A_671 = arith.select %lt3A_667, %broadcast_in_dim3A_670, %select_n3A_659 : vector<8x4096xi1>, vector<8x4096xi32>
    %slice3A_672 = vector.extract_strided_slice %dot_general3A_9 {offsets = [440, 0], sizes = [8, 4096], strides = [1, 1]} : vector<2048x4096xf32> to vector<8x4096xf32>
    %get3A_673 = arith.constant 440 : index
    %get3A_674 = arith.constant 0 : index
    %get3A_675 = vector.load %arg5[%get3A_673, %get3A_674] : memref<2048x1xf32, #tpu.memory_space<vmem>>, vector<8x1xf32>
    %add3A_676 = vector.broadcast %get3A_675 : vector<8x1xf32> to vector<8x4096xf32>
    %add3A_677 = arith.addf %broadcast_in_dim3A_13, %add3A_676 : vector<8x4096xf32>
    %sub3A_678 = arith.subf %add3A_677, %slice3A_672 : vector<8x4096xf32>
    %lt3A_679 = arith.cmpf olt, %sub3A_678, %select_n3A_668 : vector<8x4096xf32>
    %select_n3A_680 = arith.select %lt3A_679, %sub3A_678, %select_n3A_668 : vector<8x4096xi1>, vector<8x4096xf32>
    %jit3A_681 = arith.constant 55 : i32
    %broadcast_in_dim3A_682 = vector.broadcast %jit3A_681 : i32 to vector<8x4096xi32>
    %select_n3A_683 = arith.select %lt3A_679, %broadcast_in_dim3A_682, %select_n3A_671 : vector<8x4096xi1>, vector<8x4096xi32>
    %slice3A_684 = vector.extract_strided_slice %dot_general3A_9 {offsets = [448, 0], sizes = [8, 4096], strides = [1, 1]} : vector<2048x4096xf32> to vector<8x4096xf32>
    %get3A_685 = arith.constant 448 : index
    %get3A_686 = arith.constant 0 : index
    %get3A_687 = vector.load %arg5[%get3A_685, %get3A_686] : memref<2048x1xf32, #tpu.memory_space<vmem>>, vector<8x1xf32>
    %add3A_688 = vector.broadcast %get3A_687 : vector<8x1xf32> to vector<8x4096xf32>
    %add3A_689 = arith.addf %broadcast_in_dim3A_13, %add3A_688 : vector<8x4096xf32>
    %sub3A_690 = arith.subf %add3A_689, %slice3A_684 : vector<8x4096xf32>
    %lt3A_691 = arith.cmpf olt, %sub3A_690, %select_n3A_680 : vector<8x4096xf32>
    %select_n3A_692 = arith.select %lt3A_691, %sub3A_690, %select_n3A_680 : vector<8x4096xi1>, vector<8x4096xf32>
    %jit3A_693 = arith.constant 56 : i32
    %broadcast_in_dim3A_694 = vector.broadcast %jit3A_693 : i32 to vector<8x4096xi32>
    %select_n3A_695 = arith.select %lt3A_691, %broadcast_in_dim3A_694, %select_n3A_683 : vector<8x4096xi1>, vector<8x4096xi32>
    %slice3A_696 = vector.extract_strided_slice %dot_general3A_9 {offsets = [456, 0], sizes = [8, 4096], strides = [1, 1]} : vector<2048x4096xf32> to vector<8x4096xf32>
    %get3A_697 = arith.constant 456 : index
    %get3A_698 = arith.constant 0 : index
    %get3A_699 = vector.load %arg5[%get3A_697, %get3A_698] : memref<2048x1xf32, #tpu.memory_space<vmem>>, vector<8x1xf32>
    %add3A_700 = vector.broadcast %get3A_699 : vector<8x1xf32> to vector<8x4096xf32>
    %add3A_701 = arith.addf %broadcast_in_dim3A_13, %add3A_700 : vector<8x4096xf32>
    %sub3A_702 = arith.subf %add3A_701, %slice3A_696 : vector<8x4096xf32>
    %lt3A_703 = arith.cmpf olt, %sub3A_702, %select_n3A_692 : vector<8x4096xf32>
    %select_n3A_704 = arith.select %lt3A_703, %sub3A_702, %select_n3A_692 : vector<8x4096xi1>, vector<8x4096xf32>
    %jit3A_705 = arith.constant 57 : i32
    %broadcast_in_dim3A_706 = vector.broadcast %jit3A_705 : i32 to vector<8x4096xi32>
    %select_n3A_707 = arith.select %lt3A_703, %broadcast_in_dim3A_706, %select_n3A_695 : vector<8x4096xi1>, vector<8x4096xi32>
    %slice3A_708 = vector.extract_strided_slice %dot_general3A_9 {offsets = [464, 0], sizes = [8, 4096], strides = [1, 1]} : vector<2048x4096xf32> to vector<8x4096xf32>
    %get3A_709 = arith.constant 464 : index
    %get3A_710 = arith.constant 0 : index
    %get3A_711 = vector.load %arg5[%get3A_709, %get3A_710] : memref<2048x1xf32, #tpu.memory_space<vmem>>, vector<8x1xf32>
    %add3A_712 = vector.broadcast %get3A_711 : vector<8x1xf32> to vector<8x4096xf32>
    %add3A_713 = arith.addf %broadcast_in_dim3A_13, %add3A_712 : vector<8x4096xf32>
    %sub3A_714 = arith.subf %add3A_713, %slice3A_708 : vector<8x4096xf32>
    %lt3A_715 = arith.cmpf olt, %sub3A_714, %select_n3A_704 : vector<8x4096xf32>
    %select_n3A_716 = arith.select %lt3A_715, %sub3A_714, %select_n3A_704 : vector<8x4096xi1>, vector<8x4096xf32>
    %jit3A_717 = arith.constant 58 : i32
    %broadcast_in_dim3A_718 = vector.broadcast %jit3A_717 : i32 to vector<8x4096xi32>
    %select_n3A_719 = arith.select %lt3A_715, %broadcast_in_dim3A_718, %select_n3A_707 : vector<8x4096xi1>, vector<8x4096xi32>
    %slice3A_720 = vector.extract_strided_slice %dot_general3A_9 {offsets = [472, 0], sizes = [8, 4096], strides = [1, 1]} : vector<2048x4096xf32> to vector<8x4096xf32>
    %get3A_721 = arith.constant 472 : index
    %get3A_722 = arith.constant 0 : index
    %get3A_723 = vector.load %arg5[%get3A_721, %get3A_722] : memref<2048x1xf32, #tpu.memory_space<vmem>>, vector<8x1xf32>
    %add3A_724 = vector.broadcast %get3A_723 : vector<8x1xf32> to vector<8x4096xf32>
    %add3A_725 = arith.addf %broadcast_in_dim3A_13, %add3A_724 : vector<8x4096xf32>
    %sub3A_726 = arith.subf %add3A_725, %slice3A_720 : vector<8x4096xf32>
    %lt3A_727 = arith.cmpf olt, %sub3A_726, %select_n3A_716 : vector<8x4096xf32>
    %select_n3A_728 = arith.select %lt3A_727, %sub3A_726, %select_n3A_716 : vector<8x4096xi1>, vector<8x4096xf32>
    %jit3A_729 = arith.constant 59 : i32
    %broadcast_in_dim3A_730 = vector.broadcast %jit3A_729 : i32 to vector<8x4096xi32>
    %select_n3A_731 = arith.select %lt3A_727, %broadcast_in_dim3A_730, %select_n3A_719 : vector<8x4096xi1>, vector<8x4096xi32>
    %slice3A_732 = vector.extract_strided_slice %dot_general3A_9 {offsets = [480, 0], sizes = [8, 4096], strides = [1, 1]} : vector<2048x4096xf32> to vector<8x4096xf32>
    %get3A_733 = arith.constant 480 : index
    %get3A_734 = arith.constant 0 : index
    %get3A_735 = vector.load %arg5[%get3A_733, %get3A_734] : memref<2048x1xf32, #tpu.memory_space<vmem>>, vector<8x1xf32>
    %add3A_736 = vector.broadcast %get3A_735 : vector<8x1xf32> to vector<8x4096xf32>
    %add3A_737 = arith.addf %broadcast_in_dim3A_13, %add3A_736 : vector<8x4096xf32>
    %sub3A_738 = arith.subf %add3A_737, %slice3A_732 : vector<8x4096xf32>
    %lt3A_739 = arith.cmpf olt, %sub3A_738, %select_n3A_728 : vector<8x4096xf32>
    %select_n3A_740 = arith.select %lt3A_739, %sub3A_738, %select_n3A_728 : vector<8x4096xi1>, vector<8x4096xf32>
    %jit3A_741 = arith.constant 60 : i32
    %broadcast_in_dim3A_742 = vector.broadcast %jit3A_741 : i32 to vector<8x4096xi32>
    %select_n3A_743 = arith.select %lt3A_739, %broadcast_in_dim3A_742, %select_n3A_731 : vector<8x4096xi1>, vector<8x4096xi32>
    %slice3A_744 = vector.extract_strided_slice %dot_general3A_9 {offsets = [488, 0], sizes = [8, 4096], strides = [1, 1]} : vector<2048x4096xf32> to vector<8x4096xf32>
    %get3A_745 = arith.constant 488 : index
    %get3A_746 = arith.constant 0 : index
    %get3A_747 = vector.load %arg5[%get3A_745, %get3A_746] : memref<2048x1xf32, #tpu.memory_space<vmem>>, vector<8x1xf32>
    %add3A_748 = vector.broadcast %get3A_747 : vector<8x1xf32> to vector<8x4096xf32>
    %add3A_749 = arith.addf %broadcast_in_dim3A_13, %add3A_748 : vector<8x4096xf32>
    %sub3A_750 = arith.subf %add3A_749, %slice3A_744 : vector<8x4096xf32>
    %lt3A_751 = arith.cmpf olt, %sub3A_750, %select_n3A_740 : vector<8x4096xf32>
    %select_n3A_752 = arith.select %lt3A_751, %sub3A_750, %select_n3A_740 : vector<8x4096xi1>, vector<8x4096xf32>
    %jit3A_753 = arith.constant 61 : i32
    %broadcast_in_dim3A_754 = vector.broadcast %jit3A_753 : i32 to vector<8x4096xi32>
    %select_n3A_755 = arith.select %lt3A_751, %broadcast_in_dim3A_754, %select_n3A_743 : vector<8x4096xi1>, vector<8x4096xi32>
    %slice3A_756 = vector.extract_strided_slice %dot_general3A_9 {offsets = [496, 0], sizes = [8, 4096], strides = [1, 1]} : vector<2048x4096xf32> to vector<8x4096xf32>
    %get3A_757 = arith.constant 496 : index
    %get3A_758 = arith.constant 0 : index
    %get3A_759 = vector.load %arg5[%get3A_757, %get3A_758] : memref<2048x1xf32, #tpu.memory_space<vmem>>, vector<8x1xf32>
    %add3A_760 = vector.broadcast %get3A_759 : vector<8x1xf32> to vector<8x4096xf32>
    %add3A_761 = arith.addf %broadcast_in_dim3A_13, %add3A_760 : vector<8x4096xf32>
    %sub3A_762 = arith.subf %add3A_761, %slice3A_756 : vector<8x4096xf32>
    %lt3A_763 = arith.cmpf olt, %sub3A_762, %select_n3A_752 : vector<8x4096xf32>
    %select_n3A_764 = arith.select %lt3A_763, %sub3A_762, %select_n3A_752 : vector<8x4096xi1>, vector<8x4096xf32>
    %jit3A_765 = arith.constant 62 : i32
    %broadcast_in_dim3A_766 = vector.broadcast %jit3A_765 : i32 to vector<8x4096xi32>
    %select_n3A_767 = arith.select %lt3A_763, %broadcast_in_dim3A_766, %select_n3A_755 : vector<8x4096xi1>, vector<8x4096xi32>
    %slice3A_768 = vector.extract_strided_slice %dot_general3A_9 {offsets = [504, 0], sizes = [8, 4096], strides = [1, 1]} : vector<2048x4096xf32> to vector<8x4096xf32>
    %get3A_769 = arith.constant 504 : index
    %get3A_770 = arith.constant 0 : index
    %get3A_771 = vector.load %arg5[%get3A_769, %get3A_770] : memref<2048x1xf32, #tpu.memory_space<vmem>>, vector<8x1xf32>
    %add3A_772 = vector.broadcast %get3A_771 : vector<8x1xf32> to vector<8x4096xf32>
    %add3A_773 = arith.addf %broadcast_in_dim3A_13, %add3A_772 : vector<8x4096xf32>
    %sub3A_774 = arith.subf %add3A_773, %slice3A_768 : vector<8x4096xf32>
    %lt3A_775 = arith.cmpf olt, %sub3A_774, %select_n3A_764 : vector<8x4096xf32>
    %select_n3A_776 = arith.select %lt3A_775, %sub3A_774, %select_n3A_764 : vector<8x4096xi1>, vector<8x4096xf32>
    %jit3A_777 = arith.constant 63 : i32
    %broadcast_in_dim3A_778 = vector.broadcast %jit3A_777 : i32 to vector<8x4096xi32>
    %select_n3A_779 = arith.select %lt3A_775, %broadcast_in_dim3A_778, %select_n3A_767 : vector<8x4096xi1>, vector<8x4096xi32>
    %slice3A_780 = vector.extract_strided_slice %dot_general3A_9 {offsets = [512, 0], sizes = [8, 4096], strides = [1, 1]} : vector<2048x4096xf32> to vector<8x4096xf32>
    %get3A_781 = arith.constant 512 : index
    %get3A_782 = arith.constant 0 : index
    %get3A_783 = vector.load %arg5[%get3A_781, %get3A_782] : memref<2048x1xf32, #tpu.memory_space<vmem>>, vector<8x1xf32>
    %add3A_784 = vector.broadcast %get3A_783 : vector<8x1xf32> to vector<8x4096xf32>
    %add3A_785 = arith.addf %broadcast_in_dim3A_13, %add3A_784 : vector<8x4096xf32>
    %sub3A_786 = arith.subf %add3A_785, %slice3A_780 : vector<8x4096xf32>
    %lt3A_787 = arith.cmpf olt, %sub3A_786, %select_n3A_776 : vector<8x4096xf32>
    %select_n3A_788 = arith.select %lt3A_787, %sub3A_786, %select_n3A_776 : vector<8x4096xi1>, vector<8x4096xf32>
    %jit3A_789 = arith.constant 64 : i32
    %broadcast_in_dim3A_790 = vector.broadcast %jit3A_789 : i32 to vector<8x4096xi32>
    %select_n3A_791 = arith.select %lt3A_787, %broadcast_in_dim3A_790, %select_n3A_779 : vector<8x4096xi1>, vector<8x4096xi32>
    %slice3A_792 = vector.extract_strided_slice %dot_general3A_9 {offsets = [520, 0], sizes = [8, 4096], strides = [1, 1]} : vector<2048x4096xf32> to vector<8x4096xf32>
    %get3A_793 = arith.constant 520 : index
    %get3A_794 = arith.constant 0 : index
    %get3A_795 = vector.load %arg5[%get3A_793, %get3A_794] : memref<2048x1xf32, #tpu.memory_space<vmem>>, vector<8x1xf32>
    %add3A_796 = vector.broadcast %get3A_795 : vector<8x1xf32> to vector<8x4096xf32>
    %add3A_797 = arith.addf %broadcast_in_dim3A_13, %add3A_796 : vector<8x4096xf32>
    %sub3A_798 = arith.subf %add3A_797, %slice3A_792 : vector<8x4096xf32>
    %lt3A_799 = arith.cmpf olt, %sub3A_798, %select_n3A_788 : vector<8x4096xf32>
    %select_n3A_800 = arith.select %lt3A_799, %sub3A_798, %select_n3A_788 : vector<8x4096xi1>, vector<8x4096xf32>
    %jit3A_801 = arith.constant 65 : i32
    %broadcast_in_dim3A_802 = vector.broadcast %jit3A_801 : i32 to vector<8x4096xi32>
    %select_n3A_803 = arith.select %lt3A_799, %broadcast_in_dim3A_802, %select_n3A_791 : vector<8x4096xi1>, vector<8x4096xi32>
    %slice3A_804 = vector.extract_strided_slice %dot_general3A_9 {offsets = [528, 0], sizes = [8, 4096], strides = [1, 1]} : vector<2048x4096xf32> to vector<8x4096xf32>
    %get3A_805 = arith.constant 528 : index
    %get3A_806 = arith.constant 0 : index
    %get3A_807 = vector.load %arg5[%get3A_805, %get3A_806] : memref<2048x1xf32, #tpu.memory_space<vmem>>, vector<8x1xf32>
    %add3A_808 = vector.broadcast %get3A_807 : vector<8x1xf32> to vector<8x4096xf32>
    %add3A_809 = arith.addf %broadcast_in_dim3A_13, %add3A_808 : vector<8x4096xf32>
    %sub3A_810 = arith.subf %add3A_809, %slice3A_804 : vector<8x4096xf32>
    %lt3A_811 = arith.cmpf olt, %sub3A_810, %select_n3A_800 : vector<8x4096xf32>
    %select_n3A_812 = arith.select %lt3A_811, %sub3A_810, %select_n3A_800 : vector<8x4096xi1>, vector<8x4096xf32>
    %jit3A_813 = arith.constant 66 : i32
    %broadcast_in_dim3A_814 = vector.broadcast %jit3A_813 : i32 to vector<8x4096xi32>
    %select_n3A_815 = arith.select %lt3A_811, %broadcast_in_dim3A_814, %select_n3A_803 : vector<8x4096xi1>, vector<8x4096xi32>
    %slice3A_816 = vector.extract_strided_slice %dot_general3A_9 {offsets = [536, 0], sizes = [8, 4096], strides = [1, 1]} : vector<2048x4096xf32> to vector<8x4096xf32>
    %get3A_817 = arith.constant 536 : index
    %get3A_818 = arith.constant 0 : index
    %get3A_819 = vector.load %arg5[%get3A_817, %get3A_818] : memref<2048x1xf32, #tpu.memory_space<vmem>>, vector<8x1xf32>
    %add3A_820 = vector.broadcast %get3A_819 : vector<8x1xf32> to vector<8x4096xf32>
    %add3A_821 = arith.addf %broadcast_in_dim3A_13, %add3A_820 : vector<8x4096xf32>
    %sub3A_822 = arith.subf %add3A_821, %slice3A_816 : vector<8x4096xf32>
    %lt3A_823 = arith.cmpf olt, %sub3A_822, %select_n3A_812 : vector<8x4096xf32>
    %select_n3A_824 = arith.select %lt3A_823, %sub3A_822, %select_n3A_812 : vector<8x4096xi1>, vector<8x4096xf32>
    %jit3A_825 = arith.constant 67 : i32
    %broadcast_in_dim3A_826 = vector.broadcast %jit3A_825 : i32 to vector<8x4096xi32>
    %select_n3A_827 = arith.select %lt3A_823, %broadcast_in_dim3A_826, %select_n3A_815 : vector<8x4096xi1>, vector<8x4096xi32>
    %slice3A_828 = vector.extract_strided_slice %dot_general3A_9 {offsets = [544, 0], sizes = [8, 4096], strides = [1, 1]} : vector<2048x4096xf32> to vector<8x4096xf32>
    %get3A_829 = arith.constant 544 : index
    %get3A_830 = arith.constant 0 : index
    %get3A_831 = vector.load %arg5[%get3A_829, %get3A_830] : memref<2048x1xf32, #tpu.memory_space<vmem>>, vector<8x1xf32>
    %add3A_832 = vector.broadcast %get3A_831 : vector<8x1xf32> to vector<8x4096xf32>
    %add3A_833 = arith.addf %broadcast_in_dim3A_13, %add3A_832 : vector<8x4096xf32>
    %sub3A_834 = arith.subf %add3A_833, %slice3A_828 : vector<8x4096xf32>
    %lt3A_835 = arith.cmpf olt, %sub3A_834, %select_n3A_824 : vector<8x4096xf32>
    %select_n3A_836 = arith.select %lt3A_835, %sub3A_834, %select_n3A_824 : vector<8x4096xi1>, vector<8x4096xf32>
    %jit3A_837 = arith.constant 68 : i32
    %broadcast_in_dim3A_838 = vector.broadcast %jit3A_837 : i32 to vector<8x4096xi32>
    %select_n3A_839 = arith.select %lt3A_835, %broadcast_in_dim3A_838, %select_n3A_827 : vector<8x4096xi1>, vector<8x4096xi32>
    %slice3A_840 = vector.extract_strided_slice %dot_general3A_9 {offsets = [552, 0], sizes = [8, 4096], strides = [1, 1]} : vector<2048x4096xf32> to vector<8x4096xf32>
    %get3A_841 = arith.constant 552 : index
    %get3A_842 = arith.constant 0 : index
    %get3A_843 = vector.load %arg5[%get3A_841, %get3A_842] : memref<2048x1xf32, #tpu.memory_space<vmem>>, vector<8x1xf32>
    %add3A_844 = vector.broadcast %get3A_843 : vector<8x1xf32> to vector<8x4096xf32>
    %add3A_845 = arith.addf %broadcast_in_dim3A_13, %add3A_844 : vector<8x4096xf32>
    %sub3A_846 = arith.subf %add3A_845, %slice3A_840 : vector<8x4096xf32>
    %lt3A_847 = arith.cmpf olt, %sub3A_846, %select_n3A_836 : vector<8x4096xf32>
    %select_n3A_848 = arith.select %lt3A_847, %sub3A_846, %select_n3A_836 : vector<8x4096xi1>, vector<8x4096xf32>
    %jit3A_849 = arith.constant 69 : i32
    %broadcast_in_dim3A_850 = vector.broadcast %jit3A_849 : i32 to vector<8x4096xi32>
    %select_n3A_851 = arith.select %lt3A_847, %broadcast_in_dim3A_850, %select_n3A_839 : vector<8x4096xi1>, vector<8x4096xi32>
    %slice3A_852 = vector.extract_strided_slice %dot_general3A_9 {offsets = [560, 0], sizes = [8, 4096], strides = [1, 1]} : vector<2048x4096xf32> to vector<8x4096xf32>
    %get3A_853 = arith.constant 560 : index
    %get3A_854 = arith.constant 0 : index
    %get3A_855 = vector.load %arg5[%get3A_853, %get3A_854] : memref<2048x1xf32, #tpu.memory_space<vmem>>, vector<8x1xf32>
    %add3A_856 = vector.broadcast %get3A_855 : vector<8x1xf32> to vector<8x4096xf32>
    %add3A_857 = arith.addf %broadcast_in_dim3A_13, %add3A_856 : vector<8x4096xf32>
    %sub3A_858 = arith.subf %add3A_857, %slice3A_852 : vector<8x4096xf32>
    %lt3A_859 = arith.cmpf olt, %sub3A_858, %select_n3A_848 : vector<8x4096xf32>
    %select_n3A_860 = arith.select %lt3A_859, %sub3A_858, %select_n3A_848 : vector<8x4096xi1>, vector<8x4096xf32>
    %jit3A_861 = arith.constant 70 : i32
    %broadcast_in_dim3A_862 = vector.broadcast %jit3A_861 : i32 to vector<8x4096xi32>
    %select_n3A_863 = arith.select %lt3A_859, %broadcast_in_dim3A_862, %select_n3A_851 : vector<8x4096xi1>, vector<8x4096xi32>
    %slice3A_864 = vector.extract_strided_slice %dot_general3A_9 {offsets = [568, 0], sizes = [8, 4096], strides = [1, 1]} : vector<2048x4096xf32> to vector<8x4096xf32>
    %get3A_865 = arith.constant 568 : index
    %get3A_866 = arith.constant 0 : index
    %get3A_867 = vector.load %arg5[%get3A_865, %get3A_866] : memref<2048x1xf32, #tpu.memory_space<vmem>>, vector<8x1xf32>
    %add3A_868 = vector.broadcast %get3A_867 : vector<8x1xf32> to vector<8x4096xf32>
    %add3A_869 = arith.addf %broadcast_in_dim3A_13, %add3A_868 : vector<8x4096xf32>
    %sub3A_870 = arith.subf %add3A_869, %slice3A_864 : vector<8x4096xf32>
    %lt3A_871 = arith.cmpf olt, %sub3A_870, %select_n3A_860 : vector<8x4096xf32>
    %select_n3A_872 = arith.select %lt3A_871, %sub3A_870, %select_n3A_860 : vector<8x4096xi1>, vector<8x4096xf32>
    %jit3A_873 = arith.constant 71 : i32
    %broadcast_in_dim3A_874 = vector.broadcast %jit3A_873 : i32 to vector<8x4096xi32>
    %select_n3A_875 = arith.select %lt3A_871, %broadcast_in_dim3A_874, %select_n3A_863 : vector<8x4096xi1>, vector<8x4096xi32>
    %slice3A_876 = vector.extract_strided_slice %dot_general3A_9 {offsets = [576, 0], sizes = [8, 4096], strides = [1, 1]} : vector<2048x4096xf32> to vector<8x4096xf32>
    %get3A_877 = arith.constant 576 : index
    %get3A_878 = arith.constant 0 : index
    %get3A_879 = vector.load %arg5[%get3A_877, %get3A_878] : memref<2048x1xf32, #tpu.memory_space<vmem>>, vector<8x1xf32>
    %add3A_880 = vector.broadcast %get3A_879 : vector<8x1xf32> to vector<8x4096xf32>
    %add3A_881 = arith.addf %broadcast_in_dim3A_13, %add3A_880 : vector<8x4096xf32>
    %sub3A_882 = arith.subf %add3A_881, %slice3A_876 : vector<8x4096xf32>
    %lt3A_883 = arith.cmpf olt, %sub3A_882, %select_n3A_872 : vector<8x4096xf32>
    %select_n3A_884 = arith.select %lt3A_883, %sub3A_882, %select_n3A_872 : vector<8x4096xi1>, vector<8x4096xf32>
    %jit3A_885 = arith.constant 72 : i32
    %broadcast_in_dim3A_886 = vector.broadcast %jit3A_885 : i32 to vector<8x4096xi32>
    %select_n3A_887 = arith.select %lt3A_883, %broadcast_in_dim3A_886, %select_n3A_875 : vector<8x4096xi1>, vector<8x4096xi32>
    %slice3A_888 = vector.extract_strided_slice %dot_general3A_9 {offsets = [584, 0], sizes = [8, 4096], strides = [1, 1]} : vector<2048x4096xf32> to vector<8x4096xf32>
    %get3A_889 = arith.constant 584 : index
    %get3A_890 = arith.constant 0 : index
    %get3A_891 = vector.load %arg5[%get3A_889, %get3A_890] : memref<2048x1xf32, #tpu.memory_space<vmem>>, vector<8x1xf32>
    %add3A_892 = vector.broadcast %get3A_891 : vector<8x1xf32> to vector<8x4096xf32>
    %add3A_893 = arith.addf %broadcast_in_dim3A_13, %add3A_892 : vector<8x4096xf32>
    %sub3A_894 = arith.subf %add3A_893, %slice3A_888 : vector<8x4096xf32>
    %lt3A_895 = arith.cmpf olt, %sub3A_894, %select_n3A_884 : vector<8x4096xf32>
    %select_n3A_896 = arith.select %lt3A_895, %sub3A_894, %select_n3A_884 : vector<8x4096xi1>, vector<8x4096xf32>
    %jit3A_897 = arith.constant 73 : i32
    %broadcast_in_dim3A_898 = vector.broadcast %jit3A_897 : i32 to vector<8x4096xi32>
    %select_n3A_899 = arith.select %lt3A_895, %broadcast_in_dim3A_898, %select_n3A_887 : vector<8x4096xi1>, vector<8x4096xi32>
    %slice3A_900 = vector.extract_strided_slice %dot_general3A_9 {offsets = [592, 0], sizes = [8, 4096], strides = [1, 1]} : vector<2048x4096xf32> to vector<8x4096xf32>
    %get3A_901 = arith.constant 592 : index
    %get3A_902 = arith.constant 0 : index
    %get3A_903 = vector.load %arg5[%get3A_901, %get3A_902] : memref<2048x1xf32, #tpu.memory_space<vmem>>, vector<8x1xf32>
    %add3A_904 = vector.broadcast %get3A_903 : vector<8x1xf32> to vector<8x4096xf32>
    %add3A_905 = arith.addf %broadcast_in_dim3A_13, %add3A_904 : vector<8x4096xf32>
    %sub3A_906 = arith.subf %add3A_905, %slice3A_900 : vector<8x4096xf32>
    %lt3A_907 = arith.cmpf olt, %sub3A_906, %select_n3A_896 : vector<8x4096xf32>
    %select_n3A_908 = arith.select %lt3A_907, %sub3A_906, %select_n3A_896 : vector<8x4096xi1>, vector<8x4096xf32>
    %jit3A_909 = arith.constant 74 : i32
    %broadcast_in_dim3A_910 = vector.broadcast %jit3A_909 : i32 to vector<8x4096xi32>
    %select_n3A_911 = arith.select %lt3A_907, %broadcast_in_dim3A_910, %select_n3A_899 : vector<8x4096xi1>, vector<8x4096xi32>
    %slice3A_912 = vector.extract_strided_slice %dot_general3A_9 {offsets = [600, 0], sizes = [8, 4096], strides = [1, 1]} : vector<2048x4096xf32> to vector<8x4096xf32>
    %get3A_913 = arith.constant 600 : index
    %get3A_914 = arith.constant 0 : index
    %get3A_915 = vector.load %arg5[%get3A_913, %get3A_914] : memref<2048x1xf32, #tpu.memory_space<vmem>>, vector<8x1xf32>
    %add3A_916 = vector.broadcast %get3A_915 : vector<8x1xf32> to vector<8x4096xf32>
    %add3A_917 = arith.addf %broadcast_in_dim3A_13, %add3A_916 : vector<8x4096xf32>
    %sub3A_918 = arith.subf %add3A_917, %slice3A_912 : vector<8x4096xf32>
    %lt3A_919 = arith.cmpf olt, %sub3A_918, %select_n3A_908 : vector<8x4096xf32>
    %select_n3A_920 = arith.select %lt3A_919, %sub3A_918, %select_n3A_908 : vector<8x4096xi1>, vector<8x4096xf32>
    %jit3A_921 = arith.constant 75 : i32
    %broadcast_in_dim3A_922 = vector.broadcast %jit3A_921 : i32 to vector<8x4096xi32>
    %select_n3A_923 = arith.select %lt3A_919, %broadcast_in_dim3A_922, %select_n3A_911 : vector<8x4096xi1>, vector<8x4096xi32>
    %slice3A_924 = vector.extract_strided_slice %dot_general3A_9 {offsets = [608, 0], sizes = [8, 4096], strides = [1, 1]} : vector<2048x4096xf32> to vector<8x4096xf32>
    %get3A_925 = arith.constant 608 : index
    %get3A_926 = arith.constant 0 : index
    %get3A_927 = vector.load %arg5[%get3A_925, %get3A_926] : memref<2048x1xf32, #tpu.memory_space<vmem>>, vector<8x1xf32>
    %add3A_928 = vector.broadcast %get3A_927 : vector<8x1xf32> to vector<8x4096xf32>
    %add3A_929 = arith.addf %broadcast_in_dim3A_13, %add3A_928 : vector<8x4096xf32>
    %sub3A_930 = arith.subf %add3A_929, %slice3A_924 : vector<8x4096xf32>
    %lt3A_931 = arith.cmpf olt, %sub3A_930, %select_n3A_920 : vector<8x4096xf32>
    %select_n3A_932 = arith.select %lt3A_931, %sub3A_930, %select_n3A_920 : vector<8x4096xi1>, vector<8x4096xf32>
    %jit3A_933 = arith.constant 76 : i32
    %broadcast_in_dim3A_934 = vector.broadcast %jit3A_933 : i32 to vector<8x4096xi32>
    %select_n3A_935 = arith.select %lt3A_931, %broadcast_in_dim3A_934, %select_n3A_923 : vector<8x4096xi1>, vector<8x4096xi32>
    %slice3A_936 = vector.extract_strided_slice %dot_general3A_9 {offsets = [616, 0], sizes = [8, 4096], strides = [1, 1]} : vector<2048x4096xf32> to vector<8x4096xf32>
    %get3A_937 = arith.constant 616 : index
    %get3A_938 = arith.constant 0 : index
    %get3A_939 = vector.load %arg5[%get3A_937, %get3A_938] : memref<2048x1xf32, #tpu.memory_space<vmem>>, vector<8x1xf32>
    %add3A_940 = vector.broadcast %get3A_939 : vector<8x1xf32> to vector<8x4096xf32>
    %add3A_941 = arith.addf %broadcast_in_dim3A_13, %add3A_940 : vector<8x4096xf32>
    %sub3A_942 = arith.subf %add3A_941, %slice3A_936 : vector<8x4096xf32>
    %lt3A_943 = arith.cmpf olt, %sub3A_942, %select_n3A_932 : vector<8x4096xf32>
    %select_n3A_944 = arith.select %lt3A_943, %sub3A_942, %select_n3A_932 : vector<8x4096xi1>, vector<8x4096xf32>
    %jit3A_945 = arith.constant 77 : i32
    %broadcast_in_dim3A_946 = vector.broadcast %jit3A_945 : i32 to vector<8x4096xi32>
    %select_n3A_947 = arith.select %lt3A_943, %broadcast_in_dim3A_946, %select_n3A_935 : vector<8x4096xi1>, vector<8x4096xi32>
    %slice3A_948 = vector.extract_strided_slice %dot_general3A_9 {offsets = [624, 0], sizes = [8, 4096], strides = [1, 1]} : vector<2048x4096xf32> to vector<8x4096xf32>
    %get3A_949 = arith.constant 624 : index
    %get3A_950 = arith.constant 0 : index
    %get3A_951 = vector.load %arg5[%get3A_949, %get3A_950] : memref<2048x1xf32, #tpu.memory_space<vmem>>, vector<8x1xf32>
    %add3A_952 = vector.broadcast %get3A_951 : vector<8x1xf32> to vector<8x4096xf32>
    %add3A_953 = arith.addf %broadcast_in_dim3A_13, %add3A_952 : vector<8x4096xf32>
    %sub3A_954 = arith.subf %add3A_953, %slice3A_948 : vector<8x4096xf32>
    %lt3A_955 = arith.cmpf olt, %sub3A_954, %select_n3A_944 : vector<8x4096xf32>
    %select_n3A_956 = arith.select %lt3A_955, %sub3A_954, %select_n3A_944 : vector<8x4096xi1>, vector<8x4096xf32>
    %jit3A_957 = arith.constant 78 : i32
    %broadcast_in_dim3A_958 = vector.broadcast %jit3A_957 : i32 to vector<8x4096xi32>
    %select_n3A_959 = arith.select %lt3A_955, %broadcast_in_dim3A_958, %select_n3A_947 : vector<8x4096xi1>, vector<8x4096xi32>
    %slice3A_960 = vector.extract_strided_slice %dot_general3A_9 {offsets = [632, 0], sizes = [8, 4096], strides = [1, 1]} : vector<2048x4096xf32> to vector<8x4096xf32>
    %get3A_961 = arith.constant 632 : index
    %get3A_962 = arith.constant 0 : index
    %get3A_963 = vector.load %arg5[%get3A_961, %get3A_962] : memref<2048x1xf32, #tpu.memory_space<vmem>>, vector<8x1xf32>
    %add3A_964 = vector.broadcast %get3A_963 : vector<8x1xf32> to vector<8x4096xf32>
    %add3A_965 = arith.addf %broadcast_in_dim3A_13, %add3A_964 : vector<8x4096xf32>
    %sub3A_966 = arith.subf %add3A_965, %slice3A_960 : vector<8x4096xf32>
    %lt3A_967 = arith.cmpf olt, %sub3A_966, %select_n3A_956 : vector<8x4096xf32>
    %select_n3A_968 = arith.select %lt3A_967, %sub3A_966, %select_n3A_956 : vector<8x4096xi1>, vector<8x4096xf32>
    %jit3A_969 = arith.constant 79 : i32
    %broadcast_in_dim3A_970 = vector.broadcast %jit3A_969 : i32 to vector<8x4096xi32>
    %select_n3A_971 = arith.select %lt3A_967, %broadcast_in_dim3A_970, %select_n3A_959 : vector<8x4096xi1>, vector<8x4096xi32>
    %slice3A_972 = vector.extract_strided_slice %dot_general3A_9 {offsets = [640, 0], sizes = [8, 4096], strides = [1, 1]} : vector<2048x4096xf32> to vector<8x4096xf32>
    %get3A_973 = arith.constant 640 : index
    %get3A_974 = arith.constant 0 : index
    %get3A_975 = vector.load %arg5[%get3A_973, %get3A_974] : memref<2048x1xf32, #tpu.memory_space<vmem>>, vector<8x1xf32>
    %add3A_976 = vector.broadcast %get3A_975 : vector<8x1xf32> to vector<8x4096xf32>
    %add3A_977 = arith.addf %broadcast_in_dim3A_13, %add3A_976 : vector<8x4096xf32>
    %sub3A_978 = arith.subf %add3A_977, %slice3A_972 : vector<8x4096xf32>
    %lt3A_979 = arith.cmpf olt, %sub3A_978, %select_n3A_968 : vector<8x4096xf32>
    %select_n3A_980 = arith.select %lt3A_979, %sub3A_978, %select_n3A_968 : vector<8x4096xi1>, vector<8x4096xf32>
    %jit3A_981 = arith.constant 80 : i32
    %broadcast_in_dim3A_982 = vector.broadcast %jit3A_981 : i32 to vector<8x4096xi32>
    %select_n3A_983 = arith.select %lt3A_979, %broadcast_in_dim3A_982, %select_n3A_971 : vector<8x4096xi1>, vector<8x4096xi32>
    %slice3A_984 = vector.extract_strided_slice %dot_general3A_9 {offsets = [648, 0], sizes = [8, 4096], strides = [1, 1]} : vector<2048x4096xf32> to vector<8x4096xf32>
    %get3A_985 = arith.constant 648 : index
    %get3A_986 = arith.constant 0 : index
    %get3A_987 = vector.load %arg5[%get3A_985, %get3A_986] : memref<2048x1xf32, #tpu.memory_space<vmem>>, vector<8x1xf32>
    %add3A_988 = vector.broadcast %get3A_987 : vector<8x1xf32> to vector<8x4096xf32>
    %add3A_989 = arith.addf %broadcast_in_dim3A_13, %add3A_988 : vector<8x4096xf32>
    %sub3A_990 = arith.subf %add3A_989, %slice3A_984 : vector<8x4096xf32>
    %lt3A_991 = arith.cmpf olt, %sub3A_990, %select_n3A_980 : vector<8x4096xf32>
    %select_n3A_992 = arith.select %lt3A_991, %sub3A_990, %select_n3A_980 : vector<8x4096xi1>, vector<8x4096xf32>
    %jit3A_993 = arith.constant 81 : i32
    %broadcast_in_dim3A_994 = vector.broadcast %jit3A_993 : i32 to vector<8x4096xi32>
    %select_n3A_995 = arith.select %lt3A_991, %broadcast_in_dim3A_994, %select_n3A_983 : vector<8x4096xi1>, vector<8x4096xi32>
    %slice3A_996 = vector.extract_strided_slice %dot_general3A_9 {offsets = [656, 0], sizes = [8, 4096], strides = [1, 1]} : vector<2048x4096xf32> to vector<8x4096xf32>
    %get3A_997 = arith.constant 656 : index
    %get3A_998 = arith.constant 0 : index
    %get3A_999 = vector.load %arg5[%get3A_997, %get3A_998] : memref<2048x1xf32, #tpu.memory_space<vmem>>, vector<8x1xf32>
    %add3A_1000 = vector.broadcast %get3A_999 : vector<8x1xf32> to vector<8x4096xf32>
    %add3A_1001 = arith.addf %broadcast_in_dim3A_13, %add3A_1000 : vector<8x4096xf32>
    %sub3A_1002 = arith.subf %add3A_1001, %slice3A_996 : vector<8x4096xf32>
    %lt3A_1003 = arith.cmpf olt, %sub3A_1002, %select_n3A_992 : vector<8x4096xf32>
    %select_n3A_1004 = arith.select %lt3A_1003, %sub3A_1002, %select_n3A_992 : vector<8x4096xi1>, vector<8x4096xf32>
    %jit3A_1005 = arith.constant 82 : i32
    %broadcast_in_dim3A_1006 = vector.broadcast %jit3A_1005 : i32 to vector<8x4096xi32>
    %select_n3A_1007 = arith.select %lt3A_1003, %broadcast_in_dim3A_1006, %select_n3A_995 : vector<8x4096xi1>, vector<8x4096xi32>
    %slice3A_1008 = vector.extract_strided_slice %dot_general3A_9 {offsets = [664, 0], sizes = [8, 4096], strides = [1, 1]} : vector<2048x4096xf32> to vector<8x4096xf32>
    %get3A_1009 = arith.constant 664 : index
    %get3A_1010 = arith.constant 0 : index
    %get3A_1011 = vector.load %arg5[%get3A_1009, %get3A_1010] : memref<2048x1xf32, #tpu.memory_space<vmem>>, vector<8x1xf32>
    %add3A_1012 = vector.broadcast %get3A_1011 : vector<8x1xf32> to vector<8x4096xf32>
    %add3A_1013 = arith.addf %broadcast_in_dim3A_13, %add3A_1012 : vector<8x4096xf32>
    %sub3A_1014 = arith.subf %add3A_1013, %slice3A_1008 : vector<8x4096xf32>
    %lt3A_1015 = arith.cmpf olt, %sub3A_1014, %select_n3A_1004 : vector<8x4096xf32>
    %select_n3A_1016 = arith.select %lt3A_1015, %sub3A_1014, %select_n3A_1004 : vector<8x4096xi1>, vector<8x4096xf32>
    %jit3A_1017 = arith.constant 83 : i32
    %broadcast_in_dim3A_1018 = vector.broadcast %jit3A_1017 : i32 to vector<8x4096xi32>
    %select_n3A_1019 = arith.select %lt3A_1015, %broadcast_in_dim3A_1018, %select_n3A_1007 : vector<8x4096xi1>, vector<8x4096xi32>
    %slice3A_1020 = vector.extract_strided_slice %dot_general3A_9 {offsets = [672, 0], sizes = [8, 4096], strides = [1, 1]} : vector<2048x4096xf32> to vector<8x4096xf32>
    %get3A_1021 = arith.constant 672 : index
    %get3A_1022 = arith.constant 0 : index
    %get3A_1023 = vector.load %arg5[%get3A_1021, %get3A_1022] : memref<2048x1xf32, #tpu.memory_space<vmem>>, vector<8x1xf32>
    %add3A_1024 = vector.broadcast %get3A_1023 : vector<8x1xf32> to vector<8x4096xf32>
    %add3A_1025 = arith.addf %broadcast_in_dim3A_13, %add3A_1024 : vector<8x4096xf32>
    %sub3A_1026 = arith.subf %add3A_1025, %slice3A_1020 : vector<8x4096xf32>
    %lt3A_1027 = arith.cmpf olt, %sub3A_1026, %select_n3A_1016 : vector<8x4096xf32>
    %select_n3A_1028 = arith.select %lt3A_1027, %sub3A_1026, %select_n3A_1016 : vector<8x4096xi1>, vector<8x4096xf32>
    %jit3A_1029 = arith.constant 84 : i32
    %broadcast_in_dim3A_1030 = vector.broadcast %jit3A_1029 : i32 to vector<8x4096xi32>
    %select_n3A_1031 = arith.select %lt3A_1027, %broadcast_in_dim3A_1030, %select_n3A_1019 : vector<8x4096xi1>, vector<8x4096xi32>
    %slice3A_1032 = vector.extract_strided_slice %dot_general3A_9 {offsets = [680, 0], sizes = [8, 4096], strides = [1, 1]} : vector<2048x4096xf32> to vector<8x4096xf32>
    %get3A_1033 = arith.constant 680 : index
    %get3A_1034 = arith.constant 0 : index
    %get3A_1035 = vector.load %arg5[%get3A_1033, %get3A_1034] : memref<2048x1xf32, #tpu.memory_space<vmem>>, vector<8x1xf32>
    %add3A_1036 = vector.broadcast %get3A_1035 : vector<8x1xf32> to vector<8x4096xf32>
    %add3A_1037 = arith.addf %broadcast_in_dim3A_13, %add3A_1036 : vector<8x4096xf32>
    %sub3A_1038 = arith.subf %add3A_1037, %slice3A_1032 : vector<8x4096xf32>
    %lt3A_1039 = arith.cmpf olt, %sub3A_1038, %select_n3A_1028 : vector<8x4096xf32>
    %select_n3A_1040 = arith.select %lt3A_1039, %sub3A_1038, %select_n3A_1028 : vector<8x4096xi1>, vector<8x4096xf32>
    %jit3A_1041 = arith.constant 85 : i32
    %broadcast_in_dim3A_1042 = vector.broadcast %jit3A_1041 : i32 to vector<8x4096xi32>
    %select_n3A_1043 = arith.select %lt3A_1039, %broadcast_in_dim3A_1042, %select_n3A_1031 : vector<8x4096xi1>, vector<8x4096xi32>
    %slice3A_1044 = vector.extract_strided_slice %dot_general3A_9 {offsets = [688, 0], sizes = [8, 4096], strides = [1, 1]} : vector<2048x4096xf32> to vector<8x4096xf32>
    %get3A_1045 = arith.constant 688 : index
    %get3A_1046 = arith.constant 0 : index
    %get3A_1047 = vector.load %arg5[%get3A_1045, %get3A_1046] : memref<2048x1xf32, #tpu.memory_space<vmem>>, vector<8x1xf32>
    %add3A_1048 = vector.broadcast %get3A_1047 : vector<8x1xf32> to vector<8x4096xf32>
    %add3A_1049 = arith.addf %broadcast_in_dim3A_13, %add3A_1048 : vector<8x4096xf32>
    %sub3A_1050 = arith.subf %add3A_1049, %slice3A_1044 : vector<8x4096xf32>
    %lt3A_1051 = arith.cmpf olt, %sub3A_1050, %select_n3A_1040 : vector<8x4096xf32>
    %select_n3A_1052 = arith.select %lt3A_1051, %sub3A_1050, %select_n3A_1040 : vector<8x4096xi1>, vector<8x4096xf32>
    %jit3A_1053 = arith.constant 86 : i32
    %broadcast_in_dim3A_1054 = vector.broadcast %jit3A_1053 : i32 to vector<8x4096xi32>
    %select_n3A_1055 = arith.select %lt3A_1051, %broadcast_in_dim3A_1054, %select_n3A_1043 : vector<8x4096xi1>, vector<8x4096xi32>
    %slice3A_1056 = vector.extract_strided_slice %dot_general3A_9 {offsets = [696, 0], sizes = [8, 4096], strides = [1, 1]} : vector<2048x4096xf32> to vector<8x4096xf32>
    %get3A_1057 = arith.constant 696 : index
    %get3A_1058 = arith.constant 0 : index
    %get3A_1059 = vector.load %arg5[%get3A_1057, %get3A_1058] : memref<2048x1xf32, #tpu.memory_space<vmem>>, vector<8x1xf32>
    %add3A_1060 = vector.broadcast %get3A_1059 : vector<8x1xf32> to vector<8x4096xf32>
    %add3A_1061 = arith.addf %broadcast_in_dim3A_13, %add3A_1060 : vector<8x4096xf32>
    %sub3A_1062 = arith.subf %add3A_1061, %slice3A_1056 : vector<8x4096xf32>
    %lt3A_1063 = arith.cmpf olt, %sub3A_1062, %select_n3A_1052 : vector<8x4096xf32>
    %select_n3A_1064 = arith.select %lt3A_1063, %sub3A_1062, %select_n3A_1052 : vector<8x4096xi1>, vector<8x4096xf32>
    %jit3A_1065 = arith.constant 87 : i32
    %broadcast_in_dim3A_1066 = vector.broadcast %jit3A_1065 : i32 to vector<8x4096xi32>
    %select_n3A_1067 = arith.select %lt3A_1063, %broadcast_in_dim3A_1066, %select_n3A_1055 : vector<8x4096xi1>, vector<8x4096xi32>
    %slice3A_1068 = vector.extract_strided_slice %dot_general3A_9 {offsets = [704, 0], sizes = [8, 4096], strides = [1, 1]} : vector<2048x4096xf32> to vector<8x4096xf32>
    %get3A_1069 = arith.constant 704 : index
    %get3A_1070 = arith.constant 0 : index
    %get3A_1071 = vector.load %arg5[%get3A_1069, %get3A_1070] : memref<2048x1xf32, #tpu.memory_space<vmem>>, vector<8x1xf32>
    %add3A_1072 = vector.broadcast %get3A_1071 : vector<8x1xf32> to vector<8x4096xf32>
    %add3A_1073 = arith.addf %broadcast_in_dim3A_13, %add3A_1072 : vector<8x4096xf32>
    %sub3A_1074 = arith.subf %add3A_1073, %slice3A_1068 : vector<8x4096xf32>
    %lt3A_1075 = arith.cmpf olt, %sub3A_1074, %select_n3A_1064 : vector<8x4096xf32>
    %select_n3A_1076 = arith.select %lt3A_1075, %sub3A_1074, %select_n3A_1064 : vector<8x4096xi1>, vector<8x4096xf32>
    %jit3A_1077 = arith.constant 88 : i32
    %broadcast_in_dim3A_1078 = vector.broadcast %jit3A_1077 : i32 to vector<8x4096xi32>
    %select_n3A_1079 = arith.select %lt3A_1075, %broadcast_in_dim3A_1078, %select_n3A_1067 : vector<8x4096xi1>, vector<8x4096xi32>
    %slice3A_1080 = vector.extract_strided_slice %dot_general3A_9 {offsets = [712, 0], sizes = [8, 4096], strides = [1, 1]} : vector<2048x4096xf32> to vector<8x4096xf32>
    %get3A_1081 = arith.constant 712 : index
    %get3A_1082 = arith.constant 0 : index
    %get3A_1083 = vector.load %arg5[%get3A_1081, %get3A_1082] : memref<2048x1xf32, #tpu.memory_space<vmem>>, vector<8x1xf32>
    %add3A_1084 = vector.broadcast %get3A_1083 : vector<8x1xf32> to vector<8x4096xf32>
    %add3A_1085 = arith.addf %broadcast_in_dim3A_13, %add3A_1084 : vector<8x4096xf32>
    %sub3A_1086 = arith.subf %add3A_1085, %slice3A_1080 : vector<8x4096xf32>
    %lt3A_1087 = arith.cmpf olt, %sub3A_1086, %select_n3A_1076 : vector<8x4096xf32>
    %select_n3A_1088 = arith.select %lt3A_1087, %sub3A_1086, %select_n3A_1076 : vector<8x4096xi1>, vector<8x4096xf32>
    %jit3A_1089 = arith.constant 89 : i32
    %broadcast_in_dim3A_1090 = vector.broadcast %jit3A_1089 : i32 to vector<8x4096xi32>
    %select_n3A_1091 = arith.select %lt3A_1087, %broadcast_in_dim3A_1090, %select_n3A_1079 : vector<8x4096xi1>, vector<8x4096xi32>
    %slice3A_1092 = vector.extract_strided_slice %dot_general3A_9 {offsets = [720, 0], sizes = [8, 4096], strides = [1, 1]} : vector<2048x4096xf32> to vector<8x4096xf32>
    %get3A_1093 = arith.constant 720 : index
    %get3A_1094 = arith.constant 0 : index
    %get3A_1095 = vector.load %arg5[%get3A_1093, %get3A_1094] : memref<2048x1xf32, #tpu.memory_space<vmem>>, vector<8x1xf32>
    %add3A_1096 = vector.broadcast %get3A_1095 : vector<8x1xf32> to vector<8x4096xf32>
    %add3A_1097 = arith.addf %broadcast_in_dim3A_13, %add3A_1096 : vector<8x4096xf32>
    %sub3A_1098 = arith.subf %add3A_1097, %slice3A_1092 : vector<8x4096xf32>
    %lt3A_1099 = arith.cmpf olt, %sub3A_1098, %select_n3A_1088 : vector<8x4096xf32>
    %select_n3A_1100 = arith.select %lt3A_1099, %sub3A_1098, %select_n3A_1088 : vector<8x4096xi1>, vector<8x4096xf32>
    %jit3A_1101 = arith.constant 90 : i32
    %broadcast_in_dim3A_1102 = vector.broadcast %jit3A_1101 : i32 to vector<8x4096xi32>
    %select_n3A_1103 = arith.select %lt3A_1099, %broadcast_in_dim3A_1102, %select_n3A_1091 : vector<8x4096xi1>, vector<8x4096xi32>
    %slice3A_1104 = vector.extract_strided_slice %dot_general3A_9 {offsets = [728, 0], sizes = [8, 4096], strides = [1, 1]} : vector<2048x4096xf32> to vector<8x4096xf32>
    %get3A_1105 = arith.constant 728 : index
    %get3A_1106 = arith.constant 0 : index
    %get3A_1107 = vector.load %arg5[%get3A_1105, %get3A_1106] : memref<2048x1xf32, #tpu.memory_space<vmem>>, vector<8x1xf32>
    %add3A_1108 = vector.broadcast %get3A_1107 : vector<8x1xf32> to vector<8x4096xf32>
    %add3A_1109 = arith.addf %broadcast_in_dim3A_13, %add3A_1108 : vector<8x4096xf32>
    %sub3A_1110 = arith.subf %add3A_1109, %slice3A_1104 : vector<8x4096xf32>
    %lt3A_1111 = arith.cmpf olt, %sub3A_1110, %select_n3A_1100 : vector<8x4096xf32>
    %select_n3A_1112 = arith.select %lt3A_1111, %sub3A_1110, %select_n3A_1100 : vector<8x4096xi1>, vector<8x4096xf32>
    %jit3A_1113 = arith.constant 91 : i32
    %broadcast_in_dim3A_1114 = vector.broadcast %jit3A_1113 : i32 to vector<8x4096xi32>
    %select_n3A_1115 = arith.select %lt3A_1111, %broadcast_in_dim3A_1114, %select_n3A_1103 : vector<8x4096xi1>, vector<8x4096xi32>
    %slice3A_1116 = vector.extract_strided_slice %dot_general3A_9 {offsets = [736, 0], sizes = [8, 4096], strides = [1, 1]} : vector<2048x4096xf32> to vector<8x4096xf32>
    %get3A_1117 = arith.constant 736 : index
    %get3A_1118 = arith.constant 0 : index
    %get3A_1119 = vector.load %arg5[%get3A_1117, %get3A_1118] : memref<2048x1xf32, #tpu.memory_space<vmem>>, vector<8x1xf32>
    %add3A_1120 = vector.broadcast %get3A_1119 : vector<8x1xf32> to vector<8x4096xf32>
    %add3A_1121 = arith.addf %broadcast_in_dim3A_13, %add3A_1120 : vector<8x4096xf32>
    %sub3A_1122 = arith.subf %add3A_1121, %slice3A_1116 : vector<8x4096xf32>
    %lt3A_1123 = arith.cmpf olt, %sub3A_1122, %select_n3A_1112 : vector<8x4096xf32>
    %select_n3A_1124 = arith.select %lt3A_1123, %sub3A_1122, %select_n3A_1112 : vector<8x4096xi1>, vector<8x4096xf32>
    %jit3A_1125 = arith.constant 92 : i32
    %broadcast_in_dim3A_1126 = vector.broadcast %jit3A_1125 : i32 to vector<8x4096xi32>
    %select_n3A_1127 = arith.select %lt3A_1123, %broadcast_in_dim3A_1126, %select_n3A_1115 : vector<8x4096xi1>, vector<8x4096xi32>
    %slice3A_1128 = vector.extract_strided_slice %dot_general3A_9 {offsets = [744, 0], sizes = [8, 4096], strides = [1, 1]} : vector<2048x4096xf32> to vector<8x4096xf32>
    %get3A_1129 = arith.constant 744 : index
    %get3A_1130 = arith.constant 0 : index
    %get3A_1131 = vector.load %arg5[%get3A_1129, %get3A_1130] : memref<2048x1xf32, #tpu.memory_space<vmem>>, vector<8x1xf32>
    %add3A_1132 = vector.broadcast %get3A_1131 : vector<8x1xf32> to vector<8x4096xf32>
    %add3A_1133 = arith.addf %broadcast_in_dim3A_13, %add3A_1132 : vector<8x4096xf32>
    %sub3A_1134 = arith.subf %add3A_1133, %slice3A_1128 : vector<8x4096xf32>
    %lt3A_1135 = arith.cmpf olt, %sub3A_1134, %select_n3A_1124 : vector<8x4096xf32>
    %select_n3A_1136 = arith.select %lt3A_1135, %sub3A_1134, %select_n3A_1124 : vector<8x4096xi1>, vector<8x4096xf32>
    %jit3A_1137 = arith.constant 93 : i32
    %broadcast_in_dim3A_1138 = vector.broadcast %jit3A_1137 : i32 to vector<8x4096xi32>
    %select_n3A_1139 = arith.select %lt3A_1135, %broadcast_in_dim3A_1138, %select_n3A_1127 : vector<8x4096xi1>, vector<8x4096xi32>
    %slice3A_1140 = vector.extract_strided_slice %dot_general3A_9 {offsets = [752, 0], sizes = [8, 4096], strides = [1, 1]} : vector<2048x4096xf32> to vector<8x4096xf32>
    %get3A_1141 = arith.constant 752 : index
    %get3A_1142 = arith.constant 0 : index
    %get3A_1143 = vector.load %arg5[%get3A_1141, %get3A_1142] : memref<2048x1xf32, #tpu.memory_space<vmem>>, vector<8x1xf32>
    %add3A_1144 = vector.broadcast %get3A_1143 : vector<8x1xf32> to vector<8x4096xf32>
    %add3A_1145 = arith.addf %broadcast_in_dim3A_13, %add3A_1144 : vector<8x4096xf32>
    %sub3A_1146 = arith.subf %add3A_1145, %slice3A_1140 : vector<8x4096xf32>
    %lt3A_1147 = arith.cmpf olt, %sub3A_1146, %select_n3A_1136 : vector<8x4096xf32>
    %select_n3A_1148 = arith.select %lt3A_1147, %sub3A_1146, %select_n3A_1136 : vector<8x4096xi1>, vector<8x4096xf32>
    %jit3A_1149 = arith.constant 94 : i32
    %broadcast_in_dim3A_1150 = vector.broadcast %jit3A_1149 : i32 to vector<8x4096xi32>
    %select_n3A_1151 = arith.select %lt3A_1147, %broadcast_in_dim3A_1150, %select_n3A_1139 : vector<8x4096xi1>, vector<8x4096xi32>
    %slice3A_1152 = vector.extract_strided_slice %dot_general3A_9 {offsets = [760, 0], sizes = [8, 4096], strides = [1, 1]} : vector<2048x4096xf32> to vector<8x4096xf32>
    %get3A_1153 = arith.constant 760 : index
    %get3A_1154 = arith.constant 0 : index
    %get3A_1155 = vector.load %arg5[%get3A_1153, %get3A_1154] : memref<2048x1xf32, #tpu.memory_space<vmem>>, vector<8x1xf32>
    %add3A_1156 = vector.broadcast %get3A_1155 : vector<8x1xf32> to vector<8x4096xf32>
    %add3A_1157 = arith.addf %broadcast_in_dim3A_13, %add3A_1156 : vector<8x4096xf32>
    %sub3A_1158 = arith.subf %add3A_1157, %slice3A_1152 : vector<8x4096xf32>
    %lt3A_1159 = arith.cmpf olt, %sub3A_1158, %select_n3A_1148 : vector<8x4096xf32>
    %select_n3A_1160 = arith.select %lt3A_1159, %sub3A_1158, %select_n3A_1148 : vector<8x4096xi1>, vector<8x4096xf32>
    %jit3A_1161 = arith.constant 95 : i32
    %broadcast_in_dim3A_1162 = vector.broadcast %jit3A_1161 : i32 to vector<8x4096xi32>
    %select_n3A_1163 = arith.select %lt3A_1159, %broadcast_in_dim3A_1162, %select_n3A_1151 : vector<8x4096xi1>, vector<8x4096xi32>
    %slice3A_1164 = vector.extract_strided_slice %dot_general3A_9 {offsets = [768, 0], sizes = [8, 4096], strides = [1, 1]} : vector<2048x4096xf32> to vector<8x4096xf32>
    %get3A_1165 = arith.constant 768 : index
    %get3A_1166 = arith.constant 0 : index
    %get3A_1167 = vector.load %arg5[%get3A_1165, %get3A_1166] : memref<2048x1xf32, #tpu.memory_space<vmem>>, vector<8x1xf32>
    %add3A_1168 = vector.broadcast %get3A_1167 : vector<8x1xf32> to vector<8x4096xf32>
    %add3A_1169 = arith.addf %broadcast_in_dim3A_13, %add3A_1168 : vector<8x4096xf32>
    %sub3A_1170 = arith.subf %add3A_1169, %slice3A_1164 : vector<8x4096xf32>
    %lt3A_1171 = arith.cmpf olt, %sub3A_1170, %select_n3A_1160 : vector<8x4096xf32>
    %select_n3A_1172 = arith.select %lt3A_1171, %sub3A_1170, %select_n3A_1160 : vector<8x4096xi1>, vector<8x4096xf32>
    %jit3A_1173 = arith.constant 96 : i32
    %broadcast_in_dim3A_1174 = vector.broadcast %jit3A_1173 : i32 to vector<8x4096xi32>
    %select_n3A_1175 = arith.select %lt3A_1171, %broadcast_in_dim3A_1174, %select_n3A_1163 : vector<8x4096xi1>, vector<8x4096xi32>
    %slice3A_1176 = vector.extract_strided_slice %dot_general3A_9 {offsets = [776, 0], sizes = [8, 4096], strides = [1, 1]} : vector<2048x4096xf32> to vector<8x4096xf32>
    %get3A_1177 = arith.constant 776 : index
    %get3A_1178 = arith.constant 0 : index
    %get3A_1179 = vector.load %arg5[%get3A_1177, %get3A_1178] : memref<2048x1xf32, #tpu.memory_space<vmem>>, vector<8x1xf32>
    %add3A_1180 = vector.broadcast %get3A_1179 : vector<8x1xf32> to vector<8x4096xf32>
    %add3A_1181 = arith.addf %broadcast_in_dim3A_13, %add3A_1180 : vector<8x4096xf32>
    %sub3A_1182 = arith.subf %add3A_1181, %slice3A_1176 : vector<8x4096xf32>
    %lt3A_1183 = arith.cmpf olt, %sub3A_1182, %select_n3A_1172 : vector<8x4096xf32>
    %select_n3A_1184 = arith.select %lt3A_1183, %sub3A_1182, %select_n3A_1172 : vector<8x4096xi1>, vector<8x4096xf32>
    %jit3A_1185 = arith.constant 97 : i32
    %broadcast_in_dim3A_1186 = vector.broadcast %jit3A_1185 : i32 to vector<8x4096xi32>
    %select_n3A_1187 = arith.select %lt3A_1183, %broadcast_in_dim3A_1186, %select_n3A_1175 : vector<8x4096xi1>, vector<8x4096xi32>
    %slice3A_1188 = vector.extract_strided_slice %dot_general3A_9 {offsets = [784, 0], sizes = [8, 4096], strides = [1, 1]} : vector<2048x4096xf32> to vector<8x4096xf32>
    %get3A_1189 = arith.constant 784 : index
    %get3A_1190 = arith.constant 0 : index
    %get3A_1191 = vector.load %arg5[%get3A_1189, %get3A_1190] : memref<2048x1xf32, #tpu.memory_space<vmem>>, vector<8x1xf32>
    %add3A_1192 = vector.broadcast %get3A_1191 : vector<8x1xf32> to vector<8x4096xf32>
    %add3A_1193 = arith.addf %broadcast_in_dim3A_13, %add3A_1192 : vector<8x4096xf32>
    %sub3A_1194 = arith.subf %add3A_1193, %slice3A_1188 : vector<8x4096xf32>
    %lt3A_1195 = arith.cmpf olt, %sub3A_1194, %select_n3A_1184 : vector<8x4096xf32>
    %select_n3A_1196 = arith.select %lt3A_1195, %sub3A_1194, %select_n3A_1184 : vector<8x4096xi1>, vector<8x4096xf32>
    %jit3A_1197 = arith.constant 98 : i32
    %broadcast_in_dim3A_1198 = vector.broadcast %jit3A_1197 : i32 to vector<8x4096xi32>
    %select_n3A_1199 = arith.select %lt3A_1195, %broadcast_in_dim3A_1198, %select_n3A_1187 : vector<8x4096xi1>, vector<8x4096xi32>
    %slice3A_1200 = vector.extract_strided_slice %dot_general3A_9 {offsets = [792, 0], sizes = [8, 4096], strides = [1, 1]} : vector<2048x4096xf32> to vector<8x4096xf32>
    %get3A_1201 = arith.constant 792 : index
    %get3A_1202 = arith.constant 0 : index
    %get3A_1203 = vector.load %arg5[%get3A_1201, %get3A_1202] : memref<2048x1xf32, #tpu.memory_space<vmem>>, vector<8x1xf32>
    %add3A_1204 = vector.broadcast %get3A_1203 : vector<8x1xf32> to vector<8x4096xf32>
    %add3A_1205 = arith.addf %broadcast_in_dim3A_13, %add3A_1204 : vector<8x4096xf32>
    %sub3A_1206 = arith.subf %add3A_1205, %slice3A_1200 : vector<8x4096xf32>
    %lt3A_1207 = arith.cmpf olt, %sub3A_1206, %select_n3A_1196 : vector<8x4096xf32>
    %select_n3A_1208 = arith.select %lt3A_1207, %sub3A_1206, %select_n3A_1196 : vector<8x4096xi1>, vector<8x4096xf32>
    %jit3A_1209 = arith.constant 99 : i32
    %broadcast_in_dim3A_1210 = vector.broadcast %jit3A_1209 : i32 to vector<8x4096xi32>
    %select_n3A_1211 = arith.select %lt3A_1207, %broadcast_in_dim3A_1210, %select_n3A_1199 : vector<8x4096xi1>, vector<8x4096xi32>
    %slice3A_1212 = vector.extract_strided_slice %dot_general3A_9 {offsets = [800, 0], sizes = [8, 4096], strides = [1, 1]} : vector<2048x4096xf32> to vector<8x4096xf32>
    %get3A_1213 = arith.constant 800 : index
    %get3A_1214 = arith.constant 0 : index
    %get3A_1215 = vector.load %arg5[%get3A_1213, %get3A_1214] : memref<2048x1xf32, #tpu.memory_space<vmem>>, vector<8x1xf32>
    %add3A_1216 = vector.broadcast %get3A_1215 : vector<8x1xf32> to vector<8x4096xf32>
    %add3A_1217 = arith.addf %broadcast_in_dim3A_13, %add3A_1216 : vector<8x4096xf32>
    %sub3A_1218 = arith.subf %add3A_1217, %slice3A_1212 : vector<8x4096xf32>
    %lt3A_1219 = arith.cmpf olt, %sub3A_1218, %select_n3A_1208 : vector<8x4096xf32>
    %select_n3A_1220 = arith.select %lt3A_1219, %sub3A_1218, %select_n3A_1208 : vector<8x4096xi1>, vector<8x4096xf32>
    %jit3A_1221 = arith.constant 100 : i32
    %broadcast_in_dim3A_1222 = vector.broadcast %jit3A_1221 : i32 to vector<8x4096xi32>
    %select_n3A_1223 = arith.select %lt3A_1219, %broadcast_in_dim3A_1222, %select_n3A_1211 : vector<8x4096xi1>, vector<8x4096xi32>
    %slice3A_1224 = vector.extract_strided_slice %dot_general3A_9 {offsets = [808, 0], sizes = [8, 4096], strides = [1, 1]} : vector<2048x4096xf32> to vector<8x4096xf32>
    %get3A_1225 = arith.constant 808 : index
    %get3A_1226 = arith.constant 0 : index
    %get3A_1227 = vector.load %arg5[%get3A_1225, %get3A_1226] : memref<2048x1xf32, #tpu.memory_space<vmem>>, vector<8x1xf32>
    %add3A_1228 = vector.broadcast %get3A_1227 : vector<8x1xf32> to vector<8x4096xf32>
    %add3A_1229 = arith.addf %broadcast_in_dim3A_13, %add3A_1228 : vector<8x4096xf32>
    %sub3A_1230 = arith.subf %add3A_1229, %slice3A_1224 : vector<8x4096xf32>
    %lt3A_1231 = arith.cmpf olt, %sub3A_1230, %select_n3A_1220 : vector<8x4096xf32>
    %select_n3A_1232 = arith.select %lt3A_1231, %sub3A_1230, %select_n3A_1220 : vector<8x4096xi1>, vector<8x4096xf32>
    %jit3A_1233 = arith.constant 101 : i32
    %broadcast_in_dim3A_1234 = vector.broadcast %jit3A_1233 : i32 to vector<8x4096xi32>
    %select_n3A_1235 = arith.select %lt3A_1231, %broadcast_in_dim3A_1234, %select_n3A_1223 : vector<8x4096xi1>, vector<8x4096xi32>
    %slice3A_1236 = vector.extract_strided_slice %dot_general3A_9 {offsets = [816, 0], sizes = [8, 4096], strides = [1, 1]} : vector<2048x4096xf32> to vector<8x4096xf32>
    %get3A_1237 = arith.constant 816 : index
    %get3A_1238 = arith.constant 0 : index
    %get3A_1239 = vector.load %arg5[%get3A_1237, %get3A_1238] : memref<2048x1xf32, #tpu.memory_space<vmem>>, vector<8x1xf32>
    %add3A_1240 = vector.broadcast %get3A_1239 : vector<8x1xf32> to vector<8x4096xf32>
    %add3A_1241 = arith.addf %broadcast_in_dim3A_13, %add3A_1240 : vector<8x4096xf32>
    %sub3A_1242 = arith.subf %add3A_1241, %slice3A_1236 : vector<8x4096xf32>
    %lt3A_1243 = arith.cmpf olt, %sub3A_1242, %select_n3A_1232 : vector<8x4096xf32>
    %select_n3A_1244 = arith.select %lt3A_1243, %sub3A_1242, %select_n3A_1232 : vector<8x4096xi1>, vector<8x4096xf32>
    %jit3A_1245 = arith.constant 102 : i32
    %broadcast_in_dim3A_1246 = vector.broadcast %jit3A_1245 : i32 to vector<8x4096xi32>
    %select_n3A_1247 = arith.select %lt3A_1243, %broadcast_in_dim3A_1246, %select_n3A_1235 : vector<8x4096xi1>, vector<8x4096xi32>
    %slice3A_1248 = vector.extract_strided_slice %dot_general3A_9 {offsets = [824, 0], sizes = [8, 4096], strides = [1, 1]} : vector<2048x4096xf32> to vector<8x4096xf32>
    %get3A_1249 = arith.constant 824 : index
    %get3A_1250 = arith.constant 0 : index
    %get3A_1251 = vector.load %arg5[%get3A_1249, %get3A_1250] : memref<2048x1xf32, #tpu.memory_space<vmem>>, vector<8x1xf32>
    %add3A_1252 = vector.broadcast %get3A_1251 : vector<8x1xf32> to vector<8x4096xf32>
    %add3A_1253 = arith.addf %broadcast_in_dim3A_13, %add3A_1252 : vector<8x4096xf32>
    %sub3A_1254 = arith.subf %add3A_1253, %slice3A_1248 : vector<8x4096xf32>
    %lt3A_1255 = arith.cmpf olt, %sub3A_1254, %select_n3A_1244 : vector<8x4096xf32>
    %select_n3A_1256 = arith.select %lt3A_1255, %sub3A_1254, %select_n3A_1244 : vector<8x4096xi1>, vector<8x4096xf32>
    %jit3A_1257 = arith.constant 103 : i32
    %broadcast_in_dim3A_1258 = vector.broadcast %jit3A_1257 : i32 to vector<8x4096xi32>
    %select_n3A_1259 = arith.select %lt3A_1255, %broadcast_in_dim3A_1258, %select_n3A_1247 : vector<8x4096xi1>, vector<8x4096xi32>
    %slice3A_1260 = vector.extract_strided_slice %dot_general3A_9 {offsets = [832, 0], sizes = [8, 4096], strides = [1, 1]} : vector<2048x4096xf32> to vector<8x4096xf32>
    %get3A_1261 = arith.constant 832 : index
    %get3A_1262 = arith.constant 0 : index
    %get3A_1263 = vector.load %arg5[%get3A_1261, %get3A_1262] : memref<2048x1xf32, #tpu.memory_space<vmem>>, vector<8x1xf32>
    %add3A_1264 = vector.broadcast %get3A_1263 : vector<8x1xf32> to vector<8x4096xf32>
    %add3A_1265 = arith.addf %broadcast_in_dim3A_13, %add3A_1264 : vector<8x4096xf32>
    %sub3A_1266 = arith.subf %add3A_1265, %slice3A_1260 : vector<8x4096xf32>
    %lt3A_1267 = arith.cmpf olt, %sub3A_1266, %select_n3A_1256 : vector<8x4096xf32>
    %select_n3A_1268 = arith.select %lt3A_1267, %sub3A_1266, %select_n3A_1256 : vector<8x4096xi1>, vector<8x4096xf32>
    %jit3A_1269 = arith.constant 104 : i32
    %broadcast_in_dim3A_1270 = vector.broadcast %jit3A_1269 : i32 to vector<8x4096xi32>
    %select_n3A_1271 = arith.select %lt3A_1267, %broadcast_in_dim3A_1270, %select_n3A_1259 : vector<8x4096xi1>, vector<8x4096xi32>
    %slice3A_1272 = vector.extract_strided_slice %dot_general3A_9 {offsets = [840, 0], sizes = [8, 4096], strides = [1, 1]} : vector<2048x4096xf32> to vector<8x4096xf32>
    %get3A_1273 = arith.constant 840 : index
    %get3A_1274 = arith.constant 0 : index
    %get3A_1275 = vector.load %arg5[%get3A_1273, %get3A_1274] : memref<2048x1xf32, #tpu.memory_space<vmem>>, vector<8x1xf32>
    %add3A_1276 = vector.broadcast %get3A_1275 : vector<8x1xf32> to vector<8x4096xf32>
    %add3A_1277 = arith.addf %broadcast_in_dim3A_13, %add3A_1276 : vector<8x4096xf32>
    %sub3A_1278 = arith.subf %add3A_1277, %slice3A_1272 : vector<8x4096xf32>
    %lt3A_1279 = arith.cmpf olt, %sub3A_1278, %select_n3A_1268 : vector<8x4096xf32>
    %select_n3A_1280 = arith.select %lt3A_1279, %sub3A_1278, %select_n3A_1268 : vector<8x4096xi1>, vector<8x4096xf32>
    %jit3A_1281 = arith.constant 105 : i32
    %broadcast_in_dim3A_1282 = vector.broadcast %jit3A_1281 : i32 to vector<8x4096xi32>
    %select_n3A_1283 = arith.select %lt3A_1279, %broadcast_in_dim3A_1282, %select_n3A_1271 : vector<8x4096xi1>, vector<8x4096xi32>
    %slice3A_1284 = vector.extract_strided_slice %dot_general3A_9 {offsets = [848, 0], sizes = [8, 4096], strides = [1, 1]} : vector<2048x4096xf32> to vector<8x4096xf32>
    %get3A_1285 = arith.constant 848 : index
    %get3A_1286 = arith.constant 0 : index
    %get3A_1287 = vector.load %arg5[%get3A_1285, %get3A_1286] : memref<2048x1xf32, #tpu.memory_space<vmem>>, vector<8x1xf32>
    %add3A_1288 = vector.broadcast %get3A_1287 : vector<8x1xf32> to vector<8x4096xf32>
    %add3A_1289 = arith.addf %broadcast_in_dim3A_13, %add3A_1288 : vector<8x4096xf32>
    %sub3A_1290 = arith.subf %add3A_1289, %slice3A_1284 : vector<8x4096xf32>
    %lt3A_1291 = arith.cmpf olt, %sub3A_1290, %select_n3A_1280 : vector<8x4096xf32>
    %select_n3A_1292 = arith.select %lt3A_1291, %sub3A_1290, %select_n3A_1280 : vector<8x4096xi1>, vector<8x4096xf32>
    %jit3A_1293 = arith.constant 106 : i32
    %broadcast_in_dim3A_1294 = vector.broadcast %jit3A_1293 : i32 to vector<8x4096xi32>
    %select_n3A_1295 = arith.select %lt3A_1291, %broadcast_in_dim3A_1294, %select_n3A_1283 : vector<8x4096xi1>, vector<8x4096xi32>
    %slice3A_1296 = vector.extract_strided_slice %dot_general3A_9 {offsets = [856, 0], sizes = [8, 4096], strides = [1, 1]} : vector<2048x4096xf32> to vector<8x4096xf32>
    %get3A_1297 = arith.constant 856 : index
    %get3A_1298 = arith.constant 0 : index
    %get3A_1299 = vector.load %arg5[%get3A_1297, %get3A_1298] : memref<2048x1xf32, #tpu.memory_space<vmem>>, vector<8x1xf32>
    %add3A_1300 = vector.broadcast %get3A_1299 : vector<8x1xf32> to vector<8x4096xf32>
    %add3A_1301 = arith.addf %broadcast_in_dim3A_13, %add3A_1300 : vector<8x4096xf32>
    %sub3A_1302 = arith.subf %add3A_1301, %slice3A_1296 : vector<8x4096xf32>
    %lt3A_1303 = arith.cmpf olt, %sub3A_1302, %select_n3A_1292 : vector<8x4096xf32>
    %select_n3A_1304 = arith.select %lt3A_1303, %sub3A_1302, %select_n3A_1292 : vector<8x4096xi1>, vector<8x4096xf32>
    %jit3A_1305 = arith.constant 107 : i32
    %broadcast_in_dim3A_1306 = vector.broadcast %jit3A_1305 : i32 to vector<8x4096xi32>
    %select_n3A_1307 = arith.select %lt3A_1303, %broadcast_in_dim3A_1306, %select_n3A_1295 : vector<8x4096xi1>, vector<8x4096xi32>
    %slice3A_1308 = vector.extract_strided_slice %dot_general3A_9 {offsets = [864, 0], sizes = [8, 4096], strides = [1, 1]} : vector<2048x4096xf32> to vector<8x4096xf32>
    %get3A_1309 = arith.constant 864 : index
    %get3A_1310 = arith.constant 0 : index
    %get3A_1311 = vector.load %arg5[%get3A_1309, %get3A_1310] : memref<2048x1xf32, #tpu.memory_space<vmem>>, vector<8x1xf32>
    %add3A_1312 = vector.broadcast %get3A_1311 : vector<8x1xf32> to vector<8x4096xf32>
    %add3A_1313 = arith.addf %broadcast_in_dim3A_13, %add3A_1312 : vector<8x4096xf32>
    %sub3A_1314 = arith.subf %add3A_1313, %slice3A_1308 : vector<8x4096xf32>
    %lt3A_1315 = arith.cmpf olt, %sub3A_1314, %select_n3A_1304 : vector<8x4096xf32>
    %select_n3A_1316 = arith.select %lt3A_1315, %sub3A_1314, %select_n3A_1304 : vector<8x4096xi1>, vector<8x4096xf32>
    %jit3A_1317 = arith.constant 108 : i32
    %broadcast_in_dim3A_1318 = vector.broadcast %jit3A_1317 : i32 to vector<8x4096xi32>
    %select_n3A_1319 = arith.select %lt3A_1315, %broadcast_in_dim3A_1318, %select_n3A_1307 : vector<8x4096xi1>, vector<8x4096xi32>
    %slice3A_1320 = vector.extract_strided_slice %dot_general3A_9 {offsets = [872, 0], sizes = [8, 4096], strides = [1, 1]} : vector<2048x4096xf32> to vector<8x4096xf32>
    %get3A_1321 = arith.constant 872 : index
    %get3A_1322 = arith.constant 0 : index
    %get3A_1323 = vector.load %arg5[%get3A_1321, %get3A_1322] : memref<2048x1xf32, #tpu.memory_space<vmem>>, vector<8x1xf32>
    %add3A_1324 = vector.broadcast %get3A_1323 : vector<8x1xf32> to vector<8x4096xf32>
    %add3A_1325 = arith.addf %broadcast_in_dim3A_13, %add3A_1324 : vector<8x4096xf32>
    %sub3A_1326 = arith.subf %add3A_1325, %slice3A_1320 : vector<8x4096xf32>
    %lt3A_1327 = arith.cmpf olt, %sub3A_1326, %select_n3A_1316 : vector<8x4096xf32>
    %select_n3A_1328 = arith.select %lt3A_1327, %sub3A_1326, %select_n3A_1316 : vector<8x4096xi1>, vector<8x4096xf32>
    %jit3A_1329 = arith.constant 109 : i32
    %broadcast_in_dim3A_1330 = vector.broadcast %jit3A_1329 : i32 to vector<8x4096xi32>
    %select_n3A_1331 = arith.select %lt3A_1327, %broadcast_in_dim3A_1330, %select_n3A_1319 : vector<8x4096xi1>, vector<8x4096xi32>
    %slice3A_1332 = vector.extract_strided_slice %dot_general3A_9 {offsets = [880, 0], sizes = [8, 4096], strides = [1, 1]} : vector<2048x4096xf32> to vector<8x4096xf32>
    %get3A_1333 = arith.constant 880 : index
    %get3A_1334 = arith.constant 0 : index
    %get3A_1335 = vector.load %arg5[%get3A_1333, %get3A_1334] : memref<2048x1xf32, #tpu.memory_space<vmem>>, vector<8x1xf32>
    %add3A_1336 = vector.broadcast %get3A_1335 : vector<8x1xf32> to vector<8x4096xf32>
    %add3A_1337 = arith.addf %broadcast_in_dim3A_13, %add3A_1336 : vector<8x4096xf32>
    %sub3A_1338 = arith.subf %add3A_1337, %slice3A_1332 : vector<8x4096xf32>
    %lt3A_1339 = arith.cmpf olt, %sub3A_1338, %select_n3A_1328 : vector<8x4096xf32>
    %select_n3A_1340 = arith.select %lt3A_1339, %sub3A_1338, %select_n3A_1328 : vector<8x4096xi1>, vector<8x4096xf32>
    %jit3A_1341 = arith.constant 110 : i32
    %broadcast_in_dim3A_1342 = vector.broadcast %jit3A_1341 : i32 to vector<8x4096xi32>
    %select_n3A_1343 = arith.select %lt3A_1339, %broadcast_in_dim3A_1342, %select_n3A_1331 : vector<8x4096xi1>, vector<8x4096xi32>
    %slice3A_1344 = vector.extract_strided_slice %dot_general3A_9 {offsets = [888, 0], sizes = [8, 4096], strides = [1, 1]} : vector<2048x4096xf32> to vector<8x4096xf32>
    %get3A_1345 = arith.constant 888 : index
    %get3A_1346 = arith.constant 0 : index
    %get3A_1347 = vector.load %arg5[%get3A_1345, %get3A_1346] : memref<2048x1xf32, #tpu.memory_space<vmem>>, vector<8x1xf32>
    %add3A_1348 = vector.broadcast %get3A_1347 : vector<8x1xf32> to vector<8x4096xf32>
    %add3A_1349 = arith.addf %broadcast_in_dim3A_13, %add3A_1348 : vector<8x4096xf32>
    %sub3A_1350 = arith.subf %add3A_1349, %slice3A_1344 : vector<8x4096xf32>
    %lt3A_1351 = arith.cmpf olt, %sub3A_1350, %select_n3A_1340 : vector<8x4096xf32>
    %select_n3A_1352 = arith.select %lt3A_1351, %sub3A_1350, %select_n3A_1340 : vector<8x4096xi1>, vector<8x4096xf32>
    %jit3A_1353 = arith.constant 111 : i32
    %broadcast_in_dim3A_1354 = vector.broadcast %jit3A_1353 : i32 to vector<8x4096xi32>
    %select_n3A_1355 = arith.select %lt3A_1351, %broadcast_in_dim3A_1354, %select_n3A_1343 : vector<8x4096xi1>, vector<8x4096xi32>
    %slice3A_1356 = vector.extract_strided_slice %dot_general3A_9 {offsets = [896, 0], sizes = [8, 4096], strides = [1, 1]} : vector<2048x4096xf32> to vector<8x4096xf32>
    %get3A_1357 = arith.constant 896 : index
    %get3A_1358 = arith.constant 0 : index
    %get3A_1359 = vector.load %arg5[%get3A_1357, %get3A_1358] : memref<2048x1xf32, #tpu.memory_space<vmem>>, vector<8x1xf32>
    %add3A_1360 = vector.broadcast %get3A_1359 : vector<8x1xf32> to vector<8x4096xf32>
    %add3A_1361 = arith.addf %broadcast_in_dim3A_13, %add3A_1360 : vector<8x4096xf32>
    %sub3A_1362 = arith.subf %add3A_1361, %slice3A_1356 : vector<8x4096xf32>
    %lt3A_1363 = arith.cmpf olt, %sub3A_1362, %select_n3A_1352 : vector<8x4096xf32>
    %select_n3A_1364 = arith.select %lt3A_1363, %sub3A_1362, %select_n3A_1352 : vector<8x4096xi1>, vector<8x4096xf32>
    %jit3A_1365 = arith.constant 112 : i32
    %broadcast_in_dim3A_1366 = vector.broadcast %jit3A_1365 : i32 to vector<8x4096xi32>
    %select_n3A_1367 = arith.select %lt3A_1363, %broadcast_in_dim3A_1366, %select_n3A_1355 : vector<8x4096xi1>, vector<8x4096xi32>
    %slice3A_1368 = vector.extract_strided_slice %dot_general3A_9 {offsets = [904, 0], sizes = [8, 4096], strides = [1, 1]} : vector<2048x4096xf32> to vector<8x4096xf32>
    %get3A_1369 = arith.constant 904 : index
    %get3A_1370 = arith.constant 0 : index
    %get3A_1371 = vector.load %arg5[%get3A_1369, %get3A_1370] : memref<2048x1xf32, #tpu.memory_space<vmem>>, vector<8x1xf32>
    %add3A_1372 = vector.broadcast %get3A_1371 : vector<8x1xf32> to vector<8x4096xf32>
    %add3A_1373 = arith.addf %broadcast_in_dim3A_13, %add3A_1372 : vector<8x4096xf32>
    %sub3A_1374 = arith.subf %add3A_1373, %slice3A_1368 : vector<8x4096xf32>
    %lt3A_1375 = arith.cmpf olt, %sub3A_1374, %select_n3A_1364 : vector<8x4096xf32>
    %select_n3A_1376 = arith.select %lt3A_1375, %sub3A_1374, %select_n3A_1364 : vector<8x4096xi1>, vector<8x4096xf32>
    %jit3A_1377 = arith.constant 113 : i32
    %broadcast_in_dim3A_1378 = vector.broadcast %jit3A_1377 : i32 to vector<8x4096xi32>
    %select_n3A_1379 = arith.select %lt3A_1375, %broadcast_in_dim3A_1378, %select_n3A_1367 : vector<8x4096xi1>, vector<8x4096xi32>
    %slice3A_1380 = vector.extract_strided_slice %dot_general3A_9 {offsets = [912, 0], sizes = [8, 4096], strides = [1, 1]} : vector<2048x4096xf32> to vector<8x4096xf32>
    %get3A_1381 = arith.constant 912 : index
    %get3A_1382 = arith.constant 0 : index
    %get3A_1383 = vector.load %arg5[%get3A_1381, %get3A_1382] : memref<2048x1xf32, #tpu.memory_space<vmem>>, vector<8x1xf32>
    %add3A_1384 = vector.broadcast %get3A_1383 : vector<8x1xf32> to vector<8x4096xf32>
    %add3A_1385 = arith.addf %broadcast_in_dim3A_13, %add3A_1384 : vector<8x4096xf32>
    %sub3A_1386 = arith.subf %add3A_1385, %slice3A_1380 : vector<8x4096xf32>
    %lt3A_1387 = arith.cmpf olt, %sub3A_1386, %select_n3A_1376 : vector<8x4096xf32>
    %select_n3A_1388 = arith.select %lt3A_1387, %sub3A_1386, %select_n3A_1376 : vector<8x4096xi1>, vector<8x4096xf32>
    %jit3A_1389 = arith.constant 114 : i32
    %broadcast_in_dim3A_1390 = vector.broadcast %jit3A_1389 : i32 to vector<8x4096xi32>
    %select_n3A_1391 = arith.select %lt3A_1387, %broadcast_in_dim3A_1390, %select_n3A_1379 : vector<8x4096xi1>, vector<8x4096xi32>
    %slice3A_1392 = vector.extract_strided_slice %dot_general3A_9 {offsets = [920, 0], sizes = [8, 4096], strides = [1, 1]} : vector<2048x4096xf32> to vector<8x4096xf32>
    %get3A_1393 = arith.constant 920 : index
    %get3A_1394 = arith.constant 0 : index
    %get3A_1395 = vector.load %arg5[%get3A_1393, %get3A_1394] : memref<2048x1xf32, #tpu.memory_space<vmem>>, vector<8x1xf32>
    %add3A_1396 = vector.broadcast %get3A_1395 : vector<8x1xf32> to vector<8x4096xf32>
    %add3A_1397 = arith.addf %broadcast_in_dim3A_13, %add3A_1396 : vector<8x4096xf32>
    %sub3A_1398 = arith.subf %add3A_1397, %slice3A_1392 : vector<8x4096xf32>
    %lt3A_1399 = arith.cmpf olt, %sub3A_1398, %select_n3A_1388 : vector<8x4096xf32>
    %select_n3A_1400 = arith.select %lt3A_1399, %sub3A_1398, %select_n3A_1388 : vector<8x4096xi1>, vector<8x4096xf32>
    %jit3A_1401 = arith.constant 115 : i32
    %broadcast_in_dim3A_1402 = vector.broadcast %jit3A_1401 : i32 to vector<8x4096xi32>
    %select_n3A_1403 = arith.select %lt3A_1399, %broadcast_in_dim3A_1402, %select_n3A_1391 : vector<8x4096xi1>, vector<8x4096xi32>
    %slice3A_1404 = vector.extract_strided_slice %dot_general3A_9 {offsets = [928, 0], sizes = [8, 4096], strides = [1, 1]} : vector<2048x4096xf32> to vector<8x4096xf32>
    %get3A_1405 = arith.constant 928 : index
    %get3A_1406 = arith.constant 0 : index
    %get3A_1407 = vector.load %arg5[%get3A_1405, %get3A_1406] : memref<2048x1xf32, #tpu.memory_space<vmem>>, vector<8x1xf32>
    %add3A_1408 = vector.broadcast %get3A_1407 : vector<8x1xf32> to vector<8x4096xf32>
    %add3A_1409 = arith.addf %broadcast_in_dim3A_13, %add3A_1408 : vector<8x4096xf32>
    %sub3A_1410 = arith.subf %add3A_1409, %slice3A_1404 : vector<8x4096xf32>
    %lt3A_1411 = arith.cmpf olt, %sub3A_1410, %select_n3A_1400 : vector<8x4096xf32>
    %select_n3A_1412 = arith.select %lt3A_1411, %sub3A_1410, %select_n3A_1400 : vector<8x4096xi1>, vector<8x4096xf32>
    %jit3A_1413 = arith.constant 116 : i32
    %broadcast_in_dim3A_1414 = vector.broadcast %jit3A_1413 : i32 to vector<8x4096xi32>
    %select_n3A_1415 = arith.select %lt3A_1411, %broadcast_in_dim3A_1414, %select_n3A_1403 : vector<8x4096xi1>, vector<8x4096xi32>
    %slice3A_1416 = vector.extract_strided_slice %dot_general3A_9 {offsets = [936, 0], sizes = [8, 4096], strides = [1, 1]} : vector<2048x4096xf32> to vector<8x4096xf32>
    %get3A_1417 = arith.constant 936 : index
    %get3A_1418 = arith.constant 0 : index
    %get3A_1419 = vector.load %arg5[%get3A_1417, %get3A_1418] : memref<2048x1xf32, #tpu.memory_space<vmem>>, vector<8x1xf32>
    %add3A_1420 = vector.broadcast %get3A_1419 : vector<8x1xf32> to vector<8x4096xf32>
    %add3A_1421 = arith.addf %broadcast_in_dim3A_13, %add3A_1420 : vector<8x4096xf32>
    %sub3A_1422 = arith.subf %add3A_1421, %slice3A_1416 : vector<8x4096xf32>
    %lt3A_1423 = arith.cmpf olt, %sub3A_1422, %select_n3A_1412 : vector<8x4096xf32>
    %select_n3A_1424 = arith.select %lt3A_1423, %sub3A_1422, %select_n3A_1412 : vector<8x4096xi1>, vector<8x4096xf32>
    %jit3A_1425 = arith.constant 117 : i32
    %broadcast_in_dim3A_1426 = vector.broadcast %jit3A_1425 : i32 to vector<8x4096xi32>
    %select_n3A_1427 = arith.select %lt3A_1423, %broadcast_in_dim3A_1426, %select_n3A_1415 : vector<8x4096xi1>, vector<8x4096xi32>
    %slice3A_1428 = vector.extract_strided_slice %dot_general3A_9 {offsets = [944, 0], sizes = [8, 4096], strides = [1, 1]} : vector<2048x4096xf32> to vector<8x4096xf32>
    %get3A_1429 = arith.constant 944 : index
    %get3A_1430 = arith.constant 0 : index
    %get3A_1431 = vector.load %arg5[%get3A_1429, %get3A_1430] : memref<2048x1xf32, #tpu.memory_space<vmem>>, vector<8x1xf32>
    %add3A_1432 = vector.broadcast %get3A_1431 : vector<8x1xf32> to vector<8x4096xf32>
    %add3A_1433 = arith.addf %broadcast_in_dim3A_13, %add3A_1432 : vector<8x4096xf32>
    %sub3A_1434 = arith.subf %add3A_1433, %slice3A_1428 : vector<8x4096xf32>
    %lt3A_1435 = arith.cmpf olt, %sub3A_1434, %select_n3A_1424 : vector<8x4096xf32>
    %select_n3A_1436 = arith.select %lt3A_1435, %sub3A_1434, %select_n3A_1424 : vector<8x4096xi1>, vector<8x4096xf32>
    %jit3A_1437 = arith.constant 118 : i32
    %broadcast_in_dim3A_1438 = vector.broadcast %jit3A_1437 : i32 to vector<8x4096xi32>
    %select_n3A_1439 = arith.select %lt3A_1435, %broadcast_in_dim3A_1438, %select_n3A_1427 : vector<8x4096xi1>, vector<8x4096xi32>
    %slice3A_1440 = vector.extract_strided_slice %dot_general3A_9 {offsets = [952, 0], sizes = [8, 4096], strides = [1, 1]} : vector<2048x4096xf32> to vector<8x4096xf32>
    %get3A_1441 = arith.constant 952 : index
    %get3A_1442 = arith.constant 0 : index
    %get3A_1443 = vector.load %arg5[%get3A_1441, %get3A_1442] : memref<2048x1xf32, #tpu.memory_space<vmem>>, vector<8x1xf32>
    %add3A_1444 = vector.broadcast %get3A_1443 : vector<8x1xf32> to vector<8x4096xf32>
    %add3A_1445 = arith.addf %broadcast_in_dim3A_13, %add3A_1444 : vector<8x4096xf32>
    %sub3A_1446 = arith.subf %add3A_1445, %slice3A_1440 : vector<8x4096xf32>
    %lt3A_1447 = arith.cmpf olt, %sub3A_1446, %select_n3A_1436 : vector<8x4096xf32>
    %select_n3A_1448 = arith.select %lt3A_1447, %sub3A_1446, %select_n3A_1436 : vector<8x4096xi1>, vector<8x4096xf32>
    %jit3A_1449 = arith.constant 119 : i32
    %broadcast_in_dim3A_1450 = vector.broadcast %jit3A_1449 : i32 to vector<8x4096xi32>
    %select_n3A_1451 = arith.select %lt3A_1447, %broadcast_in_dim3A_1450, %select_n3A_1439 : vector<8x4096xi1>, vector<8x4096xi32>
    %slice3A_1452 = vector.extract_strided_slice %dot_general3A_9 {offsets = [960, 0], sizes = [8, 4096], strides = [1, 1]} : vector<2048x4096xf32> to vector<8x4096xf32>
    %get3A_1453 = arith.constant 960 : index
    %get3A_1454 = arith.constant 0 : index
    %get3A_1455 = vector.load %arg5[%get3A_1453, %get3A_1454] : memref<2048x1xf32, #tpu.memory_space<vmem>>, vector<8x1xf32>
    %add3A_1456 = vector.broadcast %get3A_1455 : vector<8x1xf32> to vector<8x4096xf32>
    %add3A_1457 = arith.addf %broadcast_in_dim3A_13, %add3A_1456 : vector<8x4096xf32>
    %sub3A_1458 = arith.subf %add3A_1457, %slice3A_1452 : vector<8x4096xf32>
    %lt3A_1459 = arith.cmpf olt, %sub3A_1458, %select_n3A_1448 : vector<8x4096xf32>
    %select_n3A_1460 = arith.select %lt3A_1459, %sub3A_1458, %select_n3A_1448 : vector<8x4096xi1>, vector<8x4096xf32>
    %jit3A_1461 = arith.constant 120 : i32
    %broadcast_in_dim3A_1462 = vector.broadcast %jit3A_1461 : i32 to vector<8x4096xi32>
    %select_n3A_1463 = arith.select %lt3A_1459, %broadcast_in_dim3A_1462, %select_n3A_1451 : vector<8x4096xi1>, vector<8x4096xi32>
    %slice3A_1464 = vector.extract_strided_slice %dot_general3A_9 {offsets = [968, 0], sizes = [8, 4096], strides = [1, 1]} : vector<2048x4096xf32> to vector<8x4096xf32>
    %get3A_1465 = arith.constant 968 : index
    %get3A_1466 = arith.constant 0 : index
    %get3A_1467 = vector.load %arg5[%get3A_1465, %get3A_1466] : memref<2048x1xf32, #tpu.memory_space<vmem>>, vector<8x1xf32>
    %add3A_1468 = vector.broadcast %get3A_1467 : vector<8x1xf32> to vector<8x4096xf32>
    %add3A_1469 = arith.addf %broadcast_in_dim3A_13, %add3A_1468 : vector<8x4096xf32>
    %sub3A_1470 = arith.subf %add3A_1469, %slice3A_1464 : vector<8x4096xf32>
    %lt3A_1471 = arith.cmpf olt, %sub3A_1470, %select_n3A_1460 : vector<8x4096xf32>
    %select_n3A_1472 = arith.select %lt3A_1471, %sub3A_1470, %select_n3A_1460 : vector<8x4096xi1>, vector<8x4096xf32>
    %jit3A_1473 = arith.constant 121 : i32
    %broadcast_in_dim3A_1474 = vector.broadcast %jit3A_1473 : i32 to vector<8x4096xi32>
    %select_n3A_1475 = arith.select %lt3A_1471, %broadcast_in_dim3A_1474, %select_n3A_1463 : vector<8x4096xi1>, vector<8x4096xi32>
    %slice3A_1476 = vector.extract_strided_slice %dot_general3A_9 {offsets = [976, 0], sizes = [8, 4096], strides = [1, 1]} : vector<2048x4096xf32> to vector<8x4096xf32>
    %get3A_1477 = arith.constant 976 : index
    %get3A_1478 = arith.constant 0 : index
    %get3A_1479 = vector.load %arg5[%get3A_1477, %get3A_1478] : memref<2048x1xf32, #tpu.memory_space<vmem>>, vector<8x1xf32>
    %add3A_1480 = vector.broadcast %get3A_1479 : vector<8x1xf32> to vector<8x4096xf32>
    %add3A_1481 = arith.addf %broadcast_in_dim3A_13, %add3A_1480 : vector<8x4096xf32>
    %sub3A_1482 = arith.subf %add3A_1481, %slice3A_1476 : vector<8x4096xf32>
    %lt3A_1483 = arith.cmpf olt, %sub3A_1482, %select_n3A_1472 : vector<8x4096xf32>
    %select_n3A_1484 = arith.select %lt3A_1483, %sub3A_1482, %select_n3A_1472 : vector<8x4096xi1>, vector<8x4096xf32>
    %jit3A_1485 = arith.constant 122 : i32
    %broadcast_in_dim3A_1486 = vector.broadcast %jit3A_1485 : i32 to vector<8x4096xi32>
    %select_n3A_1487 = arith.select %lt3A_1483, %broadcast_in_dim3A_1486, %select_n3A_1475 : vector<8x4096xi1>, vector<8x4096xi32>
    %slice3A_1488 = vector.extract_strided_slice %dot_general3A_9 {offsets = [984, 0], sizes = [8, 4096], strides = [1, 1]} : vector<2048x4096xf32> to vector<8x4096xf32>
    %get3A_1489 = arith.constant 984 : index
    %get3A_1490 = arith.constant 0 : index
    %get3A_1491 = vector.load %arg5[%get3A_1489, %get3A_1490] : memref<2048x1xf32, #tpu.memory_space<vmem>>, vector<8x1xf32>
    %add3A_1492 = vector.broadcast %get3A_1491 : vector<8x1xf32> to vector<8x4096xf32>
    %add3A_1493 = arith.addf %broadcast_in_dim3A_13, %add3A_1492 : vector<8x4096xf32>
    %sub3A_1494 = arith.subf %add3A_1493, %slice3A_1488 : vector<8x4096xf32>
    %lt3A_1495 = arith.cmpf olt, %sub3A_1494, %select_n3A_1484 : vector<8x4096xf32>
    %select_n3A_1496 = arith.select %lt3A_1495, %sub3A_1494, %select_n3A_1484 : vector<8x4096xi1>, vector<8x4096xf32>
    %jit3A_1497 = arith.constant 123 : i32
    %broadcast_in_dim3A_1498 = vector.broadcast %jit3A_1497 : i32 to vector<8x4096xi32>
    %select_n3A_1499 = arith.select %lt3A_1495, %broadcast_in_dim3A_1498, %select_n3A_1487 : vector<8x4096xi1>, vector<8x4096xi32>
    %slice3A_1500 = vector.extract_strided_slice %dot_general3A_9 {offsets = [992, 0], sizes = [8, 4096], strides = [1, 1]} : vector<2048x4096xf32> to vector<8x4096xf32>
    %get3A_1501 = arith.constant 992 : index
    %get3A_1502 = arith.constant 0 : index
    %get3A_1503 = vector.load %arg5[%get3A_1501, %get3A_1502] : memref<2048x1xf32, #tpu.memory_space<vmem>>, vector<8x1xf32>
    %add3A_1504 = vector.broadcast %get3A_1503 : vector<8x1xf32> to vector<8x4096xf32>
    %add3A_1505 = arith.addf %broadcast_in_dim3A_13, %add3A_1504 : vector<8x4096xf32>
    %sub3A_1506 = arith.subf %add3A_1505, %slice3A_1500 : vector<8x4096xf32>
    %lt3A_1507 = arith.cmpf olt, %sub3A_1506, %select_n3A_1496 : vector<8x4096xf32>
    %select_n3A_1508 = arith.select %lt3A_1507, %sub3A_1506, %select_n3A_1496 : vector<8x4096xi1>, vector<8x4096xf32>
    %jit3A_1509 = arith.constant 124 : i32
    %broadcast_in_dim3A_1510 = vector.broadcast %jit3A_1509 : i32 to vector<8x4096xi32>
    %select_n3A_1511 = arith.select %lt3A_1507, %broadcast_in_dim3A_1510, %select_n3A_1499 : vector<8x4096xi1>, vector<8x4096xi32>
    %slice3A_1512 = vector.extract_strided_slice %dot_general3A_9 {offsets = [1000, 0], sizes = [8, 4096], strides = [1, 1]} : vector<2048x4096xf32> to vector<8x4096xf32>
    %get3A_1513 = arith.constant 1000 : index
    %get3A_1514 = arith.constant 0 : index
    %get3A_1515 = vector.load %arg5[%get3A_1513, %get3A_1514] : memref<2048x1xf32, #tpu.memory_space<vmem>>, vector<8x1xf32>
    %add3A_1516 = vector.broadcast %get3A_1515 : vector<8x1xf32> to vector<8x4096xf32>
    %add3A_1517 = arith.addf %broadcast_in_dim3A_13, %add3A_1516 : vector<8x4096xf32>
    %sub3A_1518 = arith.subf %add3A_1517, %slice3A_1512 : vector<8x4096xf32>
    %lt3A_1519 = arith.cmpf olt, %sub3A_1518, %select_n3A_1508 : vector<8x4096xf32>
    %select_n3A_1520 = arith.select %lt3A_1519, %sub3A_1518, %select_n3A_1508 : vector<8x4096xi1>, vector<8x4096xf32>
    %jit3A_1521 = arith.constant 125 : i32
    %broadcast_in_dim3A_1522 = vector.broadcast %jit3A_1521 : i32 to vector<8x4096xi32>
    %select_n3A_1523 = arith.select %lt3A_1519, %broadcast_in_dim3A_1522, %select_n3A_1511 : vector<8x4096xi1>, vector<8x4096xi32>
    %slice3A_1524 = vector.extract_strided_slice %dot_general3A_9 {offsets = [1008, 0], sizes = [8, 4096], strides = [1, 1]} : vector<2048x4096xf32> to vector<8x4096xf32>
    %get3A_1525 = arith.constant 1008 : index
    %get3A_1526 = arith.constant 0 : index
    %get3A_1527 = vector.load %arg5[%get3A_1525, %get3A_1526] : memref<2048x1xf32, #tpu.memory_space<vmem>>, vector<8x1xf32>
    %add3A_1528 = vector.broadcast %get3A_1527 : vector<8x1xf32> to vector<8x4096xf32>
    %add3A_1529 = arith.addf %broadcast_in_dim3A_13, %add3A_1528 : vector<8x4096xf32>
    %sub3A_1530 = arith.subf %add3A_1529, %slice3A_1524 : vector<8x4096xf32>
    %lt3A_1531 = arith.cmpf olt, %sub3A_1530, %select_n3A_1520 : vector<8x4096xf32>
    %select_n3A_1532 = arith.select %lt3A_1531, %sub3A_1530, %select_n3A_1520 : vector<8x4096xi1>, vector<8x4096xf32>
    %jit3A_1533 = arith.constant 126 : i32
    %broadcast_in_dim3A_1534 = vector.broadcast %jit3A_1533 : i32 to vector<8x4096xi32>
    %select_n3A_1535 = arith.select %lt3A_1531, %broadcast_in_dim3A_1534, %select_n3A_1523 : vector<8x4096xi1>, vector<8x4096xi32>
    %slice3A_1536 = vector.extract_strided_slice %dot_general3A_9 {offsets = [1016, 0], sizes = [8, 4096], strides = [1, 1]} : vector<2048x4096xf32> to vector<8x4096xf32>
    %get3A_1537 = arith.constant 1016 : index
    %get3A_1538 = arith.constant 0 : index
    %get3A_1539 = vector.load %arg5[%get3A_1537, %get3A_1538] : memref<2048x1xf32, #tpu.memory_space<vmem>>, vector<8x1xf32>
    %add3A_1540 = vector.broadcast %get3A_1539 : vector<8x1xf32> to vector<8x4096xf32>
    %add3A_1541 = arith.addf %broadcast_in_dim3A_13, %add3A_1540 : vector<8x4096xf32>
    %sub3A_1542 = arith.subf %add3A_1541, %slice3A_1536 : vector<8x4096xf32>
    %lt3A_1543 = arith.cmpf olt, %sub3A_1542, %select_n3A_1532 : vector<8x4096xf32>
    %select_n3A_1544 = arith.select %lt3A_1543, %sub3A_1542, %select_n3A_1532 : vector<8x4096xi1>, vector<8x4096xf32>
    %jit3A_1545 = arith.constant 127 : i32
    %broadcast_in_dim3A_1546 = vector.broadcast %jit3A_1545 : i32 to vector<8x4096xi32>
    %select_n3A_1547 = arith.select %lt3A_1543, %broadcast_in_dim3A_1546, %select_n3A_1535 : vector<8x4096xi1>, vector<8x4096xi32>
    %slice3A_1548 = vector.extract_strided_slice %dot_general3A_9 {offsets = [1024, 0], sizes = [8, 4096], strides = [1, 1]} : vector<2048x4096xf32> to vector<8x4096xf32>
    %get3A_1549 = arith.constant 1024 : index
    %get3A_1550 = arith.constant 0 : index
    %get3A_1551 = vector.load %arg5[%get3A_1549, %get3A_1550] : memref<2048x1xf32, #tpu.memory_space<vmem>>, vector<8x1xf32>
    %add3A_1552 = vector.broadcast %get3A_1551 : vector<8x1xf32> to vector<8x4096xf32>
    %add3A_1553 = arith.addf %broadcast_in_dim3A_13, %add3A_1552 : vector<8x4096xf32>
    %sub3A_1554 = arith.subf %add3A_1553, %slice3A_1548 : vector<8x4096xf32>
    %lt3A_1555 = arith.cmpf olt, %sub3A_1554, %select_n3A_1544 : vector<8x4096xf32>
    %select_n3A_1556 = arith.select %lt3A_1555, %sub3A_1554, %select_n3A_1544 : vector<8x4096xi1>, vector<8x4096xf32>
    %jit3A_1557 = arith.constant 128 : i32
    %broadcast_in_dim3A_1558 = vector.broadcast %jit3A_1557 : i32 to vector<8x4096xi32>
    %select_n3A_1559 = arith.select %lt3A_1555, %broadcast_in_dim3A_1558, %select_n3A_1547 : vector<8x4096xi1>, vector<8x4096xi32>
    %slice3A_1560 = vector.extract_strided_slice %dot_general3A_9 {offsets = [1032, 0], sizes = [8, 4096], strides = [1, 1]} : vector<2048x4096xf32> to vector<8x4096xf32>
    %get3A_1561 = arith.constant 1032 : index
    %get3A_1562 = arith.constant 0 : index
    %get3A_1563 = vector.load %arg5[%get3A_1561, %get3A_1562] : memref<2048x1xf32, #tpu.memory_space<vmem>>, vector<8x1xf32>
    %add3A_1564 = vector.broadcast %get3A_1563 : vector<8x1xf32> to vector<8x4096xf32>
    %add3A_1565 = arith.addf %broadcast_in_dim3A_13, %add3A_1564 : vector<8x4096xf32>
    %sub3A_1566 = arith.subf %add3A_1565, %slice3A_1560 : vector<8x4096xf32>
    %lt3A_1567 = arith.cmpf olt, %sub3A_1566, %select_n3A_1556 : vector<8x4096xf32>
    %select_n3A_1568 = arith.select %lt3A_1567, %sub3A_1566, %select_n3A_1556 : vector<8x4096xi1>, vector<8x4096xf32>
    %jit3A_1569 = arith.constant 129 : i32
    %broadcast_in_dim3A_1570 = vector.broadcast %jit3A_1569 : i32 to vector<8x4096xi32>
    %select_n3A_1571 = arith.select %lt3A_1567, %broadcast_in_dim3A_1570, %select_n3A_1559 : vector<8x4096xi1>, vector<8x4096xi32>
    %slice3A_1572 = vector.extract_strided_slice %dot_general3A_9 {offsets = [1040, 0], sizes = [8, 4096], strides = [1, 1]} : vector<2048x4096xf32> to vector<8x4096xf32>
    %get3A_1573 = arith.constant 1040 : index
    %get3A_1574 = arith.constant 0 : index
    %get3A_1575 = vector.load %arg5[%get3A_1573, %get3A_1574] : memref<2048x1xf32, #tpu.memory_space<vmem>>, vector<8x1xf32>
    %add3A_1576 = vector.broadcast %get3A_1575 : vector<8x1xf32> to vector<8x4096xf32>
    %add3A_1577 = arith.addf %broadcast_in_dim3A_13, %add3A_1576 : vector<8x4096xf32>
    %sub3A_1578 = arith.subf %add3A_1577, %slice3A_1572 : vector<8x4096xf32>
    %lt3A_1579 = arith.cmpf olt, %sub3A_1578, %select_n3A_1568 : vector<8x4096xf32>
    %select_n3A_1580 = arith.select %lt3A_1579, %sub3A_1578, %select_n3A_1568 : vector<8x4096xi1>, vector<8x4096xf32>
    %jit3A_1581 = arith.constant 130 : i32
    %broadcast_in_dim3A_1582 = vector.broadcast %jit3A_1581 : i32 to vector<8x4096xi32>
    %select_n3A_1583 = arith.select %lt3A_1579, %broadcast_in_dim3A_1582, %select_n3A_1571 : vector<8x4096xi1>, vector<8x4096xi32>
    %slice3A_1584 = vector.extract_strided_slice %dot_general3A_9 {offsets = [1048, 0], sizes = [8, 4096], strides = [1, 1]} : vector<2048x4096xf32> to vector<8x4096xf32>
    %get3A_1585 = arith.constant 1048 : index
    %get3A_1586 = arith.constant 0 : index
    %get3A_1587 = vector.load %arg5[%get3A_1585, %get3A_1586] : memref<2048x1xf32, #tpu.memory_space<vmem>>, vector<8x1xf32>
    %add3A_1588 = vector.broadcast %get3A_1587 : vector<8x1xf32> to vector<8x4096xf32>
    %add3A_1589 = arith.addf %broadcast_in_dim3A_13, %add3A_1588 : vector<8x4096xf32>
    %sub3A_1590 = arith.subf %add3A_1589, %slice3A_1584 : vector<8x4096xf32>
    %lt3A_1591 = arith.cmpf olt, %sub3A_1590, %select_n3A_1580 : vector<8x4096xf32>
    %select_n3A_1592 = arith.select %lt3A_1591, %sub3A_1590, %select_n3A_1580 : vector<8x4096xi1>, vector<8x4096xf32>
    %jit3A_1593 = arith.constant 131 : i32
    %broadcast_in_dim3A_1594 = vector.broadcast %jit3A_1593 : i32 to vector<8x4096xi32>
    %select_n3A_1595 = arith.select %lt3A_1591, %broadcast_in_dim3A_1594, %select_n3A_1583 : vector<8x4096xi1>, vector<8x4096xi32>
    %slice3A_1596 = vector.extract_strided_slice %dot_general3A_9 {offsets = [1056, 0], sizes = [8, 4096], strides = [1, 1]} : vector<2048x4096xf32> to vector<8x4096xf32>
    %get3A_1597 = arith.constant 1056 : index
    %get3A_1598 = arith.constant 0 : index
    %get3A_1599 = vector.load %arg5[%get3A_1597, %get3A_1598] : memref<2048x1xf32, #tpu.memory_space<vmem>>, vector<8x1xf32>
    %add3A_1600 = vector.broadcast %get3A_1599 : vector<8x1xf32> to vector<8x4096xf32>
    %add3A_1601 = arith.addf %broadcast_in_dim3A_13, %add3A_1600 : vector<8x4096xf32>
    %sub3A_1602 = arith.subf %add3A_1601, %slice3A_1596 : vector<8x4096xf32>
    %lt3A_1603 = arith.cmpf olt, %sub3A_1602, %select_n3A_1592 : vector<8x4096xf32>
    %select_n3A_1604 = arith.select %lt3A_1603, %sub3A_1602, %select_n3A_1592 : vector<8x4096xi1>, vector<8x4096xf32>
    %jit3A_1605 = arith.constant 132 : i32
    %broadcast_in_dim3A_1606 = vector.broadcast %jit3A_1605 : i32 to vector<8x4096xi32>
    %select_n3A_1607 = arith.select %lt3A_1603, %broadcast_in_dim3A_1606, %select_n3A_1595 : vector<8x4096xi1>, vector<8x4096xi32>
    %slice3A_1608 = vector.extract_strided_slice %dot_general3A_9 {offsets = [1064, 0], sizes = [8, 4096], strides = [1, 1]} : vector<2048x4096xf32> to vector<8x4096xf32>
    %get3A_1609 = arith.constant 1064 : index
    %get3A_1610 = arith.constant 0 : index
    %get3A_1611 = vector.load %arg5[%get3A_1609, %get3A_1610] : memref<2048x1xf32, #tpu.memory_space<vmem>>, vector<8x1xf32>
    %add3A_1612 = vector.broadcast %get3A_1611 : vector<8x1xf32> to vector<8x4096xf32>
    %add3A_1613 = arith.addf %broadcast_in_dim3A_13, %add3A_1612 : vector<8x4096xf32>
    %sub3A_1614 = arith.subf %add3A_1613, %slice3A_1608 : vector<8x4096xf32>
    %lt3A_1615 = arith.cmpf olt, %sub3A_1614, %select_n3A_1604 : vector<8x4096xf32>
    %select_n3A_1616 = arith.select %lt3A_1615, %sub3A_1614, %select_n3A_1604 : vector<8x4096xi1>, vector<8x4096xf32>
    %jit3A_1617 = arith.constant 133 : i32
    %broadcast_in_dim3A_1618 = vector.broadcast %jit3A_1617 : i32 to vector<8x4096xi32>
    %select_n3A_1619 = arith.select %lt3A_1615, %broadcast_in_dim3A_1618, %select_n3A_1607 : vector<8x4096xi1>, vector<8x4096xi32>
    %slice3A_1620 = vector.extract_strided_slice %dot_general3A_9 {offsets = [1072, 0], sizes = [8, 4096], strides = [1, 1]} : vector<2048x4096xf32> to vector<8x4096xf32>
    %get3A_1621 = arith.constant 1072 : index
    %get3A_1622 = arith.constant 0 : index
    %get3A_1623 = vector.load %arg5[%get3A_1621, %get3A_1622] : memref<2048x1xf32, #tpu.memory_space<vmem>>, vector<8x1xf32>
    %add3A_1624 = vector.broadcast %get3A_1623 : vector<8x1xf32> to vector<8x4096xf32>
    %add3A_1625 = arith.addf %broadcast_in_dim3A_13, %add3A_1624 : vector<8x4096xf32>
    %sub3A_1626 = arith.subf %add3A_1625, %slice3A_1620 : vector<8x4096xf32>
    %lt3A_1627 = arith.cmpf olt, %sub3A_1626, %select_n3A_1616 : vector<8x4096xf32>
    %select_n3A_1628 = arith.select %lt3A_1627, %sub3A_1626, %select_n3A_1616 : vector<8x4096xi1>, vector<8x4096xf32>
    %jit3A_1629 = arith.constant 134 : i32
    %broadcast_in_dim3A_1630 = vector.broadcast %jit3A_1629 : i32 to vector<8x4096xi32>
    %select_n3A_1631 = arith.select %lt3A_1627, %broadcast_in_dim3A_1630, %select_n3A_1619 : vector<8x4096xi1>, vector<8x4096xi32>
    %slice3A_1632 = vector.extract_strided_slice %dot_general3A_9 {offsets = [1080, 0], sizes = [8, 4096], strides = [1, 1]} : vector<2048x4096xf32> to vector<8x4096xf32>
    %get3A_1633 = arith.constant 1080 : index
    %get3A_1634 = arith.constant 0 : index
    %get3A_1635 = vector.load %arg5[%get3A_1633, %get3A_1634] : memref<2048x1xf32, #tpu.memory_space<vmem>>, vector<8x1xf32>
    %add3A_1636 = vector.broadcast %get3A_1635 : vector<8x1xf32> to vector<8x4096xf32>
    %add3A_1637 = arith.addf %broadcast_in_dim3A_13, %add3A_1636 : vector<8x4096xf32>
    %sub3A_1638 = arith.subf %add3A_1637, %slice3A_1632 : vector<8x4096xf32>
    %lt3A_1639 = arith.cmpf olt, %sub3A_1638, %select_n3A_1628 : vector<8x4096xf32>
    %select_n3A_1640 = arith.select %lt3A_1639, %sub3A_1638, %select_n3A_1628 : vector<8x4096xi1>, vector<8x4096xf32>
    %jit3A_1641 = arith.constant 135 : i32
    %broadcast_in_dim3A_1642 = vector.broadcast %jit3A_1641 : i32 to vector<8x4096xi32>
    %select_n3A_1643 = arith.select %lt3A_1639, %broadcast_in_dim3A_1642, %select_n3A_1631 : vector<8x4096xi1>, vector<8x4096xi32>
    %slice3A_1644 = vector.extract_strided_slice %dot_general3A_9 {offsets = [1088, 0], sizes = [8, 4096], strides = [1, 1]} : vector<2048x4096xf32> to vector<8x4096xf32>
    %get3A_1645 = arith.constant 1088 : index
    %get3A_1646 = arith.constant 0 : index
    %get3A_1647 = vector.load %arg5[%get3A_1645, %get3A_1646] : memref<2048x1xf32, #tpu.memory_space<vmem>>, vector<8x1xf32>
    %add3A_1648 = vector.broadcast %get3A_1647 : vector<8x1xf32> to vector<8x4096xf32>
    %add3A_1649 = arith.addf %broadcast_in_dim3A_13, %add3A_1648 : vector<8x4096xf32>
    %sub3A_1650 = arith.subf %add3A_1649, %slice3A_1644 : vector<8x4096xf32>
    %lt3A_1651 = arith.cmpf olt, %sub3A_1650, %select_n3A_1640 : vector<8x4096xf32>
    %select_n3A_1652 = arith.select %lt3A_1651, %sub3A_1650, %select_n3A_1640 : vector<8x4096xi1>, vector<8x4096xf32>
    %jit3A_1653 = arith.constant 136 : i32
    %broadcast_in_dim3A_1654 = vector.broadcast %jit3A_1653 : i32 to vector<8x4096xi32>
    %select_n3A_1655 = arith.select %lt3A_1651, %broadcast_in_dim3A_1654, %select_n3A_1643 : vector<8x4096xi1>, vector<8x4096xi32>
    %slice3A_1656 = vector.extract_strided_slice %dot_general3A_9 {offsets = [1096, 0], sizes = [8, 4096], strides = [1, 1]} : vector<2048x4096xf32> to vector<8x4096xf32>
    %get3A_1657 = arith.constant 1096 : index
    %get3A_1658 = arith.constant 0 : index
    %get3A_1659 = vector.load %arg5[%get3A_1657, %get3A_1658] : memref<2048x1xf32, #tpu.memory_space<vmem>>, vector<8x1xf32>
    %add3A_1660 = vector.broadcast %get3A_1659 : vector<8x1xf32> to vector<8x4096xf32>
    %add3A_1661 = arith.addf %broadcast_in_dim3A_13, %add3A_1660 : vector<8x4096xf32>
    %sub3A_1662 = arith.subf %add3A_1661, %slice3A_1656 : vector<8x4096xf32>
    %lt3A_1663 = arith.cmpf olt, %sub3A_1662, %select_n3A_1652 : vector<8x4096xf32>
    %select_n3A_1664 = arith.select %lt3A_1663, %sub3A_1662, %select_n3A_1652 : vector<8x4096xi1>, vector<8x4096xf32>
    %jit3A_1665 = arith.constant 137 : i32
    %broadcast_in_dim3A_1666 = vector.broadcast %jit3A_1665 : i32 to vector<8x4096xi32>
    %select_n3A_1667 = arith.select %lt3A_1663, %broadcast_in_dim3A_1666, %select_n3A_1655 : vector<8x4096xi1>, vector<8x4096xi32>
    %slice3A_1668 = vector.extract_strided_slice %dot_general3A_9 {offsets = [1104, 0], sizes = [8, 4096], strides = [1, 1]} : vector<2048x4096xf32> to vector<8x4096xf32>
    %get3A_1669 = arith.constant 1104 : index
    %get3A_1670 = arith.constant 0 : index
    %get3A_1671 = vector.load %arg5[%get3A_1669, %get3A_1670] : memref<2048x1xf32, #tpu.memory_space<vmem>>, vector<8x1xf32>
    %add3A_1672 = vector.broadcast %get3A_1671 : vector<8x1xf32> to vector<8x4096xf32>
    %add3A_1673 = arith.addf %broadcast_in_dim3A_13, %add3A_1672 : vector<8x4096xf32>
    %sub3A_1674 = arith.subf %add3A_1673, %slice3A_1668 : vector<8x4096xf32>
    %lt3A_1675 = arith.cmpf olt, %sub3A_1674, %select_n3A_1664 : vector<8x4096xf32>
    %select_n3A_1676 = arith.select %lt3A_1675, %sub3A_1674, %select_n3A_1664 : vector<8x4096xi1>, vector<8x4096xf32>
    %jit3A_1677 = arith.constant 138 : i32
    %broadcast_in_dim3A_1678 = vector.broadcast %jit3A_1677 : i32 to vector<8x4096xi32>
    %select_n3A_1679 = arith.select %lt3A_1675, %broadcast_in_dim3A_1678, %select_n3A_1667 : vector<8x4096xi1>, vector<8x4096xi32>
    %slice3A_1680 = vector.extract_strided_slice %dot_general3A_9 {offsets = [1112, 0], sizes = [8, 4096], strides = [1, 1]} : vector<2048x4096xf32> to vector<8x4096xf32>
    %get3A_1681 = arith.constant 1112 : index
    %get3A_1682 = arith.constant 0 : index
    %get3A_1683 = vector.load %arg5[%get3A_1681, %get3A_1682] : memref<2048x1xf32, #tpu.memory_space<vmem>>, vector<8x1xf32>
    %add3A_1684 = vector.broadcast %get3A_1683 : vector<8x1xf32> to vector<8x4096xf32>
    %add3A_1685 = arith.addf %broadcast_in_dim3A_13, %add3A_1684 : vector<8x4096xf32>
    %sub3A_1686 = arith.subf %add3A_1685, %slice3A_1680 : vector<8x4096xf32>
    %lt3A_1687 = arith.cmpf olt, %sub3A_1686, %select_n3A_1676 : vector<8x4096xf32>
    %select_n3A_1688 = arith.select %lt3A_1687, %sub3A_1686, %select_n3A_1676 : vector<8x4096xi1>, vector<8x4096xf32>
    %jit3A_1689 = arith.constant 139 : i32
    %broadcast_in_dim3A_1690 = vector.broadcast %jit3A_1689 : i32 to vector<8x4096xi32>
    %select_n3A_1691 = arith.select %lt3A_1687, %broadcast_in_dim3A_1690, %select_n3A_1679 : vector<8x4096xi1>, vector<8x4096xi32>
    %slice3A_1692 = vector.extract_strided_slice %dot_general3A_9 {offsets = [1120, 0], sizes = [8, 4096], strides = [1, 1]} : vector<2048x4096xf32> to vector<8x4096xf32>
    %get3A_1693 = arith.constant 1120 : index
    %get3A_1694 = arith.constant 0 : index
    %get3A_1695 = vector.load %arg5[%get3A_1693, %get3A_1694] : memref<2048x1xf32, #tpu.memory_space<vmem>>, vector<8x1xf32>
    %add3A_1696 = vector.broadcast %get3A_1695 : vector<8x1xf32> to vector<8x4096xf32>
    %add3A_1697 = arith.addf %broadcast_in_dim3A_13, %add3A_1696 : vector<8x4096xf32>
    %sub3A_1698 = arith.subf %add3A_1697, %slice3A_1692 : vector<8x4096xf32>
    %lt3A_1699 = arith.cmpf olt, %sub3A_1698, %select_n3A_1688 : vector<8x4096xf32>
    %select_n3A_1700 = arith.select %lt3A_1699, %sub3A_1698, %select_n3A_1688 : vector<8x4096xi1>, vector<8x4096xf32>
    %jit3A_1701 = arith.constant 140 : i32
    %broadcast_in_dim3A_1702 = vector.broadcast %jit3A_1701 : i32 to vector<8x4096xi32>
    %select_n3A_1703 = arith.select %lt3A_1699, %broadcast_in_dim3A_1702, %select_n3A_1691 : vector<8x4096xi1>, vector<8x4096xi32>
    %slice3A_1704 = vector.extract_strided_slice %dot_general3A_9 {offsets = [1128, 0], sizes = [8, 4096], strides = [1, 1]} : vector<2048x4096xf32> to vector<8x4096xf32>
    %get3A_1705 = arith.constant 1128 : index
    %get3A_1706 = arith.constant 0 : index
    %get3A_1707 = vector.load %arg5[%get3A_1705, %get3A_1706] : memref<2048x1xf32, #tpu.memory_space<vmem>>, vector<8x1xf32>
    %add3A_1708 = vector.broadcast %get3A_1707 : vector<8x1xf32> to vector<8x4096xf32>
    %add3A_1709 = arith.addf %broadcast_in_dim3A_13, %add3A_1708 : vector<8x4096xf32>
    %sub3A_1710 = arith.subf %add3A_1709, %slice3A_1704 : vector<8x4096xf32>
    %lt3A_1711 = arith.cmpf olt, %sub3A_1710, %select_n3A_1700 : vector<8x4096xf32>
    %select_n3A_1712 = arith.select %lt3A_1711, %sub3A_1710, %select_n3A_1700 : vector<8x4096xi1>, vector<8x4096xf32>
    %jit3A_1713 = arith.constant 141 : i32
    %broadcast_in_dim3A_1714 = vector.broadcast %jit3A_1713 : i32 to vector<8x4096xi32>
    %select_n3A_1715 = arith.select %lt3A_1711, %broadcast_in_dim3A_1714, %select_n3A_1703 : vector<8x4096xi1>, vector<8x4096xi32>
    %slice3A_1716 = vector.extract_strided_slice %dot_general3A_9 {offsets = [1136, 0], sizes = [8, 4096], strides = [1, 1]} : vector<2048x4096xf32> to vector<8x4096xf32>
    %get3A_1717 = arith.constant 1136 : index
    %get3A_1718 = arith.constant 0 : index
    %get3A_1719 = vector.load %arg5[%get3A_1717, %get3A_1718] : memref<2048x1xf32, #tpu.memory_space<vmem>>, vector<8x1xf32>
    %add3A_1720 = vector.broadcast %get3A_1719 : vector<8x1xf32> to vector<8x4096xf32>
    %add3A_1721 = arith.addf %broadcast_in_dim3A_13, %add3A_1720 : vector<8x4096xf32>
    %sub3A_1722 = arith.subf %add3A_1721, %slice3A_1716 : vector<8x4096xf32>
    %lt3A_1723 = arith.cmpf olt, %sub3A_1722, %select_n3A_1712 : vector<8x4096xf32>
    %select_n3A_1724 = arith.select %lt3A_1723, %sub3A_1722, %select_n3A_1712 : vector<8x4096xi1>, vector<8x4096xf32>
    %jit3A_1725 = arith.constant 142 : i32
    %broadcast_in_dim3A_1726 = vector.broadcast %jit3A_1725 : i32 to vector<8x4096xi32>
    %select_n3A_1727 = arith.select %lt3A_1723, %broadcast_in_dim3A_1726, %select_n3A_1715 : vector<8x4096xi1>, vector<8x4096xi32>
    %slice3A_1728 = vector.extract_strided_slice %dot_general3A_9 {offsets = [1144, 0], sizes = [8, 4096], strides = [1, 1]} : vector<2048x4096xf32> to vector<8x4096xf32>
    %get3A_1729 = arith.constant 1144 : index
    %get3A_1730 = arith.constant 0 : index
    %get3A_1731 = vector.load %arg5[%get3A_1729, %get3A_1730] : memref<2048x1xf32, #tpu.memory_space<vmem>>, vector<8x1xf32>
    %add3A_1732 = vector.broadcast %get3A_1731 : vector<8x1xf32> to vector<8x4096xf32>
    %add3A_1733 = arith.addf %broadcast_in_dim3A_13, %add3A_1732 : vector<8x4096xf32>
    %sub3A_1734 = arith.subf %add3A_1733, %slice3A_1728 : vector<8x4096xf32>
    %lt3A_1735 = arith.cmpf olt, %sub3A_1734, %select_n3A_1724 : vector<8x4096xf32>
    %select_n3A_1736 = arith.select %lt3A_1735, %sub3A_1734, %select_n3A_1724 : vector<8x4096xi1>, vector<8x4096xf32>
    %jit3A_1737 = arith.constant 143 : i32
    %broadcast_in_dim3A_1738 = vector.broadcast %jit3A_1737 : i32 to vector<8x4096xi32>
    %select_n3A_1739 = arith.select %lt3A_1735, %broadcast_in_dim3A_1738, %select_n3A_1727 : vector<8x4096xi1>, vector<8x4096xi32>
    %slice3A_1740 = vector.extract_strided_slice %dot_general3A_9 {offsets = [1152, 0], sizes = [8, 4096], strides = [1, 1]} : vector<2048x4096xf32> to vector<8x4096xf32>
    %get3A_1741 = arith.constant 1152 : index
    %get3A_1742 = arith.constant 0 : index
    %get3A_1743 = vector.load %arg5[%get3A_1741, %get3A_1742] : memref<2048x1xf32, #tpu.memory_space<vmem>>, vector<8x1xf32>
    %add3A_1744 = vector.broadcast %get3A_1743 : vector<8x1xf32> to vector<8x4096xf32>
    %add3A_1745 = arith.addf %broadcast_in_dim3A_13, %add3A_1744 : vector<8x4096xf32>
    %sub3A_1746 = arith.subf %add3A_1745, %slice3A_1740 : vector<8x4096xf32>
    %lt3A_1747 = arith.cmpf olt, %sub3A_1746, %select_n3A_1736 : vector<8x4096xf32>
    %select_n3A_1748 = arith.select %lt3A_1747, %sub3A_1746, %select_n3A_1736 : vector<8x4096xi1>, vector<8x4096xf32>
    %jit3A_1749 = arith.constant 144 : i32
    %broadcast_in_dim3A_1750 = vector.broadcast %jit3A_1749 : i32 to vector<8x4096xi32>
    %select_n3A_1751 = arith.select %lt3A_1747, %broadcast_in_dim3A_1750, %select_n3A_1739 : vector<8x4096xi1>, vector<8x4096xi32>
    %slice3A_1752 = vector.extract_strided_slice %dot_general3A_9 {offsets = [1160, 0], sizes = [8, 4096], strides = [1, 1]} : vector<2048x4096xf32> to vector<8x4096xf32>
    %get3A_1753 = arith.constant 1160 : index
    %get3A_1754 = arith.constant 0 : index
    %get3A_1755 = vector.load %arg5[%get3A_1753, %get3A_1754] : memref<2048x1xf32, #tpu.memory_space<vmem>>, vector<8x1xf32>
    %add3A_1756 = vector.broadcast %get3A_1755 : vector<8x1xf32> to vector<8x4096xf32>
    %add3A_1757 = arith.addf %broadcast_in_dim3A_13, %add3A_1756 : vector<8x4096xf32>
    %sub3A_1758 = arith.subf %add3A_1757, %slice3A_1752 : vector<8x4096xf32>
    %lt3A_1759 = arith.cmpf olt, %sub3A_1758, %select_n3A_1748 : vector<8x4096xf32>
    %select_n3A_1760 = arith.select %lt3A_1759, %sub3A_1758, %select_n3A_1748 : vector<8x4096xi1>, vector<8x4096xf32>
    %jit3A_1761 = arith.constant 145 : i32
    %broadcast_in_dim3A_1762 = vector.broadcast %jit3A_1761 : i32 to vector<8x4096xi32>
    %select_n3A_1763 = arith.select %lt3A_1759, %broadcast_in_dim3A_1762, %select_n3A_1751 : vector<8x4096xi1>, vector<8x4096xi32>
    %slice3A_1764 = vector.extract_strided_slice %dot_general3A_9 {offsets = [1168, 0], sizes = [8, 4096], strides = [1, 1]} : vector<2048x4096xf32> to vector<8x4096xf32>
    %get3A_1765 = arith.constant 1168 : index
    %get3A_1766 = arith.constant 0 : index
    %get3A_1767 = vector.load %arg5[%get3A_1765, %get3A_1766] : memref<2048x1xf32, #tpu.memory_space<vmem>>, vector<8x1xf32>
    %add3A_1768 = vector.broadcast %get3A_1767 : vector<8x1xf32> to vector<8x4096xf32>
    %add3A_1769 = arith.addf %broadcast_in_dim3A_13, %add3A_1768 : vector<8x4096xf32>
    %sub3A_1770 = arith.subf %add3A_1769, %slice3A_1764 : vector<8x4096xf32>
    %lt3A_1771 = arith.cmpf olt, %sub3A_1770, %select_n3A_1760 : vector<8x4096xf32>
    %select_n3A_1772 = arith.select %lt3A_1771, %sub3A_1770, %select_n3A_1760 : vector<8x4096xi1>, vector<8x4096xf32>
    %jit3A_1773 = arith.constant 146 : i32
    %broadcast_in_dim3A_1774 = vector.broadcast %jit3A_1773 : i32 to vector<8x4096xi32>
    %select_n3A_1775 = arith.select %lt3A_1771, %broadcast_in_dim3A_1774, %select_n3A_1763 : vector<8x4096xi1>, vector<8x4096xi32>
    %slice3A_1776 = vector.extract_strided_slice %dot_general3A_9 {offsets = [1176, 0], sizes = [8, 4096], strides = [1, 1]} : vector<2048x4096xf32> to vector<8x4096xf32>
    %get3A_1777 = arith.constant 1176 : index
    %get3A_1778 = arith.constant 0 : index
    %get3A_1779 = vector.load %arg5[%get3A_1777, %get3A_1778] : memref<2048x1xf32, #tpu.memory_space<vmem>>, vector<8x1xf32>
    %add3A_1780 = vector.broadcast %get3A_1779 : vector<8x1xf32> to vector<8x4096xf32>
    %add3A_1781 = arith.addf %broadcast_in_dim3A_13, %add3A_1780 : vector<8x4096xf32>
    %sub3A_1782 = arith.subf %add3A_1781, %slice3A_1776 : vector<8x4096xf32>
    %lt3A_1783 = arith.cmpf olt, %sub3A_1782, %select_n3A_1772 : vector<8x4096xf32>
    %select_n3A_1784 = arith.select %lt3A_1783, %sub3A_1782, %select_n3A_1772 : vector<8x4096xi1>, vector<8x4096xf32>
    %jit3A_1785 = arith.constant 147 : i32
    %broadcast_in_dim3A_1786 = vector.broadcast %jit3A_1785 : i32 to vector<8x4096xi32>
    %select_n3A_1787 = arith.select %lt3A_1783, %broadcast_in_dim3A_1786, %select_n3A_1775 : vector<8x4096xi1>, vector<8x4096xi32>
    %slice3A_1788 = vector.extract_strided_slice %dot_general3A_9 {offsets = [1184, 0], sizes = [8, 4096], strides = [1, 1]} : vector<2048x4096xf32> to vector<8x4096xf32>
    %get3A_1789 = arith.constant 1184 : index
    %get3A_1790 = arith.constant 0 : index
    %get3A_1791 = vector.load %arg5[%get3A_1789, %get3A_1790] : memref<2048x1xf32, #tpu.memory_space<vmem>>, vector<8x1xf32>
    %add3A_1792 = vector.broadcast %get3A_1791 : vector<8x1xf32> to vector<8x4096xf32>
    %add3A_1793 = arith.addf %broadcast_in_dim3A_13, %add3A_1792 : vector<8x4096xf32>
    %sub3A_1794 = arith.subf %add3A_1793, %slice3A_1788 : vector<8x4096xf32>
    %lt3A_1795 = arith.cmpf olt, %sub3A_1794, %select_n3A_1784 : vector<8x4096xf32>
    %select_n3A_1796 = arith.select %lt3A_1795, %sub3A_1794, %select_n3A_1784 : vector<8x4096xi1>, vector<8x4096xf32>
    %jit3A_1797 = arith.constant 148 : i32
    %broadcast_in_dim3A_1798 = vector.broadcast %jit3A_1797 : i32 to vector<8x4096xi32>
    %select_n3A_1799 = arith.select %lt3A_1795, %broadcast_in_dim3A_1798, %select_n3A_1787 : vector<8x4096xi1>, vector<8x4096xi32>
    %slice3A_1800 = vector.extract_strided_slice %dot_general3A_9 {offsets = [1192, 0], sizes = [8, 4096], strides = [1, 1]} : vector<2048x4096xf32> to vector<8x4096xf32>
    %get3A_1801 = arith.constant 1192 : index
    %get3A_1802 = arith.constant 0 : index
    %get3A_1803 = vector.load %arg5[%get3A_1801, %get3A_1802] : memref<2048x1xf32, #tpu.memory_space<vmem>>, vector<8x1xf32>
    %add3A_1804 = vector.broadcast %get3A_1803 : vector<8x1xf32> to vector<8x4096xf32>
    %add3A_1805 = arith.addf %broadcast_in_dim3A_13, %add3A_1804 : vector<8x4096xf32>
    %sub3A_1806 = arith.subf %add3A_1805, %slice3A_1800 : vector<8x4096xf32>
    %lt3A_1807 = arith.cmpf olt, %sub3A_1806, %select_n3A_1796 : vector<8x4096xf32>
    %select_n3A_1808 = arith.select %lt3A_1807, %sub3A_1806, %select_n3A_1796 : vector<8x4096xi1>, vector<8x4096xf32>
    %jit3A_1809 = arith.constant 149 : i32
    %broadcast_in_dim3A_1810 = vector.broadcast %jit3A_1809 : i32 to vector<8x4096xi32>
    %select_n3A_1811 = arith.select %lt3A_1807, %broadcast_in_dim3A_1810, %select_n3A_1799 : vector<8x4096xi1>, vector<8x4096xi32>
    %slice3A_1812 = vector.extract_strided_slice %dot_general3A_9 {offsets = [1200, 0], sizes = [8, 4096], strides = [1, 1]} : vector<2048x4096xf32> to vector<8x4096xf32>
    %get3A_1813 = arith.constant 1200 : index
    %get3A_1814 = arith.constant 0 : index
    %get3A_1815 = vector.load %arg5[%get3A_1813, %get3A_1814] : memref<2048x1xf32, #tpu.memory_space<vmem>>, vector<8x1xf32>
    %add3A_1816 = vector.broadcast %get3A_1815 : vector<8x1xf32> to vector<8x4096xf32>
    %add3A_1817 = arith.addf %broadcast_in_dim3A_13, %add3A_1816 : vector<8x4096xf32>
    %sub3A_1818 = arith.subf %add3A_1817, %slice3A_1812 : vector<8x4096xf32>
    %lt3A_1819 = arith.cmpf olt, %sub3A_1818, %select_n3A_1808 : vector<8x4096xf32>
    %select_n3A_1820 = arith.select %lt3A_1819, %sub3A_1818, %select_n3A_1808 : vector<8x4096xi1>, vector<8x4096xf32>
    %jit3A_1821 = arith.constant 150 : i32
    %broadcast_in_dim3A_1822 = vector.broadcast %jit3A_1821 : i32 to vector<8x4096xi32>
    %select_n3A_1823 = arith.select %lt3A_1819, %broadcast_in_dim3A_1822, %select_n3A_1811 : vector<8x4096xi1>, vector<8x4096xi32>
    %slice3A_1824 = vector.extract_strided_slice %dot_general3A_9 {offsets = [1208, 0], sizes = [8, 4096], strides = [1, 1]} : vector<2048x4096xf32> to vector<8x4096xf32>
    %get3A_1825 = arith.constant 1208 : index
    %get3A_1826 = arith.constant 0 : index
    %get3A_1827 = vector.load %arg5[%get3A_1825, %get3A_1826] : memref<2048x1xf32, #tpu.memory_space<vmem>>, vector<8x1xf32>
    %add3A_1828 = vector.broadcast %get3A_1827 : vector<8x1xf32> to vector<8x4096xf32>
    %add3A_1829 = arith.addf %broadcast_in_dim3A_13, %add3A_1828 : vector<8x4096xf32>
    %sub3A_1830 = arith.subf %add3A_1829, %slice3A_1824 : vector<8x4096xf32>
    %lt3A_1831 = arith.cmpf olt, %sub3A_1830, %select_n3A_1820 : vector<8x4096xf32>
    %select_n3A_1832 = arith.select %lt3A_1831, %sub3A_1830, %select_n3A_1820 : vector<8x4096xi1>, vector<8x4096xf32>
    %jit3A_1833 = arith.constant 151 : i32
    %broadcast_in_dim3A_1834 = vector.broadcast %jit3A_1833 : i32 to vector<8x4096xi32>
    %select_n3A_1835 = arith.select %lt3A_1831, %broadcast_in_dim3A_1834, %select_n3A_1823 : vector<8x4096xi1>, vector<8x4096xi32>
    %slice3A_1836 = vector.extract_strided_slice %dot_general3A_9 {offsets = [1216, 0], sizes = [8, 4096], strides = [1, 1]} : vector<2048x4096xf32> to vector<8x4096xf32>
    %get3A_1837 = arith.constant 1216 : index
    %get3A_1838 = arith.constant 0 : index
    %get3A_1839 = vector.load %arg5[%get3A_1837, %get3A_1838] : memref<2048x1xf32, #tpu.memory_space<vmem>>, vector<8x1xf32>
    %add3A_1840 = vector.broadcast %get3A_1839 : vector<8x1xf32> to vector<8x4096xf32>
    %add3A_1841 = arith.addf %broadcast_in_dim3A_13, %add3A_1840 : vector<8x4096xf32>
    %sub3A_1842 = arith.subf %add3A_1841, %slice3A_1836 : vector<8x4096xf32>
    %lt3A_1843 = arith.cmpf olt, %sub3A_1842, %select_n3A_1832 : vector<8x4096xf32>
    %select_n3A_1844 = arith.select %lt3A_1843, %sub3A_1842, %select_n3A_1832 : vector<8x4096xi1>, vector<8x4096xf32>
    %jit3A_1845 = arith.constant 152 : i32
    %broadcast_in_dim3A_1846 = vector.broadcast %jit3A_1845 : i32 to vector<8x4096xi32>
    %select_n3A_1847 = arith.select %lt3A_1843, %broadcast_in_dim3A_1846, %select_n3A_1835 : vector<8x4096xi1>, vector<8x4096xi32>
    %slice3A_1848 = vector.extract_strided_slice %dot_general3A_9 {offsets = [1224, 0], sizes = [8, 4096], strides = [1, 1]} : vector<2048x4096xf32> to vector<8x4096xf32>
    %get3A_1849 = arith.constant 1224 : index
    %get3A_1850 = arith.constant 0 : index
    %get3A_1851 = vector.load %arg5[%get3A_1849, %get3A_1850] : memref<2048x1xf32, #tpu.memory_space<vmem>>, vector<8x1xf32>
    %add3A_1852 = vector.broadcast %get3A_1851 : vector<8x1xf32> to vector<8x4096xf32>
    %add3A_1853 = arith.addf %broadcast_in_dim3A_13, %add3A_1852 : vector<8x4096xf32>
    %sub3A_1854 = arith.subf %add3A_1853, %slice3A_1848 : vector<8x4096xf32>
    %lt3A_1855 = arith.cmpf olt, %sub3A_1854, %select_n3A_1844 : vector<8x4096xf32>
    %select_n3A_1856 = arith.select %lt3A_1855, %sub3A_1854, %select_n3A_1844 : vector<8x4096xi1>, vector<8x4096xf32>
    %jit3A_1857 = arith.constant 153 : i32
    %broadcast_in_dim3A_1858 = vector.broadcast %jit3A_1857 : i32 to vector<8x4096xi32>
    %select_n3A_1859 = arith.select %lt3A_1855, %broadcast_in_dim3A_1858, %select_n3A_1847 : vector<8x4096xi1>, vector<8x4096xi32>
    %slice3A_1860 = vector.extract_strided_slice %dot_general3A_9 {offsets = [1232, 0], sizes = [8, 4096], strides = [1, 1]} : vector<2048x4096xf32> to vector<8x4096xf32>
    %get3A_1861 = arith.constant 1232 : index
    %get3A_1862 = arith.constant 0 : index
    %get3A_1863 = vector.load %arg5[%get3A_1861, %get3A_1862] : memref<2048x1xf32, #tpu.memory_space<vmem>>, vector<8x1xf32>
    %add3A_1864 = vector.broadcast %get3A_1863 : vector<8x1xf32> to vector<8x4096xf32>
    %add3A_1865 = arith.addf %broadcast_in_dim3A_13, %add3A_1864 : vector<8x4096xf32>
    %sub3A_1866 = arith.subf %add3A_1865, %slice3A_1860 : vector<8x4096xf32>
    %lt3A_1867 = arith.cmpf olt, %sub3A_1866, %select_n3A_1856 : vector<8x4096xf32>
    %select_n3A_1868 = arith.select %lt3A_1867, %sub3A_1866, %select_n3A_1856 : vector<8x4096xi1>, vector<8x4096xf32>
    %jit3A_1869 = arith.constant 154 : i32
    %broadcast_in_dim3A_1870 = vector.broadcast %jit3A_1869 : i32 to vector<8x4096xi32>
    %select_n3A_1871 = arith.select %lt3A_1867, %broadcast_in_dim3A_1870, %select_n3A_1859 : vector<8x4096xi1>, vector<8x4096xi32>
    %slice3A_1872 = vector.extract_strided_slice %dot_general3A_9 {offsets = [1240, 0], sizes = [8, 4096], strides = [1, 1]} : vector<2048x4096xf32> to vector<8x4096xf32>
    %get3A_1873 = arith.constant 1240 : index
    %get3A_1874 = arith.constant 0 : index
    %get3A_1875 = vector.load %arg5[%get3A_1873, %get3A_1874] : memref<2048x1xf32, #tpu.memory_space<vmem>>, vector<8x1xf32>
    %add3A_1876 = vector.broadcast %get3A_1875 : vector<8x1xf32> to vector<8x4096xf32>
    %add3A_1877 = arith.addf %broadcast_in_dim3A_13, %add3A_1876 : vector<8x4096xf32>
    %sub3A_1878 = arith.subf %add3A_1877, %slice3A_1872 : vector<8x4096xf32>
    %lt3A_1879 = arith.cmpf olt, %sub3A_1878, %select_n3A_1868 : vector<8x4096xf32>
    %select_n3A_1880 = arith.select %lt3A_1879, %sub3A_1878, %select_n3A_1868 : vector<8x4096xi1>, vector<8x4096xf32>
    %jit3A_1881 = arith.constant 155 : i32
    %broadcast_in_dim3A_1882 = vector.broadcast %jit3A_1881 : i32 to vector<8x4096xi32>
    %select_n3A_1883 = arith.select %lt3A_1879, %broadcast_in_dim3A_1882, %select_n3A_1871 : vector<8x4096xi1>, vector<8x4096xi32>
    %slice3A_1884 = vector.extract_strided_slice %dot_general3A_9 {offsets = [1248, 0], sizes = [8, 4096], strides = [1, 1]} : vector<2048x4096xf32> to vector<8x4096xf32>
    %get3A_1885 = arith.constant 1248 : index
    %get3A_1886 = arith.constant 0 : index
    %get3A_1887 = vector.load %arg5[%get3A_1885, %get3A_1886] : memref<2048x1xf32, #tpu.memory_space<vmem>>, vector<8x1xf32>
    %add3A_1888 = vector.broadcast %get3A_1887 : vector<8x1xf32> to vector<8x4096xf32>
    %add3A_1889 = arith.addf %broadcast_in_dim3A_13, %add3A_1888 : vector<8x4096xf32>
    %sub3A_1890 = arith.subf %add3A_1889, %slice3A_1884 : vector<8x4096xf32>
    %lt3A_1891 = arith.cmpf olt, %sub3A_1890, %select_n3A_1880 : vector<8x4096xf32>
    %select_n3A_1892 = arith.select %lt3A_1891, %sub3A_1890, %select_n3A_1880 : vector<8x4096xi1>, vector<8x4096xf32>
    %jit3A_1893 = arith.constant 156 : i32
    %broadcast_in_dim3A_1894 = vector.broadcast %jit3A_1893 : i32 to vector<8x4096xi32>
    %select_n3A_1895 = arith.select %lt3A_1891, %broadcast_in_dim3A_1894, %select_n3A_1883 : vector<8x4096xi1>, vector<8x4096xi32>
    %slice3A_1896 = vector.extract_strided_slice %dot_general3A_9 {offsets = [1256, 0], sizes = [8, 4096], strides = [1, 1]} : vector<2048x4096xf32> to vector<8x4096xf32>
    %get3A_1897 = arith.constant 1256 : index
    %get3A_1898 = arith.constant 0 : index
    %get3A_1899 = vector.load %arg5[%get3A_1897, %get3A_1898] : memref<2048x1xf32, #tpu.memory_space<vmem>>, vector<8x1xf32>
    %add3A_1900 = vector.broadcast %get3A_1899 : vector<8x1xf32> to vector<8x4096xf32>
    %add3A_1901 = arith.addf %broadcast_in_dim3A_13, %add3A_1900 : vector<8x4096xf32>
    %sub3A_1902 = arith.subf %add3A_1901, %slice3A_1896 : vector<8x4096xf32>
    %lt3A_1903 = arith.cmpf olt, %sub3A_1902, %select_n3A_1892 : vector<8x4096xf32>
    %select_n3A_1904 = arith.select %lt3A_1903, %sub3A_1902, %select_n3A_1892 : vector<8x4096xi1>, vector<8x4096xf32>
    %jit3A_1905 = arith.constant 157 : i32
    %broadcast_in_dim3A_1906 = vector.broadcast %jit3A_1905 : i32 to vector<8x4096xi32>
    %select_n3A_1907 = arith.select %lt3A_1903, %broadcast_in_dim3A_1906, %select_n3A_1895 : vector<8x4096xi1>, vector<8x4096xi32>
    %slice3A_1908 = vector.extract_strided_slice %dot_general3A_9 {offsets = [1264, 0], sizes = [8, 4096], strides = [1, 1]} : vector<2048x4096xf32> to vector<8x4096xf32>
    %get3A_1909 = arith.constant 1264 : index
    %get3A_1910 = arith.constant 0 : index
    %get3A_1911 = vector.load %arg5[%get3A_1909, %get3A_1910] : memref<2048x1xf32, #tpu.memory_space<vmem>>, vector<8x1xf32>
    %add3A_1912 = vector.broadcast %get3A_1911 : vector<8x1xf32> to vector<8x4096xf32>
    %add3A_1913 = arith.addf %broadcast_in_dim3A_13, %add3A_1912 : vector<8x4096xf32>
    %sub3A_1914 = arith.subf %add3A_1913, %slice3A_1908 : vector<8x4096xf32>
    %lt3A_1915 = arith.cmpf olt, %sub3A_1914, %select_n3A_1904 : vector<8x4096xf32>
    %select_n3A_1916 = arith.select %lt3A_1915, %sub3A_1914, %select_n3A_1904 : vector<8x4096xi1>, vector<8x4096xf32>
    %jit3A_1917 = arith.constant 158 : i32
    %broadcast_in_dim3A_1918 = vector.broadcast %jit3A_1917 : i32 to vector<8x4096xi32>
    %select_n3A_1919 = arith.select %lt3A_1915, %broadcast_in_dim3A_1918, %select_n3A_1907 : vector<8x4096xi1>, vector<8x4096xi32>
    %slice3A_1920 = vector.extract_strided_slice %dot_general3A_9 {offsets = [1272, 0], sizes = [8, 4096], strides = [1, 1]} : vector<2048x4096xf32> to vector<8x4096xf32>
    %get3A_1921 = arith.constant 1272 : index
    %get3A_1922 = arith.constant 0 : index
    %get3A_1923 = vector.load %arg5[%get3A_1921, %get3A_1922] : memref<2048x1xf32, #tpu.memory_space<vmem>>, vector<8x1xf32>
    %add3A_1924 = vector.broadcast %get3A_1923 : vector<8x1xf32> to vector<8x4096xf32>
    %add3A_1925 = arith.addf %broadcast_in_dim3A_13, %add3A_1924 : vector<8x4096xf32>
    %sub3A_1926 = arith.subf %add3A_1925, %slice3A_1920 : vector<8x4096xf32>
    %lt3A_1927 = arith.cmpf olt, %sub3A_1926, %select_n3A_1916 : vector<8x4096xf32>
    %select_n3A_1928 = arith.select %lt3A_1927, %sub3A_1926, %select_n3A_1916 : vector<8x4096xi1>, vector<8x4096xf32>
    %jit3A_1929 = arith.constant 159 : i32
    %broadcast_in_dim3A_1930 = vector.broadcast %jit3A_1929 : i32 to vector<8x4096xi32>
    %select_n3A_1931 = arith.select %lt3A_1927, %broadcast_in_dim3A_1930, %select_n3A_1919 : vector<8x4096xi1>, vector<8x4096xi32>
    %slice3A_1932 = vector.extract_strided_slice %dot_general3A_9 {offsets = [1280, 0], sizes = [8, 4096], strides = [1, 1]} : vector<2048x4096xf32> to vector<8x4096xf32>
    %get3A_1933 = arith.constant 1280 : index
    %get3A_1934 = arith.constant 0 : index
    %get3A_1935 = vector.load %arg5[%get3A_1933, %get3A_1934] : memref<2048x1xf32, #tpu.memory_space<vmem>>, vector<8x1xf32>
    %add3A_1936 = vector.broadcast %get3A_1935 : vector<8x1xf32> to vector<8x4096xf32>
    %add3A_1937 = arith.addf %broadcast_in_dim3A_13, %add3A_1936 : vector<8x4096xf32>
    %sub3A_1938 = arith.subf %add3A_1937, %slice3A_1932 : vector<8x4096xf32>
    %lt3A_1939 = arith.cmpf olt, %sub3A_1938, %select_n3A_1928 : vector<8x4096xf32>
    %select_n3A_1940 = arith.select %lt3A_1939, %sub3A_1938, %select_n3A_1928 : vector<8x4096xi1>, vector<8x4096xf32>
    %jit3A_1941 = arith.constant 160 : i32
    %broadcast_in_dim3A_1942 = vector.broadcast %jit3A_1941 : i32 to vector<8x4096xi32>
    %select_n3A_1943 = arith.select %lt3A_1939, %broadcast_in_dim3A_1942, %select_n3A_1931 : vector<8x4096xi1>, vector<8x4096xi32>
    %slice3A_1944 = vector.extract_strided_slice %dot_general3A_9 {offsets = [1288, 0], sizes = [8, 4096], strides = [1, 1]} : vector<2048x4096xf32> to vector<8x4096xf32>
    %get3A_1945 = arith.constant 1288 : index
    %get3A_1946 = arith.constant 0 : index
    %get3A_1947 = vector.load %arg5[%get3A_1945, %get3A_1946] : memref<2048x1xf32, #tpu.memory_space<vmem>>, vector<8x1xf32>
    %add3A_1948 = vector.broadcast %get3A_1947 : vector<8x1xf32> to vector<8x4096xf32>
    %add3A_1949 = arith.addf %broadcast_in_dim3A_13, %add3A_1948 : vector<8x4096xf32>
    %sub3A_1950 = arith.subf %add3A_1949, %slice3A_1944 : vector<8x4096xf32>
    %lt3A_1951 = arith.cmpf olt, %sub3A_1950, %select_n3A_1940 : vector<8x4096xf32>
    %select_n3A_1952 = arith.select %lt3A_1951, %sub3A_1950, %select_n3A_1940 : vector<8x4096xi1>, vector<8x4096xf32>
    %jit3A_1953 = arith.constant 161 : i32
    %broadcast_in_dim3A_1954 = vector.broadcast %jit3A_1953 : i32 to vector<8x4096xi32>
    %select_n3A_1955 = arith.select %lt3A_1951, %broadcast_in_dim3A_1954, %select_n3A_1943 : vector<8x4096xi1>, vector<8x4096xi32>
    %slice3A_1956 = vector.extract_strided_slice %dot_general3A_9 {offsets = [1296, 0], sizes = [8, 4096], strides = [1, 1]} : vector<2048x4096xf32> to vector<8x4096xf32>
    %get3A_1957 = arith.constant 1296 : index
    %get3A_1958 = arith.constant 0 : index
    %get3A_1959 = vector.load %arg5[%get3A_1957, %get3A_1958] : memref<2048x1xf32, #tpu.memory_space<vmem>>, vector<8x1xf32>
    %add3A_1960 = vector.broadcast %get3A_1959 : vector<8x1xf32> to vector<8x4096xf32>
    %add3A_1961 = arith.addf %broadcast_in_dim3A_13, %add3A_1960 : vector<8x4096xf32>
    %sub3A_1962 = arith.subf %add3A_1961, %slice3A_1956 : vector<8x4096xf32>
    %lt3A_1963 = arith.cmpf olt, %sub3A_1962, %select_n3A_1952 : vector<8x4096xf32>
    %select_n3A_1964 = arith.select %lt3A_1963, %sub3A_1962, %select_n3A_1952 : vector<8x4096xi1>, vector<8x4096xf32>
    %jit3A_1965 = arith.constant 162 : i32
    %broadcast_in_dim3A_1966 = vector.broadcast %jit3A_1965 : i32 to vector<8x4096xi32>
    %select_n3A_1967 = arith.select %lt3A_1963, %broadcast_in_dim3A_1966, %select_n3A_1955 : vector<8x4096xi1>, vector<8x4096xi32>
    %slice3A_1968 = vector.extract_strided_slice %dot_general3A_9 {offsets = [1304, 0], sizes = [8, 4096], strides = [1, 1]} : vector<2048x4096xf32> to vector<8x4096xf32>
    %get3A_1969 = arith.constant 1304 : index
    %get3A_1970 = arith.constant 0 : index
    %get3A_1971 = vector.load %arg5[%get3A_1969, %get3A_1970] : memref<2048x1xf32, #tpu.memory_space<vmem>>, vector<8x1xf32>
    %add3A_1972 = vector.broadcast %get3A_1971 : vector<8x1xf32> to vector<8x4096xf32>
    %add3A_1973 = arith.addf %broadcast_in_dim3A_13, %add3A_1972 : vector<8x4096xf32>
    %sub3A_1974 = arith.subf %add3A_1973, %slice3A_1968 : vector<8x4096xf32>
    %lt3A_1975 = arith.cmpf olt, %sub3A_1974, %select_n3A_1964 : vector<8x4096xf32>
    %select_n3A_1976 = arith.select %lt3A_1975, %sub3A_1974, %select_n3A_1964 : vector<8x4096xi1>, vector<8x4096xf32>
    %jit3A_1977 = arith.constant 163 : i32
    %broadcast_in_dim3A_1978 = vector.broadcast %jit3A_1977 : i32 to vector<8x4096xi32>
    %select_n3A_1979 = arith.select %lt3A_1975, %broadcast_in_dim3A_1978, %select_n3A_1967 : vector<8x4096xi1>, vector<8x4096xi32>
    %slice3A_1980 = vector.extract_strided_slice %dot_general3A_9 {offsets = [1312, 0], sizes = [8, 4096], strides = [1, 1]} : vector<2048x4096xf32> to vector<8x4096xf32>
    %get3A_1981 = arith.constant 1312 : index
    %get3A_1982 = arith.constant 0 : index
    %get3A_1983 = vector.load %arg5[%get3A_1981, %get3A_1982] : memref<2048x1xf32, #tpu.memory_space<vmem>>, vector<8x1xf32>
    %add3A_1984 = vector.broadcast %get3A_1983 : vector<8x1xf32> to vector<8x4096xf32>
    %add3A_1985 = arith.addf %broadcast_in_dim3A_13, %add3A_1984 : vector<8x4096xf32>
    %sub3A_1986 = arith.subf %add3A_1985, %slice3A_1980 : vector<8x4096xf32>
    %lt3A_1987 = arith.cmpf olt, %sub3A_1986, %select_n3A_1976 : vector<8x4096xf32>
    %select_n3A_1988 = arith.select %lt3A_1987, %sub3A_1986, %select_n3A_1976 : vector<8x4096xi1>, vector<8x4096xf32>
    %jit3A_1989 = arith.constant 164 : i32
    %broadcast_in_dim3A_1990 = vector.broadcast %jit3A_1989 : i32 to vector<8x4096xi32>
    %select_n3A_1991 = arith.select %lt3A_1987, %broadcast_in_dim3A_1990, %select_n3A_1979 : vector<8x4096xi1>, vector<8x4096xi32>
    %slice3A_1992 = vector.extract_strided_slice %dot_general3A_9 {offsets = [1320, 0], sizes = [8, 4096], strides = [1, 1]} : vector<2048x4096xf32> to vector<8x4096xf32>
    %get3A_1993 = arith.constant 1320 : index
    %get3A_1994 = arith.constant 0 : index
    %get3A_1995 = vector.load %arg5[%get3A_1993, %get3A_1994] : memref<2048x1xf32, #tpu.memory_space<vmem>>, vector<8x1xf32>
    %add3A_1996 = vector.broadcast %get3A_1995 : vector<8x1xf32> to vector<8x4096xf32>
    %add3A_1997 = arith.addf %broadcast_in_dim3A_13, %add3A_1996 : vector<8x4096xf32>
    %sub3A_1998 = arith.subf %add3A_1997, %slice3A_1992 : vector<8x4096xf32>
    %lt3A_1999 = arith.cmpf olt, %sub3A_1998, %select_n3A_1988 : vector<8x4096xf32>
    %select_n3A_2000 = arith.select %lt3A_1999, %sub3A_1998, %select_n3A_1988 : vector<8x4096xi1>, vector<8x4096xf32>
    %jit3A_2001 = arith.constant 165 : i32
    %broadcast_in_dim3A_2002 = vector.broadcast %jit3A_2001 : i32 to vector<8x4096xi32>
    %select_n3A_2003 = arith.select %lt3A_1999, %broadcast_in_dim3A_2002, %select_n3A_1991 : vector<8x4096xi1>, vector<8x4096xi32>
    %slice3A_2004 = vector.extract_strided_slice %dot_general3A_9 {offsets = [1328, 0], sizes = [8, 4096], strides = [1, 1]} : vector<2048x4096xf32> to vector<8x4096xf32>
    %get3A_2005 = arith.constant 1328 : index
    %get3A_2006 = arith.constant 0 : index
    %get3A_2007 = vector.load %arg5[%get3A_2005, %get3A_2006] : memref<2048x1xf32, #tpu.memory_space<vmem>>, vector<8x1xf32>
    %add3A_2008 = vector.broadcast %get3A_2007 : vector<8x1xf32> to vector<8x4096xf32>
    %add3A_2009 = arith.addf %broadcast_in_dim3A_13, %add3A_2008 : vector<8x4096xf32>
    %sub3A_2010 = arith.subf %add3A_2009, %slice3A_2004 : vector<8x4096xf32>
    %lt3A_2011 = arith.cmpf olt, %sub3A_2010, %select_n3A_2000 : vector<8x4096xf32>
    %select_n3A_2012 = arith.select %lt3A_2011, %sub3A_2010, %select_n3A_2000 : vector<8x4096xi1>, vector<8x4096xf32>
    %jit3A_2013 = arith.constant 166 : i32
    %broadcast_in_dim3A_2014 = vector.broadcast %jit3A_2013 : i32 to vector<8x4096xi32>
    %select_n3A_2015 = arith.select %lt3A_2011, %broadcast_in_dim3A_2014, %select_n3A_2003 : vector<8x4096xi1>, vector<8x4096xi32>
    %slice3A_2016 = vector.extract_strided_slice %dot_general3A_9 {offsets = [1336, 0], sizes = [8, 4096], strides = [1, 1]} : vector<2048x4096xf32> to vector<8x4096xf32>
    %get3A_2017 = arith.constant 1336 : index
    %get3A_2018 = arith.constant 0 : index
    %get3A_2019 = vector.load %arg5[%get3A_2017, %get3A_2018] : memref<2048x1xf32, #tpu.memory_space<vmem>>, vector<8x1xf32>
    %add3A_2020 = vector.broadcast %get3A_2019 : vector<8x1xf32> to vector<8x4096xf32>
    %add3A_2021 = arith.addf %broadcast_in_dim3A_13, %add3A_2020 : vector<8x4096xf32>
    %sub3A_2022 = arith.subf %add3A_2021, %slice3A_2016 : vector<8x4096xf32>
    %lt3A_2023 = arith.cmpf olt, %sub3A_2022, %select_n3A_2012 : vector<8x4096xf32>
    %select_n3A_2024 = arith.select %lt3A_2023, %sub3A_2022, %select_n3A_2012 : vector<8x4096xi1>, vector<8x4096xf32>
    %jit3A_2025 = arith.constant 167 : i32
    %broadcast_in_dim3A_2026 = vector.broadcast %jit3A_2025 : i32 to vector<8x4096xi32>
    %select_n3A_2027 = arith.select %lt3A_2023, %broadcast_in_dim3A_2026, %select_n3A_2015 : vector<8x4096xi1>, vector<8x4096xi32>
    %slice3A_2028 = vector.extract_strided_slice %dot_general3A_9 {offsets = [1344, 0], sizes = [8, 4096], strides = [1, 1]} : vector<2048x4096xf32> to vector<8x4096xf32>
    %get3A_2029 = arith.constant 1344 : index
    %get3A_2030 = arith.constant 0 : index
    %get3A_2031 = vector.load %arg5[%get3A_2029, %get3A_2030] : memref<2048x1xf32, #tpu.memory_space<vmem>>, vector<8x1xf32>
    %add3A_2032 = vector.broadcast %get3A_2031 : vector<8x1xf32> to vector<8x4096xf32>
    %add3A_2033 = arith.addf %broadcast_in_dim3A_13, %add3A_2032 : vector<8x4096xf32>
    %sub3A_2034 = arith.subf %add3A_2033, %slice3A_2028 : vector<8x4096xf32>
    %lt3A_2035 = arith.cmpf olt, %sub3A_2034, %select_n3A_2024 : vector<8x4096xf32>
    %select_n3A_2036 = arith.select %lt3A_2035, %sub3A_2034, %select_n3A_2024 : vector<8x4096xi1>, vector<8x4096xf32>
    %jit3A_2037 = arith.constant 168 : i32
    %broadcast_in_dim3A_2038 = vector.broadcast %jit3A_2037 : i32 to vector<8x4096xi32>
    %select_n3A_2039 = arith.select %lt3A_2035, %broadcast_in_dim3A_2038, %select_n3A_2027 : vector<8x4096xi1>, vector<8x4096xi32>
    %slice3A_2040 = vector.extract_strided_slice %dot_general3A_9 {offsets = [1352, 0], sizes = [8, 4096], strides = [1, 1]} : vector<2048x4096xf32> to vector<8x4096xf32>
    %get3A_2041 = arith.constant 1352 : index
    %get3A_2042 = arith.constant 0 : index
    %get3A_2043 = vector.load %arg5[%get3A_2041, %get3A_2042] : memref<2048x1xf32, #tpu.memory_space<vmem>>, vector<8x1xf32>
    %add3A_2044 = vector.broadcast %get3A_2043 : vector<8x1xf32> to vector<8x4096xf32>
    %add3A_2045 = arith.addf %broadcast_in_dim3A_13, %add3A_2044 : vector<8x4096xf32>
    %sub3A_2046 = arith.subf %add3A_2045, %slice3A_2040 : vector<8x4096xf32>
    %lt3A_2047 = arith.cmpf olt, %sub3A_2046, %select_n3A_2036 : vector<8x4096xf32>
    %select_n3A_2048 = arith.select %lt3A_2047, %sub3A_2046, %select_n3A_2036 : vector<8x4096xi1>, vector<8x4096xf32>
    %jit3A_2049 = arith.constant 169 : i32
    %broadcast_in_dim3A_2050 = vector.broadcast %jit3A_2049 : i32 to vector<8x4096xi32>
    %select_n3A_2051 = arith.select %lt3A_2047, %broadcast_in_dim3A_2050, %select_n3A_2039 : vector<8x4096xi1>, vector<8x4096xi32>
    %slice3A_2052 = vector.extract_strided_slice %dot_general3A_9 {offsets = [1360, 0], sizes = [8, 4096], strides = [1, 1]} : vector<2048x4096xf32> to vector<8x4096xf32>
    %get3A_2053 = arith.constant 1360 : index
    %get3A_2054 = arith.constant 0 : index
    %get3A_2055 = vector.load %arg5[%get3A_2053, %get3A_2054] : memref<2048x1xf32, #tpu.memory_space<vmem>>, vector<8x1xf32>
    %add3A_2056 = vector.broadcast %get3A_2055 : vector<8x1xf32> to vector<8x4096xf32>
    %add3A_2057 = arith.addf %broadcast_in_dim3A_13, %add3A_2056 : vector<8x4096xf32>
    %sub3A_2058 = arith.subf %add3A_2057, %slice3A_2052 : vector<8x4096xf32>
    %lt3A_2059 = arith.cmpf olt, %sub3A_2058, %select_n3A_2048 : vector<8x4096xf32>
    %select_n3A_2060 = arith.select %lt3A_2059, %sub3A_2058, %select_n3A_2048 : vector<8x4096xi1>, vector<8x4096xf32>
    %jit3A_2061 = arith.constant 170 : i32
    %broadcast_in_dim3A_2062 = vector.broadcast %jit3A_2061 : i32 to vector<8x4096xi32>
    %select_n3A_2063 = arith.select %lt3A_2059, %broadcast_in_dim3A_2062, %select_n3A_2051 : vector<8x4096xi1>, vector<8x4096xi32>
    %slice3A_2064 = vector.extract_strided_slice %dot_general3A_9 {offsets = [1368, 0], sizes = [8, 4096], strides = [1, 1]} : vector<2048x4096xf32> to vector<8x4096xf32>
    %get3A_2065 = arith.constant 1368 : index
    %get3A_2066 = arith.constant 0 : index
    %get3A_2067 = vector.load %arg5[%get3A_2065, %get3A_2066] : memref<2048x1xf32, #tpu.memory_space<vmem>>, vector<8x1xf32>
    %add3A_2068 = vector.broadcast %get3A_2067 : vector<8x1xf32> to vector<8x4096xf32>
    %add3A_2069 = arith.addf %broadcast_in_dim3A_13, %add3A_2068 : vector<8x4096xf32>
    %sub3A_2070 = arith.subf %add3A_2069, %slice3A_2064 : vector<8x4096xf32>
    %lt3A_2071 = arith.cmpf olt, %sub3A_2070, %select_n3A_2060 : vector<8x4096xf32>
    %select_n3A_2072 = arith.select %lt3A_2071, %sub3A_2070, %select_n3A_2060 : vector<8x4096xi1>, vector<8x4096xf32>
    %jit3A_2073 = arith.constant 171 : i32
    %broadcast_in_dim3A_2074 = vector.broadcast %jit3A_2073 : i32 to vector<8x4096xi32>
    %select_n3A_2075 = arith.select %lt3A_2071, %broadcast_in_dim3A_2074, %select_n3A_2063 : vector<8x4096xi1>, vector<8x4096xi32>
    %slice3A_2076 = vector.extract_strided_slice %dot_general3A_9 {offsets = [1376, 0], sizes = [8, 4096], strides = [1, 1]} : vector<2048x4096xf32> to vector<8x4096xf32>
    %get3A_2077 = arith.constant 1376 : index
    %get3A_2078 = arith.constant 0 : index
    %get3A_2079 = vector.load %arg5[%get3A_2077, %get3A_2078] : memref<2048x1xf32, #tpu.memory_space<vmem>>, vector<8x1xf32>
    %add3A_2080 = vector.broadcast %get3A_2079 : vector<8x1xf32> to vector<8x4096xf32>
    %add3A_2081 = arith.addf %broadcast_in_dim3A_13, %add3A_2080 : vector<8x4096xf32>
    %sub3A_2082 = arith.subf %add3A_2081, %slice3A_2076 : vector<8x4096xf32>
    %lt3A_2083 = arith.cmpf olt, %sub3A_2082, %select_n3A_2072 : vector<8x4096xf32>
    %select_n3A_2084 = arith.select %lt3A_2083, %sub3A_2082, %select_n3A_2072 : vector<8x4096xi1>, vector<8x4096xf32>
    %jit3A_2085 = arith.constant 172 : i32
    %broadcast_in_dim3A_2086 = vector.broadcast %jit3A_2085 : i32 to vector<8x4096xi32>
    %select_n3A_2087 = arith.select %lt3A_2083, %broadcast_in_dim3A_2086, %select_n3A_2075 : vector<8x4096xi1>, vector<8x4096xi32>
    %slice3A_2088 = vector.extract_strided_slice %dot_general3A_9 {offsets = [1384, 0], sizes = [8, 4096], strides = [1, 1]} : vector<2048x4096xf32> to vector<8x4096xf32>
    %get3A_2089 = arith.constant 1384 : index
    %get3A_2090 = arith.constant 0 : index
    %get3A_2091 = vector.load %arg5[%get3A_2089, %get3A_2090] : memref<2048x1xf32, #tpu.memory_space<vmem>>, vector<8x1xf32>
    %add3A_2092 = vector.broadcast %get3A_2091 : vector<8x1xf32> to vector<8x4096xf32>
    %add3A_2093 = arith.addf %broadcast_in_dim3A_13, %add3A_2092 : vector<8x4096xf32>
    %sub3A_2094 = arith.subf %add3A_2093, %slice3A_2088 : vector<8x4096xf32>
    %lt3A_2095 = arith.cmpf olt, %sub3A_2094, %select_n3A_2084 : vector<8x4096xf32>
    %select_n3A_2096 = arith.select %lt3A_2095, %sub3A_2094, %select_n3A_2084 : vector<8x4096xi1>, vector<8x4096xf32>
    %jit3A_2097 = arith.constant 173 : i32
    %broadcast_in_dim3A_2098 = vector.broadcast %jit3A_2097 : i32 to vector<8x4096xi32>
    %select_n3A_2099 = arith.select %lt3A_2095, %broadcast_in_dim3A_2098, %select_n3A_2087 : vector<8x4096xi1>, vector<8x4096xi32>
    %slice3A_2100 = vector.extract_strided_slice %dot_general3A_9 {offsets = [1392, 0], sizes = [8, 4096], strides = [1, 1]} : vector<2048x4096xf32> to vector<8x4096xf32>
    %get3A_2101 = arith.constant 1392 : index
    %get3A_2102 = arith.constant 0 : index
    %get3A_2103 = vector.load %arg5[%get3A_2101, %get3A_2102] : memref<2048x1xf32, #tpu.memory_space<vmem>>, vector<8x1xf32>
    %add3A_2104 = vector.broadcast %get3A_2103 : vector<8x1xf32> to vector<8x4096xf32>
    %add3A_2105 = arith.addf %broadcast_in_dim3A_13, %add3A_2104 : vector<8x4096xf32>
    %sub3A_2106 = arith.subf %add3A_2105, %slice3A_2100 : vector<8x4096xf32>
    %lt3A_2107 = arith.cmpf olt, %sub3A_2106, %select_n3A_2096 : vector<8x4096xf32>
    %select_n3A_2108 = arith.select %lt3A_2107, %sub3A_2106, %select_n3A_2096 : vector<8x4096xi1>, vector<8x4096xf32>
    %jit3A_2109 = arith.constant 174 : i32
    %broadcast_in_dim3A_2110 = vector.broadcast %jit3A_2109 : i32 to vector<8x4096xi32>
    %select_n3A_2111 = arith.select %lt3A_2107, %broadcast_in_dim3A_2110, %select_n3A_2099 : vector<8x4096xi1>, vector<8x4096xi32>
    %slice3A_2112 = vector.extract_strided_slice %dot_general3A_9 {offsets = [1400, 0], sizes = [8, 4096], strides = [1, 1]} : vector<2048x4096xf32> to vector<8x4096xf32>
    %get3A_2113 = arith.constant 1400 : index
    %get3A_2114 = arith.constant 0 : index
    %get3A_2115 = vector.load %arg5[%get3A_2113, %get3A_2114] : memref<2048x1xf32, #tpu.memory_space<vmem>>, vector<8x1xf32>
    %add3A_2116 = vector.broadcast %get3A_2115 : vector<8x1xf32> to vector<8x4096xf32>
    %add3A_2117 = arith.addf %broadcast_in_dim3A_13, %add3A_2116 : vector<8x4096xf32>
    %sub3A_2118 = arith.subf %add3A_2117, %slice3A_2112 : vector<8x4096xf32>
    %lt3A_2119 = arith.cmpf olt, %sub3A_2118, %select_n3A_2108 : vector<8x4096xf32>
    %select_n3A_2120 = arith.select %lt3A_2119, %sub3A_2118, %select_n3A_2108 : vector<8x4096xi1>, vector<8x4096xf32>
    %jit3A_2121 = arith.constant 175 : i32
    %broadcast_in_dim3A_2122 = vector.broadcast %jit3A_2121 : i32 to vector<8x4096xi32>
    %select_n3A_2123 = arith.select %lt3A_2119, %broadcast_in_dim3A_2122, %select_n3A_2111 : vector<8x4096xi1>, vector<8x4096xi32>
    %slice3A_2124 = vector.extract_strided_slice %dot_general3A_9 {offsets = [1408, 0], sizes = [8, 4096], strides = [1, 1]} : vector<2048x4096xf32> to vector<8x4096xf32>
    %get3A_2125 = arith.constant 1408 : index
    %get3A_2126 = arith.constant 0 : index
    %get3A_2127 = vector.load %arg5[%get3A_2125, %get3A_2126] : memref<2048x1xf32, #tpu.memory_space<vmem>>, vector<8x1xf32>
    %add3A_2128 = vector.broadcast %get3A_2127 : vector<8x1xf32> to vector<8x4096xf32>
    %add3A_2129 = arith.addf %broadcast_in_dim3A_13, %add3A_2128 : vector<8x4096xf32>
    %sub3A_2130 = arith.subf %add3A_2129, %slice3A_2124 : vector<8x4096xf32>
    %lt3A_2131 = arith.cmpf olt, %sub3A_2130, %select_n3A_2120 : vector<8x4096xf32>
    %select_n3A_2132 = arith.select %lt3A_2131, %sub3A_2130, %select_n3A_2120 : vector<8x4096xi1>, vector<8x4096xf32>
    %jit3A_2133 = arith.constant 176 : i32
    %broadcast_in_dim3A_2134 = vector.broadcast %jit3A_2133 : i32 to vector<8x4096xi32>
    %select_n3A_2135 = arith.select %lt3A_2131, %broadcast_in_dim3A_2134, %select_n3A_2123 : vector<8x4096xi1>, vector<8x4096xi32>
    %slice3A_2136 = vector.extract_strided_slice %dot_general3A_9 {offsets = [1416, 0], sizes = [8, 4096], strides = [1, 1]} : vector<2048x4096xf32> to vector<8x4096xf32>
    %get3A_2137 = arith.constant 1416 : index
    %get3A_2138 = arith.constant 0 : index
    %get3A_2139 = vector.load %arg5[%get3A_2137, %get3A_2138] : memref<2048x1xf32, #tpu.memory_space<vmem>>, vector<8x1xf32>
    %add3A_2140 = vector.broadcast %get3A_2139 : vector<8x1xf32> to vector<8x4096xf32>
    %add3A_2141 = arith.addf %broadcast_in_dim3A_13, %add3A_2140 : vector<8x4096xf32>
    %sub3A_2142 = arith.subf %add3A_2141, %slice3A_2136 : vector<8x4096xf32>
    %lt3A_2143 = arith.cmpf olt, %sub3A_2142, %select_n3A_2132 : vector<8x4096xf32>
    %select_n3A_2144 = arith.select %lt3A_2143, %sub3A_2142, %select_n3A_2132 : vector<8x4096xi1>, vector<8x4096xf32>
    %jit3A_2145 = arith.constant 177 : i32
    %broadcast_in_dim3A_2146 = vector.broadcast %jit3A_2145 : i32 to vector<8x4096xi32>
    %select_n3A_2147 = arith.select %lt3A_2143, %broadcast_in_dim3A_2146, %select_n3A_2135 : vector<8x4096xi1>, vector<8x4096xi32>
    %slice3A_2148 = vector.extract_strided_slice %dot_general3A_9 {offsets = [1424, 0], sizes = [8, 4096], strides = [1, 1]} : vector<2048x4096xf32> to vector<8x4096xf32>
    %get3A_2149 = arith.constant 1424 : index
    %get3A_2150 = arith.constant 0 : index
    %get3A_2151 = vector.load %arg5[%get3A_2149, %get3A_2150] : memref<2048x1xf32, #tpu.memory_space<vmem>>, vector<8x1xf32>
    %add3A_2152 = vector.broadcast %get3A_2151 : vector<8x1xf32> to vector<8x4096xf32>
    %add3A_2153 = arith.addf %broadcast_in_dim3A_13, %add3A_2152 : vector<8x4096xf32>
    %sub3A_2154 = arith.subf %add3A_2153, %slice3A_2148 : vector<8x4096xf32>
    %lt3A_2155 = arith.cmpf olt, %sub3A_2154, %select_n3A_2144 : vector<8x4096xf32>
    %select_n3A_2156 = arith.select %lt3A_2155, %sub3A_2154, %select_n3A_2144 : vector<8x4096xi1>, vector<8x4096xf32>
    %jit3A_2157 = arith.constant 178 : i32
    %broadcast_in_dim3A_2158 = vector.broadcast %jit3A_2157 : i32 to vector<8x4096xi32>
    %select_n3A_2159 = arith.select %lt3A_2155, %broadcast_in_dim3A_2158, %select_n3A_2147 : vector<8x4096xi1>, vector<8x4096xi32>
    %slice3A_2160 = vector.extract_strided_slice %dot_general3A_9 {offsets = [1432, 0], sizes = [8, 4096], strides = [1, 1]} : vector<2048x4096xf32> to vector<8x4096xf32>
    %get3A_2161 = arith.constant 1432 : index
    %get3A_2162 = arith.constant 0 : index
    %get3A_2163 = vector.load %arg5[%get3A_2161, %get3A_2162] : memref<2048x1xf32, #tpu.memory_space<vmem>>, vector<8x1xf32>
    %add3A_2164 = vector.broadcast %get3A_2163 : vector<8x1xf32> to vector<8x4096xf32>
    %add3A_2165 = arith.addf %broadcast_in_dim3A_13, %add3A_2164 : vector<8x4096xf32>
    %sub3A_2166 = arith.subf %add3A_2165, %slice3A_2160 : vector<8x4096xf32>
    %lt3A_2167 = arith.cmpf olt, %sub3A_2166, %select_n3A_2156 : vector<8x4096xf32>
    %select_n3A_2168 = arith.select %lt3A_2167, %sub3A_2166, %select_n3A_2156 : vector<8x4096xi1>, vector<8x4096xf32>
    %jit3A_2169 = arith.constant 179 : i32
    %broadcast_in_dim3A_2170 = vector.broadcast %jit3A_2169 : i32 to vector<8x4096xi32>
    %select_n3A_2171 = arith.select %lt3A_2167, %broadcast_in_dim3A_2170, %select_n3A_2159 : vector<8x4096xi1>, vector<8x4096xi32>
    %slice3A_2172 = vector.extract_strided_slice %dot_general3A_9 {offsets = [1440, 0], sizes = [8, 4096], strides = [1, 1]} : vector<2048x4096xf32> to vector<8x4096xf32>
    %get3A_2173 = arith.constant 1440 : index
    %get3A_2174 = arith.constant 0 : index
    %get3A_2175 = vector.load %arg5[%get3A_2173, %get3A_2174] : memref<2048x1xf32, #tpu.memory_space<vmem>>, vector<8x1xf32>
    %add3A_2176 = vector.broadcast %get3A_2175 : vector<8x1xf32> to vector<8x4096xf32>
    %add3A_2177 = arith.addf %broadcast_in_dim3A_13, %add3A_2176 : vector<8x4096xf32>
    %sub3A_2178 = arith.subf %add3A_2177, %slice3A_2172 : vector<8x4096xf32>
    %lt3A_2179 = arith.cmpf olt, %sub3A_2178, %select_n3A_2168 : vector<8x4096xf32>
    %select_n3A_2180 = arith.select %lt3A_2179, %sub3A_2178, %select_n3A_2168 : vector<8x4096xi1>, vector<8x4096xf32>
    %jit3A_2181 = arith.constant 180 : i32
    %broadcast_in_dim3A_2182 = vector.broadcast %jit3A_2181 : i32 to vector<8x4096xi32>
    %select_n3A_2183 = arith.select %lt3A_2179, %broadcast_in_dim3A_2182, %select_n3A_2171 : vector<8x4096xi1>, vector<8x4096xi32>
    %slice3A_2184 = vector.extract_strided_slice %dot_general3A_9 {offsets = [1448, 0], sizes = [8, 4096], strides = [1, 1]} : vector<2048x4096xf32> to vector<8x4096xf32>
    %get3A_2185 = arith.constant 1448 : index
    %get3A_2186 = arith.constant 0 : index
    %get3A_2187 = vector.load %arg5[%get3A_2185, %get3A_2186] : memref<2048x1xf32, #tpu.memory_space<vmem>>, vector<8x1xf32>
    %add3A_2188 = vector.broadcast %get3A_2187 : vector<8x1xf32> to vector<8x4096xf32>
    %add3A_2189 = arith.addf %broadcast_in_dim3A_13, %add3A_2188 : vector<8x4096xf32>
    %sub3A_2190 = arith.subf %add3A_2189, %slice3A_2184 : vector<8x4096xf32>
    %lt3A_2191 = arith.cmpf olt, %sub3A_2190, %select_n3A_2180 : vector<8x4096xf32>
    %select_n3A_2192 = arith.select %lt3A_2191, %sub3A_2190, %select_n3A_2180 : vector<8x4096xi1>, vector<8x4096xf32>
    %jit3A_2193 = arith.constant 181 : i32
    %broadcast_in_dim3A_2194 = vector.broadcast %jit3A_2193 : i32 to vector<8x4096xi32>
    %select_n3A_2195 = arith.select %lt3A_2191, %broadcast_in_dim3A_2194, %select_n3A_2183 : vector<8x4096xi1>, vector<8x4096xi32>
    %slice3A_2196 = vector.extract_strided_slice %dot_general3A_9 {offsets = [1456, 0], sizes = [8, 4096], strides = [1, 1]} : vector<2048x4096xf32> to vector<8x4096xf32>
    %get3A_2197 = arith.constant 1456 : index
    %get3A_2198 = arith.constant 0 : index
    %get3A_2199 = vector.load %arg5[%get3A_2197, %get3A_2198] : memref<2048x1xf32, #tpu.memory_space<vmem>>, vector<8x1xf32>
    %add3A_2200 = vector.broadcast %get3A_2199 : vector<8x1xf32> to vector<8x4096xf32>
    %add3A_2201 = arith.addf %broadcast_in_dim3A_13, %add3A_2200 : vector<8x4096xf32>
    %sub3A_2202 = arith.subf %add3A_2201, %slice3A_2196 : vector<8x4096xf32>
    %lt3A_2203 = arith.cmpf olt, %sub3A_2202, %select_n3A_2192 : vector<8x4096xf32>
    %select_n3A_2204 = arith.select %lt3A_2203, %sub3A_2202, %select_n3A_2192 : vector<8x4096xi1>, vector<8x4096xf32>
    %jit3A_2205 = arith.constant 182 : i32
    %broadcast_in_dim3A_2206 = vector.broadcast %jit3A_2205 : i32 to vector<8x4096xi32>
    %select_n3A_2207 = arith.select %lt3A_2203, %broadcast_in_dim3A_2206, %select_n3A_2195 : vector<8x4096xi1>, vector<8x4096xi32>
    %slice3A_2208 = vector.extract_strided_slice %dot_general3A_9 {offsets = [1464, 0], sizes = [8, 4096], strides = [1, 1]} : vector<2048x4096xf32> to vector<8x4096xf32>
    %get3A_2209 = arith.constant 1464 : index
    %get3A_2210 = arith.constant 0 : index
    %get3A_2211 = vector.load %arg5[%get3A_2209, %get3A_2210] : memref<2048x1xf32, #tpu.memory_space<vmem>>, vector<8x1xf32>
    %add3A_2212 = vector.broadcast %get3A_2211 : vector<8x1xf32> to vector<8x4096xf32>
    %add3A_2213 = arith.addf %broadcast_in_dim3A_13, %add3A_2212 : vector<8x4096xf32>
    %sub3A_2214 = arith.subf %add3A_2213, %slice3A_2208 : vector<8x4096xf32>
    %lt3A_2215 = arith.cmpf olt, %sub3A_2214, %select_n3A_2204 : vector<8x4096xf32>
    %select_n3A_2216 = arith.select %lt3A_2215, %sub3A_2214, %select_n3A_2204 : vector<8x4096xi1>, vector<8x4096xf32>
    %jit3A_2217 = arith.constant 183 : i32
    %broadcast_in_dim3A_2218 = vector.broadcast %jit3A_2217 : i32 to vector<8x4096xi32>
    %select_n3A_2219 = arith.select %lt3A_2215, %broadcast_in_dim3A_2218, %select_n3A_2207 : vector<8x4096xi1>, vector<8x4096xi32>
    %slice3A_2220 = vector.extract_strided_slice %dot_general3A_9 {offsets = [1472, 0], sizes = [8, 4096], strides = [1, 1]} : vector<2048x4096xf32> to vector<8x4096xf32>
    %get3A_2221 = arith.constant 1472 : index
    %get3A_2222 = arith.constant 0 : index
    %get3A_2223 = vector.load %arg5[%get3A_2221, %get3A_2222] : memref<2048x1xf32, #tpu.memory_space<vmem>>, vector<8x1xf32>
    %add3A_2224 = vector.broadcast %get3A_2223 : vector<8x1xf32> to vector<8x4096xf32>
    %add3A_2225 = arith.addf %broadcast_in_dim3A_13, %add3A_2224 : vector<8x4096xf32>
    %sub3A_2226 = arith.subf %add3A_2225, %slice3A_2220 : vector<8x4096xf32>
    %lt3A_2227 = arith.cmpf olt, %sub3A_2226, %select_n3A_2216 : vector<8x4096xf32>
    %select_n3A_2228 = arith.select %lt3A_2227, %sub3A_2226, %select_n3A_2216 : vector<8x4096xi1>, vector<8x4096xf32>
    %jit3A_2229 = arith.constant 184 : i32
    %broadcast_in_dim3A_2230 = vector.broadcast %jit3A_2229 : i32 to vector<8x4096xi32>
    %select_n3A_2231 = arith.select %lt3A_2227, %broadcast_in_dim3A_2230, %select_n3A_2219 : vector<8x4096xi1>, vector<8x4096xi32>
    %slice3A_2232 = vector.extract_strided_slice %dot_general3A_9 {offsets = [1480, 0], sizes = [8, 4096], strides = [1, 1]} : vector<2048x4096xf32> to vector<8x4096xf32>
    %get3A_2233 = arith.constant 1480 : index
    %get3A_2234 = arith.constant 0 : index
    %get3A_2235 = vector.load %arg5[%get3A_2233, %get3A_2234] : memref<2048x1xf32, #tpu.memory_space<vmem>>, vector<8x1xf32>
    %add3A_2236 = vector.broadcast %get3A_2235 : vector<8x1xf32> to vector<8x4096xf32>
    %add3A_2237 = arith.addf %broadcast_in_dim3A_13, %add3A_2236 : vector<8x4096xf32>
    %sub3A_2238 = arith.subf %add3A_2237, %slice3A_2232 : vector<8x4096xf32>
    %lt3A_2239 = arith.cmpf olt, %sub3A_2238, %select_n3A_2228 : vector<8x4096xf32>
    %select_n3A_2240 = arith.select %lt3A_2239, %sub3A_2238, %select_n3A_2228 : vector<8x4096xi1>, vector<8x4096xf32>
    %jit3A_2241 = arith.constant 185 : i32
    %broadcast_in_dim3A_2242 = vector.broadcast %jit3A_2241 : i32 to vector<8x4096xi32>
    %select_n3A_2243 = arith.select %lt3A_2239, %broadcast_in_dim3A_2242, %select_n3A_2231 : vector<8x4096xi1>, vector<8x4096xi32>
    %slice3A_2244 = vector.extract_strided_slice %dot_general3A_9 {offsets = [1488, 0], sizes = [8, 4096], strides = [1, 1]} : vector<2048x4096xf32> to vector<8x4096xf32>
    %get3A_2245 = arith.constant 1488 : index
    %get3A_2246 = arith.constant 0 : index
    %get3A_2247 = vector.load %arg5[%get3A_2245, %get3A_2246] : memref<2048x1xf32, #tpu.memory_space<vmem>>, vector<8x1xf32>
    %add3A_2248 = vector.broadcast %get3A_2247 : vector<8x1xf32> to vector<8x4096xf32>
    %add3A_2249 = arith.addf %broadcast_in_dim3A_13, %add3A_2248 : vector<8x4096xf32>
    %sub3A_2250 = arith.subf %add3A_2249, %slice3A_2244 : vector<8x4096xf32>
    %lt3A_2251 = arith.cmpf olt, %sub3A_2250, %select_n3A_2240 : vector<8x4096xf32>
    %select_n3A_2252 = arith.select %lt3A_2251, %sub3A_2250, %select_n3A_2240 : vector<8x4096xi1>, vector<8x4096xf32>
    %jit3A_2253 = arith.constant 186 : i32
    %broadcast_in_dim3A_2254 = vector.broadcast %jit3A_2253 : i32 to vector<8x4096xi32>
    %select_n3A_2255 = arith.select %lt3A_2251, %broadcast_in_dim3A_2254, %select_n3A_2243 : vector<8x4096xi1>, vector<8x4096xi32>
    %slice3A_2256 = vector.extract_strided_slice %dot_general3A_9 {offsets = [1496, 0], sizes = [8, 4096], strides = [1, 1]} : vector<2048x4096xf32> to vector<8x4096xf32>
    %get3A_2257 = arith.constant 1496 : index
    %get3A_2258 = arith.constant 0 : index
    %get3A_2259 = vector.load %arg5[%get3A_2257, %get3A_2258] : memref<2048x1xf32, #tpu.memory_space<vmem>>, vector<8x1xf32>
    %add3A_2260 = vector.broadcast %get3A_2259 : vector<8x1xf32> to vector<8x4096xf32>
    %add3A_2261 = arith.addf %broadcast_in_dim3A_13, %add3A_2260 : vector<8x4096xf32>
    %sub3A_2262 = arith.subf %add3A_2261, %slice3A_2256 : vector<8x4096xf32>
    %lt3A_2263 = arith.cmpf olt, %sub3A_2262, %select_n3A_2252 : vector<8x4096xf32>
    %select_n3A_2264 = arith.select %lt3A_2263, %sub3A_2262, %select_n3A_2252 : vector<8x4096xi1>, vector<8x4096xf32>
    %jit3A_2265 = arith.constant 187 : i32
    %broadcast_in_dim3A_2266 = vector.broadcast %jit3A_2265 : i32 to vector<8x4096xi32>
    %select_n3A_2267 = arith.select %lt3A_2263, %broadcast_in_dim3A_2266, %select_n3A_2255 : vector<8x4096xi1>, vector<8x4096xi32>
    %slice3A_2268 = vector.extract_strided_slice %dot_general3A_9 {offsets = [1504, 0], sizes = [8, 4096], strides = [1, 1]} : vector<2048x4096xf32> to vector<8x4096xf32>
    %get3A_2269 = arith.constant 1504 : index
    %get3A_2270 = arith.constant 0 : index
    %get3A_2271 = vector.load %arg5[%get3A_2269, %get3A_2270] : memref<2048x1xf32, #tpu.memory_space<vmem>>, vector<8x1xf32>
    %add3A_2272 = vector.broadcast %get3A_2271 : vector<8x1xf32> to vector<8x4096xf32>
    %add3A_2273 = arith.addf %broadcast_in_dim3A_13, %add3A_2272 : vector<8x4096xf32>
    %sub3A_2274 = arith.subf %add3A_2273, %slice3A_2268 : vector<8x4096xf32>
    %lt3A_2275 = arith.cmpf olt, %sub3A_2274, %select_n3A_2264 : vector<8x4096xf32>
    %select_n3A_2276 = arith.select %lt3A_2275, %sub3A_2274, %select_n3A_2264 : vector<8x4096xi1>, vector<8x4096xf32>
    %jit3A_2277 = arith.constant 188 : i32
    %broadcast_in_dim3A_2278 = vector.broadcast %jit3A_2277 : i32 to vector<8x4096xi32>
    %select_n3A_2279 = arith.select %lt3A_2275, %broadcast_in_dim3A_2278, %select_n3A_2267 : vector<8x4096xi1>, vector<8x4096xi32>
    %slice3A_2280 = vector.extract_strided_slice %dot_general3A_9 {offsets = [1512, 0], sizes = [8, 4096], strides = [1, 1]} : vector<2048x4096xf32> to vector<8x4096xf32>
    %get3A_2281 = arith.constant 1512 : index
    %get3A_2282 = arith.constant 0 : index
    %get3A_2283 = vector.load %arg5[%get3A_2281, %get3A_2282] : memref<2048x1xf32, #tpu.memory_space<vmem>>, vector<8x1xf32>
    %add3A_2284 = vector.broadcast %get3A_2283 : vector<8x1xf32> to vector<8x4096xf32>
    %add3A_2285 = arith.addf %broadcast_in_dim3A_13, %add3A_2284 : vector<8x4096xf32>
    %sub3A_2286 = arith.subf %add3A_2285, %slice3A_2280 : vector<8x4096xf32>
    %lt3A_2287 = arith.cmpf olt, %sub3A_2286, %select_n3A_2276 : vector<8x4096xf32>
    %select_n3A_2288 = arith.select %lt3A_2287, %sub3A_2286, %select_n3A_2276 : vector<8x4096xi1>, vector<8x4096xf32>
    %jit3A_2289 = arith.constant 189 : i32
    %broadcast_in_dim3A_2290 = vector.broadcast %jit3A_2289 : i32 to vector<8x4096xi32>
    %select_n3A_2291 = arith.select %lt3A_2287, %broadcast_in_dim3A_2290, %select_n3A_2279 : vector<8x4096xi1>, vector<8x4096xi32>
    %slice3A_2292 = vector.extract_strided_slice %dot_general3A_9 {offsets = [1520, 0], sizes = [8, 4096], strides = [1, 1]} : vector<2048x4096xf32> to vector<8x4096xf32>
    %get3A_2293 = arith.constant 1520 : index
    %get3A_2294 = arith.constant 0 : index
    %get3A_2295 = vector.load %arg5[%get3A_2293, %get3A_2294] : memref<2048x1xf32, #tpu.memory_space<vmem>>, vector<8x1xf32>
    %add3A_2296 = vector.broadcast %get3A_2295 : vector<8x1xf32> to vector<8x4096xf32>
    %add3A_2297 = arith.addf %broadcast_in_dim3A_13, %add3A_2296 : vector<8x4096xf32>
    %sub3A_2298 = arith.subf %add3A_2297, %slice3A_2292 : vector<8x4096xf32>
    %lt3A_2299 = arith.cmpf olt, %sub3A_2298, %select_n3A_2288 : vector<8x4096xf32>
    %select_n3A_2300 = arith.select %lt3A_2299, %sub3A_2298, %select_n3A_2288 : vector<8x4096xi1>, vector<8x4096xf32>
    %jit3A_2301 = arith.constant 190 : i32
    %broadcast_in_dim3A_2302 = vector.broadcast %jit3A_2301 : i32 to vector<8x4096xi32>
    %select_n3A_2303 = arith.select %lt3A_2299, %broadcast_in_dim3A_2302, %select_n3A_2291 : vector<8x4096xi1>, vector<8x4096xi32>
    %slice3A_2304 = vector.extract_strided_slice %dot_general3A_9 {offsets = [1528, 0], sizes = [8, 4096], strides = [1, 1]} : vector<2048x4096xf32> to vector<8x4096xf32>
    %get3A_2305 = arith.constant 1528 : index
    %get3A_2306 = arith.constant 0 : index
    %get3A_2307 = vector.load %arg5[%get3A_2305, %get3A_2306] : memref<2048x1xf32, #tpu.memory_space<vmem>>, vector<8x1xf32>
    %add3A_2308 = vector.broadcast %get3A_2307 : vector<8x1xf32> to vector<8x4096xf32>
    %add3A_2309 = arith.addf %broadcast_in_dim3A_13, %add3A_2308 : vector<8x4096xf32>
    %sub3A_2310 = arith.subf %add3A_2309, %slice3A_2304 : vector<8x4096xf32>
    %lt3A_2311 = arith.cmpf olt, %sub3A_2310, %select_n3A_2300 : vector<8x4096xf32>
    %select_n3A_2312 = arith.select %lt3A_2311, %sub3A_2310, %select_n3A_2300 : vector<8x4096xi1>, vector<8x4096xf32>
    %jit3A_2313 = arith.constant 191 : i32
    %broadcast_in_dim3A_2314 = vector.broadcast %jit3A_2313 : i32 to vector<8x4096xi32>
    %select_n3A_2315 = arith.select %lt3A_2311, %broadcast_in_dim3A_2314, %select_n3A_2303 : vector<8x4096xi1>, vector<8x4096xi32>
    %slice3A_2316 = vector.extract_strided_slice %dot_general3A_9 {offsets = [1536, 0], sizes = [8, 4096], strides = [1, 1]} : vector<2048x4096xf32> to vector<8x4096xf32>
    %get3A_2317 = arith.constant 1536 : index
    %get3A_2318 = arith.constant 0 : index
    %get3A_2319 = vector.load %arg5[%get3A_2317, %get3A_2318] : memref<2048x1xf32, #tpu.memory_space<vmem>>, vector<8x1xf32>
    %add3A_2320 = vector.broadcast %get3A_2319 : vector<8x1xf32> to vector<8x4096xf32>
    %add3A_2321 = arith.addf %broadcast_in_dim3A_13, %add3A_2320 : vector<8x4096xf32>
    %sub3A_2322 = arith.subf %add3A_2321, %slice3A_2316 : vector<8x4096xf32>
    %lt3A_2323 = arith.cmpf olt, %sub3A_2322, %select_n3A_2312 : vector<8x4096xf32>
    %select_n3A_2324 = arith.select %lt3A_2323, %sub3A_2322, %select_n3A_2312 : vector<8x4096xi1>, vector<8x4096xf32>
    %jit3A_2325 = arith.constant 192 : i32
    %broadcast_in_dim3A_2326 = vector.broadcast %jit3A_2325 : i32 to vector<8x4096xi32>
    %select_n3A_2327 = arith.select %lt3A_2323, %broadcast_in_dim3A_2326, %select_n3A_2315 : vector<8x4096xi1>, vector<8x4096xi32>
    %slice3A_2328 = vector.extract_strided_slice %dot_general3A_9 {offsets = [1544, 0], sizes = [8, 4096], strides = [1, 1]} : vector<2048x4096xf32> to vector<8x4096xf32>
    %get3A_2329 = arith.constant 1544 : index
    %get3A_2330 = arith.constant 0 : index
    %get3A_2331 = vector.load %arg5[%get3A_2329, %get3A_2330] : memref<2048x1xf32, #tpu.memory_space<vmem>>, vector<8x1xf32>
    %add3A_2332 = vector.broadcast %get3A_2331 : vector<8x1xf32> to vector<8x4096xf32>
    %add3A_2333 = arith.addf %broadcast_in_dim3A_13, %add3A_2332 : vector<8x4096xf32>
    %sub3A_2334 = arith.subf %add3A_2333, %slice3A_2328 : vector<8x4096xf32>
    %lt3A_2335 = arith.cmpf olt, %sub3A_2334, %select_n3A_2324 : vector<8x4096xf32>
    %select_n3A_2336 = arith.select %lt3A_2335, %sub3A_2334, %select_n3A_2324 : vector<8x4096xi1>, vector<8x4096xf32>
    %jit3A_2337 = arith.constant 193 : i32
    %broadcast_in_dim3A_2338 = vector.broadcast %jit3A_2337 : i32 to vector<8x4096xi32>
    %select_n3A_2339 = arith.select %lt3A_2335, %broadcast_in_dim3A_2338, %select_n3A_2327 : vector<8x4096xi1>, vector<8x4096xi32>
    %slice3A_2340 = vector.extract_strided_slice %dot_general3A_9 {offsets = [1552, 0], sizes = [8, 4096], strides = [1, 1]} : vector<2048x4096xf32> to vector<8x4096xf32>
    %get3A_2341 = arith.constant 1552 : index
    %get3A_2342 = arith.constant 0 : index
    %get3A_2343 = vector.load %arg5[%get3A_2341, %get3A_2342] : memref<2048x1xf32, #tpu.memory_space<vmem>>, vector<8x1xf32>
    %add3A_2344 = vector.broadcast %get3A_2343 : vector<8x1xf32> to vector<8x4096xf32>
    %add3A_2345 = arith.addf %broadcast_in_dim3A_13, %add3A_2344 : vector<8x4096xf32>
    %sub3A_2346 = arith.subf %add3A_2345, %slice3A_2340 : vector<8x4096xf32>
    %lt3A_2347 = arith.cmpf olt, %sub3A_2346, %select_n3A_2336 : vector<8x4096xf32>
    %select_n3A_2348 = arith.select %lt3A_2347, %sub3A_2346, %select_n3A_2336 : vector<8x4096xi1>, vector<8x4096xf32>
    %jit3A_2349 = arith.constant 194 : i32
    %broadcast_in_dim3A_2350 = vector.broadcast %jit3A_2349 : i32 to vector<8x4096xi32>
    %select_n3A_2351 = arith.select %lt3A_2347, %broadcast_in_dim3A_2350, %select_n3A_2339 : vector<8x4096xi1>, vector<8x4096xi32>
    %slice3A_2352 = vector.extract_strided_slice %dot_general3A_9 {offsets = [1560, 0], sizes = [8, 4096], strides = [1, 1]} : vector<2048x4096xf32> to vector<8x4096xf32>
    %get3A_2353 = arith.constant 1560 : index
    %get3A_2354 = arith.constant 0 : index
    %get3A_2355 = vector.load %arg5[%get3A_2353, %get3A_2354] : memref<2048x1xf32, #tpu.memory_space<vmem>>, vector<8x1xf32>
    %add3A_2356 = vector.broadcast %get3A_2355 : vector<8x1xf32> to vector<8x4096xf32>
    %add3A_2357 = arith.addf %broadcast_in_dim3A_13, %add3A_2356 : vector<8x4096xf32>
    %sub3A_2358 = arith.subf %add3A_2357, %slice3A_2352 : vector<8x4096xf32>
    %lt3A_2359 = arith.cmpf olt, %sub3A_2358, %select_n3A_2348 : vector<8x4096xf32>
    %select_n3A_2360 = arith.select %lt3A_2359, %sub3A_2358, %select_n3A_2348 : vector<8x4096xi1>, vector<8x4096xf32>
    %jit3A_2361 = arith.constant 195 : i32
    %broadcast_in_dim3A_2362 = vector.broadcast %jit3A_2361 : i32 to vector<8x4096xi32>
    %select_n3A_2363 = arith.select %lt3A_2359, %broadcast_in_dim3A_2362, %select_n3A_2351 : vector<8x4096xi1>, vector<8x4096xi32>
    %slice3A_2364 = vector.extract_strided_slice %dot_general3A_9 {offsets = [1568, 0], sizes = [8, 4096], strides = [1, 1]} : vector<2048x4096xf32> to vector<8x4096xf32>
    %get3A_2365 = arith.constant 1568 : index
    %get3A_2366 = arith.constant 0 : index
    %get3A_2367 = vector.load %arg5[%get3A_2365, %get3A_2366] : memref<2048x1xf32, #tpu.memory_space<vmem>>, vector<8x1xf32>
    %add3A_2368 = vector.broadcast %get3A_2367 : vector<8x1xf32> to vector<8x4096xf32>
    %add3A_2369 = arith.addf %broadcast_in_dim3A_13, %add3A_2368 : vector<8x4096xf32>
    %sub3A_2370 = arith.subf %add3A_2369, %slice3A_2364 : vector<8x4096xf32>
    %lt3A_2371 = arith.cmpf olt, %sub3A_2370, %select_n3A_2360 : vector<8x4096xf32>
    %select_n3A_2372 = arith.select %lt3A_2371, %sub3A_2370, %select_n3A_2360 : vector<8x4096xi1>, vector<8x4096xf32>
    %jit3A_2373 = arith.constant 196 : i32
    %broadcast_in_dim3A_2374 = vector.broadcast %jit3A_2373 : i32 to vector<8x4096xi32>
    %select_n3A_2375 = arith.select %lt3A_2371, %broadcast_in_dim3A_2374, %select_n3A_2363 : vector<8x4096xi1>, vector<8x4096xi32>
    %slice3A_2376 = vector.extract_strided_slice %dot_general3A_9 {offsets = [1576, 0], sizes = [8, 4096], strides = [1, 1]} : vector<2048x4096xf32> to vector<8x4096xf32>
    %get3A_2377 = arith.constant 1576 : index
    %get3A_2378 = arith.constant 0 : index
    %get3A_2379 = vector.load %arg5[%get3A_2377, %get3A_2378] : memref<2048x1xf32, #tpu.memory_space<vmem>>, vector<8x1xf32>
    %add3A_2380 = vector.broadcast %get3A_2379 : vector<8x1xf32> to vector<8x4096xf32>
    %add3A_2381 = arith.addf %broadcast_in_dim3A_13, %add3A_2380 : vector<8x4096xf32>
    %sub3A_2382 = arith.subf %add3A_2381, %slice3A_2376 : vector<8x4096xf32>
    %lt3A_2383 = arith.cmpf olt, %sub3A_2382, %select_n3A_2372 : vector<8x4096xf32>
    %select_n3A_2384 = arith.select %lt3A_2383, %sub3A_2382, %select_n3A_2372 : vector<8x4096xi1>, vector<8x4096xf32>
    %jit3A_2385 = arith.constant 197 : i32
    %broadcast_in_dim3A_2386 = vector.broadcast %jit3A_2385 : i32 to vector<8x4096xi32>
    %select_n3A_2387 = arith.select %lt3A_2383, %broadcast_in_dim3A_2386, %select_n3A_2375 : vector<8x4096xi1>, vector<8x4096xi32>
    %slice3A_2388 = vector.extract_strided_slice %dot_general3A_9 {offsets = [1584, 0], sizes = [8, 4096], strides = [1, 1]} : vector<2048x4096xf32> to vector<8x4096xf32>
    %get3A_2389 = arith.constant 1584 : index
    %get3A_2390 = arith.constant 0 : index
    %get3A_2391 = vector.load %arg5[%get3A_2389, %get3A_2390] : memref<2048x1xf32, #tpu.memory_space<vmem>>, vector<8x1xf32>
    %add3A_2392 = vector.broadcast %get3A_2391 : vector<8x1xf32> to vector<8x4096xf32>
    %add3A_2393 = arith.addf %broadcast_in_dim3A_13, %add3A_2392 : vector<8x4096xf32>
    %sub3A_2394 = arith.subf %add3A_2393, %slice3A_2388 : vector<8x4096xf32>
    %lt3A_2395 = arith.cmpf olt, %sub3A_2394, %select_n3A_2384 : vector<8x4096xf32>
    %select_n3A_2396 = arith.select %lt3A_2395, %sub3A_2394, %select_n3A_2384 : vector<8x4096xi1>, vector<8x4096xf32>
    %jit3A_2397 = arith.constant 198 : i32
    %broadcast_in_dim3A_2398 = vector.broadcast %jit3A_2397 : i32 to vector<8x4096xi32>
    %select_n3A_2399 = arith.select %lt3A_2395, %broadcast_in_dim3A_2398, %select_n3A_2387 : vector<8x4096xi1>, vector<8x4096xi32>
    %slice3A_2400 = vector.extract_strided_slice %dot_general3A_9 {offsets = [1592, 0], sizes = [8, 4096], strides = [1, 1]} : vector<2048x4096xf32> to vector<8x4096xf32>
    %get3A_2401 = arith.constant 1592 : index
    %get3A_2402 = arith.constant 0 : index
    %get3A_2403 = vector.load %arg5[%get3A_2401, %get3A_2402] : memref<2048x1xf32, #tpu.memory_space<vmem>>, vector<8x1xf32>
    %add3A_2404 = vector.broadcast %get3A_2403 : vector<8x1xf32> to vector<8x4096xf32>
    %add3A_2405 = arith.addf %broadcast_in_dim3A_13, %add3A_2404 : vector<8x4096xf32>
    %sub3A_2406 = arith.subf %add3A_2405, %slice3A_2400 : vector<8x4096xf32>
    %lt3A_2407 = arith.cmpf olt, %sub3A_2406, %select_n3A_2396 : vector<8x4096xf32>
    %select_n3A_2408 = arith.select %lt3A_2407, %sub3A_2406, %select_n3A_2396 : vector<8x4096xi1>, vector<8x4096xf32>
    %jit3A_2409 = arith.constant 199 : i32
    %broadcast_in_dim3A_2410 = vector.broadcast %jit3A_2409 : i32 to vector<8x4096xi32>
    %select_n3A_2411 = arith.select %lt3A_2407, %broadcast_in_dim3A_2410, %select_n3A_2399 : vector<8x4096xi1>, vector<8x4096xi32>
    %slice3A_2412 = vector.extract_strided_slice %dot_general3A_9 {offsets = [1600, 0], sizes = [8, 4096], strides = [1, 1]} : vector<2048x4096xf32> to vector<8x4096xf32>
    %get3A_2413 = arith.constant 1600 : index
    %get3A_2414 = arith.constant 0 : index
    %get3A_2415 = vector.load %arg5[%get3A_2413, %get3A_2414] : memref<2048x1xf32, #tpu.memory_space<vmem>>, vector<8x1xf32>
    %add3A_2416 = vector.broadcast %get3A_2415 : vector<8x1xf32> to vector<8x4096xf32>
    %add3A_2417 = arith.addf %broadcast_in_dim3A_13, %add3A_2416 : vector<8x4096xf32>
    %sub3A_2418 = arith.subf %add3A_2417, %slice3A_2412 : vector<8x4096xf32>
    %lt3A_2419 = arith.cmpf olt, %sub3A_2418, %select_n3A_2408 : vector<8x4096xf32>
    %select_n3A_2420 = arith.select %lt3A_2419, %sub3A_2418, %select_n3A_2408 : vector<8x4096xi1>, vector<8x4096xf32>
    %jit3A_2421 = arith.constant 200 : i32
    %broadcast_in_dim3A_2422 = vector.broadcast %jit3A_2421 : i32 to vector<8x4096xi32>
    %select_n3A_2423 = arith.select %lt3A_2419, %broadcast_in_dim3A_2422, %select_n3A_2411 : vector<8x4096xi1>, vector<8x4096xi32>
    %slice3A_2424 = vector.extract_strided_slice %dot_general3A_9 {offsets = [1608, 0], sizes = [8, 4096], strides = [1, 1]} : vector<2048x4096xf32> to vector<8x4096xf32>
    %get3A_2425 = arith.constant 1608 : index
    %get3A_2426 = arith.constant 0 : index
    %get3A_2427 = vector.load %arg5[%get3A_2425, %get3A_2426] : memref<2048x1xf32, #tpu.memory_space<vmem>>, vector<8x1xf32>
    %add3A_2428 = vector.broadcast %get3A_2427 : vector<8x1xf32> to vector<8x4096xf32>
    %add3A_2429 = arith.addf %broadcast_in_dim3A_13, %add3A_2428 : vector<8x4096xf32>
    %sub3A_2430 = arith.subf %add3A_2429, %slice3A_2424 : vector<8x4096xf32>
    %lt3A_2431 = arith.cmpf olt, %sub3A_2430, %select_n3A_2420 : vector<8x4096xf32>
    %select_n3A_2432 = arith.select %lt3A_2431, %sub3A_2430, %select_n3A_2420 : vector<8x4096xi1>, vector<8x4096xf32>
    %jit3A_2433 = arith.constant 201 : i32
    %broadcast_in_dim3A_2434 = vector.broadcast %jit3A_2433 : i32 to vector<8x4096xi32>
    %select_n3A_2435 = arith.select %lt3A_2431, %broadcast_in_dim3A_2434, %select_n3A_2423 : vector<8x4096xi1>, vector<8x4096xi32>
    %slice3A_2436 = vector.extract_strided_slice %dot_general3A_9 {offsets = [1616, 0], sizes = [8, 4096], strides = [1, 1]} : vector<2048x4096xf32> to vector<8x4096xf32>
    %get3A_2437 = arith.constant 1616 : index
    %get3A_2438 = arith.constant 0 : index
    %get3A_2439 = vector.load %arg5[%get3A_2437, %get3A_2438] : memref<2048x1xf32, #tpu.memory_space<vmem>>, vector<8x1xf32>
    %add3A_2440 = vector.broadcast %get3A_2439 : vector<8x1xf32> to vector<8x4096xf32>
    %add3A_2441 = arith.addf %broadcast_in_dim3A_13, %add3A_2440 : vector<8x4096xf32>
    %sub3A_2442 = arith.subf %add3A_2441, %slice3A_2436 : vector<8x4096xf32>
    %lt3A_2443 = arith.cmpf olt, %sub3A_2442, %select_n3A_2432 : vector<8x4096xf32>
    %select_n3A_2444 = arith.select %lt3A_2443, %sub3A_2442, %select_n3A_2432 : vector<8x4096xi1>, vector<8x4096xf32>
    %jit3A_2445 = arith.constant 202 : i32
    %broadcast_in_dim3A_2446 = vector.broadcast %jit3A_2445 : i32 to vector<8x4096xi32>
    %select_n3A_2447 = arith.select %lt3A_2443, %broadcast_in_dim3A_2446, %select_n3A_2435 : vector<8x4096xi1>, vector<8x4096xi32>
    %slice3A_2448 = vector.extract_strided_slice %dot_general3A_9 {offsets = [1624, 0], sizes = [8, 4096], strides = [1, 1]} : vector<2048x4096xf32> to vector<8x4096xf32>
    %get3A_2449 = arith.constant 1624 : index
    %get3A_2450 = arith.constant 0 : index
    %get3A_2451 = vector.load %arg5[%get3A_2449, %get3A_2450] : memref<2048x1xf32, #tpu.memory_space<vmem>>, vector<8x1xf32>
    %add3A_2452 = vector.broadcast %get3A_2451 : vector<8x1xf32> to vector<8x4096xf32>
    %add3A_2453 = arith.addf %broadcast_in_dim3A_13, %add3A_2452 : vector<8x4096xf32>
    %sub3A_2454 = arith.subf %add3A_2453, %slice3A_2448 : vector<8x4096xf32>
    %lt3A_2455 = arith.cmpf olt, %sub3A_2454, %select_n3A_2444 : vector<8x4096xf32>
    %select_n3A_2456 = arith.select %lt3A_2455, %sub3A_2454, %select_n3A_2444 : vector<8x4096xi1>, vector<8x4096xf32>
    %jit3A_2457 = arith.constant 203 : i32
    %broadcast_in_dim3A_2458 = vector.broadcast %jit3A_2457 : i32 to vector<8x4096xi32>
    %select_n3A_2459 = arith.select %lt3A_2455, %broadcast_in_dim3A_2458, %select_n3A_2447 : vector<8x4096xi1>, vector<8x4096xi32>
    %slice3A_2460 = vector.extract_strided_slice %dot_general3A_9 {offsets = [1632, 0], sizes = [8, 4096], strides = [1, 1]} : vector<2048x4096xf32> to vector<8x4096xf32>
    %get3A_2461 = arith.constant 1632 : index
    %get3A_2462 = arith.constant 0 : index
    %get3A_2463 = vector.load %arg5[%get3A_2461, %get3A_2462] : memref<2048x1xf32, #tpu.memory_space<vmem>>, vector<8x1xf32>
    %add3A_2464 = vector.broadcast %get3A_2463 : vector<8x1xf32> to vector<8x4096xf32>
    %add3A_2465 = arith.addf %broadcast_in_dim3A_13, %add3A_2464 : vector<8x4096xf32>
    %sub3A_2466 = arith.subf %add3A_2465, %slice3A_2460 : vector<8x4096xf32>
    %lt3A_2467 = arith.cmpf olt, %sub3A_2466, %select_n3A_2456 : vector<8x4096xf32>
    %select_n3A_2468 = arith.select %lt3A_2467, %sub3A_2466, %select_n3A_2456 : vector<8x4096xi1>, vector<8x4096xf32>
    %jit3A_2469 = arith.constant 204 : i32
    %broadcast_in_dim3A_2470 = vector.broadcast %jit3A_2469 : i32 to vector<8x4096xi32>
    %select_n3A_2471 = arith.select %lt3A_2467, %broadcast_in_dim3A_2470, %select_n3A_2459 : vector<8x4096xi1>, vector<8x4096xi32>
    %slice3A_2472 = vector.extract_strided_slice %dot_general3A_9 {offsets = [1640, 0], sizes = [8, 4096], strides = [1, 1]} : vector<2048x4096xf32> to vector<8x4096xf32>
    %get3A_2473 = arith.constant 1640 : index
    %get3A_2474 = arith.constant 0 : index
    %get3A_2475 = vector.load %arg5[%get3A_2473, %get3A_2474] : memref<2048x1xf32, #tpu.memory_space<vmem>>, vector<8x1xf32>
    %add3A_2476 = vector.broadcast %get3A_2475 : vector<8x1xf32> to vector<8x4096xf32>
    %add3A_2477 = arith.addf %broadcast_in_dim3A_13, %add3A_2476 : vector<8x4096xf32>
    %sub3A_2478 = arith.subf %add3A_2477, %slice3A_2472 : vector<8x4096xf32>
    %lt3A_2479 = arith.cmpf olt, %sub3A_2478, %select_n3A_2468 : vector<8x4096xf32>
    %select_n3A_2480 = arith.select %lt3A_2479, %sub3A_2478, %select_n3A_2468 : vector<8x4096xi1>, vector<8x4096xf32>
    %jit3A_2481 = arith.constant 205 : i32
    %broadcast_in_dim3A_2482 = vector.broadcast %jit3A_2481 : i32 to vector<8x4096xi32>
    %select_n3A_2483 = arith.select %lt3A_2479, %broadcast_in_dim3A_2482, %select_n3A_2471 : vector<8x4096xi1>, vector<8x4096xi32>
    %slice3A_2484 = vector.extract_strided_slice %dot_general3A_9 {offsets = [1648, 0], sizes = [8, 4096], strides = [1, 1]} : vector<2048x4096xf32> to vector<8x4096xf32>
    %get3A_2485 = arith.constant 1648 : index
    %get3A_2486 = arith.constant 0 : index
    %get3A_2487 = vector.load %arg5[%get3A_2485, %get3A_2486] : memref<2048x1xf32, #tpu.memory_space<vmem>>, vector<8x1xf32>
    %add3A_2488 = vector.broadcast %get3A_2487 : vector<8x1xf32> to vector<8x4096xf32>
    %add3A_2489 = arith.addf %broadcast_in_dim3A_13, %add3A_2488 : vector<8x4096xf32>
    %sub3A_2490 = arith.subf %add3A_2489, %slice3A_2484 : vector<8x4096xf32>
    %lt3A_2491 = arith.cmpf olt, %sub3A_2490, %select_n3A_2480 : vector<8x4096xf32>
    %select_n3A_2492 = arith.select %lt3A_2491, %sub3A_2490, %select_n3A_2480 : vector<8x4096xi1>, vector<8x4096xf32>
    %jit3A_2493 = arith.constant 206 : i32
    %broadcast_in_dim3A_2494 = vector.broadcast %jit3A_2493 : i32 to vector<8x4096xi32>
    %select_n3A_2495 = arith.select %lt3A_2491, %broadcast_in_dim3A_2494, %select_n3A_2483 : vector<8x4096xi1>, vector<8x4096xi32>
    %slice3A_2496 = vector.extract_strided_slice %dot_general3A_9 {offsets = [1656, 0], sizes = [8, 4096], strides = [1, 1]} : vector<2048x4096xf32> to vector<8x4096xf32>
    %get3A_2497 = arith.constant 1656 : index
    %get3A_2498 = arith.constant 0 : index
    %get3A_2499 = vector.load %arg5[%get3A_2497, %get3A_2498] : memref<2048x1xf32, #tpu.memory_space<vmem>>, vector<8x1xf32>
    %add3A_2500 = vector.broadcast %get3A_2499 : vector<8x1xf32> to vector<8x4096xf32>
    %add3A_2501 = arith.addf %broadcast_in_dim3A_13, %add3A_2500 : vector<8x4096xf32>
    %sub3A_2502 = arith.subf %add3A_2501, %slice3A_2496 : vector<8x4096xf32>
    %lt3A_2503 = arith.cmpf olt, %sub3A_2502, %select_n3A_2492 : vector<8x4096xf32>
    %select_n3A_2504 = arith.select %lt3A_2503, %sub3A_2502, %select_n3A_2492 : vector<8x4096xi1>, vector<8x4096xf32>
    %jit3A_2505 = arith.constant 207 : i32
    %broadcast_in_dim3A_2506 = vector.broadcast %jit3A_2505 : i32 to vector<8x4096xi32>
    %select_n3A_2507 = arith.select %lt3A_2503, %broadcast_in_dim3A_2506, %select_n3A_2495 : vector<8x4096xi1>, vector<8x4096xi32>
    %slice3A_2508 = vector.extract_strided_slice %dot_general3A_9 {offsets = [1664, 0], sizes = [8, 4096], strides = [1, 1]} : vector<2048x4096xf32> to vector<8x4096xf32>
    %get3A_2509 = arith.constant 1664 : index
    %get3A_2510 = arith.constant 0 : index
    %get3A_2511 = vector.load %arg5[%get3A_2509, %get3A_2510] : memref<2048x1xf32, #tpu.memory_space<vmem>>, vector<8x1xf32>
    %add3A_2512 = vector.broadcast %get3A_2511 : vector<8x1xf32> to vector<8x4096xf32>
    %add3A_2513 = arith.addf %broadcast_in_dim3A_13, %add3A_2512 : vector<8x4096xf32>
    %sub3A_2514 = arith.subf %add3A_2513, %slice3A_2508 : vector<8x4096xf32>
    %lt3A_2515 = arith.cmpf olt, %sub3A_2514, %select_n3A_2504 : vector<8x4096xf32>
    %select_n3A_2516 = arith.select %lt3A_2515, %sub3A_2514, %select_n3A_2504 : vector<8x4096xi1>, vector<8x4096xf32>
    %jit3A_2517 = arith.constant 208 : i32
    %broadcast_in_dim3A_2518 = vector.broadcast %jit3A_2517 : i32 to vector<8x4096xi32>
    %select_n3A_2519 = arith.select %lt3A_2515, %broadcast_in_dim3A_2518, %select_n3A_2507 : vector<8x4096xi1>, vector<8x4096xi32>
    %slice3A_2520 = vector.extract_strided_slice %dot_general3A_9 {offsets = [1672, 0], sizes = [8, 4096], strides = [1, 1]} : vector<2048x4096xf32> to vector<8x4096xf32>
    %get3A_2521 = arith.constant 1672 : index
    %get3A_2522 = arith.constant 0 : index
    %get3A_2523 = vector.load %arg5[%get3A_2521, %get3A_2522] : memref<2048x1xf32, #tpu.memory_space<vmem>>, vector<8x1xf32>
    %add3A_2524 = vector.broadcast %get3A_2523 : vector<8x1xf32> to vector<8x4096xf32>
    %add3A_2525 = arith.addf %broadcast_in_dim3A_13, %add3A_2524 : vector<8x4096xf32>
    %sub3A_2526 = arith.subf %add3A_2525, %slice3A_2520 : vector<8x4096xf32>
    %lt3A_2527 = arith.cmpf olt, %sub3A_2526, %select_n3A_2516 : vector<8x4096xf32>
    %select_n3A_2528 = arith.select %lt3A_2527, %sub3A_2526, %select_n3A_2516 : vector<8x4096xi1>, vector<8x4096xf32>
    %jit3A_2529 = arith.constant 209 : i32
    %broadcast_in_dim3A_2530 = vector.broadcast %jit3A_2529 : i32 to vector<8x4096xi32>
    %select_n3A_2531 = arith.select %lt3A_2527, %broadcast_in_dim3A_2530, %select_n3A_2519 : vector<8x4096xi1>, vector<8x4096xi32>
    %slice3A_2532 = vector.extract_strided_slice %dot_general3A_9 {offsets = [1680, 0], sizes = [8, 4096], strides = [1, 1]} : vector<2048x4096xf32> to vector<8x4096xf32>
    %get3A_2533 = arith.constant 1680 : index
    %get3A_2534 = arith.constant 0 : index
    %get3A_2535 = vector.load %arg5[%get3A_2533, %get3A_2534] : memref<2048x1xf32, #tpu.memory_space<vmem>>, vector<8x1xf32>
    %add3A_2536 = vector.broadcast %get3A_2535 : vector<8x1xf32> to vector<8x4096xf32>
    %add3A_2537 = arith.addf %broadcast_in_dim3A_13, %add3A_2536 : vector<8x4096xf32>
    %sub3A_2538 = arith.subf %add3A_2537, %slice3A_2532 : vector<8x4096xf32>
    %lt3A_2539 = arith.cmpf olt, %sub3A_2538, %select_n3A_2528 : vector<8x4096xf32>
    %select_n3A_2540 = arith.select %lt3A_2539, %sub3A_2538, %select_n3A_2528 : vector<8x4096xi1>, vector<8x4096xf32>
    %jit3A_2541 = arith.constant 210 : i32
    %broadcast_in_dim3A_2542 = vector.broadcast %jit3A_2541 : i32 to vector<8x4096xi32>
    %select_n3A_2543 = arith.select %lt3A_2539, %broadcast_in_dim3A_2542, %select_n3A_2531 : vector<8x4096xi1>, vector<8x4096xi32>
    %slice3A_2544 = vector.extract_strided_slice %dot_general3A_9 {offsets = [1688, 0], sizes = [8, 4096], strides = [1, 1]} : vector<2048x4096xf32> to vector<8x4096xf32>
    %get3A_2545 = arith.constant 1688 : index
    %get3A_2546 = arith.constant 0 : index
    %get3A_2547 = vector.load %arg5[%get3A_2545, %get3A_2546] : memref<2048x1xf32, #tpu.memory_space<vmem>>, vector<8x1xf32>
    %add3A_2548 = vector.broadcast %get3A_2547 : vector<8x1xf32> to vector<8x4096xf32>
    %add3A_2549 = arith.addf %broadcast_in_dim3A_13, %add3A_2548 : vector<8x4096xf32>
    %sub3A_2550 = arith.subf %add3A_2549, %slice3A_2544 : vector<8x4096xf32>
    %lt3A_2551 = arith.cmpf olt, %sub3A_2550, %select_n3A_2540 : vector<8x4096xf32>
    %select_n3A_2552 = arith.select %lt3A_2551, %sub3A_2550, %select_n3A_2540 : vector<8x4096xi1>, vector<8x4096xf32>
    %jit3A_2553 = arith.constant 211 : i32
    %broadcast_in_dim3A_2554 = vector.broadcast %jit3A_2553 : i32 to vector<8x4096xi32>
    %select_n3A_2555 = arith.select %lt3A_2551, %broadcast_in_dim3A_2554, %select_n3A_2543 : vector<8x4096xi1>, vector<8x4096xi32>
    %slice3A_2556 = vector.extract_strided_slice %dot_general3A_9 {offsets = [1696, 0], sizes = [8, 4096], strides = [1, 1]} : vector<2048x4096xf32> to vector<8x4096xf32>
    %get3A_2557 = arith.constant 1696 : index
    %get3A_2558 = arith.constant 0 : index
    %get3A_2559 = vector.load %arg5[%get3A_2557, %get3A_2558] : memref<2048x1xf32, #tpu.memory_space<vmem>>, vector<8x1xf32>
    %add3A_2560 = vector.broadcast %get3A_2559 : vector<8x1xf32> to vector<8x4096xf32>
    %add3A_2561 = arith.addf %broadcast_in_dim3A_13, %add3A_2560 : vector<8x4096xf32>
    %sub3A_2562 = arith.subf %add3A_2561, %slice3A_2556 : vector<8x4096xf32>
    %lt3A_2563 = arith.cmpf olt, %sub3A_2562, %select_n3A_2552 : vector<8x4096xf32>
    %select_n3A_2564 = arith.select %lt3A_2563, %sub3A_2562, %select_n3A_2552 : vector<8x4096xi1>, vector<8x4096xf32>
    %jit3A_2565 = arith.constant 212 : i32
    %broadcast_in_dim3A_2566 = vector.broadcast %jit3A_2565 : i32 to vector<8x4096xi32>
    %select_n3A_2567 = arith.select %lt3A_2563, %broadcast_in_dim3A_2566, %select_n3A_2555 : vector<8x4096xi1>, vector<8x4096xi32>
    %slice3A_2568 = vector.extract_strided_slice %dot_general3A_9 {offsets = [1704, 0], sizes = [8, 4096], strides = [1, 1]} : vector<2048x4096xf32> to vector<8x4096xf32>
    %get3A_2569 = arith.constant 1704 : index
    %get3A_2570 = arith.constant 0 : index
    %get3A_2571 = vector.load %arg5[%get3A_2569, %get3A_2570] : memref<2048x1xf32, #tpu.memory_space<vmem>>, vector<8x1xf32>
    %add3A_2572 = vector.broadcast %get3A_2571 : vector<8x1xf32> to vector<8x4096xf32>
    %add3A_2573 = arith.addf %broadcast_in_dim3A_13, %add3A_2572 : vector<8x4096xf32>
    %sub3A_2574 = arith.subf %add3A_2573, %slice3A_2568 : vector<8x4096xf32>
    %lt3A_2575 = arith.cmpf olt, %sub3A_2574, %select_n3A_2564 : vector<8x4096xf32>
    %select_n3A_2576 = arith.select %lt3A_2575, %sub3A_2574, %select_n3A_2564 : vector<8x4096xi1>, vector<8x4096xf32>
    %jit3A_2577 = arith.constant 213 : i32
    %broadcast_in_dim3A_2578 = vector.broadcast %jit3A_2577 : i32 to vector<8x4096xi32>
    %select_n3A_2579 = arith.select %lt3A_2575, %broadcast_in_dim3A_2578, %select_n3A_2567 : vector<8x4096xi1>, vector<8x4096xi32>
    %slice3A_2580 = vector.extract_strided_slice %dot_general3A_9 {offsets = [1712, 0], sizes = [8, 4096], strides = [1, 1]} : vector<2048x4096xf32> to vector<8x4096xf32>
    %get3A_2581 = arith.constant 1712 : index
    %get3A_2582 = arith.constant 0 : index
    %get3A_2583 = vector.load %arg5[%get3A_2581, %get3A_2582] : memref<2048x1xf32, #tpu.memory_space<vmem>>, vector<8x1xf32>
    %add3A_2584 = vector.broadcast %get3A_2583 : vector<8x1xf32> to vector<8x4096xf32>
    %add3A_2585 = arith.addf %broadcast_in_dim3A_13, %add3A_2584 : vector<8x4096xf32>
    %sub3A_2586 = arith.subf %add3A_2585, %slice3A_2580 : vector<8x4096xf32>
    %lt3A_2587 = arith.cmpf olt, %sub3A_2586, %select_n3A_2576 : vector<8x4096xf32>
    %select_n3A_2588 = arith.select %lt3A_2587, %sub3A_2586, %select_n3A_2576 : vector<8x4096xi1>, vector<8x4096xf32>
    %jit3A_2589 = arith.constant 214 : i32
    %broadcast_in_dim3A_2590 = vector.broadcast %jit3A_2589 : i32 to vector<8x4096xi32>
    %select_n3A_2591 = arith.select %lt3A_2587, %broadcast_in_dim3A_2590, %select_n3A_2579 : vector<8x4096xi1>, vector<8x4096xi32>
    %slice3A_2592 = vector.extract_strided_slice %dot_general3A_9 {offsets = [1720, 0], sizes = [8, 4096], strides = [1, 1]} : vector<2048x4096xf32> to vector<8x4096xf32>
    %get3A_2593 = arith.constant 1720 : index
    %get3A_2594 = arith.constant 0 : index
    %get3A_2595 = vector.load %arg5[%get3A_2593, %get3A_2594] : memref<2048x1xf32, #tpu.memory_space<vmem>>, vector<8x1xf32>
    %add3A_2596 = vector.broadcast %get3A_2595 : vector<8x1xf32> to vector<8x4096xf32>
    %add3A_2597 = arith.addf %broadcast_in_dim3A_13, %add3A_2596 : vector<8x4096xf32>
    %sub3A_2598 = arith.subf %add3A_2597, %slice3A_2592 : vector<8x4096xf32>
    %lt3A_2599 = arith.cmpf olt, %sub3A_2598, %select_n3A_2588 : vector<8x4096xf32>
    %select_n3A_2600 = arith.select %lt3A_2599, %sub3A_2598, %select_n3A_2588 : vector<8x4096xi1>, vector<8x4096xf32>
    %jit3A_2601 = arith.constant 215 : i32
    %broadcast_in_dim3A_2602 = vector.broadcast %jit3A_2601 : i32 to vector<8x4096xi32>
    %select_n3A_2603 = arith.select %lt3A_2599, %broadcast_in_dim3A_2602, %select_n3A_2591 : vector<8x4096xi1>, vector<8x4096xi32>
    %slice3A_2604 = vector.extract_strided_slice %dot_general3A_9 {offsets = [1728, 0], sizes = [8, 4096], strides = [1, 1]} : vector<2048x4096xf32> to vector<8x4096xf32>
    %get3A_2605 = arith.constant 1728 : index
    %get3A_2606 = arith.constant 0 : index
    %get3A_2607 = vector.load %arg5[%get3A_2605, %get3A_2606] : memref<2048x1xf32, #tpu.memory_space<vmem>>, vector<8x1xf32>
    %add3A_2608 = vector.broadcast %get3A_2607 : vector<8x1xf32> to vector<8x4096xf32>
    %add3A_2609 = arith.addf %broadcast_in_dim3A_13, %add3A_2608 : vector<8x4096xf32>
    %sub3A_2610 = arith.subf %add3A_2609, %slice3A_2604 : vector<8x4096xf32>
    %lt3A_2611 = arith.cmpf olt, %sub3A_2610, %select_n3A_2600 : vector<8x4096xf32>
    %select_n3A_2612 = arith.select %lt3A_2611, %sub3A_2610, %select_n3A_2600 : vector<8x4096xi1>, vector<8x4096xf32>
    %jit3A_2613 = arith.constant 216 : i32
    %broadcast_in_dim3A_2614 = vector.broadcast %jit3A_2613 : i32 to vector<8x4096xi32>
    %select_n3A_2615 = arith.select %lt3A_2611, %broadcast_in_dim3A_2614, %select_n3A_2603 : vector<8x4096xi1>, vector<8x4096xi32>
    %slice3A_2616 = vector.extract_strided_slice %dot_general3A_9 {offsets = [1736, 0], sizes = [8, 4096], strides = [1, 1]} : vector<2048x4096xf32> to vector<8x4096xf32>
    %get3A_2617 = arith.constant 1736 : index
    %get3A_2618 = arith.constant 0 : index
    %get3A_2619 = vector.load %arg5[%get3A_2617, %get3A_2618] : memref<2048x1xf32, #tpu.memory_space<vmem>>, vector<8x1xf32>
    %add3A_2620 = vector.broadcast %get3A_2619 : vector<8x1xf32> to vector<8x4096xf32>
    %add3A_2621 = arith.addf %broadcast_in_dim3A_13, %add3A_2620 : vector<8x4096xf32>
    %sub3A_2622 = arith.subf %add3A_2621, %slice3A_2616 : vector<8x4096xf32>
    %lt3A_2623 = arith.cmpf olt, %sub3A_2622, %select_n3A_2612 : vector<8x4096xf32>
    %select_n3A_2624 = arith.select %lt3A_2623, %sub3A_2622, %select_n3A_2612 : vector<8x4096xi1>, vector<8x4096xf32>
    %jit3A_2625 = arith.constant 217 : i32
    %broadcast_in_dim3A_2626 = vector.broadcast %jit3A_2625 : i32 to vector<8x4096xi32>
    %select_n3A_2627 = arith.select %lt3A_2623, %broadcast_in_dim3A_2626, %select_n3A_2615 : vector<8x4096xi1>, vector<8x4096xi32>
    %slice3A_2628 = vector.extract_strided_slice %dot_general3A_9 {offsets = [1744, 0], sizes = [8, 4096], strides = [1, 1]} : vector<2048x4096xf32> to vector<8x4096xf32>
    %get3A_2629 = arith.constant 1744 : index
    %get3A_2630 = arith.constant 0 : index
    %get3A_2631 = vector.load %arg5[%get3A_2629, %get3A_2630] : memref<2048x1xf32, #tpu.memory_space<vmem>>, vector<8x1xf32>
    %add3A_2632 = vector.broadcast %get3A_2631 : vector<8x1xf32> to vector<8x4096xf32>
    %add3A_2633 = arith.addf %broadcast_in_dim3A_13, %add3A_2632 : vector<8x4096xf32>
    %sub3A_2634 = arith.subf %add3A_2633, %slice3A_2628 : vector<8x4096xf32>
    %lt3A_2635 = arith.cmpf olt, %sub3A_2634, %select_n3A_2624 : vector<8x4096xf32>
    %select_n3A_2636 = arith.select %lt3A_2635, %sub3A_2634, %select_n3A_2624 : vector<8x4096xi1>, vector<8x4096xf32>
    %jit3A_2637 = arith.constant 218 : i32
    %broadcast_in_dim3A_2638 = vector.broadcast %jit3A_2637 : i32 to vector<8x4096xi32>
    %select_n3A_2639 = arith.select %lt3A_2635, %broadcast_in_dim3A_2638, %select_n3A_2627 : vector<8x4096xi1>, vector<8x4096xi32>
    %slice3A_2640 = vector.extract_strided_slice %dot_general3A_9 {offsets = [1752, 0], sizes = [8, 4096], strides = [1, 1]} : vector<2048x4096xf32> to vector<8x4096xf32>
    %get3A_2641 = arith.constant 1752 : index
    %get3A_2642 = arith.constant 0 : index
    %get3A_2643 = vector.load %arg5[%get3A_2641, %get3A_2642] : memref<2048x1xf32, #tpu.memory_space<vmem>>, vector<8x1xf32>
    %add3A_2644 = vector.broadcast %get3A_2643 : vector<8x1xf32> to vector<8x4096xf32>
    %add3A_2645 = arith.addf %broadcast_in_dim3A_13, %add3A_2644 : vector<8x4096xf32>
    %sub3A_2646 = arith.subf %add3A_2645, %slice3A_2640 : vector<8x4096xf32>
    %lt3A_2647 = arith.cmpf olt, %sub3A_2646, %select_n3A_2636 : vector<8x4096xf32>
    %select_n3A_2648 = arith.select %lt3A_2647, %sub3A_2646, %select_n3A_2636 : vector<8x4096xi1>, vector<8x4096xf32>
    %jit3A_2649 = arith.constant 219 : i32
    %broadcast_in_dim3A_2650 = vector.broadcast %jit3A_2649 : i32 to vector<8x4096xi32>
    %select_n3A_2651 = arith.select %lt3A_2647, %broadcast_in_dim3A_2650, %select_n3A_2639 : vector<8x4096xi1>, vector<8x4096xi32>
    %slice3A_2652 = vector.extract_strided_slice %dot_general3A_9 {offsets = [1760, 0], sizes = [8, 4096], strides = [1, 1]} : vector<2048x4096xf32> to vector<8x4096xf32>
    %get3A_2653 = arith.constant 1760 : index
    %get3A_2654 = arith.constant 0 : index
    %get3A_2655 = vector.load %arg5[%get3A_2653, %get3A_2654] : memref<2048x1xf32, #tpu.memory_space<vmem>>, vector<8x1xf32>
    %add3A_2656 = vector.broadcast %get3A_2655 : vector<8x1xf32> to vector<8x4096xf32>
    %add3A_2657 = arith.addf %broadcast_in_dim3A_13, %add3A_2656 : vector<8x4096xf32>
    %sub3A_2658 = arith.subf %add3A_2657, %slice3A_2652 : vector<8x4096xf32>
    %lt3A_2659 = arith.cmpf olt, %sub3A_2658, %select_n3A_2648 : vector<8x4096xf32>
    %select_n3A_2660 = arith.select %lt3A_2659, %sub3A_2658, %select_n3A_2648 : vector<8x4096xi1>, vector<8x4096xf32>
    %jit3A_2661 = arith.constant 220 : i32
    %broadcast_in_dim3A_2662 = vector.broadcast %jit3A_2661 : i32 to vector<8x4096xi32>
    %select_n3A_2663 = arith.select %lt3A_2659, %broadcast_in_dim3A_2662, %select_n3A_2651 : vector<8x4096xi1>, vector<8x4096xi32>
    %slice3A_2664 = vector.extract_strided_slice %dot_general3A_9 {offsets = [1768, 0], sizes = [8, 4096], strides = [1, 1]} : vector<2048x4096xf32> to vector<8x4096xf32>
    %get3A_2665 = arith.constant 1768 : index
    %get3A_2666 = arith.constant 0 : index
    %get3A_2667 = vector.load %arg5[%get3A_2665, %get3A_2666] : memref<2048x1xf32, #tpu.memory_space<vmem>>, vector<8x1xf32>
    %add3A_2668 = vector.broadcast %get3A_2667 : vector<8x1xf32> to vector<8x4096xf32>
    %add3A_2669 = arith.addf %broadcast_in_dim3A_13, %add3A_2668 : vector<8x4096xf32>
    %sub3A_2670 = arith.subf %add3A_2669, %slice3A_2664 : vector<8x4096xf32>
    %lt3A_2671 = arith.cmpf olt, %sub3A_2670, %select_n3A_2660 : vector<8x4096xf32>
    %select_n3A_2672 = arith.select %lt3A_2671, %sub3A_2670, %select_n3A_2660 : vector<8x4096xi1>, vector<8x4096xf32>
    %jit3A_2673 = arith.constant 221 : i32
    %broadcast_in_dim3A_2674 = vector.broadcast %jit3A_2673 : i32 to vector<8x4096xi32>
    %select_n3A_2675 = arith.select %lt3A_2671, %broadcast_in_dim3A_2674, %select_n3A_2663 : vector<8x4096xi1>, vector<8x4096xi32>
    %slice3A_2676 = vector.extract_strided_slice %dot_general3A_9 {offsets = [1776, 0], sizes = [8, 4096], strides = [1, 1]} : vector<2048x4096xf32> to vector<8x4096xf32>
    %get3A_2677 = arith.constant 1776 : index
    %get3A_2678 = arith.constant 0 : index
    %get3A_2679 = vector.load %arg5[%get3A_2677, %get3A_2678] : memref<2048x1xf32, #tpu.memory_space<vmem>>, vector<8x1xf32>
    %add3A_2680 = vector.broadcast %get3A_2679 : vector<8x1xf32> to vector<8x4096xf32>
    %add3A_2681 = arith.addf %broadcast_in_dim3A_13, %add3A_2680 : vector<8x4096xf32>
    %sub3A_2682 = arith.subf %add3A_2681, %slice3A_2676 : vector<8x4096xf32>
    %lt3A_2683 = arith.cmpf olt, %sub3A_2682, %select_n3A_2672 : vector<8x4096xf32>
    %select_n3A_2684 = arith.select %lt3A_2683, %sub3A_2682, %select_n3A_2672 : vector<8x4096xi1>, vector<8x4096xf32>
    %jit3A_2685 = arith.constant 222 : i32
    %broadcast_in_dim3A_2686 = vector.broadcast %jit3A_2685 : i32 to vector<8x4096xi32>
    %select_n3A_2687 = arith.select %lt3A_2683, %broadcast_in_dim3A_2686, %select_n3A_2675 : vector<8x4096xi1>, vector<8x4096xi32>
    %slice3A_2688 = vector.extract_strided_slice %dot_general3A_9 {offsets = [1784, 0], sizes = [8, 4096], strides = [1, 1]} : vector<2048x4096xf32> to vector<8x4096xf32>
    %get3A_2689 = arith.constant 1784 : index
    %get3A_2690 = arith.constant 0 : index
    %get3A_2691 = vector.load %arg5[%get3A_2689, %get3A_2690] : memref<2048x1xf32, #tpu.memory_space<vmem>>, vector<8x1xf32>
    %add3A_2692 = vector.broadcast %get3A_2691 : vector<8x1xf32> to vector<8x4096xf32>
    %add3A_2693 = arith.addf %broadcast_in_dim3A_13, %add3A_2692 : vector<8x4096xf32>
    %sub3A_2694 = arith.subf %add3A_2693, %slice3A_2688 : vector<8x4096xf32>
    %lt3A_2695 = arith.cmpf olt, %sub3A_2694, %select_n3A_2684 : vector<8x4096xf32>
    %select_n3A_2696 = arith.select %lt3A_2695, %sub3A_2694, %select_n3A_2684 : vector<8x4096xi1>, vector<8x4096xf32>
    %jit3A_2697 = arith.constant 223 : i32
    %broadcast_in_dim3A_2698 = vector.broadcast %jit3A_2697 : i32 to vector<8x4096xi32>
    %select_n3A_2699 = arith.select %lt3A_2695, %broadcast_in_dim3A_2698, %select_n3A_2687 : vector<8x4096xi1>, vector<8x4096xi32>
    %slice3A_2700 = vector.extract_strided_slice %dot_general3A_9 {offsets = [1792, 0], sizes = [8, 4096], strides = [1, 1]} : vector<2048x4096xf32> to vector<8x4096xf32>
    %get3A_2701 = arith.constant 1792 : index
    %get3A_2702 = arith.constant 0 : index
    %get3A_2703 = vector.load %arg5[%get3A_2701, %get3A_2702] : memref<2048x1xf32, #tpu.memory_space<vmem>>, vector<8x1xf32>
    %add3A_2704 = vector.broadcast %get3A_2703 : vector<8x1xf32> to vector<8x4096xf32>
    %add3A_2705 = arith.addf %broadcast_in_dim3A_13, %add3A_2704 : vector<8x4096xf32>
    %sub3A_2706 = arith.subf %add3A_2705, %slice3A_2700 : vector<8x4096xf32>
    %lt3A_2707 = arith.cmpf olt, %sub3A_2706, %select_n3A_2696 : vector<8x4096xf32>
    %select_n3A_2708 = arith.select %lt3A_2707, %sub3A_2706, %select_n3A_2696 : vector<8x4096xi1>, vector<8x4096xf32>
    %jit3A_2709 = arith.constant 224 : i32
    %broadcast_in_dim3A_2710 = vector.broadcast %jit3A_2709 : i32 to vector<8x4096xi32>
    %select_n3A_2711 = arith.select %lt3A_2707, %broadcast_in_dim3A_2710, %select_n3A_2699 : vector<8x4096xi1>, vector<8x4096xi32>
    %slice3A_2712 = vector.extract_strided_slice %dot_general3A_9 {offsets = [1800, 0], sizes = [8, 4096], strides = [1, 1]} : vector<2048x4096xf32> to vector<8x4096xf32>
    %get3A_2713 = arith.constant 1800 : index
    %get3A_2714 = arith.constant 0 : index
    %get3A_2715 = vector.load %arg5[%get3A_2713, %get3A_2714] : memref<2048x1xf32, #tpu.memory_space<vmem>>, vector<8x1xf32>
    %add3A_2716 = vector.broadcast %get3A_2715 : vector<8x1xf32> to vector<8x4096xf32>
    %add3A_2717 = arith.addf %broadcast_in_dim3A_13, %add3A_2716 : vector<8x4096xf32>
    %sub3A_2718 = arith.subf %add3A_2717, %slice3A_2712 : vector<8x4096xf32>
    %lt3A_2719 = arith.cmpf olt, %sub3A_2718, %select_n3A_2708 : vector<8x4096xf32>
    %select_n3A_2720 = arith.select %lt3A_2719, %sub3A_2718, %select_n3A_2708 : vector<8x4096xi1>, vector<8x4096xf32>
    %jit3A_2721 = arith.constant 225 : i32
    %broadcast_in_dim3A_2722 = vector.broadcast %jit3A_2721 : i32 to vector<8x4096xi32>
    %select_n3A_2723 = arith.select %lt3A_2719, %broadcast_in_dim3A_2722, %select_n3A_2711 : vector<8x4096xi1>, vector<8x4096xi32>
    %slice3A_2724 = vector.extract_strided_slice %dot_general3A_9 {offsets = [1808, 0], sizes = [8, 4096], strides = [1, 1]} : vector<2048x4096xf32> to vector<8x4096xf32>
    %get3A_2725 = arith.constant 1808 : index
    %get3A_2726 = arith.constant 0 : index
    %get3A_2727 = vector.load %arg5[%get3A_2725, %get3A_2726] : memref<2048x1xf32, #tpu.memory_space<vmem>>, vector<8x1xf32>
    %add3A_2728 = vector.broadcast %get3A_2727 : vector<8x1xf32> to vector<8x4096xf32>
    %add3A_2729 = arith.addf %broadcast_in_dim3A_13, %add3A_2728 : vector<8x4096xf32>
    %sub3A_2730 = arith.subf %add3A_2729, %slice3A_2724 : vector<8x4096xf32>
    %lt3A_2731 = arith.cmpf olt, %sub3A_2730, %select_n3A_2720 : vector<8x4096xf32>
    %select_n3A_2732 = arith.select %lt3A_2731, %sub3A_2730, %select_n3A_2720 : vector<8x4096xi1>, vector<8x4096xf32>
    %jit3A_2733 = arith.constant 226 : i32
    %broadcast_in_dim3A_2734 = vector.broadcast %jit3A_2733 : i32 to vector<8x4096xi32>
    %select_n3A_2735 = arith.select %lt3A_2731, %broadcast_in_dim3A_2734, %select_n3A_2723 : vector<8x4096xi1>, vector<8x4096xi32>
    %slice3A_2736 = vector.extract_strided_slice %dot_general3A_9 {offsets = [1816, 0], sizes = [8, 4096], strides = [1, 1]} : vector<2048x4096xf32> to vector<8x4096xf32>
    %get3A_2737 = arith.constant 1816 : index
    %get3A_2738 = arith.constant 0 : index
    %get3A_2739 = vector.load %arg5[%get3A_2737, %get3A_2738] : memref<2048x1xf32, #tpu.memory_space<vmem>>, vector<8x1xf32>
    %add3A_2740 = vector.broadcast %get3A_2739 : vector<8x1xf32> to vector<8x4096xf32>
    %add3A_2741 = arith.addf %broadcast_in_dim3A_13, %add3A_2740 : vector<8x4096xf32>
    %sub3A_2742 = arith.subf %add3A_2741, %slice3A_2736 : vector<8x4096xf32>
    %lt3A_2743 = arith.cmpf olt, %sub3A_2742, %select_n3A_2732 : vector<8x4096xf32>
    %select_n3A_2744 = arith.select %lt3A_2743, %sub3A_2742, %select_n3A_2732 : vector<8x4096xi1>, vector<8x4096xf32>
    %jit3A_2745 = arith.constant 227 : i32
    %broadcast_in_dim3A_2746 = vector.broadcast %jit3A_2745 : i32 to vector<8x4096xi32>
    %select_n3A_2747 = arith.select %lt3A_2743, %broadcast_in_dim3A_2746, %select_n3A_2735 : vector<8x4096xi1>, vector<8x4096xi32>
    %slice3A_2748 = vector.extract_strided_slice %dot_general3A_9 {offsets = [1824, 0], sizes = [8, 4096], strides = [1, 1]} : vector<2048x4096xf32> to vector<8x4096xf32>
    %get3A_2749 = arith.constant 1824 : index
    %get3A_2750 = arith.constant 0 : index
    %get3A_2751 = vector.load %arg5[%get3A_2749, %get3A_2750] : memref<2048x1xf32, #tpu.memory_space<vmem>>, vector<8x1xf32>
    %add3A_2752 = vector.broadcast %get3A_2751 : vector<8x1xf32> to vector<8x4096xf32>
    %add3A_2753 = arith.addf %broadcast_in_dim3A_13, %add3A_2752 : vector<8x4096xf32>
    %sub3A_2754 = arith.subf %add3A_2753, %slice3A_2748 : vector<8x4096xf32>
    %lt3A_2755 = arith.cmpf olt, %sub3A_2754, %select_n3A_2744 : vector<8x4096xf32>
    %select_n3A_2756 = arith.select %lt3A_2755, %sub3A_2754, %select_n3A_2744 : vector<8x4096xi1>, vector<8x4096xf32>
    %jit3A_2757 = arith.constant 228 : i32
    %broadcast_in_dim3A_2758 = vector.broadcast %jit3A_2757 : i32 to vector<8x4096xi32>
    %select_n3A_2759 = arith.select %lt3A_2755, %broadcast_in_dim3A_2758, %select_n3A_2747 : vector<8x4096xi1>, vector<8x4096xi32>
    %slice3A_2760 = vector.extract_strided_slice %dot_general3A_9 {offsets = [1832, 0], sizes = [8, 4096], strides = [1, 1]} : vector<2048x4096xf32> to vector<8x4096xf32>
    %get3A_2761 = arith.constant 1832 : index
    %get3A_2762 = arith.constant 0 : index
    %get3A_2763 = vector.load %arg5[%get3A_2761, %get3A_2762] : memref<2048x1xf32, #tpu.memory_space<vmem>>, vector<8x1xf32>
    %add3A_2764 = vector.broadcast %get3A_2763 : vector<8x1xf32> to vector<8x4096xf32>
    %add3A_2765 = arith.addf %broadcast_in_dim3A_13, %add3A_2764 : vector<8x4096xf32>
    %sub3A_2766 = arith.subf %add3A_2765, %slice3A_2760 : vector<8x4096xf32>
    %lt3A_2767 = arith.cmpf olt, %sub3A_2766, %select_n3A_2756 : vector<8x4096xf32>
    %select_n3A_2768 = arith.select %lt3A_2767, %sub3A_2766, %select_n3A_2756 : vector<8x4096xi1>, vector<8x4096xf32>
    %jit3A_2769 = arith.constant 229 : i32
    %broadcast_in_dim3A_2770 = vector.broadcast %jit3A_2769 : i32 to vector<8x4096xi32>
    %select_n3A_2771 = arith.select %lt3A_2767, %broadcast_in_dim3A_2770, %select_n3A_2759 : vector<8x4096xi1>, vector<8x4096xi32>
    %slice3A_2772 = vector.extract_strided_slice %dot_general3A_9 {offsets = [1840, 0], sizes = [8, 4096], strides = [1, 1]} : vector<2048x4096xf32> to vector<8x4096xf32>
    %get3A_2773 = arith.constant 1840 : index
    %get3A_2774 = arith.constant 0 : index
    %get3A_2775 = vector.load %arg5[%get3A_2773, %get3A_2774] : memref<2048x1xf32, #tpu.memory_space<vmem>>, vector<8x1xf32>
    %add3A_2776 = vector.broadcast %get3A_2775 : vector<8x1xf32> to vector<8x4096xf32>
    %add3A_2777 = arith.addf %broadcast_in_dim3A_13, %add3A_2776 : vector<8x4096xf32>
    %sub3A_2778 = arith.subf %add3A_2777, %slice3A_2772 : vector<8x4096xf32>
    %lt3A_2779 = arith.cmpf olt, %sub3A_2778, %select_n3A_2768 : vector<8x4096xf32>
    %select_n3A_2780 = arith.select %lt3A_2779, %sub3A_2778, %select_n3A_2768 : vector<8x4096xi1>, vector<8x4096xf32>
    %jit3A_2781 = arith.constant 230 : i32
    %broadcast_in_dim3A_2782 = vector.broadcast %jit3A_2781 : i32 to vector<8x4096xi32>
    %select_n3A_2783 = arith.select %lt3A_2779, %broadcast_in_dim3A_2782, %select_n3A_2771 : vector<8x4096xi1>, vector<8x4096xi32>
    %slice3A_2784 = vector.extract_strided_slice %dot_general3A_9 {offsets = [1848, 0], sizes = [8, 4096], strides = [1, 1]} : vector<2048x4096xf32> to vector<8x4096xf32>
    %get3A_2785 = arith.constant 1848 : index
    %get3A_2786 = arith.constant 0 : index
    %get3A_2787 = vector.load %arg5[%get3A_2785, %get3A_2786] : memref<2048x1xf32, #tpu.memory_space<vmem>>, vector<8x1xf32>
    %add3A_2788 = vector.broadcast %get3A_2787 : vector<8x1xf32> to vector<8x4096xf32>
    %add3A_2789 = arith.addf %broadcast_in_dim3A_13, %add3A_2788 : vector<8x4096xf32>
    %sub3A_2790 = arith.subf %add3A_2789, %slice3A_2784 : vector<8x4096xf32>
    %lt3A_2791 = arith.cmpf olt, %sub3A_2790, %select_n3A_2780 : vector<8x4096xf32>
    %select_n3A_2792 = arith.select %lt3A_2791, %sub3A_2790, %select_n3A_2780 : vector<8x4096xi1>, vector<8x4096xf32>
    %jit3A_2793 = arith.constant 231 : i32
    %broadcast_in_dim3A_2794 = vector.broadcast %jit3A_2793 : i32 to vector<8x4096xi32>
    %select_n3A_2795 = arith.select %lt3A_2791, %broadcast_in_dim3A_2794, %select_n3A_2783 : vector<8x4096xi1>, vector<8x4096xi32>
    %slice3A_2796 = vector.extract_strided_slice %dot_general3A_9 {offsets = [1856, 0], sizes = [8, 4096], strides = [1, 1]} : vector<2048x4096xf32> to vector<8x4096xf32>
    %get3A_2797 = arith.constant 1856 : index
    %get3A_2798 = arith.constant 0 : index
    %get3A_2799 = vector.load %arg5[%get3A_2797, %get3A_2798] : memref<2048x1xf32, #tpu.memory_space<vmem>>, vector<8x1xf32>
    %add3A_2800 = vector.broadcast %get3A_2799 : vector<8x1xf32> to vector<8x4096xf32>
    %add3A_2801 = arith.addf %broadcast_in_dim3A_13, %add3A_2800 : vector<8x4096xf32>
    %sub3A_2802 = arith.subf %add3A_2801, %slice3A_2796 : vector<8x4096xf32>
    %lt3A_2803 = arith.cmpf olt, %sub3A_2802, %select_n3A_2792 : vector<8x4096xf32>
    %select_n3A_2804 = arith.select %lt3A_2803, %sub3A_2802, %select_n3A_2792 : vector<8x4096xi1>, vector<8x4096xf32>
    %jit3A_2805 = arith.constant 232 : i32
    %broadcast_in_dim3A_2806 = vector.broadcast %jit3A_2805 : i32 to vector<8x4096xi32>
    %select_n3A_2807 = arith.select %lt3A_2803, %broadcast_in_dim3A_2806, %select_n3A_2795 : vector<8x4096xi1>, vector<8x4096xi32>
    %slice3A_2808 = vector.extract_strided_slice %dot_general3A_9 {offsets = [1864, 0], sizes = [8, 4096], strides = [1, 1]} : vector<2048x4096xf32> to vector<8x4096xf32>
    %get3A_2809 = arith.constant 1864 : index
    %get3A_2810 = arith.constant 0 : index
    %get3A_2811 = vector.load %arg5[%get3A_2809, %get3A_2810] : memref<2048x1xf32, #tpu.memory_space<vmem>>, vector<8x1xf32>
    %add3A_2812 = vector.broadcast %get3A_2811 : vector<8x1xf32> to vector<8x4096xf32>
    %add3A_2813 = arith.addf %broadcast_in_dim3A_13, %add3A_2812 : vector<8x4096xf32>
    %sub3A_2814 = arith.subf %add3A_2813, %slice3A_2808 : vector<8x4096xf32>
    %lt3A_2815 = arith.cmpf olt, %sub3A_2814, %select_n3A_2804 : vector<8x4096xf32>
    %select_n3A_2816 = arith.select %lt3A_2815, %sub3A_2814, %select_n3A_2804 : vector<8x4096xi1>, vector<8x4096xf32>
    %jit3A_2817 = arith.constant 233 : i32
    %broadcast_in_dim3A_2818 = vector.broadcast %jit3A_2817 : i32 to vector<8x4096xi32>
    %select_n3A_2819 = arith.select %lt3A_2815, %broadcast_in_dim3A_2818, %select_n3A_2807 : vector<8x4096xi1>, vector<8x4096xi32>
    %slice3A_2820 = vector.extract_strided_slice %dot_general3A_9 {offsets = [1872, 0], sizes = [8, 4096], strides = [1, 1]} : vector<2048x4096xf32> to vector<8x4096xf32>
    %get3A_2821 = arith.constant 1872 : index
    %get3A_2822 = arith.constant 0 : index
    %get3A_2823 = vector.load %arg5[%get3A_2821, %get3A_2822] : memref<2048x1xf32, #tpu.memory_space<vmem>>, vector<8x1xf32>
    %add3A_2824 = vector.broadcast %get3A_2823 : vector<8x1xf32> to vector<8x4096xf32>
    %add3A_2825 = arith.addf %broadcast_in_dim3A_13, %add3A_2824 : vector<8x4096xf32>
    %sub3A_2826 = arith.subf %add3A_2825, %slice3A_2820 : vector<8x4096xf32>
    %lt3A_2827 = arith.cmpf olt, %sub3A_2826, %select_n3A_2816 : vector<8x4096xf32>
    %select_n3A_2828 = arith.select %lt3A_2827, %sub3A_2826, %select_n3A_2816 : vector<8x4096xi1>, vector<8x4096xf32>
    %jit3A_2829 = arith.constant 234 : i32
    %broadcast_in_dim3A_2830 = vector.broadcast %jit3A_2829 : i32 to vector<8x4096xi32>
    %select_n3A_2831 = arith.select %lt3A_2827, %broadcast_in_dim3A_2830, %select_n3A_2819 : vector<8x4096xi1>, vector<8x4096xi32>
    %slice3A_2832 = vector.extract_strided_slice %dot_general3A_9 {offsets = [1880, 0], sizes = [8, 4096], strides = [1, 1]} : vector<2048x4096xf32> to vector<8x4096xf32>
    %get3A_2833 = arith.constant 1880 : index
    %get3A_2834 = arith.constant 0 : index
    %get3A_2835 = vector.load %arg5[%get3A_2833, %get3A_2834] : memref<2048x1xf32, #tpu.memory_space<vmem>>, vector<8x1xf32>
    %add3A_2836 = vector.broadcast %get3A_2835 : vector<8x1xf32> to vector<8x4096xf32>
    %add3A_2837 = arith.addf %broadcast_in_dim3A_13, %add3A_2836 : vector<8x4096xf32>
    %sub3A_2838 = arith.subf %add3A_2837, %slice3A_2832 : vector<8x4096xf32>
    %lt3A_2839 = arith.cmpf olt, %sub3A_2838, %select_n3A_2828 : vector<8x4096xf32>
    %select_n3A_2840 = arith.select %lt3A_2839, %sub3A_2838, %select_n3A_2828 : vector<8x4096xi1>, vector<8x4096xf32>
    %jit3A_2841 = arith.constant 235 : i32
    %broadcast_in_dim3A_2842 = vector.broadcast %jit3A_2841 : i32 to vector<8x4096xi32>
    %select_n3A_2843 = arith.select %lt3A_2839, %broadcast_in_dim3A_2842, %select_n3A_2831 : vector<8x4096xi1>, vector<8x4096xi32>
    %slice3A_2844 = vector.extract_strided_slice %dot_general3A_9 {offsets = [1888, 0], sizes = [8, 4096], strides = [1, 1]} : vector<2048x4096xf32> to vector<8x4096xf32>
    %get3A_2845 = arith.constant 1888 : index
    %get3A_2846 = arith.constant 0 : index
    %get3A_2847 = vector.load %arg5[%get3A_2845, %get3A_2846] : memref<2048x1xf32, #tpu.memory_space<vmem>>, vector<8x1xf32>
    %add3A_2848 = vector.broadcast %get3A_2847 : vector<8x1xf32> to vector<8x4096xf32>
    %add3A_2849 = arith.addf %broadcast_in_dim3A_13, %add3A_2848 : vector<8x4096xf32>
    %sub3A_2850 = arith.subf %add3A_2849, %slice3A_2844 : vector<8x4096xf32>
    %lt3A_2851 = arith.cmpf olt, %sub3A_2850, %select_n3A_2840 : vector<8x4096xf32>
    %select_n3A_2852 = arith.select %lt3A_2851, %sub3A_2850, %select_n3A_2840 : vector<8x4096xi1>, vector<8x4096xf32>
    %jit3A_2853 = arith.constant 236 : i32
    %broadcast_in_dim3A_2854 = vector.broadcast %jit3A_2853 : i32 to vector<8x4096xi32>
    %select_n3A_2855 = arith.select %lt3A_2851, %broadcast_in_dim3A_2854, %select_n3A_2843 : vector<8x4096xi1>, vector<8x4096xi32>
    %slice3A_2856 = vector.extract_strided_slice %dot_general3A_9 {offsets = [1896, 0], sizes = [8, 4096], strides = [1, 1]} : vector<2048x4096xf32> to vector<8x4096xf32>
    %get3A_2857 = arith.constant 1896 : index
    %get3A_2858 = arith.constant 0 : index
    %get3A_2859 = vector.load %arg5[%get3A_2857, %get3A_2858] : memref<2048x1xf32, #tpu.memory_space<vmem>>, vector<8x1xf32>
    %add3A_2860 = vector.broadcast %get3A_2859 : vector<8x1xf32> to vector<8x4096xf32>
    %add3A_2861 = arith.addf %broadcast_in_dim3A_13, %add3A_2860 : vector<8x4096xf32>
    %sub3A_2862 = arith.subf %add3A_2861, %slice3A_2856 : vector<8x4096xf32>
    %lt3A_2863 = arith.cmpf olt, %sub3A_2862, %select_n3A_2852 : vector<8x4096xf32>
    %select_n3A_2864 = arith.select %lt3A_2863, %sub3A_2862, %select_n3A_2852 : vector<8x4096xi1>, vector<8x4096xf32>
    %jit3A_2865 = arith.constant 237 : i32
    %broadcast_in_dim3A_2866 = vector.broadcast %jit3A_2865 : i32 to vector<8x4096xi32>
    %select_n3A_2867 = arith.select %lt3A_2863, %broadcast_in_dim3A_2866, %select_n3A_2855 : vector<8x4096xi1>, vector<8x4096xi32>
    %slice3A_2868 = vector.extract_strided_slice %dot_general3A_9 {offsets = [1904, 0], sizes = [8, 4096], strides = [1, 1]} : vector<2048x4096xf32> to vector<8x4096xf32>
    %get3A_2869 = arith.constant 1904 : index
    %get3A_2870 = arith.constant 0 : index
    %get3A_2871 = vector.load %arg5[%get3A_2869, %get3A_2870] : memref<2048x1xf32, #tpu.memory_space<vmem>>, vector<8x1xf32>
    %add3A_2872 = vector.broadcast %get3A_2871 : vector<8x1xf32> to vector<8x4096xf32>
    %add3A_2873 = arith.addf %broadcast_in_dim3A_13, %add3A_2872 : vector<8x4096xf32>
    %sub3A_2874 = arith.subf %add3A_2873, %slice3A_2868 : vector<8x4096xf32>
    %lt3A_2875 = arith.cmpf olt, %sub3A_2874, %select_n3A_2864 : vector<8x4096xf32>
    %select_n3A_2876 = arith.select %lt3A_2875, %sub3A_2874, %select_n3A_2864 : vector<8x4096xi1>, vector<8x4096xf32>
    %jit3A_2877 = arith.constant 238 : i32
    %broadcast_in_dim3A_2878 = vector.broadcast %jit3A_2877 : i32 to vector<8x4096xi32>
    %select_n3A_2879 = arith.select %lt3A_2875, %broadcast_in_dim3A_2878, %select_n3A_2867 : vector<8x4096xi1>, vector<8x4096xi32>
    %slice3A_2880 = vector.extract_strided_slice %dot_general3A_9 {offsets = [1912, 0], sizes = [8, 4096], strides = [1, 1]} : vector<2048x4096xf32> to vector<8x4096xf32>
    %get3A_2881 = arith.constant 1912 : index
    %get3A_2882 = arith.constant 0 : index
    %get3A_2883 = vector.load %arg5[%get3A_2881, %get3A_2882] : memref<2048x1xf32, #tpu.memory_space<vmem>>, vector<8x1xf32>
    %add3A_2884 = vector.broadcast %get3A_2883 : vector<8x1xf32> to vector<8x4096xf32>
    %add3A_2885 = arith.addf %broadcast_in_dim3A_13, %add3A_2884 : vector<8x4096xf32>
    %sub3A_2886 = arith.subf %add3A_2885, %slice3A_2880 : vector<8x4096xf32>
    %lt3A_2887 = arith.cmpf olt, %sub3A_2886, %select_n3A_2876 : vector<8x4096xf32>
    %select_n3A_2888 = arith.select %lt3A_2887, %sub3A_2886, %select_n3A_2876 : vector<8x4096xi1>, vector<8x4096xf32>
    %jit3A_2889 = arith.constant 239 : i32
    %broadcast_in_dim3A_2890 = vector.broadcast %jit3A_2889 : i32 to vector<8x4096xi32>
    %select_n3A_2891 = arith.select %lt3A_2887, %broadcast_in_dim3A_2890, %select_n3A_2879 : vector<8x4096xi1>, vector<8x4096xi32>
    %slice3A_2892 = vector.extract_strided_slice %dot_general3A_9 {offsets = [1920, 0], sizes = [8, 4096], strides = [1, 1]} : vector<2048x4096xf32> to vector<8x4096xf32>
    %get3A_2893 = arith.constant 1920 : index
    %get3A_2894 = arith.constant 0 : index
    %get3A_2895 = vector.load %arg5[%get3A_2893, %get3A_2894] : memref<2048x1xf32, #tpu.memory_space<vmem>>, vector<8x1xf32>
    %add3A_2896 = vector.broadcast %get3A_2895 : vector<8x1xf32> to vector<8x4096xf32>
    %add3A_2897 = arith.addf %broadcast_in_dim3A_13, %add3A_2896 : vector<8x4096xf32>
    %sub3A_2898 = arith.subf %add3A_2897, %slice3A_2892 : vector<8x4096xf32>
    %lt3A_2899 = arith.cmpf olt, %sub3A_2898, %select_n3A_2888 : vector<8x4096xf32>
    %select_n3A_2900 = arith.select %lt3A_2899, %sub3A_2898, %select_n3A_2888 : vector<8x4096xi1>, vector<8x4096xf32>
    %jit3A_2901 = arith.constant 240 : i32
    %broadcast_in_dim3A_2902 = vector.broadcast %jit3A_2901 : i32 to vector<8x4096xi32>
    %select_n3A_2903 = arith.select %lt3A_2899, %broadcast_in_dim3A_2902, %select_n3A_2891 : vector<8x4096xi1>, vector<8x4096xi32>
    %slice3A_2904 = vector.extract_strided_slice %dot_general3A_9 {offsets = [1928, 0], sizes = [8, 4096], strides = [1, 1]} : vector<2048x4096xf32> to vector<8x4096xf32>
    %get3A_2905 = arith.constant 1928 : index
    %get3A_2906 = arith.constant 0 : index
    %get3A_2907 = vector.load %arg5[%get3A_2905, %get3A_2906] : memref<2048x1xf32, #tpu.memory_space<vmem>>, vector<8x1xf32>
    %add3A_2908 = vector.broadcast %get3A_2907 : vector<8x1xf32> to vector<8x4096xf32>
    %add3A_2909 = arith.addf %broadcast_in_dim3A_13, %add3A_2908 : vector<8x4096xf32>
    %sub3A_2910 = arith.subf %add3A_2909, %slice3A_2904 : vector<8x4096xf32>
    %lt3A_2911 = arith.cmpf olt, %sub3A_2910, %select_n3A_2900 : vector<8x4096xf32>
    %select_n3A_2912 = arith.select %lt3A_2911, %sub3A_2910, %select_n3A_2900 : vector<8x4096xi1>, vector<8x4096xf32>
    %jit3A_2913 = arith.constant 241 : i32
    %broadcast_in_dim3A_2914 = vector.broadcast %jit3A_2913 : i32 to vector<8x4096xi32>
    %select_n3A_2915 = arith.select %lt3A_2911, %broadcast_in_dim3A_2914, %select_n3A_2903 : vector<8x4096xi1>, vector<8x4096xi32>
    %slice3A_2916 = vector.extract_strided_slice %dot_general3A_9 {offsets = [1936, 0], sizes = [8, 4096], strides = [1, 1]} : vector<2048x4096xf32> to vector<8x4096xf32>
    %get3A_2917 = arith.constant 1936 : index
    %get3A_2918 = arith.constant 0 : index
    %get3A_2919 = vector.load %arg5[%get3A_2917, %get3A_2918] : memref<2048x1xf32, #tpu.memory_space<vmem>>, vector<8x1xf32>
    %add3A_2920 = vector.broadcast %get3A_2919 : vector<8x1xf32> to vector<8x4096xf32>
    %add3A_2921 = arith.addf %broadcast_in_dim3A_13, %add3A_2920 : vector<8x4096xf32>
    %sub3A_2922 = arith.subf %add3A_2921, %slice3A_2916 : vector<8x4096xf32>
    %lt3A_2923 = arith.cmpf olt, %sub3A_2922, %select_n3A_2912 : vector<8x4096xf32>
    %select_n3A_2924 = arith.select %lt3A_2923, %sub3A_2922, %select_n3A_2912 : vector<8x4096xi1>, vector<8x4096xf32>
    %jit3A_2925 = arith.constant 242 : i32
    %broadcast_in_dim3A_2926 = vector.broadcast %jit3A_2925 : i32 to vector<8x4096xi32>
    %select_n3A_2927 = arith.select %lt3A_2923, %broadcast_in_dim3A_2926, %select_n3A_2915 : vector<8x4096xi1>, vector<8x4096xi32>
    %slice3A_2928 = vector.extract_strided_slice %dot_general3A_9 {offsets = [1944, 0], sizes = [8, 4096], strides = [1, 1]} : vector<2048x4096xf32> to vector<8x4096xf32>
    %get3A_2929 = arith.constant 1944 : index
    %get3A_2930 = arith.constant 0 : index
    %get3A_2931 = vector.load %arg5[%get3A_2929, %get3A_2930] : memref<2048x1xf32, #tpu.memory_space<vmem>>, vector<8x1xf32>
    %add3A_2932 = vector.broadcast %get3A_2931 : vector<8x1xf32> to vector<8x4096xf32>
    %add3A_2933 = arith.addf %broadcast_in_dim3A_13, %add3A_2932 : vector<8x4096xf32>
    %sub3A_2934 = arith.subf %add3A_2933, %slice3A_2928 : vector<8x4096xf32>
    %lt3A_2935 = arith.cmpf olt, %sub3A_2934, %select_n3A_2924 : vector<8x4096xf32>
    %select_n3A_2936 = arith.select %lt3A_2935, %sub3A_2934, %select_n3A_2924 : vector<8x4096xi1>, vector<8x4096xf32>
    %jit3A_2937 = arith.constant 243 : i32
    %broadcast_in_dim3A_2938 = vector.broadcast %jit3A_2937 : i32 to vector<8x4096xi32>
    %select_n3A_2939 = arith.select %lt3A_2935, %broadcast_in_dim3A_2938, %select_n3A_2927 : vector<8x4096xi1>, vector<8x4096xi32>
    %slice3A_2940 = vector.extract_strided_slice %dot_general3A_9 {offsets = [1952, 0], sizes = [8, 4096], strides = [1, 1]} : vector<2048x4096xf32> to vector<8x4096xf32>
    %get3A_2941 = arith.constant 1952 : index
    %get3A_2942 = arith.constant 0 : index
    %get3A_2943 = vector.load %arg5[%get3A_2941, %get3A_2942] : memref<2048x1xf32, #tpu.memory_space<vmem>>, vector<8x1xf32>
    %add3A_2944 = vector.broadcast %get3A_2943 : vector<8x1xf32> to vector<8x4096xf32>
    %add3A_2945 = arith.addf %broadcast_in_dim3A_13, %add3A_2944 : vector<8x4096xf32>
    %sub3A_2946 = arith.subf %add3A_2945, %slice3A_2940 : vector<8x4096xf32>
    %lt3A_2947 = arith.cmpf olt, %sub3A_2946, %select_n3A_2936 : vector<8x4096xf32>
    %select_n3A_2948 = arith.select %lt3A_2947, %sub3A_2946, %select_n3A_2936 : vector<8x4096xi1>, vector<8x4096xf32>
    %jit3A_2949 = arith.constant 244 : i32
    %broadcast_in_dim3A_2950 = vector.broadcast %jit3A_2949 : i32 to vector<8x4096xi32>
    %select_n3A_2951 = arith.select %lt3A_2947, %broadcast_in_dim3A_2950, %select_n3A_2939 : vector<8x4096xi1>, vector<8x4096xi32>
    %slice3A_2952 = vector.extract_strided_slice %dot_general3A_9 {offsets = [1960, 0], sizes = [8, 4096], strides = [1, 1]} : vector<2048x4096xf32> to vector<8x4096xf32>
    %get3A_2953 = arith.constant 1960 : index
    %get3A_2954 = arith.constant 0 : index
    %get3A_2955 = vector.load %arg5[%get3A_2953, %get3A_2954] : memref<2048x1xf32, #tpu.memory_space<vmem>>, vector<8x1xf32>
    %add3A_2956 = vector.broadcast %get3A_2955 : vector<8x1xf32> to vector<8x4096xf32>
    %add3A_2957 = arith.addf %broadcast_in_dim3A_13, %add3A_2956 : vector<8x4096xf32>
    %sub3A_2958 = arith.subf %add3A_2957, %slice3A_2952 : vector<8x4096xf32>
    %lt3A_2959 = arith.cmpf olt, %sub3A_2958, %select_n3A_2948 : vector<8x4096xf32>
    %select_n3A_2960 = arith.select %lt3A_2959, %sub3A_2958, %select_n3A_2948 : vector<8x4096xi1>, vector<8x4096xf32>
    %jit3A_2961 = arith.constant 245 : i32
    %broadcast_in_dim3A_2962 = vector.broadcast %jit3A_2961 : i32 to vector<8x4096xi32>
    %select_n3A_2963 = arith.select %lt3A_2959, %broadcast_in_dim3A_2962, %select_n3A_2951 : vector<8x4096xi1>, vector<8x4096xi32>
    %slice3A_2964 = vector.extract_strided_slice %dot_general3A_9 {offsets = [1968, 0], sizes = [8, 4096], strides = [1, 1]} : vector<2048x4096xf32> to vector<8x4096xf32>
    %get3A_2965 = arith.constant 1968 : index
    %get3A_2966 = arith.constant 0 : index
    %get3A_2967 = vector.load %arg5[%get3A_2965, %get3A_2966] : memref<2048x1xf32, #tpu.memory_space<vmem>>, vector<8x1xf32>
    %add3A_2968 = vector.broadcast %get3A_2967 : vector<8x1xf32> to vector<8x4096xf32>
    %add3A_2969 = arith.addf %broadcast_in_dim3A_13, %add3A_2968 : vector<8x4096xf32>
    %sub3A_2970 = arith.subf %add3A_2969, %slice3A_2964 : vector<8x4096xf32>
    %lt3A_2971 = arith.cmpf olt, %sub3A_2970, %select_n3A_2960 : vector<8x4096xf32>
    %select_n3A_2972 = arith.select %lt3A_2971, %sub3A_2970, %select_n3A_2960 : vector<8x4096xi1>, vector<8x4096xf32>
    %jit3A_2973 = arith.constant 246 : i32
    %broadcast_in_dim3A_2974 = vector.broadcast %jit3A_2973 : i32 to vector<8x4096xi32>
    %select_n3A_2975 = arith.select %lt3A_2971, %broadcast_in_dim3A_2974, %select_n3A_2963 : vector<8x4096xi1>, vector<8x4096xi32>
    %slice3A_2976 = vector.extract_strided_slice %dot_general3A_9 {offsets = [1976, 0], sizes = [8, 4096], strides = [1, 1]} : vector<2048x4096xf32> to vector<8x4096xf32>
    %get3A_2977 = arith.constant 1976 : index
    %get3A_2978 = arith.constant 0 : index
    %get3A_2979 = vector.load %arg5[%get3A_2977, %get3A_2978] : memref<2048x1xf32, #tpu.memory_space<vmem>>, vector<8x1xf32>
    %add3A_2980 = vector.broadcast %get3A_2979 : vector<8x1xf32> to vector<8x4096xf32>
    %add3A_2981 = arith.addf %broadcast_in_dim3A_13, %add3A_2980 : vector<8x4096xf32>
    %sub3A_2982 = arith.subf %add3A_2981, %slice3A_2976 : vector<8x4096xf32>
    %lt3A_2983 = arith.cmpf olt, %sub3A_2982, %select_n3A_2972 : vector<8x4096xf32>
    %select_n3A_2984 = arith.select %lt3A_2983, %sub3A_2982, %select_n3A_2972 : vector<8x4096xi1>, vector<8x4096xf32>
    %jit3A_2985 = arith.constant 247 : i32
    %broadcast_in_dim3A_2986 = vector.broadcast %jit3A_2985 : i32 to vector<8x4096xi32>
    %select_n3A_2987 = arith.select %lt3A_2983, %broadcast_in_dim3A_2986, %select_n3A_2975 : vector<8x4096xi1>, vector<8x4096xi32>
    %slice3A_2988 = vector.extract_strided_slice %dot_general3A_9 {offsets = [1984, 0], sizes = [8, 4096], strides = [1, 1]} : vector<2048x4096xf32> to vector<8x4096xf32>
    %get3A_2989 = arith.constant 1984 : index
    %get3A_2990 = arith.constant 0 : index
    %get3A_2991 = vector.load %arg5[%get3A_2989, %get3A_2990] : memref<2048x1xf32, #tpu.memory_space<vmem>>, vector<8x1xf32>
    %add3A_2992 = vector.broadcast %get3A_2991 : vector<8x1xf32> to vector<8x4096xf32>
    %add3A_2993 = arith.addf %broadcast_in_dim3A_13, %add3A_2992 : vector<8x4096xf32>
    %sub3A_2994 = arith.subf %add3A_2993, %slice3A_2988 : vector<8x4096xf32>
    %lt3A_2995 = arith.cmpf olt, %sub3A_2994, %select_n3A_2984 : vector<8x4096xf32>
    %select_n3A_2996 = arith.select %lt3A_2995, %sub3A_2994, %select_n3A_2984 : vector<8x4096xi1>, vector<8x4096xf32>
    %jit3A_2997 = arith.constant 248 : i32
    %broadcast_in_dim3A_2998 = vector.broadcast %jit3A_2997 : i32 to vector<8x4096xi32>
    %select_n3A_2999 = arith.select %lt3A_2995, %broadcast_in_dim3A_2998, %select_n3A_2987 : vector<8x4096xi1>, vector<8x4096xi32>
    %slice3A_3000 = vector.extract_strided_slice %dot_general3A_9 {offsets = [1992, 0], sizes = [8, 4096], strides = [1, 1]} : vector<2048x4096xf32> to vector<8x4096xf32>
    %get3A_3001 = arith.constant 1992 : index
    %get3A_3002 = arith.constant 0 : index
    %get3A_3003 = vector.load %arg5[%get3A_3001, %get3A_3002] : memref<2048x1xf32, #tpu.memory_space<vmem>>, vector<8x1xf32>
    %add3A_3004 = vector.broadcast %get3A_3003 : vector<8x1xf32> to vector<8x4096xf32>
    %add3A_3005 = arith.addf %broadcast_in_dim3A_13, %add3A_3004 : vector<8x4096xf32>
    %sub3A_3006 = arith.subf %add3A_3005, %slice3A_3000 : vector<8x4096xf32>
    %lt3A_3007 = arith.cmpf olt, %sub3A_3006, %select_n3A_2996 : vector<8x4096xf32>
    %select_n3A_3008 = arith.select %lt3A_3007, %sub3A_3006, %select_n3A_2996 : vector<8x4096xi1>, vector<8x4096xf32>
    %jit3A_3009 = arith.constant 249 : i32
    %broadcast_in_dim3A_3010 = vector.broadcast %jit3A_3009 : i32 to vector<8x4096xi32>
    %select_n3A_3011 = arith.select %lt3A_3007, %broadcast_in_dim3A_3010, %select_n3A_2999 : vector<8x4096xi1>, vector<8x4096xi32>
    %slice3A_3012 = vector.extract_strided_slice %dot_general3A_9 {offsets = [2000, 0], sizes = [8, 4096], strides = [1, 1]} : vector<2048x4096xf32> to vector<8x4096xf32>
    %get3A_3013 = arith.constant 2000 : index
    %get3A_3014 = arith.constant 0 : index
    %get3A_3015 = vector.load %arg5[%get3A_3013, %get3A_3014] : memref<2048x1xf32, #tpu.memory_space<vmem>>, vector<8x1xf32>
    %add3A_3016 = vector.broadcast %get3A_3015 : vector<8x1xf32> to vector<8x4096xf32>
    %add3A_3017 = arith.addf %broadcast_in_dim3A_13, %add3A_3016 : vector<8x4096xf32>
    %sub3A_3018 = arith.subf %add3A_3017, %slice3A_3012 : vector<8x4096xf32>
    %lt3A_3019 = arith.cmpf olt, %sub3A_3018, %select_n3A_3008 : vector<8x4096xf32>
    %select_n3A_3020 = arith.select %lt3A_3019, %sub3A_3018, %select_n3A_3008 : vector<8x4096xi1>, vector<8x4096xf32>
    %jit3A_3021 = arith.constant 250 : i32
    %broadcast_in_dim3A_3022 = vector.broadcast %jit3A_3021 : i32 to vector<8x4096xi32>
    %select_n3A_3023 = arith.select %lt3A_3019, %broadcast_in_dim3A_3022, %select_n3A_3011 : vector<8x4096xi1>, vector<8x4096xi32>
    %slice3A_3024 = vector.extract_strided_slice %dot_general3A_9 {offsets = [2008, 0], sizes = [8, 4096], strides = [1, 1]} : vector<2048x4096xf32> to vector<8x4096xf32>
    %get3A_3025 = arith.constant 2008 : index
    %get3A_3026 = arith.constant 0 : index
    %get3A_3027 = vector.load %arg5[%get3A_3025, %get3A_3026] : memref<2048x1xf32, #tpu.memory_space<vmem>>, vector<8x1xf32>
    %add3A_3028 = vector.broadcast %get3A_3027 : vector<8x1xf32> to vector<8x4096xf32>
    %add3A_3029 = arith.addf %broadcast_in_dim3A_13, %add3A_3028 : vector<8x4096xf32>
    %sub3A_3030 = arith.subf %add3A_3029, %slice3A_3024 : vector<8x4096xf32>
    %lt3A_3031 = arith.cmpf olt, %sub3A_3030, %select_n3A_3020 : vector<8x4096xf32>
    %select_n3A_3032 = arith.select %lt3A_3031, %sub3A_3030, %select_n3A_3020 : vector<8x4096xi1>, vector<8x4096xf32>
    %jit3A_3033 = arith.constant 251 : i32
    %broadcast_in_dim3A_3034 = vector.broadcast %jit3A_3033 : i32 to vector<8x4096xi32>
    %select_n3A_3035 = arith.select %lt3A_3031, %broadcast_in_dim3A_3034, %select_n3A_3023 : vector<8x4096xi1>, vector<8x4096xi32>
    %slice3A_3036 = vector.extract_strided_slice %dot_general3A_9 {offsets = [2016, 0], sizes = [8, 4096], strides = [1, 1]} : vector<2048x4096xf32> to vector<8x4096xf32>
    %get3A_3037 = arith.constant 2016 : index
    %get3A_3038 = arith.constant 0 : index
    %get3A_3039 = vector.load %arg5[%get3A_3037, %get3A_3038] : memref<2048x1xf32, #tpu.memory_space<vmem>>, vector<8x1xf32>
    %add3A_3040 = vector.broadcast %get3A_3039 : vector<8x1xf32> to vector<8x4096xf32>
    %add3A_3041 = arith.addf %broadcast_in_dim3A_13, %add3A_3040 : vector<8x4096xf32>
    %sub3A_3042 = arith.subf %add3A_3041, %slice3A_3036 : vector<8x4096xf32>
    %lt3A_3043 = arith.cmpf olt, %sub3A_3042, %select_n3A_3032 : vector<8x4096xf32>
    %select_n3A_3044 = arith.select %lt3A_3043, %sub3A_3042, %select_n3A_3032 : vector<8x4096xi1>, vector<8x4096xf32>
    %jit3A_3045 = arith.constant 252 : i32
    %broadcast_in_dim3A_3046 = vector.broadcast %jit3A_3045 : i32 to vector<8x4096xi32>
    %select_n3A_3047 = arith.select %lt3A_3043, %broadcast_in_dim3A_3046, %select_n3A_3035 : vector<8x4096xi1>, vector<8x4096xi32>
    %slice3A_3048 = vector.extract_strided_slice %dot_general3A_9 {offsets = [2024, 0], sizes = [8, 4096], strides = [1, 1]} : vector<2048x4096xf32> to vector<8x4096xf32>
    %get3A_3049 = arith.constant 2024 : index
    %get3A_3050 = arith.constant 0 : index
    %get3A_3051 = vector.load %arg5[%get3A_3049, %get3A_3050] : memref<2048x1xf32, #tpu.memory_space<vmem>>, vector<8x1xf32>
    %add3A_3052 = vector.broadcast %get3A_3051 : vector<8x1xf32> to vector<8x4096xf32>
    %add3A_3053 = arith.addf %broadcast_in_dim3A_13, %add3A_3052 : vector<8x4096xf32>
    %sub3A_3054 = arith.subf %add3A_3053, %slice3A_3048 : vector<8x4096xf32>
    %lt3A_3055 = arith.cmpf olt, %sub3A_3054, %select_n3A_3044 : vector<8x4096xf32>
    %select_n3A_3056 = arith.select %lt3A_3055, %sub3A_3054, %select_n3A_3044 : vector<8x4096xi1>, vector<8x4096xf32>
    %jit3A_3057 = arith.constant 253 : i32
    %broadcast_in_dim3A_3058 = vector.broadcast %jit3A_3057 : i32 to vector<8x4096xi32>
    %select_n3A_3059 = arith.select %lt3A_3055, %broadcast_in_dim3A_3058, %select_n3A_3047 : vector<8x4096xi1>, vector<8x4096xi32>
    %slice3A_3060 = vector.extract_strided_slice %dot_general3A_9 {offsets = [2032, 0], sizes = [8, 4096], strides = [1, 1]} : vector<2048x4096xf32> to vector<8x4096xf32>
    %get3A_3061 = arith.constant 2032 : index
    %get3A_3062 = arith.constant 0 : index
    %get3A_3063 = vector.load %arg5[%get3A_3061, %get3A_3062] : memref<2048x1xf32, #tpu.memory_space<vmem>>, vector<8x1xf32>
    %add3A_3064 = vector.broadcast %get3A_3063 : vector<8x1xf32> to vector<8x4096xf32>
    %add3A_3065 = arith.addf %broadcast_in_dim3A_13, %add3A_3064 : vector<8x4096xf32>
    %sub3A_3066 = arith.subf %add3A_3065, %slice3A_3060 : vector<8x4096xf32>
    %lt3A_3067 = arith.cmpf olt, %sub3A_3066, %select_n3A_3056 : vector<8x4096xf32>
    %select_n3A_3068 = arith.select %lt3A_3067, %sub3A_3066, %select_n3A_3056 : vector<8x4096xi1>, vector<8x4096xf32>
    %jit3A_3069 = arith.constant 254 : i32
    %broadcast_in_dim3A_3070 = vector.broadcast %jit3A_3069 : i32 to vector<8x4096xi32>
    %select_n3A_3071 = arith.select %lt3A_3067, %broadcast_in_dim3A_3070, %select_n3A_3059 : vector<8x4096xi1>, vector<8x4096xi32>
    %slice3A_3072 = vector.extract_strided_slice %dot_general3A_9 {offsets = [2040, 0], sizes = [8, 4096], strides = [1, 1]} : vector<2048x4096xf32> to vector<8x4096xf32>
    %get3A_3073 = arith.constant 2040 : index
    %get3A_3074 = arith.constant 0 : index
    %get3A_3075 = vector.load %arg5[%get3A_3073, %get3A_3074] : memref<2048x1xf32, #tpu.memory_space<vmem>>, vector<8x1xf32>
    %add3A_3076 = vector.broadcast %get3A_3075 : vector<8x1xf32> to vector<8x4096xf32>
    %add3A_3077 = arith.addf %broadcast_in_dim3A_13, %add3A_3076 : vector<8x4096xf32>
    %sub3A_3078 = arith.subf %add3A_3077, %slice3A_3072 : vector<8x4096xf32>
    %lt3A_3079 = arith.cmpf olt, %sub3A_3078, %select_n3A_3068 : vector<8x4096xf32>
    %select_n3A_3080 = arith.select %lt3A_3079, %sub3A_3078, %select_n3A_3068 : vector<8x4096xi1>, vector<8x4096xf32>
    %jit3A_3081 = arith.constant 255 : i32
    %broadcast_in_dim3A_3082 = vector.broadcast %jit3A_3081 : i32 to vector<8x4096xi32>
    %select_n3A_3083 = arith.select %lt3A_3079, %broadcast_in_dim3A_3082, %select_n3A_3071 : vector<8x4096xi1>, vector<8x4096xi32>
    %reduce_min3A = arith.constant dense<0x7F800000> : vector<4096xf32>
    %reduce_min3A_3084 = vector.multi_reduction <minimumf>, %select_n3A_3080, %reduce_min3A [0] : vector<8x4096xf32> to vector<4096xf32>
    %broadcast_in_dim3A_3085 = vector.shape_cast %reduce_min3A_3084 : vector<4096xf32> to vector<1x4096xf32>
    %mul3A = arith.constant 8 : i32
    %mul3A_3086 = vector.broadcast %mul3A : i32 to vector<8x4096xi32>
    %mul3A_3087 = arith.muli %select_n3A_3083, %mul3A_3086 : vector<8x4096xi32>
    %iota3A = tpu.iota {dimensions = array<i32: 0>} : vector<8x4096xi32>
    %add3A_3088 = arith.addi %mul3A_3087, %iota3A : vector<8x4096xi32>
    %mul3A_3089 = arith.constant 2048 : i32
    %mul3A_3090 = arith.muli %arg1, %mul3A_3089 : i32
    %add3A_3091 = vector.broadcast %mul3A_3090 : i32 to vector<8x4096xi32>
    %add3A_3092 = arith.addi %add3A_3088, %add3A_3091 : vector<8x4096xi32>
    %eq3A_3093 = vector.broadcast %broadcast_in_dim3A_3085 : vector<1x4096xf32> to vector<8x4096xf32>
    %eq3A_3094 = arith.cmpf oeq, %select_n3A_3080, %eq3A_3093 : vector<8x4096xf32>
    %jit3A_3095 = arith.constant 1073741824 : i32
    %broadcast_in_dim3A_3096 = vector.broadcast %jit3A_3095 : i32 to vector<8x4096xi32>
    %select_n3A_3097 = arith.select %eq3A_3094, %add3A_3092, %broadcast_in_dim3A_3096 : vector<8x4096xi1>, vector<8x4096xi32>
    %reduce_min3A_3098 = arith.constant dense<2147483647> : vector<4096xi32>
    %reduce_min3A_3099 = vector.multi_reduction <minsi>, %select_n3A_3097, %reduce_min3A_3098 [0] : vector<8x4096xi32> to vector<4096xi32>
    %broadcast_in_dim3A_3100 = vector.shape_cast %reduce_min3A_3099 : vector<4096xi32> to vector<1x4096xi32>
    %eq3A_3101 = arith.constant 0 : i32
    %eq3A_3102 = arith.cmpi eq, %arg1, %eq3A_3101 : i32
    %convert_element_type3A_3103 = arith.extui %eq3A_3102 : i1 to i32
    %cond3A_3104 = arith.constant 0 : i32
    %cond3A_3105 = arith.cmpi ne, %convert_element_type3A_3103, %cond3A_3104 : i32
    scf.if %cond3A_3105 {
      %convert_element_type3A_3115 = arith.truncf %broadcast_in_dim3A_3085 : vector<1x4096xf32> to vector<1x4096xbf16>
      %swap3A = arith.constant 0 : index
      %swap3A_3116 = arith.constant 0 : index
      %swap3A_3117 = vector.load %arg7[%swap3A, %swap3A_3116] : memref<1x4096xbf16, #tpu.memory_space<vmem>>, vector<1x4096xbf16>
      tpu.vector_store %arg7[%swap3A, %swap3A_3116], %convert_element_type3A_3115 {strides = array<i32>} : memref<1x4096xbf16, #tpu.memory_space<vmem>>, vector<1x4096xbf16>,
      %swap3A_3118 = arith.constant 0 : index
      %swap3A_3119 = arith.constant 0 : index
      %swap3A_3120 = vector.load %arg8[%swap3A_3118, %swap3A_3119] : memref<1x4096xi32, #tpu.memory_space<vmem>>, vector<1x4096xi32>
      tpu.vector_store %arg8[%swap3A_3118, %swap3A_3119], %broadcast_in_dim3A_3100 {strides = array<i32>} : memref<1x4096xi32, #tpu.memory_space<vmem>>, vector<1x4096xi32>,
    } else {
    }
    %gt3A = arith.constant 0 : i32
    %gt3A_3106 = arith.cmpi sgt, %arg1, %gt3A : i32
    %convert_element_type3A_3107 = arith.extui %gt3A_3106 : i1 to i32
    %cond3A_3108 = arith.constant 0 : i32
    %cond3A_3109 = arith.cmpi ne, %convert_element_type3A_3107, %cond3A_3108 : i32
    scf.if %cond3A_3109 {
      %get3A_3115 = arith.constant 0 : index
      %get3A_3116 = arith.constant 0 : index
      %get3A_3117 = vector.load %arg7[%get3A_3115, %get3A_3116] : memref<1x4096xbf16, #tpu.memory_space<vmem>>, vector<1x4096xbf16>
      %convert_element_type3A_3118 = arith.extf %get3A_3117 : vector<1x4096xbf16> to vector<1x4096xf32>
      %lt3A_3119 = arith.cmpf olt, %broadcast_in_dim3A_3085, %convert_element_type3A_3118 : vector<1x4096xf32>
      %select_n3A_3120 = arith.select %lt3A_3119, %broadcast_in_dim3A_3085, %convert_element_type3A_3118 : vector<1x4096xi1>, vector<1x4096xf32>
      %convert_element_type3A_3121 = arith.truncf %select_n3A_3120 : vector<1x4096xf32> to vector<1x4096xbf16>
      %swap3A = arith.constant 0 : index
      %swap3A_3122 = arith.constant 0 : index
      %swap3A_3123 = vector.load %arg7[%swap3A, %swap3A_3122] : memref<1x4096xbf16, #tpu.memory_space<vmem>>, vector<1x4096xbf16>
      tpu.vector_store %arg7[%swap3A, %swap3A_3122], %convert_element_type3A_3121 {strides = array<i32>} : memref<1x4096xbf16, #tpu.memory_space<vmem>>, vector<1x4096xbf16>,
      %get3A_3124 = arith.constant 0 : index
      %get3A_3125 = arith.constant 0 : index
      %get3A_3126 = vector.load %arg8[%get3A_3124, %get3A_3125] : memref<1x4096xi32, #tpu.memory_space<vmem>>, vector<1x4096xi32>
      %select_n3A_3127 = arith.select %lt3A_3119, %broadcast_in_dim3A_3100, %get3A_3126 : vector<1x4096xi1>, vector<1x4096xi32>
      %swap3A_3128 = arith.constant 0 : index
      %swap3A_3129 = arith.constant 0 : index
      %swap3A_3130 = vector.load %arg8[%swap3A_3128, %swap3A_3129] : memref<1x4096xi32, #tpu.memory_space<vmem>>, vector<1x4096xi32>
      tpu.vector_store %arg8[%swap3A_3128, %swap3A_3129], %select_n3A_3127 {strides = array<i32>} : memref<1x4096xi32, #tpu.memory_space<vmem>>, vector<1x4096xi32>,
    } else {
    }
    %eq3A_3110 = arith.constant 3 : i32
    %eq3A_3111 = arith.cmpi eq, %arg1, %eq3A_3110 : i32
    %convert_element_type3A_3112 = arith.extui %eq3A_3111 : i1 to i32
    %cond3A_3113 = arith.constant 0 : i32
    %cond3A_3114 = arith.cmpi ne, %convert_element_type3A_3112, %cond3A_3113 : i32
    scf.if %cond3A_3114 {
      %get3A_3115 = arith.constant 0 : index
      %get3A_3116 = arith.constant 0 : index
      %get3A_3117 = vector.load %arg8[%get3A_3115, %get3A_3116] : memref<1x4096xi32, #tpu.memory_space<vmem>>, vector<1x4096xi32>
      %swap3A = arith.constant 0 : index
      %swap3A_3118 = arith.constant 0 : index
      %swap3A_3119 = vector.load %arg6[%swap3A, %swap3A_3118] : memref<1x4096xi32, #tpu.memory_space<vmem>>, vector<1x4096xi32>
      tpu.vector_store %arg6[%swap3A, %swap3A_3118], %get3A_3117 {strides = array<i32>} : memref<1x4096xi32, #tpu.memory_space<vmem>>, vector<1x4096xi32>,
    } else {
    }
    return
  }
  func.func @transform_0(%arg0: i32, %arg1: i32) -> (i32, i32) {
    %c0_i32 = arith.constant 0 : i32
    %c0_i32_0 = arith.constant 0 : i32
    return %arg0, %c0_i32 : i32, i32
  }
  func.func @transform_1(%arg0: i32, %arg1: i32) -> (i32, i32) {
    %c0_i32 = arith.constant 0 : i32
    %c0_i32_0 = arith.constant 0 : i32
    return %arg1, %c0_i32 : i32, i32
  }
  func.func @transform_2(%arg0: i32, %arg1: i32) -> (i32, i32) {
    %c0_i32 = arith.constant 0 : i32
    %c0_i32_0 = arith.constant 0 : i32
    return %c0_i32, %arg0 : i32, i32
  }
  func.func @transform_3(%arg0: i32, %arg1: i32) -> (i32, i32) {
    %c0_i32 = arith.constant 0 : i32
    %c0_i32_0 = arith.constant 0 : i32
    return %arg1, %c0_i32 : i32, i32
  }
  func.func @transform_4(%arg0: i32, %arg1: i32) -> (i32, i32) {
    %c0_i32 = arith.constant 0 : i32
    %c0_i32_0 = arith.constant 0 : i32
    return %c0_i32, %arg0 : i32, i32
  }
}

module attributes {stable_mosaic.version = 14 : i64} {
  func.func @_epilogue_kernel(%arg0: i32, %arg1: memref<4096x256xf32, #tpu.memory_space<vmem>>, %arg2: memref<4096x256xf32, #tpu.memory_space<vmem>>, %arg3: memref<1x8192xi32, #tpu.memory_space<vmem>>, %arg4: memref<4096x256xf32, #tpu.memory_space<vmem>>, %arg5: memref<1x1xf32, #tpu.memory_space<vmem>>, %arg6: memref<1x1xf32, #tpu.memory_space<vmem>>, %arg7: memref<1x1xf32, #tpu.memory_space<vmem>>) attributes {dimension_semantics = [#tpu.dimension_semantics<arbitrary>], iteration_bounds = array<i64: 2>, scalar_prefetch = 0 : i64, scratch_operands = 1 : i64, tpu.core_type = #tpu.core_type<tc>, window_params = [{transform_indices = @transform_0, window_bounds = array<i64: 4096, 256>}, {transform_indices = @transform_1, window_bounds = array<i64: 4096, 256>}, {pipeline_mode = #tpu.pipeline_mode<synchronous>, transform_indices = @transform_2, window_bounds = array<i64: 1, 8192>}, {transform_indices = @transform_3, window_bounds = array<i64: 4096, 256>}, {pipeline_mode = #tpu.pipeline_mode<synchronous>, transform_indices = @transform_4, window_bounds = array<i64: 1, 1>}, {pipeline_mode = #tpu.pipeline_mode<synchronous>, transform_indices = @transform_5, window_bounds = array<i64: 1, 1>}]} {
    %get3A = arith.constant 0 : index
    %get3A_0 = arith.constant 0 : index
    %get3A_1 = vector.load %arg1[%get3A, %get3A_0] : memref<4096x256xf32, #tpu.memory_space<vmem>>, vector<4096x256xf32>
    %get3A_2 = arith.constant 0 : index
    %get3A_3 = arith.constant 0 : index
    %get3A_4 = vector.load %arg2[%get3A_2, %get3A_3] : memref<4096x256xf32, #tpu.memory_space<vmem>>, vector<4096x256xf32>
    %sub3A = arith.subf %get3A_4, %get3A_1 : vector<4096x256xf32>
    %add3A = arith.addf %get3A_1, %sub3A : vector<4096x256xf32>
    %swap3A = arith.constant 0 : index
    %swap3A_5 = arith.constant 0 : index
    %swap3A_6 = vector.load %arg4[%swap3A, %swap3A_5] : memref<4096x256xf32, #tpu.memory_space<vmem>>, vector<4096x256xf32>
    tpu.vector_store %arg4[%swap3A, %swap3A_5], %add3A {strides = array<i32>} : memref<4096x256xf32, #tpu.memory_space<vmem>>, vector<4096x256xf32>,
    %sub3A_7 = arith.subf %get3A_1, %get3A_4 : vector<4096x256xf32>
    %mul3A = arith.mulf %sub3A_7, %sub3A_7 : vector<4096x256xf32>
    %reduce_sum3A = vector.shape_cast %mul3A : vector<4096x256xf32> to vector<1x4096x256xf32>
    %reduce_sum3A_8 = arith.constant dense<0.000000e+00> : vector<1xf32>
    %reduce_sum3A_9 = vector.multi_reduction <add>, %reduce_sum3A, %reduce_sum3A_8 [1, 2] : vector<1x4096x256xf32> to vector<1xf32>
    %reduce_sum3A_10 = vector.shape_cast %reduce_sum3A_9 : vector<1xf32> to vector<1x1x1xf32>
    %reduce_sum3A_11 = vector.extract %reduce_sum3A_10[0, 0, 0] : f32 from vector<1x1x1xf32>
    %broadcast_in_dim3A = vector.broadcast %reduce_sum3A_11 : f32 to vector<1x1xf32>
    %eq3A = arith.constant 0 : i32
    %eq3A_12 = arith.cmpi eq, %arg0, %eq3A : i32
    %convert_element_type3A = arith.extui %eq3A_12 : i1 to i32
    %cond3A = arith.constant 0 : i32
    %cond3A_13 = arith.cmpi ne, %convert_element_type3A, %cond3A : i32
    scf.if %cond3A_13 {
      %swap3A_23 = arith.constant 0 : index
      %swap3A_24 = arith.constant 0 : index
      %swap3A_25 = vector.load %arg7[%swap3A_23, %swap3A_24] : memref<1x1xf32, #tpu.memory_space<vmem>>, vector<1x1xf32>
      tpu.vector_store %arg7[%swap3A_23, %swap3A_24], %broadcast_in_dim3A {strides = array<i32>} : memref<1x1xf32, #tpu.memory_space<vmem>>, vector<1x1xf32>,
    } else {
    }
    %gt3A = arith.constant 0 : i32
    %gt3A_14 = arith.cmpi sgt, %arg0, %gt3A : i32
    %convert_element_type3A_15 = arith.extui %gt3A_14 : i1 to i32
    %cond3A_16 = arith.constant 0 : i32
    %cond3A_17 = arith.cmpi ne, %convert_element_type3A_15, %cond3A_16 : i32
    scf.if %cond3A_17 {
      %get3A_23 = arith.constant 0 : index
      %get3A_24 = arith.constant 0 : index
      %get3A_25 = vector.load %arg7[%get3A_23, %get3A_24] : memref<1x1xf32, #tpu.memory_space<vmem>>, vector<1x1xf32>
      %add3A_26 = arith.addf %get3A_25, %broadcast_in_dim3A : vector<1x1xf32>
      %swap3A_27 = arith.constant 0 : index
      %swap3A_28 = arith.constant 0 : index
      %swap3A_29 = vector.load %arg7[%swap3A_27, %swap3A_28] : memref<1x1xf32, #tpu.memory_space<vmem>>, vector<1x1xf32>
      tpu.vector_store %arg7[%swap3A_27, %swap3A_28], %add3A_26 {strides = array<i32>} : memref<1x1xf32, #tpu.memory_space<vmem>>, vector<1x1xf32>,
    } else {
    }
    %eq3A_18 = arith.constant 1 : i32
    %eq3A_19 = arith.cmpi eq, %arg0, %eq3A_18 : i32
    %convert_element_type3A_20 = arith.extui %eq3A_19 : i1 to i32
    %cond3A_21 = arith.constant 0 : i32
    %cond3A_22 = arith.cmpi ne, %convert_element_type3A_20, %cond3A_21 : i32
    scf.if %cond3A_22 {
      %get3A_23 = arith.constant 0 : index
      %get3A_24 = arith.constant 0 : index
      %get3A_25 = vector.load %arg7[%get3A_23, %get3A_24] : memref<1x1xf32, #tpu.memory_space<vmem>>, vector<1x1xf32>
      %mul3A_26 = arith.constant 4.76837158E-7 : f32
      %mul3A_27 = vector.broadcast %mul3A_26 : f32 to vector<1x1xf32>
      %mul3A_28 = arith.mulf %get3A_25, %mul3A_27 : vector<1x1xf32>
      %mul3A_29 = arith.constant 2.500000e-01 : f32
      %mul3A_30 = vector.broadcast %mul3A_29 : f32 to vector<1x1xf32>
      %mul3A_31 = arith.mulf %mul3A_30, %mul3A_28 : vector<1x1xf32>
      %add3A_32 = arith.addf %mul3A_28, %mul3A_31 : vector<1x1xf32>
      %swap3A_33 = arith.constant 0 : index
      %swap3A_34 = arith.constant 0 : index
      %swap3A_35 = vector.load %arg5[%swap3A_33, %swap3A_34] : memref<1x1xf32, #tpu.memory_space<vmem>>, vector<1x1xf32>
      tpu.vector_store %arg5[%swap3A_33, %swap3A_34], %add3A_32 {strides = array<i32>} : memref<1x1xf32, #tpu.memory_space<vmem>>, vector<1x1xf32>,
      %get3A_36 = arith.constant 0 : index
      %get3A_37 = arith.constant 0 : index
      %get3A_38 = vector.load %arg3[%get3A_36, %get3A_37] : memref<1x8192xi32, #tpu.memory_space<vmem>>, vector<1x8192xi32>
      %iota3A = tpu.iota {dimensions = array<i32: 0>} : vector<64x1xi32>
      %iota3A_39 = tpu.iota {dimensions = array<i32: 0>} : vector<128x1xi32>
      %shift_right_logical3A = arith.constant 7 : i32
      %shift_right_logical3A_40 = vector.broadcast %shift_right_logical3A : i32 to vector<1x8192xi32>
      %shift_right_logical3A_41 = arith.shrui %get3A_38, %shift_right_logical3A_40 : vector<1x8192xi32>
      %eq3A_42 = vector.broadcast %shift_right_logical3A_41 : vector<1x8192xi32> to vector<64x8192xi32>
      %eq3A_43 = vector.broadcast %iota3A : vector<64x1xi32> to vector<64x8192xi32>
      %eq3A_44 = arith.cmpi eq, %eq3A_42, %eq3A_43 : vector<64x8192xi32>
      %jit3A = arith.constant 1.000000e+00 : f32
      %jit3A_45 = arith.constant 0.000000e+00 : f32
      %broadcast_in_dim3A_46 = vector.broadcast %jit3A : f32 to vector<64x8192xf32>
      %broadcast_in_dim3A_47 = vector.broadcast %jit3A_45 : f32 to vector<64x8192xf32>
      %select_n3A = arith.select %eq3A_44, %broadcast_in_dim3A_46, %broadcast_in_dim3A_47 : vector<64x8192xi1>, vector<64x8192xf32>
      %convert_element_type3A_48 = arith.truncf %select_n3A : vector<64x8192xf32> to vector<64x8192xbf16>
      %and3A = arith.constant 127 : i32
      %and3A_49 = vector.broadcast %and3A : i32 to vector<1x8192xi32>
      %and3A_50 = arith.andi %get3A_38, %and3A_49 : vector<1x8192xi32>
      %eq3A_51 = vector.broadcast %and3A_50 : vector<1x8192xi32> to vector<128x8192xi32>
      %eq3A_52 = vector.broadcast %iota3A_39 : vector<128x1xi32> to vector<128x8192xi32>
      %eq3A_53 = arith.cmpi eq, %eq3A_51, %eq3A_52 : vector<128x8192xi32>
      %jit3A_54 = arith.constant 1.000000e+00 : f32
      %jit3A_55 = arith.constant 0.000000e+00 : f32
      %broadcast_in_dim3A_56 = vector.broadcast %jit3A_54 : f32 to vector<128x8192xf32>
      %broadcast_in_dim3A_57 = vector.broadcast %jit3A_55 : f32 to vector<128x8192xf32>
      %select_n3A_58 = arith.select %eq3A_53, %broadcast_in_dim3A_56, %broadcast_in_dim3A_57 : vector<128x8192xi1>, vector<128x8192xf32>
      %convert_element_type3A_59 = arith.truncf %select_n3A_58 : vector<128x8192xf32> to vector<128x8192xbf16>
      %dot_general3A = arith.constant dense<0.000000e+00> : vector<64x128xf32>
      %dot_general3A_60 = tpu.matmul %convert_element_type3A_48, %convert_element_type3A_59, %dot_general3A {dimension_numbers = #tpu.dot_dimension_numbers<[1], [1], [0], [0], [0, 0, 1, 0], [], []>, transpose_lhs_hint = false} : vector<64x8192xbf16>, vector<128x8192xbf16>, vector<64x128xf32> -> vector<64x128xf32>
      %mul3A_61 = arith.constant 1.22070313E-4 : f32
      %mul3A_62 = vector.broadcast %mul3A_61 : f32 to vector<64x128xf32>
      %mul3A_63 = arith.mulf %dot_general3A_60, %mul3A_62 : vector<64x128xf32>
      %add3A_64 = arith.constant 9.99999996E-13 : f32
      %add3A_65 = vector.broadcast %add3A_64 : f32 to vector<64x128xf32>
      %add3A_66 = arith.addf %mul3A_63, %add3A_65 : vector<64x128xf32>
      %log3A = math.log %add3A_66 : vector<64x128xf32>
      %mul3A_67 = arith.mulf %mul3A_63, %log3A : vector<64x128xf32>
      %reduce_sum3A_68 = vector.shape_cast %mul3A_67 : vector<64x128xf32> to vector<1x64x128xf32>
      %reduce_sum3A_69 = arith.constant dense<0.000000e+00> : vector<1xf32>
      %reduce_sum3A_70 = vector.multi_reduction <add>, %reduce_sum3A_68, %reduce_sum3A_69 [1, 2] : vector<1x64x128xf32> to vector<1xf32>
      %reduce_sum3A_71 = vector.shape_cast %reduce_sum3A_70 : vector<1xf32> to vector<1x1x1xf32>
      %reduce_sum3A_72 = vector.extract %reduce_sum3A_71[0, 0, 0] : f32 from vector<1x1x1xf32>
      %broadcast_in_dim3A_73 = vector.broadcast %reduce_sum3A_72 : f32 to vector<1x1xf32>
      %neg3A = arith.constant 0.000000e+00 : f32
      %neg3A_74 = vector.broadcast %neg3A : f32 to vector<1x1xf32>
      %neg3A_75 = arith.subf %neg3A_74, %broadcast_in_dim3A_73 : vector<1x1xf32>
      %exp3A = math.exp %neg3A_75 : vector<1x1xf32>
      %swap3A_76 = arith.constant 0 : index
      %swap3A_77 = arith.constant 0 : index
      %swap3A_78 = vector.load %arg6[%swap3A_76, %swap3A_77] : memref<1x1xf32, #tpu.memory_space<vmem>>, vector<1x1xf32>
      tpu.vector_store %arg6[%swap3A_76, %swap3A_77], %exp3A {strides = array<i32>} : memref<1x1xf32, #tpu.memory_space<vmem>>, vector<1x1xf32>,
    } else {
    }
    return
  }
  func.func @transform_0(%arg0: i32) -> (i32, i32) {
    %c0_i32 = arith.constant 0 : i32
    %c0_i32_0 = arith.constant 0 : i32
    return %arg0, %c0_i32 : i32, i32
  }
  func.func @transform_1(%arg0: i32) -> (i32, i32) {
    %c0_i32 = arith.constant 0 : i32
    %c0_i32_0 = arith.constant 0 : i32
    return %arg0, %c0_i32 : i32, i32
  }
  func.func @transform_2(%arg0: i32) -> (i32, i32) {
    %c0_i32 = arith.constant 0 : i32
    %c0_i32_0 = arith.constant 0 : i32
    %c0_i32_1 = arith.constant 0 : i32
    return %c0_i32, %c0_i32_0 : i32, i32
  }
  func.func @transform_3(%arg0: i32) -> (i32, i32) {
    %c0_i32 = arith.constant 0 : i32
    %c0_i32_0 = arith.constant 0 : i32
    return %arg0, %c0_i32 : i32, i32
  }
  func.func @transform_4(%arg0: i32) -> (i32, i32) {
    %c0_i32 = arith.constant 0 : i32
    %c0_i32_0 = arith.constant 0 : i32
    %c0_i32_1 = arith.constant 0 : i32
    return %c0_i32, %c0_i32_0 : i32, i32
  }
  func.func @transform_5(%arg0: i32) -> (i32, i32) {
    %c0_i32 = arith.constant 0 : i32
    %c0_i32_0 = arith.constant 0 : i32
    %c0_i32_1 = arith.constant 0 : i32
    return %c0_i32, %c0_i32_0 : i32, i32
  }
}

</mosaic_0001>

<sc_bundles>
// kernel: kernel.5.cloned.1.call-start
scs
__scs_entry_jumppad:
0x0: {  	(pc) =	sbr.rel $0x88, $3  }
0x1: {  	(tag) =	ssettag $0x0;
	lr =	simm.s32 $0x1  }
0x2: {  	[smem:$0x3F9F] =	sst lr;
	_ =	strace $0xD0000000  }
0x3: {  	_ = 	snop  }
0x4: {  	_ = 	snop  }
0x5: {  	_ = 	snop  }
0x6: {  	_ = 	snop  }
0x7: {  	_ = 	snop  }
__scs_overlays_trampoline_lowered:
0x8: {  	[smem:$0x3FAE] =	sst s0  }
0x9: {  	[smem:$0x3FAF] =	sst s1  }
0xa: {  	[smem:$0x3FB0] =	sst s2  }
0xb: {  	[smem:$0x3FB1] =	sst s3  }
0xc: {  	[smem:$0x3FB2] =	sst s4  }
0xd: {  	[smem:$0x3FB3] =	sst s5  }
0xe: {  	[smem:$0x3FB4] =	sst s6  }
0xf: {  	[smem:$0x3FB5] =	sst s7  }
0x10: {  	[smem:$0x3FB6] =	sst s8  }
0x11: {  	[smem:$0x3FB7] =	sst s9;
	s0 =	simm.s32 @!p0 $0x0  }
0x12: {  	s1 =	sld [smem:$0x3F9D];
	s0 =	simm.s32 @p0 $0x1  }
0x13: {  	[smem:$0x3FB8] =	sst s0;
	s0 =	simm.s32 @!p1 $0x0  }
0x14: {  	s2 =	sld [smem:$0x3F9C];
	s0 =	simm.s32 @p1 $0x1  }
0x15: {  	[smem:$0x3FB9] =	sst s0;
	s0 =	simm.s32 @!p2 $0x0  }
0x16: {  	s3 =	sld [smem:$0x3FDB];
	s0 =	simm.s32 @p2 $0x1  }
0x17: {  	s4 =	simm.s32 $0x1BF5;
	[smem:$0x3FBB] =	sst s0  }
0x18: {  	s0 =	sld [smem:$0x3F9E];
	_ =	swait.ge [sflag:s4], $0x0  }
0x19: {  	s7 =	sld [smem:$0x3F9F]  }
0x1a: {  	s8 =	sadd.s32 $0xFFFFE003, lr  }
0x1b: {  	s9 =	sadd.s32 $0xFFFFFEF7, lr;
	s5 =	simm.s32 $0xFFFFFFFF;
	p2 =	slt.u32 s8, $0xFFFFF086  }
0x1c: {  	p1 =	slt.u32 s9, $0xF7A;
	s5 =	simm.s32 @!p2 $0x0  }
0x1d: {  	s5 =	simm.s32 @p1 $0x1;
	p0 =	seq.s32 s7, s2  }
0x1e: {  	s7 =	smul.u32 @!p0 $0xF7A, s2;
	p2 =	seq.s32 @!p0 s5, $0x0  }
0x1f: {  	s9 =	smul.u32 $0xF7A, s1;
	s8 =	simm.s32 @!p0 $0x1BF5;
	p2 =	por !p2, p0  }
0x20: {  	[sflag:s8] =	ssyncset.s32 @!p0 $0xFFFFF086;
	s6 =	sadd.s32 @!p0 s3, s7;
	s7 =	simm.s32 @!p0 $0x108  }
0x21: {  	s3 =	sadd.s32 s3, s9;
	s6 =	sadd.s32 @!p0 $0x88, s6;
	s7 =	simm.s32 @p2 $0x1082  }
0x22: {  	[simem:s7], [sflag:s8] =	dma.local @!p0 [hbm:s6], $0xF7A  }
0x23: {  	s9 =	sor.u32 $0xD0000000, s2;
	s6 =	simm.s32 $0x108;
	_ =	swait.ge @!p0 [sflag:s8], $0x0  }
0x24: {  	s3 =	sadd.s32 $0x88, s3;
	s6 =	simm.s32 @!p1 $0x1082;
	[sflag:s4] =	ssyncset.s32 $0xFFFFF086  }
0x25: {  	[simem:s6], [sflag:s4] =	dma.local [hbm:s3], $0xF7A  }
0x26: {  	[smem:$0x3F9F] =	sst s1;
	(tag) =	ssettag s2;
	_ =	strace s9  }
0x27: {  	s1 =	sld [smem:$0x3FAF]  }
0x28: {  	s2 =	sld [smem:$0x3FB0]  }
0x29: {  	s4 =	sld [smem:$0x3FB2]  }
0x2a: {  	p0 =	seq.s32 s5, $0x0;
	s5 =	sld [smem:$0x3FB3]  }
0x2b: {  	s6 =	sld [smem:$0x3FB4]  }
0x2c: {  	s7 =	sld [smem:$0x3FB5]  }
0x2d: {  	s3 =	simm.s32 $0x108;
	s8 =	sld [smem:$0x3FB6]  }
0x2e: {  	s3 =	simm.s32 @!p0 $0x1082;
	s9 =	sld [smem:$0x3FB7]  }
0x2f: {  	lr =	sadd.s32 s0, s3;
	s0 =	sld [smem:$0x3FAE]  }
0x30: {  	s3 =	sld [smem:$0x3FB1]  }
0x31: {  	[smem:$0x3FBA] =	sst s10  }
0x32: {  	s10 =	sld [smem:$0x3FB8];
	_ =	sdelay $0x3  }
0x33: {  	p0 =	seq.s32 s10, $0x1;
	s10 =	sld [smem:$0x3FBA];
	_ =	sdelay $0x3  }
0x34: {  	[smem:$0x3FBA] =	sst s10  }
0x35: {  	s10 =	sld [smem:$0x3FB9];
	_ =	sdelay $0x3  }
0x36: {  	p1 =	seq.s32 s10, $0x1;
	s10 =	sld [smem:$0x3FBA];
	_ =	sdelay $0x3  }
0x37: {  	[smem:$0x3FBA] =	sst s10  }
0x38: {  	s10 =	sld [smem:$0x3FBB]  }
0x39: {  	_ = 	snop;
	(pc) =	sbr.ind lr, $3  }
0x3a: {  	_ = 	snop  }
0x3b: {  	_ = 	snop  }
0x3c: {  	p2 =	seq.s32 s10, $0x1;
	s10 =	sld [smem:$0x3FBA]  }
0x3d: {  	_ =	shalt  }
0x3e: {  	_ =	shalt  }
0x3f: {  	_ =	shalt  }
0x40: {  	_ =	shalt  }
0x41: {  	_ =	shalt  }
0x42: {  	_ =	shalt  }
0x43: {  	_ =	shalt  }
0x44: {  	_ =	shalt  }
0x45: {  	_ =	shalt  }
0x46: {  	_ =	shalt  }
0x47: {  	_ =	shalt  }
0x48: {  	_ =	shalt  }
0x49: {  	_ =	shalt  }
0x4a: {  	_ =	shalt  }
0x4b: {  	_ =	shalt  }
0x4c: {  	_ =	shalt  }
0x4d: {  	_ =	shalt  }
0x4e: {  	_ =	shalt  }
0x4f: {  	_ =	shalt  }
0x50: {  	_ =	shalt  }
0x51: {  	_ =	shalt  }
0x52: {  	_ =	shalt  }
0x53: {  	_ =	shalt  }
0x54: {  	_ =	shalt  }
0x55: {  	_ =	shalt  }
0x56: {  	_ =	shalt  }
0x57: {  	_ =	shalt  }
0x58: {  	_ =	shalt  }
0x59: {  	_ =	shalt  }
0x5a: {  	_ =	shalt  }
0x5b: {  	_ =	shalt  }
0x5c: {  	_ =	shalt  }
0x5d: {  	_ =	shalt  }
0x5e: {  	_ =	shalt  }
0x5f: {  	_ =	shalt  }
0x60: {  	_ =	shalt  }
0x61: {  	_ =	shalt  }
0x62: {  	_ =	shalt  }
0x63: {  	_ =	shalt  }
0x64: {  	_ =	shalt  }
0x65: {  	_ =	shalt  }
0x66: {  	_ =	shalt  }
0x67: {  	_ =	shalt  }
0x68: {  	_ =	shalt  }
0x69: {  	_ =	shalt  }
0x6a: {  	_ =	shalt  }
0x6b: {  	_ =	shalt  }
0x6c: {  	_ =	shalt  }
0x6d: {  	_ =	shalt  }
0x6e: {  	_ =	shalt  }
0x6f: {  	_ =	shalt  }
0x70: {  	_ =	shalt  }
0x71: {  	_ =	shalt  }
0x72: {  	_ =	shalt  }
0x73: {  	_ =	shalt  }
0x74: {  	_ =	shalt  }
0x75: {  	_ =	shalt  }
0x76: {  	_ =	shalt  }
0x77: {  	_ =	shalt  }
0x78: {  	_ =	shalt  }
0x79: {  	_ =	shalt  }
0x7a: {  	_ =	shalt  }
0x7b: {  	_ =	shalt  }
0x7c: {  	_ =	shalt  }
0x7d: {  	_ =	shalt  }
0x7e: {  	_ =	shalt  }
0x7f: {  	_ =	shalt  }
0x80: {  	_ =	shalt  }
0x81: {  	_ =	shalt  }
0x82: {  	_ =	shalt  }
0x83: {  	_ =	shalt  }
0x84: {  	_ =	shalt  }
0x85: {  	_ =	shalt  }
0x86: {  	_ =	shalt  }
0x87: {  	_ =	shalt  }
.Lfunc_end0:
.L_simem_size_0:
called_computation_lowered:
.L_overlay_start_0:
0x88: {  	s2 =	sld [smem:$0x3FD9]  }
0x89: {  	s3 =	sld [smem:$0x3FFE];
	_ =	sdelay $0x1  }
0x8a: {  	s1 =	srdreg.scid  }
0x8b: {  	s0 =	sand.u32 $0x1, s1  }
0x8c: {  	s14 =	sshll.u32 s0, $0xA;
	s2 =	sadd.s32 s3, s2  }
0x8d: {  	s2 =	sadd.s32 s2, s14  }
0x8e: {  	[smem:$0x3FC6] =	sst s2  }
0x8f: {  	_ = 	snop  }
0x90: {  	s2 =	sld [smem:$0x3FD0];
	_ =	sdelay $0x2  }
0x91: {  	s4 =	simm.s32 $0xA;
	s5 =	simm.s32 $0x10;
	s15 =	sld [smem:$0x3FC8]  }
0x92: {  	[smem:s5], [sflag:s4] =	dma.local [hbm:s2], $0x1  }
0x93: {  	_ =	swait.eq [sflag:s4], $0x1  }
0x94: {  	[sflag:s4] =	ssyncset.done $0x0  }
0x95: {  	[sflag:s4] =	ssyncadd.s32 $0xFFFFFFFF  }
0x96: {  	s16 =	sld [smem:$0x10];
	(tm) =	ssettm $0x1  }
0x97: {  	s17 =	sld [smem:$0x3FFB];
	_ =	sdelay $0x3  }
0x98: {  	_ =	strace s17  }
0x99: {  	s4 =	sld [smem:$0x3FFC];
	_ =	sdelay $0x3  }
0x9a: {  	_ =	strace s4  }
0x9b: {  	s4 =	sld [smem:$0x3FFD];
	_ =	sdelay $0x3  }
0x9c: {  	_ =	strace s4  }
0x9d: {  	_ =	strace $0x8FFFFFFF  }
0x9e: {  	s18 =	sld [smem:$0x3FDB];
	_ =	sdelay $0x1  }
0x9f: {  	s19 =	simm.s32 $_scs_section_size  }
0xa0: {  	s6 =	simm.s32 $_size__tile_overlayer_lowered;
	s7 =	simm.s32 $_tile_overlayer_lowered  }
0xa1: {  	s22 =	simm.s32 $0x1BFF;
	s21 =	sshll.u32 s7, $0x1;
	s4 =	sadd.s32 s19, s18  }
0xa2: {  	s8 =	simm.s32 $0x0;
	s20 =	sshll.u32 s6, $0x1;
	s6 =	sadd.s32 s21, s4  }
0xa3: {  	[timem:s8], [sflag:s22] =	dma.local [hbm:s6], s20  }
0xa4: {  	_ =	swait.ge [sflag:s22], s20  }
0xa5: {  	s5 =	ssub.s32 $0x0, s20;
	[sflag:s22] =	ssyncset.done $0x0  }
0xa6: {  	[sflag:s22] =	ssyncadd.s32 s5;
	_ =	sdelay $0x1  }
0xa7: {  	s23 =	simm.s32 $0x1B8B  }
0xa8: {  	_ =	swait.ge [sflag:s23], $0x1  }
0xa9: {  	[sflag:s23] =	ssyncset.done $0x0  }
0xaa: {  	s25 =	simm.s32 $0x1B8E;
	s24 =	sld [smem:$0x3FFE];
	[sflag:s23] =	ssyncadd.s32 $0xFFFFFFFF  }
0xab: {  	s26 =	simm.s32 $execute0_lowered;
	[smem:$0x3FD2] =	sst s25  }
0xac: {  	s6 =	sshll.u32 s26, $0x1;
	_ =	strace $0x80000046;
	[dreg:$0x1] =	wrdreg $0xFFFFFFFF  }
0xad: {  	s28 =	simm.s32 $_size_execute0_lowered;
	s4 =	sadd.s32 s4, s6;
	[dreg:$0x0] =	wrdreg $0x0  }
0xae: {  	s6 =	sshll.u32 s28, $0x1;
	[dreg:$0x2] =	wrdreg s4  }
0xaf: {  	[dreg:$0x3] =	wrdreg s6  }
0xb0: {  	[dreg:$0x4] =	wrdreg $0xC0  }
0xb1: {  	_ =	task [dreg:s8], $0x5FFFF  }
0xb2: {  	[dreg:$0x1] =	wrdreg $0xFFFFFFFF  }
0xb3: {  	[dreg:$0x0] =	wrdreg $0x60  }
0xb4: {  	[dreg:$0x2] =	wrdreg s15  }
0xb5: {  	[dreg:$0x3] =	wrdreg s24  }
0xb6: {  	[dreg:$0x4] =	wrdreg s16  }
0xb7: {  	[dreg:$0x5] =	wrdreg $0x9  }
0xb8: {  	_ =	task.clear_ibuf [dreg:s8], $0x6FFFF;
	_ =	strace $0x90000046  }
0xb9: {  	s29 =	simm.s32 $0x9;
	_ =	strace $0x80000048  }
0xba: {  	_ =	swait.ge [sflag:s29], $0x1  }
0xbb: {  	[sflag:s29] =	ssyncadd.s32 $0xFFFFFFFF  }
0xbc: {  	_ =	strace $0x90000048  }
0xbd: {  	_ =	sfence  }
0xbe: {  	s30 =	sld [smem:$0x0];
	_ =	sdelay $0x2  }
0xbf: {  	s31 =	sshll.u32 s1, $0xD;
	s1 =	sshrl.u32 s1, $0x2  }
0xc0: {  	s3 =	sand.u32 $0x4000, s31;
	s1 =	sadd.s32 s1, s30  }
0xc1: {  	s0 =	sor.u32 s3, s0;
	s1 =	sshll.u32 s1, $0x11  }
0xc2: {  	s0 =	sor.u32 s1, s0  }
0xc3: {  	s0 =	sadd.s32 $0x8F2B, s0  }
0xc4: {  	[sflag:s0] =	ssyncadd.remote.s32 $0x1  }
0xc5: {  	_ =	sfence.sel $0xFFFF  }
0xc6: {  	[dreg:$0x0] =	wrdreg $0xFFFFFFFF;
	(pc) =	sbr.abs _section_cstart, $3  }
0xc7: {  	[dreg:$0x1] =	wrdreg $0xFFFFFFFF  }
0xc8: {  	_ =	task.clear_ibuf [dreg:s8], $0x2FFFF;
	_ =	strace $0x9FFFFFFF  }
0xc9: {  	(tm) =	ssettm $0x7FFFFFFF  }
tec
execute0_lowered:
.L_overlay_start_1:
0x0: {  	(tag) =	ssettag $0x1  }
0x1: {  	s1 =	rddreg [dreg:$0x0]  }
0x2: {  	s2 =	srdreg.scid;
	s4 =	rddreg [dreg:$0x1]  }
0x3: {  	s0 =	stileid.u32;
	s6 =	rddreg [dreg:$0x2];
	s19 =	simm.s32 $0x900  }
0x4: {  	s20 =	simm.s32 $0x1100;
	s21 =	simm.s32 $0x1900;
	s23 =	simm.s32 $0x2100  }
0x5: {  	s24 =	simm.s32 $0x2900;
	s25 =	simm.s32 $0x3100;
	s26 =	simm.s32 $0x3900  }
0x6: {  	s8 =	simm.s32 $0x4900;
	s9 =	simm.s32 $0x5100;
	s10 =	simm.s32 $0x5900  }
0x7: {  	s11 =	simm.s32 $0x6100;
	s12 =	simm.s32 $0x6900;
	s13 =	simm.s32 $0x7100  }
0x8: {  	s14 =	simm.s32 $0x7900;
	s15 =	simm.s32 $0x8100;
	s2 =	sand.u32 $0x1, s2  }
0x9: {  	s16 =	simm.s32 $0x8900;
	s3 =	sshll.u32 s0, $0x9;
	s5 =	sshll.u32 s2, $0x8  }
0xa: {  	s17 =	simm.s32 $0x9100;
	s5 =	sor.u32 s5, s3;
	s3 =	simm.s32 $0x0  }
0xb: {  	s28 =	simm.s32 $0xE100;
	s29 =	simm.s32 $0xE900;
	[smem:$0x7FF] =	sst s3  }
0xc: {  	s30 =	simm.s32 $0xF100;
	_ =	strace $0x80000047;
	[dreg:$0x6] =	wrdreg s19  }
0xd: {  	s31 =	simm.s32 $0xF900;
	s2 =	ssub.s32 $0x2, s2;
	[dreg:$0x7] =	wrdreg s20  }
0xe: {  	s22 =	sshrl.u32 s2, $0x1;
	s7 =	sshrl.u32 s5, $0x3;
	[dreg:$0x8] =	wrdreg s21  }
0xf: {  	s5 =	sshll.u32 s5, $0x5;
	s2 =	ssub.s32 s2, s22;
	[dreg:$0x9] =	wrdreg s23  }
0x10: {  	s22 =	simm.s32 $0xB900;
	s4 =	sadd.s32 s7, s4;
	[dreg:$0xa] =	wrdreg s24  }
0x11: {  	s18 =	sadd.s32 s6, s5;
	s5 =	simm.s32 $0x2;
	[dreg:$0xb] =	wrdreg s25  }
0x12: {  	s6 =	simm.s32 $0x100;
	[dreg:$0xc] =	wrdreg s26;
	s19 =	simm.s32 $0xA100  }
0x13: {  	s20 =	simm.s32 $0xA900;
	s21 =	simm.s32 $0xB100;
	s23 =	simm.s32 $0xC100  }
0x14: {  	v2 =	vlaneseq.u32;
	s24 =	simm.s32 $0xC900;
	s25 =	simm.s32 $0xD100;
	s26 =	simm.s32 $0xD900  }
0x15: {  	vm0 =	vmmov $0xffff;
	v1 =	vshrl.u32 v2, $0x3;
	s4 =	sadd.s32 $0x600, s4;
	[dreg:$0x5] =	wrdreg s18;
	s18 =	simm.s32 $0x9900  }
0x16: {  	v0 =	vand.u32 $0x7, v2;
	v2 =	vor.u32 $0x8, v2;
	v1 =	vmul.u32 $0x8, v1;
	[dreg:$0x4] =	wrdreg s4;
	s4 =	smax.u32 s2, $0x1;
	s2 =	simm.s32 $0x1  }
.LBB2_1:
0x17: {  	s0 =	rddreg [dreg:$0x4]  }
0x18: {  	[tilespmem:s3], [sflag:$0x2] =	stream.linear.gather [hbm4b:s0+s3], $0x100, $0x38;
	[tilespmem:$0x10100] =	vst v63  }
0x19: {  	_ =	swait.ge [sflag:s5], $0x100  }
0x1a: {  	[sflag:s5] =	ssyncset.done $0x0  }
0x1b: {  	[sflag:s5] =	ssyncadd.s32 $0xFFFFFF00  }
0x1c: {  	v3 =	vld [tilespmem:$0x0];
	_ =	sdelay $0x4  }
0x1d: {  	v4 =	vshll.u32 v3, $0x1  }
0x1e: {  	v3 =	vand.u32 $0x7, v3;
	v4 =	vand.u32 $0xFFFFFFF0, v4  }
0x1f: {  	v3 =	vor.u32 v3, v4  }
0x20: {  	v4 =	vperm.xlane v3, v0;
	_ =	sdelay $0x1  }
0x21: {  	v3 =	vperm.xlane v3, v2;
	v4 =	vadd.s32 v1, v4;
	_ =	sdelay $0x1  }
0x22: {  	v3 =	vadd.s32 v1, v3;
	_ =	sdelay $0x2  }
0x23: {  	[tilespmem:s6], [sflag:$0x1] =	stream.indirect_vreg.gather [hbm4b:s1+s3], $0x80, v4, vm0, $0xb8;
	[tilespmem:$0x10100] =	vst v63  }
0x24: {  	s7 =	rddreg [dreg:$0x6]  }
0x25: {  	[tilespmem:s7], [sflag:$0x1] =	stream.indirect_vreg.gather [hbm4b:s1+s3], $0x80, v3, vm0, $0xb8;
	[tilespmem:$0x10100] =	vst v63  }
0x26: {  	v3 =	vld [tilespmem:$0x10];
	_ =	sdelay $0x4  }
0x27: {  	v49 =	vshll.u32 v3, $0x1  }
0x28: {  	v3 =	vand.u32 $0x7, v3;
	v4 =	vand.u32 $0xFFFFFFF0, v49  }
0x29: {  	v3 =	vor.u32 v3, v4  }
0x2a: {  	v4 =	vperm.xlane v3, v0;
	_ =	sdelay $0x1  }
0x2b: {  	v3 =	vperm.xlane v3, v2;
	v4 =	vadd.s32 v1, v4;
	_ =	sdelay $0x1  }
0x2c: {  	v3 =	vadd.s32 v1, v3;
	_ =	sdelay $0x1  }
0x2d: {  	s0 =	rddreg [dreg:$0x7]  }
0x2e: {  	[tilespmem:s0], [sflag:$0x1] =	stream.indirect_vreg.gather [hbm4b:s1+s3], $0x80, v4, vm0, $0xb8;
	[tilespmem:$0x10100] =	vst v63  }
0x2f: {  	s7 =	rddreg [dreg:$0x8]  }
0x30: {  	[tilespmem:s7], [sflag:$0x1] =	stream.indirect_vreg.gather [hbm4b:s1+s3], $0x80, v3, vm0, $0xb8;
	[tilespmem:$0x10100] =	vst v63  }
0x31: {  	v3 =	vld [tilespmem:$0x20];
	_ =	sdelay $0x4  }
0x32: {  	v50 =	vshll.u32 v3, $0x1  }
0x33: {  	v3 =	vand.u32 $0x7, v3;
	v4 =	vand.u32 $0xFFFFFFF0, v50  }
0x34: {  	v3 =	vor.u32 v3, v4  }
0x35: {  	v4 =	vperm.xlane v3, v0;
	_ =	sdelay $0x1  }
0x36: {  	v3 =	vperm.xlane v3, v2;
	v4 =	vadd.s32 v1, v4;
	_ =	sdelay $0x1  }
0x37: {  	v3 =	vadd.s32 v1, v3;
	_ =	sdelay $0x1  }
0x38: {  	s0 =	rddreg [dreg:$0x9]  }
0x39: {  	[tilespmem:s0], [sflag:$0x1] =	stream.indirect_vreg.gather [hbm4b:s1+s3], $0x80, v4, vm0, $0xb8;
	[tilespmem:$0x10100] =	vst v63  }
0x3a: {  	s7 =	rddreg [dreg:$0xa]  }
0x3b: {  	[tilespmem:s7], [sflag:$0x1] =	stream.indirect_vreg.gather [hbm4b:s1+s3], $0x80, v3, vm0, $0xb8;
	[tilespmem:$0x10100] =	vst v63  }
0x3c: {  	v3 =	vld [tilespmem:$0x30];
	_ =	sdelay $0x4  }
0x3d: {  	v51 =	vshll.u32 v3, $0x1  }
0x3e: {  	v3 =	vand.u32 $0x7, v3;
	v4 =	vand.u32 $0xFFFFFFF0, v51  }
0x3f: {  	v3 =	vor.u32 v3, v4  }
0x40: {  	v4 =	vperm.xlane v3, v0;
	_ =	sdelay $0x1  }
0x41: {  	v3 =	vperm.xlane v3, v2;
	v4 =	vadd.s32 v1, v4;
	_ =	sdelay $0x1  }
0x42: {  	v3 =	vadd.s32 v1, v3;
	_ =	sdelay $0x1  }
0x43: {  	s0 =	rddreg [dreg:$0xb]  }
0x44: {  	[tilespmem:s0], [sflag:$0x1] =	stream.indirect_vreg.gather [hbm4b:s1+s3], $0x80, v4, vm0, $0xb8;
	[tilespmem:$0x10100] =	vst v63  }
0x45: {  	s7 =	rddreg [dreg:$0xc]  }
0x46: {  	[tilespmem:s7], [sflag:$0x1] =	stream.indirect_vreg.gather [hbm4b:s1+s3], $0x80, v3, vm0, $0xb8;
	[tilespmem:$0x10100] =	vst v63  }
0x47: {  	v3 =	vld [tilespmem:$0x40];
	_ =	sdelay $0x4  }
0x48: {  	v52 =	vshll.u32 v3, $0x1  }
0x49: {  	v3 =	vand.u32 $0x7, v3;
	v4 =	vand.u32 $0xFFFFFFF0, v52  }
0x4a: {  	v3 =	vor.u32 v3, v4  }
0x4b: {  	v4 =	vperm.xlane v3, v0;
	_ =	sdelay $0x1  }
0x4c: {  	v3 =	vperm.xlane v3, v2;
	v4 =	vadd.s32 v1, v4;
	_ =	sdelay $0x1  }
0x4d: {  	v3 =	vadd.s32 v1, v3;
	_ =	sdelay $0x1  }
0x4e: {  	s7 =	simm.s32 $0x4100  }
0x4f: {  	[tilespmem:s7], [sflag:$0x1] =	stream.indirect_vreg.gather [hbm4b:s1+s3], $0x80, v4, vm0, $0xb8;
	[tilespmem:$0x10100] =	vst v63  }
0x50: {  	_ = 	snop  }
0x51: {  	[tilespmem:s8], [sflag:$0x1] =	stream.indirect_vreg.gather [hbm4b:s1+s3], $0x80, v3, vm0, $0xb8;
	[tilespmem:$0x10100] =	vst v63  }
0x52: {  	v3 =	vld [tilespmem:$0x50];
	_ =	sdelay $0x4  }
0x53: {  	v53 =	vshll.u32 v3, $0x1  }
0x54: {  	v3 =	vand.u32 $0x7, v3;
	v4 =	vand.u32 $0xFFFFFFF0, v53  }
0x55: {  	v3 =	vor.u32 v3, v4  }
0x56: {  	v4 =	vperm.xlane v3, v0;
	_ =	sdelay $0x1  }
0x57: {  	v3 =	vperm.xlane v3, v2;
	v4 =	vadd.s32 v1, v4;
	_ =	sdelay $0x1  }
0x58: {  	v3 =	vadd.s32 v1, v3;
	_ =	sdelay $0x2  }
0x59: {  	[tilespmem:s9], [sflag:$0x1] =	stream.indirect_vreg.gather [hbm4b:s1+s3], $0x80, v4, vm0, $0xb8;
	[tilespmem:$0x10100] =	vst v63  }
0x5a: {  	_ = 	snop  }
0x5b: {  	[tilespmem:s10], [sflag:$0x1] =	stream.indirect_vreg.gather [hbm4b:s1+s3], $0x80, v3, vm0, $0xb8;
	[tilespmem:$0x10100] =	vst v63  }
0x5c: {  	v3 =	vld [tilespmem:$0x60];
	_ =	sdelay $0x4  }
0x5d: {  	v54 =	vshll.u32 v3, $0x1  }
0x5e: {  	v3 =	vand.u32 $0x7, v3;
	v4 =	vand.u32 $0xFFFFFFF0, v54  }
0x5f: {  	v3 =	vor.u32 v3, v4  }
0x60: {  	v4 =	vperm.xlane v3, v0;
	_ =	sdelay $0x1  }
0x61: {  	v3 =	vperm.xlane v3, v2;
	v4 =	vadd.s32 v1, v4;
	_ =	sdelay $0x1  }
0x62: {  	v3 =	vadd.s32 v1, v3;
	_ =	sdelay $0x2  }
0x63: {  	[tilespmem:s11], [sflag:$0x1] =	stream.indirect_vreg.gather [hbm4b:s1+s3], $0x80, v4, vm0, $0xb8;
	[tilespmem:$0x10100] =	vst v63  }
0x64: {  	_ = 	snop  }
0x65: {  	[tilespmem:s12], [sflag:$0x1] =	stream.indirect_vreg.gather [hbm4b:s1+s3], $0x80, v3, vm0, $0xb8;
	[tilespmem:$0x10100] =	vst v63  }
0x66: {  	v3 =	vld [tilespmem:$0x70];
	_ =	sdelay $0x4  }
0x67: {  	v55 =	vshll.u32 v3, $0x1  }
0x68: {  	v3 =	vand.u32 $0x7, v3;
	v4 =	vand.u32 $0xFFFFFFF0, v55  }
0x69: {  	v3 =	vor.u32 v3, v4  }
0x6a: {  	v4 =	vperm.xlane v3, v0;
	_ =	sdelay $0x1  }
0x6b: {  	v3 =	vperm.xlane v3, v2;
	v4 =	vadd.s32 v1, v4;
	_ =	sdelay $0x1  }
0x6c: {  	v3 =	vadd.s32 v1, v3;
	_ =	sdelay $0x2  }
0x6d: {  	[tilespmem:s13], [sflag:$0x1] =	stream.indirect_vreg.gather [hbm4b:s1+s3], $0x80, v4, vm0, $0xb8;
	[tilespmem:$0x10100] =	vst v63  }
0x6e: {  	_ = 	snop  }
0x6f: {  	[tilespmem:s14], [sflag:$0x1] =	stream.indirect_vreg.gather [hbm4b:s1+s3], $0x80, v3, vm0, $0xb8;
	[tilespmem:$0x10100] =	vst v63  }
0x70: {  	v3 =	vld [tilespmem:$0x80];
	_ =	sdelay $0x4  }
0x71: {  	v56 =	vshll.u32 v3, $0x1  }
0x72: {  	v3 =	vand.u32 $0x7, v3;
	v4 =	vand.u32 $0xFFFFFFF0, v56  }
0x73: {  	v3 =	vor.u32 v3, v4  }
0x74: {  	v4 =	vperm.xlane v3, v0;
	_ =	sdelay $0x1  }
0x75: {  	v3 =	vperm.xlane v3, v2;
	v4 =	vadd.s32 v1, v4;
	_ =	sdelay $0x1  }
0x76: {  	v3 =	vadd.s32 v1, v3;
	_ =	sdelay $0x2  }
0x77: {  	[tilespmem:s15], [sflag:$0x1] =	stream.indirect_vreg.gather [hbm4b:s1+s3], $0x80, v4, vm0, $0xb8;
	[tilespmem:$0x10100] =	vst v63  }
0x78: {  	_ = 	snop  }
0x79: {  	[tilespmem:s16], [sflag:$0x1] =	stream.indirect_vreg.gather [hbm4b:s1+s3], $0x80, v3, vm0, $0xb8;
	[tilespmem:$0x10100] =	vst v63  }
0x7a: {  	v3 =	vld [tilespmem:$0x90];
	_ =	sdelay $0x4  }
0x7b: {  	v57 =	vshll.u32 v3, $0x1  }
0x7c: {  	v3 =	vand.u32 $0x7, v3;
	v4 =	vand.u32 $0xFFFFFFF0, v57  }
0x7d: {  	v3 =	vor.u32 v3, v4  }
0x7e: {  	v4 =	vperm.xlane v3, v0;
	_ =	sdelay $0x1  }
0x7f: {  	v3 =	vperm.xlane v3, v2;
	v4 =	vadd.s32 v1, v4;
	_ =	sdelay $0x1  }
0x80: {  	v3 =	vadd.s32 v1, v3;
	_ =	sdelay $0x2  }
0x81: {  	[tilespmem:s17], [sflag:$0x1] =	stream.indirect_vreg.gather [hbm4b:s1+s3], $0x80, v4, vm0, $0xb8;
	[tilespmem:$0x10100] =	vst v63  }
0x82: {  	_ = 	snop  }
0x83: {  	[tilespmem:s18], [sflag:$0x1] =	stream.indirect_vreg.gather [hbm4b:s1+s3], $0x80, v3, vm0, $0xb8;
	[tilespmem:$0x10100] =	vst v63  }
0x84: {  	v3 =	vld [tilespmem:$0xA0];
	_ =	sdelay $0x4  }
0x85: {  	v58 =	vshll.u32 v3, $0x1  }
0x86: {  	v3 =	vand.u32 $0x7, v3;
	v4 =	vand.u32 $0xFFFFFFF0, v58  }
0x87: {  	v3 =	vor.u32 v3, v4  }
0x88: {  	v4 =	vperm.xlane v3, v0;
	_ =	sdelay $0x1  }
0x89: {  	v3 =	vperm.xlane v3, v2;
	v4 =	vadd.s32 v1, v4;
	_ =	sdelay $0x1  }
0x8a: {  	v3 =	vadd.s32 v1, v3;
	_ =	sdelay $0x2  }
0x8b: {  	[tilespmem:s19], [sflag:$0x1] =	stream.indirect_vreg.gather [hbm4b:s1+s3], $0x80, v4, vm0, $0xb8;
	[tilespmem:$0x10100] =	vst v63  }
0x8c: {  	_ = 	snop  }
0x8d: {  	[tilespmem:s20], [sflag:$0x1] =	stream.indirect_vreg.gather [hbm4b:s1+s3], $0x80, v3, vm0, $0xb8;
	[tilespmem:$0x10100] =	vst v63  }
0x8e: {  	v3 =	vld [tilespmem:$0xB0];
	_ =	sdelay $0x4  }
0x8f: {  	v59 =	vshll.u32 v3, $0x1  }
0x90: {  	v3 =	vand.u32 $0x7, v3;
	v4 =	vand.u32 $0xFFFFFFF0, v59  }
0x91: {  	v3 =	vor.u32 v3, v4  }
0x92: {  	v4 =	vperm.xlane v3, v0;
	_ =	sdelay $0x1  }
0x93: {  	v3 =	vperm.xlane v3, v2;
	v4 =	vadd.s32 v1, v4;
	_ =	sdelay $0x1  }
0x94: {  	v3 =	vadd.s32 v1, v3;
	_ =	sdelay $0x2  }
0x95: {  	[tilespmem:s21], [sflag:$0x1] =	stream.indirect_vreg.gather [hbm4b:s1+s3], $0x80, v4, vm0, $0xb8;
	[tilespmem:$0x10100] =	vst v63  }
0x96: {  	_ = 	snop  }
0x97: {  	[tilespmem:s22], [sflag:$0x1] =	stream.indirect_vreg.gather [hbm4b:s1+s3], $0x80, v3, vm0, $0xb8;
	[tilespmem:$0x10100] =	vst v63  }
0x98: {  	v3 =	vld [tilespmem:$0xC0];
	_ =	sdelay $0x4  }
0x99: {  	v60 =	vshll.u32 v3, $0x1  }
0x9a: {  	v3 =	vand.u32 $0x7, v3;
	v4 =	vand.u32 $0xFFFFFFF0, v60  }
0x9b: {  	v3 =	vor.u32 v3, v4  }
0x9c: {  	v4 =	vperm.xlane v3, v0;
	_ =	sdelay $0x1  }
0x9d: {  	v3 =	vperm.xlane v3, v2;
	v4 =	vadd.s32 v1, v4;
	_ =	sdelay $0x1  }
0x9e: {  	v3 =	vadd.s32 v1, v3;
	_ =	sdelay $0x2  }
0x9f: {  	[tilespmem:s23], [sflag:$0x1] =	stream.indirect_vreg.gather [hbm4b:s1+s3], $0x80, v4, vm0, $0xb8;
	[tilespmem:$0x10100] =	vst v63  }
0xa0: {  	_ = 	snop  }
0xa1: {  	[tilespmem:s24], [sflag:$0x1] =	stream.indirect_vreg.gather [hbm4b:s1+s3], $0x80, v3, vm0, $0xb8;
	[tilespmem:$0x10100] =	vst v63  }
0xa2: {  	v3 =	vld [tilespmem:$0xD0];
	_ =	sdelay $0x4  }
0xa3: {  	v61 =	vshll.u32 v3, $0x1  }
0xa4: {  	v3 =	vand.u32 $0x7, v3;
	v4 =	vand.u32 $0xFFFFFFF0, v61  }
0xa5: {  	v3 =	vor.u32 v3, v4  }
0xa6: {  	v4 =	vperm.xlane v3, v0;
	_ =	sdelay $0x1  }
0xa7: {  	v3 =	vperm.xlane v3, v2;
	v4 =	vadd.s32 v1, v4;
	_ =	sdelay $0x1  }
0xa8: {  	v3 =	vadd.s32 v1, v3;
	_ =	sdelay $0x2  }
0xa9: {  	[tilespmem:s25], [sflag:$0x1] =	stream.indirect_vreg.gather [hbm4b:s1+s3], $0x80, v4, vm0, $0xb8;
	[tilespmem:$0x10100] =	vst v63  }
0xaa: {  	_ = 	snop  }
0xab: {  	[tilespmem:s26], [sflag:$0x1] =	stream.indirect_vreg.gather [hbm4b:s1+s3], $0x80, v3, vm0, $0xb8;
	[tilespmem:$0x10100] =	vst v63  }
0xac: {  	v3 =	vld [tilespmem:$0xE0];
	_ =	sdelay $0x4  }
0xad: {  	v62 =	vshll.u32 v3, $0x1  }
0xae: {  	v3 =	vand.u32 $0x7, v3;
	v4 =	vand.u32 $0xFFFFFFF0, v62  }
0xaf: {  	v3 =	vor.u32 v3, v4  }
0xb0: {  	v4 =	vperm.xlane v3, v0;
	_ =	sdelay $0x1  }
0xb1: {  	v3 =	vperm.xlane v3, v2;
	v4 =	vadd.s32 v1, v4;
	_ =	sdelay $0x1  }
0xb2: {  	v3 =	vadd.s32 v1, v3;
	_ =	sdelay $0x2  }
0xb3: {  	[tilespmem:s28], [sflag:$0x1] =	stream.indirect_vreg.gather [hbm4b:s1+s3], $0x80, v4, vm0, $0xb8;
	[tilespmem:$0x10100] =	vst v63  }
0xb4: {  	_ = 	snop  }
0xb5: {  	[tilespmem:s29], [sflag:$0x1] =	stream.indirect_vreg.gather [hbm4b:s1+s3], $0x80, v3, vm0, $0xb8;
	[tilespmem:$0x10100] =	vst v63  }
0xb6: {  	v3 =	vld [tilespmem:$0xF0];
	_ =	sdelay $0x4  }
0xb7: {  	v63 =	vshll.u32 v3, $0x1  }
0xb8: {  	v3 =	vand.u32 $0x7, v3;
	v4 =	vand.u32 $0xFFFFFFF0, v63  }
0xb9: {  	v3 =	vor.u32 v3, v4  }
0xba: {  	v4 =	vperm.xlane v3, v0;
	_ =	sdelay $0x1  }
0xbb: {  	v3 =	vperm.xlane v3, v2;
	v4 =	vadd.s32 v1, v4;
	_ =	sdelay $0x1  }
0xbc: {  	v3 =	vadd.s32 v1, v3;
	_ =	sdelay $0x2  }
0xbd: {  	[tilespmem:s30], [sflag:$0x1] =	stream.indirect_vreg.gather [hbm4b:s1+s3], $0x80, v4, vm0, $0xb8;
	[tilespmem:$0x10100] =	vst v63  }
0xbe: {  	_ = 	snop  }
0xbf: {  	[tilespmem:s31], [sflag:$0x1] =	stream.indirect_vreg.gather [hbm4b:s1+s3], $0x80, v3, vm0, $0xb8;
	[tilespmem:$0x10100] =	vst v63  }
0xc0: {  	_ =	swait.ge [sflag:s2], $0x10000  }
0xc1: {  	p0 =	sne.s32 s4, $0x1;
	[sflag:s2] =	ssyncset.done $0x0  }
.Ltmp0:
0xc2: {  	s7 =	rddreg [dreg:$0x5];
	[sflag:s2] =	ssyncadd.s32 $0xFFFF0000;
	(pc) =	sbr.rel @p0 .LBB2_1-.Ltmp0, $4  }
0xc3: {  	[hbm4b:s7+s3] =	stream.linear.scatter [tilespmem:s6], [sflag:$0x2], $0x10000, $0x38;
	[tilespmem:$0x10100] =	vst v63  }
0xc4: {  	_ =	swait.ge [sflag:s5], $0x10000  }
0xc5: {  	[sflag:s5] =	ssyncset.done $0x0  }
0xc6: {  	s4 =	sadd.s32 $0xFFFFFFFF, s4;
	[sflag:s5] =	ssyncadd.s32 $0xFFFF0000  }
0xc7: {  	_ =	sfence.sel $0x180000  }
0xc8: {  	[bflag:$0x0] =	sbarrier.arrive $0xFFFF  }
0xc9: {  	_ =	strace $0x90000047  }
0xca: {  	s0 =	stileid.u32;
	[bflag:$0x2] =	sbarrier.arrive $0xFFFF  }
0xcb: {  	p0 =	sne.s32 s0, $0x0;
	s0 =	rddreg [dreg:$0x3]  }
0xcc: {  	s0 =	sadd.s32 @!p0 $0x100000, s0  }
0xcd: {  	[sflag:s0] =	ssyncadd.tile.s32 @!p0 $0x1;
	_ =	shalt  }
.Lfunc_end2:
_tile_overlayer_lowered:
.L_overlay_start_2:
0xce: {  	(tag) =	ssettag $0x2  }
0xcf: {  	s0 =	rddreg [dreg:$0x0];
	s2 =	stileid.u32  }
0xd0: {  	s1 =	rddreg [dreg:$0x1];
	p0 =	sne.s32 s2, $0x0  }
0xd1: {  	s3 =	rddreg [dreg:$0x2];
	[bflag:$0x3] =	sbarrier.arrive $0xFFFF;
	s2 =	simm.s32 @!p0 $0x1C02  }
0xd2: {  	[timem:s3], [sflag:s2] =	dma.local @!p0 [hbm:s0], s1  }
0xd3: {  	s0 =	simm.s32 @!p0 $0x2  }
0xd4: {  	_ =	swait.ge @!p0 [sflag:s0], s1  }
0xd5: {  	s1 =	ssub.s32 @!p0 $0x0, s1;
	[sflag:s0] =	ssyncset.done @!p0 $0x0  }
0xd6: {  	[sflag:s0] =	ssyncadd.s32 @!p0 s1  }
0xd7: {  	[bflag:$0x3] =	sbarrier.arrive $0xFFFF  }
0xd8: {  	_ =	shalt  }

</sc_bundles>
